<compile_context>
chip_gen: v7x
topology: tpu7x:2x2x1
jax: 0.10.2.dev20260603
libtpu: 0.0.44.dev20260713+nightly
codegen_flags: <defaults>
</compile_context>

<pallas_src>
import functools

import jax
import jax.numpy as jnp
from jax import lax
from jax.experimental import pallas as pl
from jax.experimental.pallas import tpu as pltpu
from jax.experimental.pallas import tpu_sc as plsc

NC = 2
NS = 16
NW = NC * NS
L = 16
CH = 128


def _tile_body(b_per_w, d, uids_hbm, iids_hbm, utab_hbm, itab_hbm, out_hbm,
               uidx_v, iidx_v, urows_v, irows_v, out_v,
               sem_u0, sem_u1, sem_i0, sem_i1):
    wid = lax.axis_index("s") * NC + lax.axis_index("c")
    base = pl.multiple_of(wid * b_per_w, 8)
    nch = b_per_w // CH

    pltpu.sync_copy(uids_hbm.at[pl.ds(base, b_per_w)], uidx_v)
    pltpu.sync_copy(iids_hbm.at[pl.ds(base, b_per_w)], iidx_v)

    def fire_chunk(c):
        par = lax.rem(c, 2)

        def fire(g, _):
            s = pl.multiple_of(c * CH + g * L, 8)
            uvec = uidx_v[pl.ds(s, L)]
            ivec = iidx_v[pl.ds(s, L)]

            @pl.when(par == 0)
            def _():
                for j in range(L):
                    r = g * L + j
                    pltpu.async_copy(utab_hbm.at[uvec[j]],
                                     urows_v.at[r], sem_u0)
                    pltpu.async_copy(itab_hbm.at[ivec[j]],
                                     irows_v.at[r], sem_i0)

            @pl.when(par == 1)
            def _():
                for j in range(L):
                    r = CH + g * L + j
                    pltpu.async_copy(utab_hbm.at[uvec[j]],
                                     urows_v.at[r], sem_u1)
                    pltpu.async_copy(itab_hbm.at[ivec[j]],
                                     irows_v.at[r], sem_i1)

            return 0

        lax.fori_loop(0, CH // L, fire, 0)

    def drain_chunk(c):
        par = lax.rem(c, 2)

        def drain(r, _):
            @pl.when(par == 0)
            def _():
                pltpu.make_async_copy(
                    utab_hbm.at[0], urows_v.at[0], sem_u0).wait()
                pltpu.make_async_copy(
                    itab_hbm.at[0], irows_v.at[0], sem_i0).wait()

            @pl.when(par == 1)
            def _():
                pltpu.make_async_copy(
                    utab_hbm.at[0], urows_v.at[0], sem_u1).wait()
                pltpu.make_async_copy(
                    itab_hbm.at[0], irows_v.at[0], sem_i1).wait()

            return 0

        lax.fori_loop(0, CH, drain, 0)

    lanes = lax.iota(jnp.int32, L)

    def compute_chunk(c):
        par = lax.rem(c, 2)
        off = par * CH

        def group(g, _):
            rows = jnp.full((L,), off + g * L, jnp.int32) + lanes
            acc = jnp.zeros((L,), jnp.float32)
            for col in range(d):
                dcol = jnp.full((L,), col, jnp.int32)
                u = plsc.load_gather(urows_v, [rows, dcol])
                it = plsc.load_gather(irows_v, [rows, dcol])
                acc = acc + u * it
            prob = 1.0 / (1.0 + jnp.exp(-acc))
            s = pl.multiple_of(c * CH + g * L, 8)
            out_v[pl.ds(s, L)] = prob
            return 0

        lax.fori_loop(0, CH // L, group, 0)

    fire_chunk(0)

    def step(c, _):
        @pl.when(c + 1 < nch)
        def _():
            fire_chunk(c + 1)

        drain_chunk(c)
        compute_chunk(c)
        return 0

    lax.fori_loop(0, nch, step, 0)
    pltpu.sync_copy(out_v, out_hbm.at[pl.ds(base, b_per_w)])


def kernel(user_ids, item_ids, user_table, item_table):
    b = user_ids.shape[0]
    d = user_table.shape[1]
    b_per_w = b // NW

    run = pl.kernel(
        functools.partial(_tile_body, b_per_w, d),
        out_type=jax.ShapeDtypeStruct((b,), jnp.float32),
        mesh=plsc.VectorSubcoreMesh(core_axis_name="c", subcore_axis_name="s"),
        compiler_params=pltpu.CompilerParams(
            needs_layout_passes=False, use_tc_tiling_on_sc=True),
        scratch_types=[
            pltpu.VMEM((b_per_w,), jnp.int32),
            pltpu.VMEM((b_per_w,), jnp.int32),
            pltpu.VMEM((2 * CH, d), jnp.float32),
            pltpu.VMEM((2 * CH, d), jnp.float32),
            pltpu.VMEM((b_per_w,), jnp.float32),
            pltpu.SemaphoreType.DMA,
            pltpu.SemaphoreType.DMA,
            pltpu.SemaphoreType.DMA,
            pltpu.SemaphoreType.DMA,
        ],
    )
    return run(user_ids, item_ids, user_table, item_table)

# --- scband reference (transcript-rebuilt; emitter-appended) ---
"""Pipeline reference for scband-two-tower-binary-model-45329084842242 (READ-ONLY COPY).

The authoritative reference and input builder live on the scoring server;
editing this copy changes nothing except your own understanding.
"""

import jax, jax.numpy as jnp
import numpy as np

NUM_USERS = 1000000
NUM_ITEMS = 1000000
EMBED_DIM = 64
BATCH = 16384

def setup_inputs(seed: int = 0) -> dict:
    key = jax.random.key(seed)
    k1, k2, k3, k4 = jax.random.split(key, 4)
    user_ids = jax.random.randint(k1, (BATCH,), 0, NUM_USERS, dtype=jnp.int64 if jax.config.jax_enable_x64 else jnp.int32).astype(jnp.int32)
    item_ids = jax.random.randint(k2, (BATCH,), 0, NUM_ITEMS, dtype=jnp.int32)
    user_table = jax.random.normal(k3, (NUM_USERS, EMBED_DIM), dtype=jnp.float32) * 0.05
    item_table = jax.random.normal(k4, (NUM_ITEMS, EMBED_DIM), dtype=jnp.float32) * 0.05
    return {"user_ids": user_ids, "item_ids": item_ids, "user_table": user_table, "item_table": item_table}

def reference(user_ids, item_ids, user_table, item_table):
    # user tower: feature embedding lookup
    user_emb = jnp.take(user_table, user_ids, axis=0)  # [B, D]
    # item tower: feature embedding lookup
    item_emb = jnp.take(item_table, item_ids, axis=0)  # [B, D]
    # two-tower interaction: dot product per example
    interaction_score = jnp.sum(user_emb * item_emb, axis=1)  # [B]
    interaction_prob = jax.nn.sigmoid(interaction_score)
    return interaction_prob

if __name__ == "__main__":
    import jax
    _d = setup_inputs()
    print(jax.jit(kernel)(*tuple(_d.values())))

</pallas_src>

<mosaic_0001>
#map = affine_map<(d0, d1) -> (0)>
#map1 = affine_map<(d0, d1) -> (0, 0)>
module attributes {stable_mosaic.version = 14 : i64} {
  func.func @_tile_body(%arg0: i32, %arg1: i32, %arg2: memref<16384xi32, #tpu.memory_space<hbm>>, %arg3: memref<16384xi32, #tpu.memory_space<hbm>>, %arg4: memref<1000000x64xf32, #tpu.memory_space<hbm>>, %arg5: memref<1000000x64xf32, #tpu.memory_space<hbm>>, %arg6: memref<16384xf32, #tpu.memory_space<hbm>>, %arg7: memref<512xi32, #tpu.memory_space<vmem>>, %arg8: memref<512xi32, #tpu.memory_space<vmem>>, %arg9: memref<256x64xf32, #tpu.memory_space<vmem>>, %arg10: memref<256x64xf32, #tpu.memory_space<vmem>>, %arg11: memref<512xf32, #tpu.memory_space<vmem>>, %arg12: memref<!tpu.dma_semaphore, #tpu.memory_space<semaphore_mem>>, %arg13: memref<!tpu.dma_semaphore, #tpu.memory_space<semaphore_mem>>, %arg14: memref<!tpu.dma_semaphore, #tpu.memory_space<semaphore_mem>>, %arg15: memref<!tpu.dma_semaphore, #tpu.memory_space<semaphore_mem>>) attributes {dimension_semantics = [#tpu.dimension_semantics<core_parallel>, #tpu.dimension_semantics<subcore_parallel>], iteration_bounds = array<i64: 2, 16>, scalar_prefetch = 0 : i64, scratch_operands = 9 : i64, tpu.core_type = #tpu.core_type<sc_vector_subcore>, window_params = [{transform_indices = #map}, {transform_indices = #map}, {transform_indices = #map1}, {transform_indices = #map1}, {transform_indices = #map}]} {
    %mul3A = arith.constant 2 : i32
    %mul3A_0 = arith.muli %arg1, %mul3A : i32
    %add3A = arith.addi %mul3A_0, %arg0 : i32
    %mul3A_1 = arith.constant 512 : i32
    %mul3A_2 = arith.muli %add3A, %mul3A_1 : i32
    %multiple_of3A = tpu.assume_multiple %mul3A_2, 8 : i32
    "tpu.region"() ({
      %run_scoped3A = tpu.sem_alloc : memref<!tpu.dma_semaphore, #tpu.memory_space<semaphore_mem>>
      %dma_start3A = tpu.memref_slice %arg2[%multiple_of3A] : memref<16384xi32, #tpu.memory_space<hbm>> -> memref<512xi32, #tpu.memory_space<hbm>>
      %dma_start3A_18 = tpu.memref_slice %arg2[%multiple_of3A] : memref<16384xi32, #tpu.memory_space<hbm>> -> memref<512xi32, #tpu.memory_space<hbm>>
      tpu.enqueue_dma source(%dma_start3A_18 : memref<512xi32, #tpu.memory_space<hbm>>) target(%arg7 : memref<512xi32, #tpu.memory_space<vmem>>) target_semaphore(%run_scoped3A : memref<!tpu.dma_semaphore, #tpu.memory_space<semaphore_mem>>)
      %dma_wait3A = tpu.memref_slice %arg2[%multiple_of3A] : memref<16384xi32, #tpu.memory_space<hbm>> -> memref<512xi32, #tpu.memory_space<hbm>>
      %dma_wait3A_19 = tpu.memref_slice %arg2[%multiple_of3A] : memref<16384xi32, #tpu.memory_space<hbm>> -> memref<512xi32, #tpu.memory_space<hbm>>
      tpu.wait_dma2 semaphore(%run_scoped3A : memref<!tpu.dma_semaphore, #tpu.memory_space<semaphore_mem>>) src(%dma_wait3A_19 : memref<512xi32, #tpu.memory_space<hbm>>) dst(%arg7 : memref<512xi32, #tpu.memory_space<vmem>>)
      tpu.yield
    }) : () -> ()
    "tpu.region"() ({
      %run_scoped3A = tpu.sem_alloc : memref<!tpu.dma_semaphore, #tpu.memory_space<semaphore_mem>>
      %dma_start3A = tpu.memref_slice %arg3[%multiple_of3A] : memref<16384xi32, #tpu.memory_space<hbm>> -> memref<512xi32, #tpu.memory_space<hbm>>
      %dma_start3A_18 = tpu.memref_slice %arg3[%multiple_of3A] : memref<16384xi32, #tpu.memory_space<hbm>> -> memref<512xi32, #tpu.memory_space<hbm>>
      tpu.enqueue_dma source(%dma_start3A_18 : memref<512xi32, #tpu.memory_space<hbm>>) target(%arg8 : memref<512xi32, #tpu.memory_space<vmem>>) target_semaphore(%run_scoped3A : memref<!tpu.dma_semaphore, #tpu.memory_space<semaphore_mem>>)
      %dma_wait3A = tpu.memref_slice %arg3[%multiple_of3A] : memref<16384xi32, #tpu.memory_space<hbm>> -> memref<512xi32, #tpu.memory_space<hbm>>
      %dma_wait3A_19 = tpu.memref_slice %arg3[%multiple_of3A] : memref<16384xi32, #tpu.memory_space<hbm>> -> memref<512xi32, #tpu.memory_space<hbm>>
      tpu.wait_dma2 semaphore(%run_scoped3A : memref<!tpu.dma_semaphore, #tpu.memory_space<semaphore_mem>>) src(%dma_wait3A_19 : memref<512xi32, #tpu.memory_space<hbm>>) dst(%arg8 : memref<512xi32, #tpu.memory_space<vmem>>)
      tpu.yield
    }) : () -> ()
    %iota3A = tpu.iota {dimensions = array<i32: 0>} : vector<16xi32>
    %rem3A = arith.constant 0 : i32
    %rem3A_3 = arith.constant 2 : i32
    %rem3A_4 = arith.remsi %rem3A, %rem3A_3 : i32
    %scan3A = arith.constant 0 : i32
    %scan3A_5 = arith.constant 0 : i32
    %scan3A_6 = arith.constant 8 : i32
    %scan3A_7 = arith.addi %scan3A_5, %scan3A_6 : i32
    %scan3A_8 = arith.constant 1 : i32
    %scan3A_9 = scf.for %scan3A_18 = %scan3A_5 to %scan3A_7 step %scan3A_8 iter_args(%scan3A_19 = %scan3A) -> (i32)  : i32 {
      %mul3A_20 = arith.constant 16 : i32
      %mul3A_21 = arith.muli %scan3A_18, %mul3A_20 : i32
      %add3A_22 = arith.constant 0 : i32
      %add3A_23 = arith.addi %add3A_22, %mul3A_21 : i32
      %multiple_of3A_24 = tpu.assume_multiple %add3A_23, 8 : i32
      %get3A = arith.index_cast %multiple_of3A_24 : i32 to index
      %get3A_25 = tpu.vector_load %arg7[%get3A] {strides = array<i32>} : memref<512xi32, #tpu.memory_space<vmem>>, vector<16xi32>,
      %get3A_26 = arith.index_cast %multiple_of3A_24 : i32 to index
      %get3A_27 = tpu.vector_load %arg8[%get3A_26] {strides = array<i32>} : memref<512xi32, #tpu.memory_space<vmem>>, vector<16xi32>,
      %eq3A = arith.constant 0 : i32
      %eq3A_28 = arith.cmpi eq, %rem3A_4, %eq3A : i32
      %convert_element_type3A = arith.extui %eq3A_28 : i1 to i32
      %cond3A = arith.constant 0 : i32
      %cond3A_29 = arith.cmpi ne, %convert_element_type3A, %cond3A : i32
      scf.if %cond3A_29 {
        %mul3A_36 = arith.constant 16 : i32
        %mul3A_37 = arith.muli %scan3A_18, %mul3A_36 : i32
        %add3A_38 = arith.constant 0 : i32
        %add3A_39 = arith.addi %mul3A_37, %add3A_38 : i32
        %slice3A = vector.extract_strided_slice %get3A_25 {offsets = [0], sizes = [1], strides = [1]} : vector<16xi32> to vector<1xi32>
        %squeeze3A = vector.extract %slice3A[0] : i32 from vector<1xi32>
        %dma_start3A = arith.constant 0 : i32
        %dma_start3A_40 = tpu.memref_slice %arg9[%add3A_39, %dma_start3A] : memref<256x64xf32, #tpu.memory_space<vmem>> -> memref<1x64xf32, #tpu.memory_space<vmem>>
        %dma_start3A_41 = tpu.memref_squeeze %dma_start3A_40 : memref<1x64xf32, #tpu.memory_space<vmem>> -> memref<64xf32, #tpu.memory_space<vmem>>
        %dma_start3A_42 = arith.constant 0 : i32
        %dma_start3A_43 = tpu.memref_slice %arg4[%squeeze3A, %dma_start3A_42] : memref<1000000x64xf32, #tpu.memory_space<hbm>> -> memref<1x64xf32, #tpu.memory_space<hbm>>
        %dma_start3A_44 = tpu.memref_squeeze %dma_start3A_43 : memref<1x64xf32, #tpu.memory_space<hbm>> -> memref<64xf32, #tpu.memory_space<hbm>>
        %dma_start3A_45 = arith.constant 0 : i32
        %dma_start3A_46 = tpu.memref_slice %arg9[%add3A_39, %dma_start3A_45] : memref<256x64xf32, #tpu.memory_space<vmem>> -> memref<1x64xf32, #tpu.memory_space<vmem>>
        %dma_start3A_47 = tpu.memref_squeeze %dma_start3A_46 : memref<1x64xf32, #tpu.memory_space<vmem>> -> memref<64xf32, #tpu.memory_space<vmem>>
        %dma_start3A_48 = arith.constant 0 : i32
        %dma_start3A_49 = tpu.memref_slice %arg4[%squeeze3A, %dma_start3A_48] : memref<1000000x64xf32, #tpu.memory_space<hbm>> -> memref<1x64xf32, #tpu.memory_space<hbm>>
        %dma_start3A_50 = tpu.memref_squeeze %dma_start3A_49 : memref<1x64xf32, #tpu.memory_space<hbm>> -> memref<64xf32, #tpu.memory_space<hbm>>
        tpu.enqueue_dma source(%dma_start3A_50 : memref<64xf32, #tpu.memory_space<hbm>>) target(%dma_start3A_47 : memref<64xf32, #tpu.memory_space<vmem>>) target_semaphore(%arg12 : memref<!tpu.dma_semaphore, #tpu.memory_space<semaphore_mem>>)
        %slice3A_51 = vector.extract_strided_slice %get3A_27 {offsets = [0], sizes = [1], strides = [1]} : vector<16xi32> to vector<1xi32>
        %squeeze3A_52 = vector.extract %slice3A_51[0] : i32 from vector<1xi32>
        %dma_start3A_53 = arith.constant 0 : i32
        %dma_start3A_54 = tpu.memref_slice %arg10[%add3A_39, %dma_start3A_53] : memref<256x64xf32, #tpu.memory_space<vmem>> -> memref<1x64xf32, #tpu.memory_space<vmem>>
        %dma_start3A_55 = tpu.memref_squeeze %dma_start3A_54 : memref<1x64xf32, #tpu.memory_space<vmem>> -> memref<64xf32, #tpu.memory_space<vmem>>
        %dma_start3A_56 = arith.constant 0 : i32
        %dma_start3A_57 = tpu.memref_slice %arg5[%squeeze3A_52, %dma_start3A_56] : memref<1000000x64xf32, #tpu.memory_space<hbm>> -> memref<1x64xf32, #tpu.memory_space<hbm>>
        %dma_start3A_58 = tpu.memref_squeeze %dma_start3A_57 : memref<1x64xf32, #tpu.memory_space<hbm>> -> memref<64xf32, #tpu.memory_space<hbm>>
        %dma_start3A_59 = arith.constant 0 : i32
        %dma_start3A_60 = tpu.memref_slice %arg10[%add3A_39, %dma_start3A_59] : memref<256x64xf32, #tpu.memory_space<vmem>> -> memref<1x64xf32, #tpu.memory_space<vmem>>
        %dma_start3A_61 = tpu.memref_squeeze %dma_start3A_60 : memref<1x64xf32, #tpu.memory_space<vmem>> -> memref<64xf32, #tpu.memory_space<vmem>>
        %dma_start3A_62 = arith.constant 0 : i32
        %dma_start3A_63 = tpu.memref_slice %arg5[%squeeze3A_52, %dma_start3A_62] : memref<1000000x64xf32, #tpu.memory_space<hbm>> -> memref<1x64xf32, #tpu.memory_space<hbm>>
        %dma_start3A_64 = tpu.memref_squeeze %dma_start3A_63 : memref<1x64xf32, #tpu.memory_space<hbm>> -> memref<64xf32, #tpu.memory_space<hbm>>
        tpu.enqueue_dma source(%dma_start3A_64 : memref<64xf32, #tpu.memory_space<hbm>>) target(%dma_start3A_61 : memref<64xf32, #tpu.memory_space<vmem>>) target_semaphore(%arg14 : memref<!tpu.dma_semaphore, #tpu.memory_space<semaphore_mem>>)
        %mul3A_65 = arith.constant 16 : i32
        %mul3A_66 = arith.muli %scan3A_18, %mul3A_65 : i32
        %add3A_67 = arith.constant 1 : i32
        %add3A_68 = arith.addi %mul3A_66, %add3A_67 : i32
        %slice3A_69 = vector.extract_strided_slice %get3A_25 {offsets = [1], sizes = [1], strides = [1]} : vector<16xi32> to vector<1xi32>
        %squeeze3A_70 = vector.extract %slice3A_69[0] : i32 from vector<1xi32>
        %dma_start3A_71 = arith.constant 0 : i32
        %dma_start3A_72 = tpu.memref_slice %arg9[%add3A_68, %dma_start3A_71] : memref<256x64xf32, #tpu.memory_space<vmem>> -> memref<1x64xf32, #tpu.memory_space<vmem>>
        %dma_start3A_73 = tpu.memref_squeeze %dma_start3A_72 : memref<1x64xf32, #tpu.memory_space<vmem>> -> memref<64xf32, #tpu.memory_space<vmem>>
        %dma_start3A_74 = arith.constant 0 : i32
        %dma_start3A_75 = tpu.memref_slice %arg4[%squeeze3A_70, %dma_start3A_74] : memref<1000000x64xf32, #tpu.memory_space<hbm>> -> memref<1x64xf32, #tpu.memory_space<hbm>>
        %dma_start3A_76 = tpu.memref_squeeze %dma_start3A_75 : memref<1x64xf32, #tpu.memory_space<hbm>> -> memref<64xf32, #tpu.memory_space<hbm>>
        %dma_start3A_77 = arith.constant 0 : i32
        %dma_start3A_78 = tpu.memref_slice %arg9[%add3A_68, %dma_start3A_77] : memref<256x64xf32, #tpu.memory_space<vmem>> -> memref<1x64xf32, #tpu.memory_space<vmem>>
        %dma_start3A_79 = tpu.memref_squeeze %dma_start3A_78 : memref<1x64xf32, #tpu.memory_space<vmem>> -> memref<64xf32, #tpu.memory_space<vmem>>
        %dma_start3A_80 = arith.constant 0 : i32
        %dma_start3A_81 = tpu.memref_slice %arg4[%squeeze3A_70, %dma_start3A_80] : memref<1000000x64xf32, #tpu.memory_space<hbm>> -> memref<1x64xf32, #tpu.memory_space<hbm>>
        %dma_start3A_82 = tpu.memref_squeeze %dma_start3A_81 : memref<1x64xf32, #tpu.memory_space<hbm>> -> memref<64xf32, #tpu.memory_space<hbm>>
        tpu.enqueue_dma source(%dma_start3A_82 : memref<64xf32, #tpu.memory_space<hbm>>) target(%dma_start3A_79 : memref<64xf32, #tpu.memory_space<vmem>>) target_semaphore(%arg12 : memref<!tpu.dma_semaphore, #tpu.memory_space<semaphore_mem>>)
        %slice3A_83 = vector.extract_strided_slice %get3A_27 {offsets = [1], sizes = [1], strides = [1]} : vector<16xi32> to vector<1xi32>
        %squeeze3A_84 = vector.extract %slice3A_83[0] : i32 from vector<1xi32>
        %dma_start3A_85 = arith.constant 0 : i32
        %dma_start3A_86 = tpu.memref_slice %arg10[%add3A_68, %dma_start3A_85] : memref<256x64xf32, #tpu.memory_space<vmem>> -> memref<1x64xf32, #tpu.memory_space<vmem>>
        %dma_start3A_87 = tpu.memref_squeeze %dma_start3A_86 : memref<1x64xf32, #tpu.memory_space<vmem>> -> memref<64xf32, #tpu.memory_space<vmem>>
        %dma_start3A_88 = arith.constant 0 : i32
        %dma_start3A_89 = tpu.memref_slice %arg5[%squeeze3A_84, %dma_start3A_88] : memref<1000000x64xf32, #tpu.memory_space<hbm>> -> memref<1x64xf32, #tpu.memory_space<hbm>>
        %dma_start3A_90 = tpu.memref_squeeze %dma_start3A_89 : memref<1x64xf32, #tpu.memory_space<hbm>> -> memref<64xf32, #tpu.memory_space<hbm>>
        %dma_start3A_91 = arith.constant 0 : i32
        %dma_start3A_92 = tpu.memref_slice %arg10[%add3A_68, %dma_start3A_91] : memref<256x64xf32, #tpu.memory_space<vmem>> -> memref<1x64xf32, #tpu.memory_space<vmem>>
        %dma_start3A_93 = tpu.memref_squeeze %dma_start3A_92 : memref<1x64xf32, #tpu.memory_space<vmem>> -> memref<64xf32, #tpu.memory_space<vmem>>
        %dma_start3A_94 = arith.constant 0 : i32
        %dma_start3A_95 = tpu.memref_slice %arg5[%squeeze3A_84, %dma_start3A_94] : memref<1000000x64xf32, #tpu.memory_space<hbm>> -> memref<1x64xf32, #tpu.memory_space<hbm>>
        %dma_start3A_96 = tpu.memref_squeeze %dma_start3A_95 : memref<1x64xf32, #tpu.memory_space<hbm>> -> memref<64xf32, #tpu.memory_space<hbm>>
        tpu.enqueue_dma source(%dma_start3A_96 : memref<64xf32, #tpu.memory_space<hbm>>) target(%dma_start3A_93 : memref<64xf32, #tpu.memory_space<vmem>>) target_semaphore(%arg14 : memref<!tpu.dma_semaphore, #tpu.memory_space<semaphore_mem>>)
        %mul3A_97 = arith.constant 16 : i32
        %mul3A_98 = arith.muli %scan3A_18, %mul3A_97 : i32
        %add3A_99 = arith.constant 2 : i32
        %add3A_100 = arith.addi %mul3A_98, %add3A_99 : i32
        %slice3A_101 = vector.extract_strided_slice %get3A_25 {offsets = [2], sizes = [1], strides = [1]} : vector<16xi32> to vector<1xi32>
        %squeeze3A_102 = vector.extract %slice3A_101[0] : i32 from vector<1xi32>
        %dma_start3A_103 = arith.constant 0 : i32
        %dma_start3A_104 = tpu.memref_slice %arg9[%add3A_100, %dma_start3A_103] : memref<256x64xf32, #tpu.memory_space<vmem>> -> memref<1x64xf32, #tpu.memory_space<vmem>>
        %dma_start3A_105 = tpu.memref_squeeze %dma_start3A_104 : memref<1x64xf32, #tpu.memory_space<vmem>> -> memref<64xf32, #tpu.memory_space<vmem>>
        %dma_start3A_106 = arith.constant 0 : i32
        %dma_start3A_107 = tpu.memref_slice %arg4[%squeeze3A_102, %dma_start3A_106] : memref<1000000x64xf32, #tpu.memory_space<hbm>> -> memref<1x64xf32, #tpu.memory_space<hbm>>
        %dma_start3A_108 = tpu.memref_squeeze %dma_start3A_107 : memref<1x64xf32, #tpu.memory_space<hbm>> -> memref<64xf32, #tpu.memory_space<hbm>>
        %dma_start3A_109 = arith.constant 0 : i32
        %dma_start3A_110 = tpu.memref_slice %arg9[%add3A_100, %dma_start3A_109] : memref<256x64xf32, #tpu.memory_space<vmem>> -> memref<1x64xf32, #tpu.memory_space<vmem>>
        %dma_start3A_111 = tpu.memref_squeeze %dma_start3A_110 : memref<1x64xf32, #tpu.memory_space<vmem>> -> memref<64xf32, #tpu.memory_space<vmem>>
        %dma_start3A_112 = arith.constant 0 : i32
        %dma_start3A_113 = tpu.memref_slice %arg4[%squeeze3A_102, %dma_start3A_112] : memref<1000000x64xf32, #tpu.memory_space<hbm>> -> memref<1x64xf32, #tpu.memory_space<hbm>>
        %dma_start3A_114 = tpu.memref_squeeze %dma_start3A_113 : memref<1x64xf32, #tpu.memory_space<hbm>> -> memref<64xf32, #tpu.memory_space<hbm>>
        tpu.enqueue_dma source(%dma_start3A_114 : memref<64xf32, #tpu.memory_space<hbm>>) target(%dma_start3A_111 : memref<64xf32, #tpu.memory_space<vmem>>) target_semaphore(%arg12 : memref<!tpu.dma_semaphore, #tpu.memory_space<semaphore_mem>>)
        %slice3A_115 = vector.extract_strided_slice %get3A_27 {offsets = [2], sizes = [1], strides = [1]} : vector<16xi32> to vector<1xi32>
        %squeeze3A_116 = vector.extract %slice3A_115[0] : i32 from vector<1xi32>
        %dma_start3A_117 = arith.constant 0 : i32
        %dma_start3A_118 = tpu.memref_slice %arg10[%add3A_100, %dma_start3A_117] : memref<256x64xf32, #tpu.memory_space<vmem>> -> memref<1x64xf32, #tpu.memory_space<vmem>>
        %dma_start3A_119 = tpu.memref_squeeze %dma_start3A_118 : memref<1x64xf32, #tpu.memory_space<vmem>> -> memref<64xf32, #tpu.memory_space<vmem>>
        %dma_start3A_120 = arith.constant 0 : i32
        %dma_start3A_121 = tpu.memref_slice %arg5[%squeeze3A_116, %dma_start3A_120] : memref<1000000x64xf32, #tpu.memory_space<hbm>> -> memref<1x64xf32, #tpu.memory_space<hbm>>
        %dma_start3A_122 = tpu.memref_squeeze %dma_start3A_121 : memref<1x64xf32, #tpu.memory_space<hbm>> -> memref<64xf32, #tpu.memory_space<hbm>>
        %dma_start3A_123 = arith.constant 0 : i32
        %dma_start3A_124 = tpu.memref_slice %arg10[%add3A_100, %dma_start3A_123] : memref<256x64xf32, #tpu.memory_space<vmem>> -> memref<1x64xf32, #tpu.memory_space<vmem>>
        %dma_start3A_125 = tpu.memref_squeeze %dma_start3A_124 : memref<1x64xf32, #tpu.memory_space<vmem>> -> memref<64xf32, #tpu.memory_space<vmem>>
        %dma_start3A_126 = arith.constant 0 : i32
        %dma_start3A_127 = tpu.memref_slice %arg5[%squeeze3A_116, %dma_start3A_126] : memref<1000000x64xf32, #tpu.memory_space<hbm>> -> memref<1x64xf32, #tpu.memory_space<hbm>>
        %dma_start3A_128 = tpu.memref_squeeze %dma_start3A_127 : memref<1x64xf32, #tpu.memory_space<hbm>> -> memref<64xf32, #tpu.memory_space<hbm>>
        tpu.enqueue_dma source(%dma_start3A_128 : memref<64xf32, #tpu.memory_space<hbm>>) target(%dma_start3A_125 : memref<64xf32, #tpu.memory_space<vmem>>) target_semaphore(%arg14 : memref<!tpu.dma_semaphore, #tpu.memory_space<semaphore_mem>>)
        %mul3A_129 = arith.constant 16 : i32
        %mul3A_130 = arith.muli %scan3A_18, %mul3A_129 : i32
        %add3A_131 = arith.constant 3 : i32
        %add3A_132 = arith.addi %mul3A_130, %add3A_131 : i32
        %slice3A_133 = vector.extract_strided_slice %get3A_25 {offsets = [3], sizes = [1], strides = [1]} : vector<16xi32> to vector<1xi32>
        %squeeze3A_134 = vector.extract %slice3A_133[0] : i32 from vector<1xi32>
        %dma_start3A_135 = arith.constant 0 : i32
        %dma_start3A_136 = tpu.memref_slice %arg9[%add3A_132, %dma_start3A_135] : memref<256x64xf32, #tpu.memory_space<vmem>> -> memref<1x64xf32, #tpu.memory_space<vmem>>
        %dma_start3A_137 = tpu.memref_squeeze %dma_start3A_136 : memref<1x64xf32, #tpu.memory_space<vmem>> -> memref<64xf32, #tpu.memory_space<vmem>>
        %dma_start3A_138 = arith.constant 0 : i32
        %dma_start3A_139 = tpu.memref_slice %arg4[%squeeze3A_134, %dma_start3A_138] : memref<1000000x64xf32, #tpu.memory_space<hbm>> -> memref<1x64xf32, #tpu.memory_space<hbm>>
        %dma_start3A_140 = tpu.memref_squeeze %dma_start3A_139 : memref<1x64xf32, #tpu.memory_space<hbm>> -> memref<64xf32, #tpu.memory_space<hbm>>
        %dma_start3A_141 = arith.constant 0 : i32
        %dma_start3A_142 = tpu.memref_slice %arg9[%add3A_132, %dma_start3A_141] : memref<256x64xf32, #tpu.memory_space<vmem>> -> memref<1x64xf32, #tpu.memory_space<vmem>>
        %dma_start3A_143 = tpu.memref_squeeze %dma_start3A_142 : memref<1x64xf32, #tpu.memory_space<vmem>> -> memref<64xf32, #tpu.memory_space<vmem>>
        %dma_start3A_144 = arith.constant 0 : i32
        %dma_start3A_145 = tpu.memref_slice %arg4[%squeeze3A_134, %dma_start3A_144] : memref<1000000x64xf32, #tpu.memory_space<hbm>> -> memref<1x64xf32, #tpu.memory_space<hbm>>
        %dma_start3A_146 = tpu.memref_squeeze %dma_start3A_145 : memref<1x64xf32, #tpu.memory_space<hbm>> -> memref<64xf32, #tpu.memory_space<hbm>>
        tpu.enqueue_dma source(%dma_start3A_146 : memref<64xf32, #tpu.memory_space<hbm>>) target(%dma_start3A_143 : memref<64xf32, #tpu.memory_space<vmem>>) target_semaphore(%arg12 : memref<!tpu.dma_semaphore, #tpu.memory_space<semaphore_mem>>)
        %slice3A_147 = vector.extract_strided_slice %get3A_27 {offsets = [3], sizes = [1], strides = [1]} : vector<16xi32> to vector<1xi32>
        %squeeze3A_148 = vector.extract %slice3A_147[0] : i32 from vector<1xi32>
        %dma_start3A_149 = arith.constant 0 : i32
        %dma_start3A_150 = tpu.memref_slice %arg10[%add3A_132, %dma_start3A_149] : memref<256x64xf32, #tpu.memory_space<vmem>> -> memref<1x64xf32, #tpu.memory_space<vmem>>
        %dma_start3A_151 = tpu.memref_squeeze %dma_start3A_150 : memref<1x64xf32, #tpu.memory_space<vmem>> -> memref<64xf32, #tpu.memory_space<vmem>>
        %dma_start3A_152 = arith.constant 0 : i32
        %dma_start3A_153 = tpu.memref_slice %arg5[%squeeze3A_148, %dma_start3A_152] : memref<1000000x64xf32, #tpu.memory_space<hbm>> -> memref<1x64xf32, #tpu.memory_space<hbm>>
        %dma_start3A_154 = tpu.memref_squeeze %dma_start3A_153 : memref<1x64xf32, #tpu.memory_space<hbm>> -> memref<64xf32, #tpu.memory_space<hbm>>
        %dma_start3A_155 = arith.constant 0 : i32
        %dma_start3A_156 = tpu.memref_slice %arg10[%add3A_132, %dma_start3A_155] : memref<256x64xf32, #tpu.memory_space<vmem>> -> memref<1x64xf32, #tpu.memory_space<vmem>>
        %dma_start3A_157 = tpu.memref_squeeze %dma_start3A_156 : memref<1x64xf32, #tpu.memory_space<vmem>> -> memref<64xf32, #tpu.memory_space<vmem>>
        %dma_start3A_158 = arith.constant 0 : i32
        %dma_start3A_159 = tpu.memref_slice %arg5[%squeeze3A_148, %dma_start3A_158] : memref<1000000x64xf32, #tpu.memory_space<hbm>> -> memref<1x64xf32, #tpu.memory_space<hbm>>
        %dma_start3A_160 = tpu.memref_squeeze %dma_start3A_159 : memref<1x64xf32, #tpu.memory_space<hbm>> -> memref<64xf32, #tpu.memory_space<hbm>>
        tpu.enqueue_dma source(%dma_start3A_160 : memref<64xf32, #tpu.memory_space<hbm>>) target(%dma_start3A_157 : memref<64xf32, #tpu.memory_space<vmem>>) target_semaphore(%arg14 : memref<!tpu.dma_semaphore, #tpu.memory_space<semaphore_mem>>)
        %mul3A_161 = arith.constant 16 : i32
        %mul3A_162 = arith.muli %scan3A_18, %mul3A_161 : i32
        %add3A_163 = arith.constant 4 : i32
        %add3A_164 = arith.addi %mul3A_162, %add3A_163 : i32
        %slice3A_165 = vector.extract_strided_slice %get3A_25 {offsets = [4], sizes = [1], strides = [1]} : vector<16xi32> to vector<1xi32>
        %squeeze3A_166 = vector.extract %slice3A_165[0] : i32 from vector<1xi32>
        %dma_start3A_167 = arith.constant 0 : i32
        %dma_start3A_168 = tpu.memref_slice %arg9[%add3A_164, %dma_start3A_167] : memref<256x64xf32, #tpu.memory_space<vmem>> -> memref<1x64xf32, #tpu.memory_space<vmem>>
        %dma_start3A_169 = tpu.memref_squeeze %dma_start3A_168 : memref<1x64xf32, #tpu.memory_space<vmem>> -> memref<64xf32, #tpu.memory_space<vmem>>
        %dma_start3A_170 = arith.constant 0 : i32
        %dma_start3A_171 = tpu.memref_slice %arg4[%squeeze3A_166, %dma_start3A_170] : memref<1000000x64xf32, #tpu.memory_space<hbm>> -> memref<1x64xf32, #tpu.memory_space<hbm>>
        %dma_start3A_172 = tpu.memref_squeeze %dma_start3A_171 : memref<1x64xf32, #tpu.memory_space<hbm>> -> memref<64xf32, #tpu.memory_space<hbm>>
        %dma_start3A_173 = arith.constant 0 : i32
        %dma_start3A_174 = tpu.memref_slice %arg9[%add3A_164, %dma_start3A_173] : memref<256x64xf32, #tpu.memory_space<vmem>> -> memref<1x64xf32, #tpu.memory_space<vmem>>
        %dma_start3A_175 = tpu.memref_squeeze %dma_start3A_174 : memref<1x64xf32, #tpu.memory_space<vmem>> -> memref<64xf32, #tpu.memory_space<vmem>>
        %dma_start3A_176 = arith.constant 0 : i32
        %dma_start3A_177 = tpu.memref_slice %arg4[%squeeze3A_166, %dma_start3A_176] : memref<1000000x64xf32, #tpu.memory_space<hbm>> -> memref<1x64xf32, #tpu.memory_space<hbm>>
        %dma_start3A_178 = tpu.memref_squeeze %dma_start3A_177 : memref<1x64xf32, #tpu.memory_space<hbm>> -> memref<64xf32, #tpu.memory_space<hbm>>
        tpu.enqueue_dma source(%dma_start3A_178 : memref<64xf32, #tpu.memory_space<hbm>>) target(%dma_start3A_175 : memref<64xf32, #tpu.memory_space<vmem>>) target_semaphore(%arg12 : memref<!tpu.dma_semaphore, #tpu.memory_space<semaphore_mem>>)
        %slice3A_179 = vector.extract_strided_slice %get3A_27 {offsets = [4], sizes = [1], strides = [1]} : vector<16xi32> to vector<1xi32>
        %squeeze3A_180 = vector.extract %slice3A_179[0] : i32 from vector<1xi32>
        %dma_start3A_181 = arith.constant 0 : i32
        %dma_start3A_182 = tpu.memref_slice %arg10[%add3A_164, %dma_start3A_181] : memref<256x64xf32, #tpu.memory_space<vmem>> -> memref<1x64xf32, #tpu.memory_space<vmem>>
        %dma_start3A_183 = tpu.memref_squeeze %dma_start3A_182 : memref<1x64xf32, #tpu.memory_space<vmem>> -> memref<64xf32, #tpu.memory_space<vmem>>
        %dma_start3A_184 = arith.constant 0 : i32
        %dma_start3A_185 = tpu.memref_slice %arg5[%squeeze3A_180, %dma_start3A_184] : memref<1000000x64xf32, #tpu.memory_space<hbm>> -> memref<1x64xf32, #tpu.memory_space<hbm>>
        %dma_start3A_186 = tpu.memref_squeeze %dma_start3A_185 : memref<1x64xf32, #tpu.memory_space<hbm>> -> memref<64xf32, #tpu.memory_space<hbm>>
        %dma_start3A_187 = arith.constant 0 : i32
        %dma_start3A_188 = tpu.memref_slice %arg10[%add3A_164, %dma_start3A_187] : memref<256x64xf32, #tpu.memory_space<vmem>> -> memref<1x64xf32, #tpu.memory_space<vmem>>
        %dma_start3A_189 = tpu.memref_squeeze %dma_start3A_188 : memref<1x64xf32, #tpu.memory_space<vmem>> -> memref<64xf32, #tpu.memory_space<vmem>>
        %dma_start3A_190 = arith.constant 0 : i32
        %dma_start3A_191 = tpu.memref_slice %arg5[%squeeze3A_180, %dma_start3A_190] : memref<1000000x64xf32, #tpu.memory_space<hbm>> -> memref<1x64xf32, #tpu.memory_space<hbm>>
        %dma_start3A_192 = tpu.memref_squeeze %dma_start3A_191 : memref<1x64xf32, #tpu.memory_space<hbm>> -> memref<64xf32, #tpu.memory_space<hbm>>
        tpu.enqueue_dma source(%dma_start3A_192 : memref<64xf32, #tpu.memory_space<hbm>>) target(%dma_start3A_189 : memref<64xf32, #tpu.memory_space<vmem>>) target_semaphore(%arg14 : memref<!tpu.dma_semaphore, #tpu.memory_space<semaphore_mem>>)
        %mul3A_193 = arith.constant 16 : i32
        %mul3A_194 = arith.muli %scan3A_18, %mul3A_193 : i32
        %add3A_195 = arith.constant 5 : i32
        %add3A_196 = arith.addi %mul3A_194, %add3A_195 : i32
        %slice3A_197 = vector.extract_strided_slice %get3A_25 {offsets = [5], sizes = [1], strides = [1]} : vector<16xi32> to vector<1xi32>
        %squeeze3A_198 = vector.extract %slice3A_197[0] : i32 from vector<1xi32>
        %dma_start3A_199 = arith.constant 0 : i32
        %dma_start3A_200 = tpu.memref_slice %arg9[%add3A_196, %dma_start3A_199] : memref<256x64xf32, #tpu.memory_space<vmem>> -> memref<1x64xf32, #tpu.memory_space<vmem>>
        %dma_start3A_201 = tpu.memref_squeeze %dma_start3A_200 : memref<1x64xf32, #tpu.memory_space<vmem>> -> memref<64xf32, #tpu.memory_space<vmem>>
        %dma_start3A_202 = arith.constant 0 : i32
        %dma_start3A_203 = tpu.memref_slice %arg4[%squeeze3A_198, %dma_start3A_202] : memref<1000000x64xf32, #tpu.memory_space<hbm>> -> memref<1x64xf32, #tpu.memory_space<hbm>>
        %dma_start3A_204 = tpu.memref_squeeze %dma_start3A_203 : memref<1x64xf32, #tpu.memory_space<hbm>> -> memref<64xf32, #tpu.memory_space<hbm>>
        %dma_start3A_205 = arith.constant 0 : i32
        %dma_start3A_206 = tpu.memref_slice %arg9[%add3A_196, %dma_start3A_205] : memref<256x64xf32, #tpu.memory_space<vmem>> -> memref<1x64xf32, #tpu.memory_space<vmem>>
        %dma_start3A_207 = tpu.memref_squeeze %dma_start3A_206 : memref<1x64xf32, #tpu.memory_space<vmem>> -> memref<64xf32, #tpu.memory_space<vmem>>
        %dma_start3A_208 = arith.constant 0 : i32
        %dma_start3A_209 = tpu.memref_slice %arg4[%squeeze3A_198, %dma_start3A_208] : memref<1000000x64xf32, #tpu.memory_space<hbm>> -> memref<1x64xf32, #tpu.memory_space<hbm>>
        %dma_start3A_210 = tpu.memref_squeeze %dma_start3A_209 : memref<1x64xf32, #tpu.memory_space<hbm>> -> memref<64xf32, #tpu.memory_space<hbm>>
        tpu.enqueue_dma source(%dma_start3A_210 : memref<64xf32, #tpu.memory_space<hbm>>) target(%dma_start3A_207 : memref<64xf32, #tpu.memory_space<vmem>>) target_semaphore(%arg12 : memref<!tpu.dma_semaphore, #tpu.memory_space<semaphore_mem>>)
        %slice3A_211 = vector.extract_strided_slice %get3A_27 {offsets = [5], sizes = [1], strides = [1]} : vector<16xi32> to vector<1xi32>
        %squeeze3A_212 = vector.extract %slice3A_211[0] : i32 from vector<1xi32>
        %dma_start3A_213 = arith.constant 0 : i32
        %dma_start3A_214 = tpu.memref_slice %arg10[%add3A_196, %dma_start3A_213] : memref<256x64xf32, #tpu.memory_space<vmem>> -> memref<1x64xf32, #tpu.memory_space<vmem>>
        %dma_start3A_215 = tpu.memref_squeeze %dma_start3A_214 : memref<1x64xf32, #tpu.memory_space<vmem>> -> memref<64xf32, #tpu.memory_space<vmem>>
        %dma_start3A_216 = arith.constant 0 : i32
        %dma_start3A_217 = tpu.memref_slice %arg5[%squeeze3A_212, %dma_start3A_216] : memref<1000000x64xf32, #tpu.memory_space<hbm>> -> memref<1x64xf32, #tpu.memory_space<hbm>>
        %dma_start3A_218 = tpu.memref_squeeze %dma_start3A_217 : memref<1x64xf32, #tpu.memory_space<hbm>> -> memref<64xf32, #tpu.memory_space<hbm>>
        %dma_start3A_219 = arith.constant 0 : i32
        %dma_start3A_220 = tpu.memref_slice %arg10[%add3A_196, %dma_start3A_219] : memref<256x64xf32, #tpu.memory_space<vmem>> -> memref<1x64xf32, #tpu.memory_space<vmem>>
        %dma_start3A_221 = tpu.memref_squeeze %dma_start3A_220 : memref<1x64xf32, #tpu.memory_space<vmem>> -> memref<64xf32, #tpu.memory_space<vmem>>
        %dma_start3A_222 = arith.constant 0 : i32
        %dma_start3A_223 = tpu.memref_slice %arg5[%squeeze3A_212, %dma_start3A_222] : memref<1000000x64xf32, #tpu.memory_space<hbm>> -> memref<1x64xf32, #tpu.memory_space<hbm>>
        %dma_start3A_224 = tpu.memref_squeeze %dma_start3A_223 : memref<1x64xf32, #tpu.memory_space<hbm>> -> memref<64xf32, #tpu.memory_space<hbm>>
        tpu.enqueue_dma source(%dma_start3A_224 : memref<64xf32, #tpu.memory_space<hbm>>) target(%dma_start3A_221 : memref<64xf32, #tpu.memory_space<vmem>>) target_semaphore(%arg14 : memref<!tpu.dma_semaphore, #tpu.memory_space<semaphore_mem>>)
        %mul3A_225 = arith.constant 16 : i32
        %mul3A_226 = arith.muli %scan3A_18, %mul3A_225 : i32
        %add3A_227 = arith.constant 6 : i32
        %add3A_228 = arith.addi %mul3A_226, %add3A_227 : i32
        %slice3A_229 = vector.extract_strided_slice %get3A_25 {offsets = [6], sizes = [1], strides = [1]} : vector<16xi32> to vector<1xi32>
        %squeeze3A_230 = vector.extract %slice3A_229[0] : i32 from vector<1xi32>
        %dma_start3A_231 = arith.constant 0 : i32
        %dma_start3A_232 = tpu.memref_slice %arg9[%add3A_228, %dma_start3A_231] : memref<256x64xf32, #tpu.memory_space<vmem>> -> memref<1x64xf32, #tpu.memory_space<vmem>>
        %dma_start3A_233 = tpu.memref_squeeze %dma_start3A_232 : memref<1x64xf32, #tpu.memory_space<vmem>> -> memref<64xf32, #tpu.memory_space<vmem>>
        %dma_start3A_234 = arith.constant 0 : i32
        %dma_start3A_235 = tpu.memref_slice %arg4[%squeeze3A_230, %dma_start3A_234] : memref<1000000x64xf32, #tpu.memory_space<hbm>> -> memref<1x64xf32, #tpu.memory_space<hbm>>
        %dma_start3A_236 = tpu.memref_squeeze %dma_start3A_235 : memref<1x64xf32, #tpu.memory_space<hbm>> -> memref<64xf32, #tpu.memory_space<hbm>>
        %dma_start3A_237 = arith.constant 0 : i32
        %dma_start3A_238 = tpu.memref_slice %arg9[%add3A_228, %dma_start3A_237] : memref<256x64xf32, #tpu.memory_space<vmem>> -> memref<1x64xf32, #tpu.memory_space<vmem>>
        %dma_start3A_239 = tpu.memref_squeeze %dma_start3A_238 : memref<1x64xf32, #tpu.memory_space<vmem>> -> memref<64xf32, #tpu.memory_space<vmem>>
        %dma_start3A_240 = arith.constant 0 : i32
        %dma_start3A_241 = tpu.memref_slice %arg4[%squeeze3A_230, %dma_start3A_240] : memref<1000000x64xf32, #tpu.memory_space<hbm>> -> memref<1x64xf32, #tpu.memory_space<hbm>>
        %dma_start3A_242 = tpu.memref_squeeze %dma_start3A_241 : memref<1x64xf32, #tpu.memory_space<hbm>> -> memref<64xf32, #tpu.memory_space<hbm>>
        tpu.enqueue_dma source(%dma_start3A_242 : memref<64xf32, #tpu.memory_space<hbm>>) target(%dma_start3A_239 : memref<64xf32, #tpu.memory_space<vmem>>) target_semaphore(%arg12 : memref<!tpu.dma_semaphore, #tpu.memory_space<semaphore_mem>>)
        %slice3A_243 = vector.extract_strided_slice %get3A_27 {offsets = [6], sizes = [1], strides = [1]} : vector<16xi32> to vector<1xi32>
        %squeeze3A_244 = vector.extract %slice3A_243[0] : i32 from vector<1xi32>
        %dma_start3A_245 = arith.constant 0 : i32
        %dma_start3A_246 = tpu.memref_slice %arg10[%add3A_228, %dma_start3A_245] : memref<256x64xf32, #tpu.memory_space<vmem>> -> memref<1x64xf32, #tpu.memory_space<vmem>>
        %dma_start3A_247 = tpu.memref_squeeze %dma_start3A_246 : memref<1x64xf32, #tpu.memory_space<vmem>> -> memref<64xf32, #tpu.memory_space<vmem>>
        %dma_start3A_248 = arith.constant 0 : i32
        %dma_start3A_249 = tpu.memref_slice %arg5[%squeeze3A_244, %dma_start3A_248] : memref<1000000x64xf32, #tpu.memory_space<hbm>> -> memref<1x64xf32, #tpu.memory_space<hbm>>
        %dma_start3A_250 = tpu.memref_squeeze %dma_start3A_249 : memref<1x64xf32, #tpu.memory_space<hbm>> -> memref<64xf32, #tpu.memory_space<hbm>>
        %dma_start3A_251 = arith.constant 0 : i32
        %dma_start3A_252 = tpu.memref_slice %arg10[%add3A_228, %dma_start3A_251] : memref<256x64xf32, #tpu.memory_space<vmem>> -> memref<1x64xf32, #tpu.memory_space<vmem>>
        %dma_start3A_253 = tpu.memref_squeeze %dma_start3A_252 : memref<1x64xf32, #tpu.memory_space<vmem>> -> memref<64xf32, #tpu.memory_space<vmem>>
        %dma_start3A_254 = arith.constant 0 : i32
        %dma_start3A_255 = tpu.memref_slice %arg5[%squeeze3A_244, %dma_start3A_254] : memref<1000000x64xf32, #tpu.memory_space<hbm>> -> memref<1x64xf32, #tpu.memory_space<hbm>>
        %dma_start3A_256 = tpu.memref_squeeze %dma_start3A_255 : memref<1x64xf32, #tpu.memory_space<hbm>> -> memref<64xf32, #tpu.memory_space<hbm>>
        tpu.enqueue_dma source(%dma_start3A_256 : memref<64xf32, #tpu.memory_space<hbm>>) target(%dma_start3A_253 : memref<64xf32, #tpu.memory_space<vmem>>) target_semaphore(%arg14 : memref<!tpu.dma_semaphore, #tpu.memory_space<semaphore_mem>>)
        %mul3A_257 = arith.constant 16 : i32
        %mul3A_258 = arith.muli %scan3A_18, %mul3A_257 : i32
        %add3A_259 = arith.constant 7 : i32
        %add3A_260 = arith.addi %mul3A_258, %add3A_259 : i32
        %slice3A_261 = vector.extract_strided_slice %get3A_25 {offsets = [7], sizes = [1], strides = [1]} : vector<16xi32> to vector<1xi32>
        %squeeze3A_262 = vector.extract %slice3A_261[0] : i32 from vector<1xi32>
        %dma_start3A_263 = arith.constant 0 : i32
        %dma_start3A_264 = tpu.memref_slice %arg9[%add3A_260, %dma_start3A_263] : memref<256x64xf32, #tpu.memory_space<vmem>> -> memref<1x64xf32, #tpu.memory_space<vmem>>
        %dma_start3A_265 = tpu.memref_squeeze %dma_start3A_264 : memref<1x64xf32, #tpu.memory_space<vmem>> -> memref<64xf32, #tpu.memory_space<vmem>>
        %dma_start3A_266 = arith.constant 0 : i32
        %dma_start3A_267 = tpu.memref_slice %arg4[%squeeze3A_262, %dma_start3A_266] : memref<1000000x64xf32, #tpu.memory_space<hbm>> -> memref<1x64xf32, #tpu.memory_space<hbm>>
        %dma_start3A_268 = tpu.memref_squeeze %dma_start3A_267 : memref<1x64xf32, #tpu.memory_space<hbm>> -> memref<64xf32, #tpu.memory_space<hbm>>
        %dma_start3A_269 = arith.constant 0 : i32
        %dma_start3A_270 = tpu.memref_slice %arg9[%add3A_260, %dma_start3A_269] : memref<256x64xf32, #tpu.memory_space<vmem>> -> memref<1x64xf32, #tpu.memory_space<vmem>>
        %dma_start3A_271 = tpu.memref_squeeze %dma_start3A_270 : memref<1x64xf32, #tpu.memory_space<vmem>> -> memref<64xf32, #tpu.memory_space<vmem>>
        %dma_start3A_272 = arith.constant 0 : i32
        %dma_start3A_273 = tpu.memref_slice %arg4[%squeeze3A_262, %dma_start3A_272] : memref<1000000x64xf32, #tpu.memory_space<hbm>> -> memref<1x64xf32, #tpu.memory_space<hbm>>
        %dma_start3A_274 = tpu.memref_squeeze %dma_start3A_273 : memref<1x64xf32, #tpu.memory_space<hbm>> -> memref<64xf32, #tpu.memory_space<hbm>>
        tpu.enqueue_dma source(%dma_start3A_274 : memref<64xf32, #tpu.memory_space<hbm>>) target(%dma_start3A_271 : memref<64xf32, #tpu.memory_space<vmem>>) target_semaphore(%arg12 : memref<!tpu.dma_semaphore, #tpu.memory_space<semaphore_mem>>)
        %slice3A_275 = vector.extract_strided_slice %get3A_27 {offsets = [7], sizes = [1], strides = [1]} : vector<16xi32> to vector<1xi32>
        %squeeze3A_276 = vector.extract %slice3A_275[0] : i32 from vector<1xi32>
        %dma_start3A_277 = arith.constant 0 : i32
        %dma_start3A_278 = tpu.memref_slice %arg10[%add3A_260, %dma_start3A_277] : memref<256x64xf32, #tpu.memory_space<vmem>> -> memref<1x64xf32, #tpu.memory_space<vmem>>
        %dma_start3A_279 = tpu.memref_squeeze %dma_start3A_278 : memref<1x64xf32, #tpu.memory_space<vmem>> -> memref<64xf32, #tpu.memory_space<vmem>>
        %dma_start3A_280 = arith.constant 0 : i32
        %dma_start3A_281 = tpu.memref_slice %arg5[%squeeze3A_276, %dma_start3A_280] : memref<1000000x64xf32, #tpu.memory_space<hbm>> -> memref<1x64xf32, #tpu.memory_space<hbm>>
        %dma_start3A_282 = tpu.memref_squeeze %dma_start3A_281 : memref<1x64xf32, #tpu.memory_space<hbm>> -> memref<64xf32, #tpu.memory_space<hbm>>
        %dma_start3A_283 = arith.constant 0 : i32
        %dma_start3A_284 = tpu.memref_slice %arg10[%add3A_260, %dma_start3A_283] : memref<256x64xf32, #tpu.memory_space<vmem>> -> memref<1x64xf32, #tpu.memory_space<vmem>>
        %dma_start3A_285 = tpu.memref_squeeze %dma_start3A_284 : memref<1x64xf32, #tpu.memory_space<vmem>> -> memref<64xf32, #tpu.memory_space<vmem>>
        %dma_start3A_286 = arith.constant 0 : i32
        %dma_start3A_287 = tpu.memref_slice %arg5[%squeeze3A_276, %dma_start3A_286] : memref<1000000x64xf32, #tpu.memory_space<hbm>> -> memref<1x64xf32, #tpu.memory_space<hbm>>
        %dma_start3A_288 = tpu.memref_squeeze %dma_start3A_287 : memref<1x64xf32, #tpu.memory_space<hbm>> -> memref<64xf32, #tpu.memory_space<hbm>>
        tpu.enqueue_dma source(%dma_start3A_288 : memref<64xf32, #tpu.memory_space<hbm>>) target(%dma_start3A_285 : memref<64xf32, #tpu.memory_space<vmem>>) target_semaphore(%arg14 : memref<!tpu.dma_semaphore, #tpu.memory_space<semaphore_mem>>)
        %mul3A_289 = arith.constant 16 : i32
        %mul3A_290 = arith.muli %scan3A_18, %mul3A_289 : i32
        %add3A_291 = arith.constant 8 : i32
        %add3A_292 = arith.addi %mul3A_290, %add3A_291 : i32
        %slice3A_293 = vector.extract_strided_slice %get3A_25 {offsets = [8], sizes = [1], strides = [1]} : vector<16xi32> to vector<1xi32>
        %squeeze3A_294 = vector.extract %slice3A_293[0] : i32 from vector<1xi32>
        %dma_start3A_295 = arith.constant 0 : i32
        %dma_start3A_296 = tpu.memref_slice %arg9[%add3A_292, %dma_start3A_295] : memref<256x64xf32, #tpu.memory_space<vmem>> -> memref<1x64xf32, #tpu.memory_space<vmem>>
        %dma_start3A_297 = tpu.memref_squeeze %dma_start3A_296 : memref<1x64xf32, #tpu.memory_space<vmem>> -> memref<64xf32, #tpu.memory_space<vmem>>
        %dma_start3A_298 = arith.constant 0 : i32
        %dma_start3A_299 = tpu.memref_slice %arg4[%squeeze3A_294, %dma_start3A_298] : memref<1000000x64xf32, #tpu.memory_space<hbm>> -> memref<1x64xf32, #tpu.memory_space<hbm>>
        %dma_start3A_300 = tpu.memref_squeeze %dma_start3A_299 : memref<1x64xf32, #tpu.memory_space<hbm>> -> memref<64xf32, #tpu.memory_space<hbm>>
        %dma_start3A_301 = arith.constant 0 : i32
        %dma_start3A_302 = tpu.memref_slice %arg9[%add3A_292, %dma_start3A_301] : memref<256x64xf32, #tpu.memory_space<vmem>> -> memref<1x64xf32, #tpu.memory_space<vmem>>
        %dma_start3A_303 = tpu.memref_squeeze %dma_start3A_302 : memref<1x64xf32, #tpu.memory_space<vmem>> -> memref<64xf32, #tpu.memory_space<vmem>>
        %dma_start3A_304 = arith.constant 0 : i32
        %dma_start3A_305 = tpu.memref_slice %arg4[%squeeze3A_294, %dma_start3A_304] : memref<1000000x64xf32, #tpu.memory_space<hbm>> -> memref<1x64xf32, #tpu.memory_space<hbm>>
        %dma_start3A_306 = tpu.memref_squeeze %dma_start3A_305 : memref<1x64xf32, #tpu.memory_space<hbm>> -> memref<64xf32, #tpu.memory_space<hbm>>
        tpu.enqueue_dma source(%dma_start3A_306 : memref<64xf32, #tpu.memory_space<hbm>>) target(%dma_start3A_303 : memref<64xf32, #tpu.memory_space<vmem>>) target_semaphore(%arg12 : memref<!tpu.dma_semaphore, #tpu.memory_space<semaphore_mem>>)
        %slice3A_307 = vector.extract_strided_slice %get3A_27 {offsets = [8], sizes = [1], strides = [1]} : vector<16xi32> to vector<1xi32>
        %squeeze3A_308 = vector.extract %slice3A_307[0] : i32 from vector<1xi32>
        %dma_start3A_309 = arith.constant 0 : i32
        %dma_start3A_310 = tpu.memref_slice %arg10[%add3A_292, %dma_start3A_309] : memref<256x64xf32, #tpu.memory_space<vmem>> -> memref<1x64xf32, #tpu.memory_space<vmem>>
        %dma_start3A_311 = tpu.memref_squeeze %dma_start3A_310 : memref<1x64xf32, #tpu.memory_space<vmem>> -> memref<64xf32, #tpu.memory_space<vmem>>
        %dma_start3A_312 = arith.constant 0 : i32
        %dma_start3A_313 = tpu.memref_slice %arg5[%squeeze3A_308, %dma_start3A_312] : memref<1000000x64xf32, #tpu.memory_space<hbm>> -> memref<1x64xf32, #tpu.memory_space<hbm>>
        %dma_start3A_314 = tpu.memref_squeeze %dma_start3A_313 : memref<1x64xf32, #tpu.memory_space<hbm>> -> memref<64xf32, #tpu.memory_space<hbm>>
        %dma_start3A_315 = arith.constant 0 : i32
        %dma_start3A_316 = tpu.memref_slice %arg10[%add3A_292, %dma_start3A_315] : memref<256x64xf32, #tpu.memory_space<vmem>> -> memref<1x64xf32, #tpu.memory_space<vmem>>
        %dma_start3A_317 = tpu.memref_squeeze %dma_start3A_316 : memref<1x64xf32, #tpu.memory_space<vmem>> -> memref<64xf32, #tpu.memory_space<vmem>>
        %dma_start3A_318 = arith.constant 0 : i32
        %dma_start3A_319 = tpu.memref_slice %arg5[%squeeze3A_308, %dma_start3A_318] : memref<1000000x64xf32, #tpu.memory_space<hbm>> -> memref<1x64xf32, #tpu.memory_space<hbm>>
        %dma_start3A_320 = tpu.memref_squeeze %dma_start3A_319 : memref<1x64xf32, #tpu.memory_space<hbm>> -> memref<64xf32, #tpu.memory_space<hbm>>
        tpu.enqueue_dma source(%dma_start3A_320 : memref<64xf32, #tpu.memory_space<hbm>>) target(%dma_start3A_317 : memref<64xf32, #tpu.memory_space<vmem>>) target_semaphore(%arg14 : memref<!tpu.dma_semaphore, #tpu.memory_space<semaphore_mem>>)
        %mul3A_321 = arith.constant 16 : i32
        %mul3A_322 = arith.muli %scan3A_18, %mul3A_321 : i32
        %add3A_323 = arith.constant 9 : i32
        %add3A_324 = arith.addi %mul3A_322, %add3A_323 : i32
        %slice3A_325 = vector.extract_strided_slice %get3A_25 {offsets = [9], sizes = [1], strides = [1]} : vector<16xi32> to vector<1xi32>
        %squeeze3A_326 = vector.extract %slice3A_325[0] : i32 from vector<1xi32>
        %dma_start3A_327 = arith.constant 0 : i32
        %dma_start3A_328 = tpu.memref_slice %arg9[%add3A_324, %dma_start3A_327] : memref<256x64xf32, #tpu.memory_space<vmem>> -> memref<1x64xf32, #tpu.memory_space<vmem>>
        %dma_start3A_329 = tpu.memref_squeeze %dma_start3A_328 : memref<1x64xf32, #tpu.memory_space<vmem>> -> memref<64xf32, #tpu.memory_space<vmem>>
        %dma_start3A_330 = arith.constant 0 : i32
        %dma_start3A_331 = tpu.memref_slice %arg4[%squeeze3A_326, %dma_start3A_330] : memref<1000000x64xf32, #tpu.memory_space<hbm>> -> memref<1x64xf32, #tpu.memory_space<hbm>>
        %dma_start3A_332 = tpu.memref_squeeze %dma_start3A_331 : memref<1x64xf32, #tpu.memory_space<hbm>> -> memref<64xf32, #tpu.memory_space<hbm>>
        %dma_start3A_333 = arith.constant 0 : i32
        %dma_start3A_334 = tpu.memref_slice %arg9[%add3A_324, %dma_start3A_333] : memref<256x64xf32, #tpu.memory_space<vmem>> -> memref<1x64xf32, #tpu.memory_space<vmem>>
        %dma_start3A_335 = tpu.memref_squeeze %dma_start3A_334 : memref<1x64xf32, #tpu.memory_space<vmem>> -> memref<64xf32, #tpu.memory_space<vmem>>
        %dma_start3A_336 = arith.constant 0 : i32
        %dma_start3A_337 = tpu.memref_slice %arg4[%squeeze3A_326, %dma_start3A_336] : memref<1000000x64xf32, #tpu.memory_space<hbm>> -> memref<1x64xf32, #tpu.memory_space<hbm>>
        %dma_start3A_338 = tpu.memref_squeeze %dma_start3A_337 : memref<1x64xf32, #tpu.memory_space<hbm>> -> memref<64xf32, #tpu.memory_space<hbm>>
        tpu.enqueue_dma source(%dma_start3A_338 : memref<64xf32, #tpu.memory_space<hbm>>) target(%dma_start3A_335 : memref<64xf32, #tpu.memory_space<vmem>>) target_semaphore(%arg12 : memref<!tpu.dma_semaphore, #tpu.memory_space<semaphore_mem>>)
        %slice3A_339 = vector.extract_strided_slice %get3A_27 {offsets = [9], sizes = [1], strides = [1]} : vector<16xi32> to vector<1xi32>
        %squeeze3A_340 = vector.extract %slice3A_339[0] : i32 from vector<1xi32>
        %dma_start3A_341 = arith.constant 0 : i32
        %dma_start3A_342 = tpu.memref_slice %arg10[%add3A_324, %dma_start3A_341] : memref<256x64xf32, #tpu.memory_space<vmem>> -> memref<1x64xf32, #tpu.memory_space<vmem>>
        %dma_start3A_343 = tpu.memref_squeeze %dma_start3A_342 : memref<1x64xf32, #tpu.memory_space<vmem>> -> memref<64xf32, #tpu.memory_space<vmem>>
        %dma_start3A_344 = arith.constant 0 : i32
        %dma_start3A_345 = tpu.memref_slice %arg5[%squeeze3A_340, %dma_start3A_344] : memref<1000000x64xf32, #tpu.memory_space<hbm>> -> memref<1x64xf32, #tpu.memory_space<hbm>>
        %dma_start3A_346 = tpu.memref_squeeze %dma_start3A_345 : memref<1x64xf32, #tpu.memory_space<hbm>> -> memref<64xf32, #tpu.memory_space<hbm>>
        %dma_start3A_347 = arith.constant 0 : i32
        %dma_start3A_348 = tpu.memref_slice %arg10[%add3A_324, %dma_start3A_347] : memref<256x64xf32, #tpu.memory_space<vmem>> -> memref<1x64xf32, #tpu.memory_space<vmem>>
        %dma_start3A_349 = tpu.memref_squeeze %dma_start3A_348 : memref<1x64xf32, #tpu.memory_space<vmem>> -> memref<64xf32, #tpu.memory_space<vmem>>
        %dma_start3A_350 = arith.constant 0 : i32
        %dma_start3A_351 = tpu.memref_slice %arg5[%squeeze3A_340, %dma_start3A_350] : memref<1000000x64xf32, #tpu.memory_space<hbm>> -> memref<1x64xf32, #tpu.memory_space<hbm>>
        %dma_start3A_352 = tpu.memref_squeeze %dma_start3A_351 : memref<1x64xf32, #tpu.memory_space<hbm>> -> memref<64xf32, #tpu.memory_space<hbm>>
        tpu.enqueue_dma source(%dma_start3A_352 : memref<64xf32, #tpu.memory_space<hbm>>) target(%dma_start3A_349 : memref<64xf32, #tpu.memory_space<vmem>>) target_semaphore(%arg14 : memref<!tpu.dma_semaphore, #tpu.memory_space<semaphore_mem>>)
        %mul3A_353 = arith.constant 16 : i32
        %mul3A_354 = arith.muli %scan3A_18, %mul3A_353 : i32
        %add3A_355 = arith.constant 10 : i32
        %add3A_356 = arith.addi %mul3A_354, %add3A_355 : i32
        %slice3A_357 = vector.extract_strided_slice %get3A_25 {offsets = [10], sizes = [1], strides = [1]} : vector<16xi32> to vector<1xi32>
        %squeeze3A_358 = vector.extract %slice3A_357[0] : i32 from vector<1xi32>
        %dma_start3A_359 = arith.constant 0 : i32
        %dma_start3A_360 = tpu.memref_slice %arg9[%add3A_356, %dma_start3A_359] : memref<256x64xf32, #tpu.memory_space<vmem>> -> memref<1x64xf32, #tpu.memory_space<vmem>>
        %dma_start3A_361 = tpu.memref_squeeze %dma_start3A_360 : memref<1x64xf32, #tpu.memory_space<vmem>> -> memref<64xf32, #tpu.memory_space<vmem>>
        %dma_start3A_362 = arith.constant 0 : i32
        %dma_start3A_363 = tpu.memref_slice %arg4[%squeeze3A_358, %dma_start3A_362] : memref<1000000x64xf32, #tpu.memory_space<hbm>> -> memref<1x64xf32, #tpu.memory_space<hbm>>
        %dma_start3A_364 = tpu.memref_squeeze %dma_start3A_363 : memref<1x64xf32, #tpu.memory_space<hbm>> -> memref<64xf32, #tpu.memory_space<hbm>>
        %dma_start3A_365 = arith.constant 0 : i32
        %dma_start3A_366 = tpu.memref_slice %arg9[%add3A_356, %dma_start3A_365] : memref<256x64xf32, #tpu.memory_space<vmem>> -> memref<1x64xf32, #tpu.memory_space<vmem>>
        %dma_start3A_367 = tpu.memref_squeeze %dma_start3A_366 : memref<1x64xf32, #tpu.memory_space<vmem>> -> memref<64xf32, #tpu.memory_space<vmem>>
        %dma_start3A_368 = arith.constant 0 : i32
        %dma_start3A_369 = tpu.memref_slice %arg4[%squeeze3A_358, %dma_start3A_368] : memref<1000000x64xf32, #tpu.memory_space<hbm>> -> memref<1x64xf32, #tpu.memory_space<hbm>>
        %dma_start3A_370 = tpu.memref_squeeze %dma_start3A_369 : memref<1x64xf32, #tpu.memory_space<hbm>> -> memref<64xf32, #tpu.memory_space<hbm>>
        tpu.enqueue_dma source(%dma_start3A_370 : memref<64xf32, #tpu.memory_space<hbm>>) target(%dma_start3A_367 : memref<64xf32, #tpu.memory_space<vmem>>) target_semaphore(%arg12 : memref<!tpu.dma_semaphore, #tpu.memory_space<semaphore_mem>>)
        %slice3A_371 = vector.extract_strided_slice %get3A_27 {offsets = [10], sizes = [1], strides = [1]} : vector<16xi32> to vector<1xi32>
        %squeeze3A_372 = vector.extract %slice3A_371[0] : i32 from vector<1xi32>
        %dma_start3A_373 = arith.constant 0 : i32
        %dma_start3A_374 = tpu.memref_slice %arg10[%add3A_356, %dma_start3A_373] : memref<256x64xf32, #tpu.memory_space<vmem>> -> memref<1x64xf32, #tpu.memory_space<vmem>>
        %dma_start3A_375 = tpu.memref_squeeze %dma_start3A_374 : memref<1x64xf32, #tpu.memory_space<vmem>> -> memref<64xf32, #tpu.memory_space<vmem>>
        %dma_start3A_376 = arith.constant 0 : i32
        %dma_start3A_377 = tpu.memref_slice %arg5[%squeeze3A_372, %dma_start3A_376] : memref<1000000x64xf32, #tpu.memory_space<hbm>> -> memref<1x64xf32, #tpu.memory_space<hbm>>
        %dma_start3A_378 = tpu.memref_squeeze %dma_start3A_377 : memref<1x64xf32, #tpu.memory_space<hbm>> -> memref<64xf32, #tpu.memory_space<hbm>>
        %dma_start3A_379 = arith.constant 0 : i32
        %dma_start3A_380 = tpu.memref_slice %arg10[%add3A_356, %dma_start3A_379] : memref<256x64xf32, #tpu.memory_space<vmem>> -> memref<1x64xf32, #tpu.memory_space<vmem>>
        %dma_start3A_381 = tpu.memref_squeeze %dma_start3A_380 : memref<1x64xf32, #tpu.memory_space<vmem>> -> memref<64xf32, #tpu.memory_space<vmem>>
        %dma_start3A_382 = arith.constant 0 : i32
        %dma_start3A_383 = tpu.memref_slice %arg5[%squeeze3A_372, %dma_start3A_382] : memref<1000000x64xf32, #tpu.memory_space<hbm>> -> memref<1x64xf32, #tpu.memory_space<hbm>>
        %dma_start3A_384 = tpu.memref_squeeze %dma_start3A_383 : memref<1x64xf32, #tpu.memory_space<hbm>> -> memref<64xf32, #tpu.memory_space<hbm>>
        tpu.enqueue_dma source(%dma_start3A_384 : memref<64xf32, #tpu.memory_space<hbm>>) target(%dma_start3A_381 : memref<64xf32, #tpu.memory_space<vmem>>) target_semaphore(%arg14 : memref<!tpu.dma_semaphore, #tpu.memory_space<semaphore_mem>>)
        %mul3A_385 = arith.constant 16 : i32
        %mul3A_386 = arith.muli %scan3A_18, %mul3A_385 : i32
        %add3A_387 = arith.constant 11 : i32
        %add3A_388 = arith.addi %mul3A_386, %add3A_387 : i32
        %slice3A_389 = vector.extract_strided_slice %get3A_25 {offsets = [11], sizes = [1], strides = [1]} : vector<16xi32> to vector<1xi32>
        %squeeze3A_390 = vector.extract %slice3A_389[0] : i32 from vector<1xi32>
        %dma_start3A_391 = arith.constant 0 : i32
        %dma_start3A_392 = tpu.memref_slice %arg9[%add3A_388, %dma_start3A_391] : memref<256x64xf32, #tpu.memory_space<vmem>> -> memref<1x64xf32, #tpu.memory_space<vmem>>
        %dma_start3A_393 = tpu.memref_squeeze %dma_start3A_392 : memref<1x64xf32, #tpu.memory_space<vmem>> -> memref<64xf32, #tpu.memory_space<vmem>>
        %dma_start3A_394 = arith.constant 0 : i32
        %dma_start3A_395 = tpu.memref_slice %arg4[%squeeze3A_390, %dma_start3A_394] : memref<1000000x64xf32, #tpu.memory_space<hbm>> -> memref<1x64xf32, #tpu.memory_space<hbm>>
        %dma_start3A_396 = tpu.memref_squeeze %dma_start3A_395 : memref<1x64xf32, #tpu.memory_space<hbm>> -> memref<64xf32, #tpu.memory_space<hbm>>
        %dma_start3A_397 = arith.constant 0 : i32
        %dma_start3A_398 = tpu.memref_slice %arg9[%add3A_388, %dma_start3A_397] : memref<256x64xf32, #tpu.memory_space<vmem>> -> memref<1x64xf32, #tpu.memory_space<vmem>>
        %dma_start3A_399 = tpu.memref_squeeze %dma_start3A_398 : memref<1x64xf32, #tpu.memory_space<vmem>> -> memref<64xf32, #tpu.memory_space<vmem>>
        %dma_start3A_400 = arith.constant 0 : i32
        %dma_start3A_401 = tpu.memref_slice %arg4[%squeeze3A_390, %dma_start3A_400] : memref<1000000x64xf32, #tpu.memory_space<hbm>> -> memref<1x64xf32, #tpu.memory_space<hbm>>
        %dma_start3A_402 = tpu.memref_squeeze %dma_start3A_401 : memref<1x64xf32, #tpu.memory_space<hbm>> -> memref<64xf32, #tpu.memory_space<hbm>>
        tpu.enqueue_dma source(%dma_start3A_402 : memref<64xf32, #tpu.memory_space<hbm>>) target(%dma_start3A_399 : memref<64xf32, #tpu.memory_space<vmem>>) target_semaphore(%arg12 : memref<!tpu.dma_semaphore, #tpu.memory_space<semaphore_mem>>)
        %slice3A_403 = vector.extract_strided_slice %get3A_27 {offsets = [11], sizes = [1], strides = [1]} : vector<16xi32> to vector<1xi32>
        %squeeze3A_404 = vector.extract %slice3A_403[0] : i32 from vector<1xi32>
        %dma_start3A_405 = arith.constant 0 : i32
        %dma_start3A_406 = tpu.memref_slice %arg10[%add3A_388, %dma_start3A_405] : memref<256x64xf32, #tpu.memory_space<vmem>> -> memref<1x64xf32, #tpu.memory_space<vmem>>
        %dma_start3A_407 = tpu.memref_squeeze %dma_start3A_406 : memref<1x64xf32, #tpu.memory_space<vmem>> -> memref<64xf32, #tpu.memory_space<vmem>>
        %dma_start3A_408 = arith.constant 0 : i32
        %dma_start3A_409 = tpu.memref_slice %arg5[%squeeze3A_404, %dma_start3A_408] : memref<1000000x64xf32, #tpu.memory_space<hbm>> -> memref<1x64xf32, #tpu.memory_space<hbm>>
        %dma_start3A_410 = tpu.memref_squeeze %dma_start3A_409 : memref<1x64xf32, #tpu.memory_space<hbm>> -> memref<64xf32, #tpu.memory_space<hbm>>
        %dma_start3A_411 = arith.constant 0 : i32
        %dma_start3A_412 = tpu.memref_slice %arg10[%add3A_388, %dma_start3A_411] : memref<256x64xf32, #tpu.memory_space<vmem>> -> memref<1x64xf32, #tpu.memory_space<vmem>>
        %dma_start3A_413 = tpu.memref_squeeze %dma_start3A_412 : memref<1x64xf32, #tpu.memory_space<vmem>> -> memref<64xf32, #tpu.memory_space<vmem>>
        %dma_start3A_414 = arith.constant 0 : i32
        %dma_start3A_415 = tpu.memref_slice %arg5[%squeeze3A_404, %dma_start3A_414] : memref<1000000x64xf32, #tpu.memory_space<hbm>> -> memref<1x64xf32, #tpu.memory_space<hbm>>
        %dma_start3A_416 = tpu.memref_squeeze %dma_start3A_415 : memref<1x64xf32, #tpu.memory_space<hbm>> -> memref<64xf32, #tpu.memory_space<hbm>>
        tpu.enqueue_dma source(%dma_start3A_416 : memref<64xf32, #tpu.memory_space<hbm>>) target(%dma_start3A_413 : memref<64xf32, #tpu.memory_space<vmem>>) target_semaphore(%arg14 : memref<!tpu.dma_semaphore, #tpu.memory_space<semaphore_mem>>)
        %mul3A_417 = arith.constant 16 : i32
        %mul3A_418 = arith.muli %scan3A_18, %mul3A_417 : i32
        %add3A_419 = arith.constant 12 : i32
        %add3A_420 = arith.addi %mul3A_418, %add3A_419 : i32
        %slice3A_421 = vector.extract_strided_slice %get3A_25 {offsets = [12], sizes = [1], strides = [1]} : vector<16xi32> to vector<1xi32>
        %squeeze3A_422 = vector.extract %slice3A_421[0] : i32 from vector<1xi32>
        %dma_start3A_423 = arith.constant 0 : i32
        %dma_start3A_424 = tpu.memref_slice %arg9[%add3A_420, %dma_start3A_423] : memref<256x64xf32, #tpu.memory_space<vmem>> -> memref<1x64xf32, #tpu.memory_space<vmem>>
        %dma_start3A_425 = tpu.memref_squeeze %dma_start3A_424 : memref<1x64xf32, #tpu.memory_space<vmem>> -> memref<64xf32, #tpu.memory_space<vmem>>
        %dma_start3A_426 = arith.constant 0 : i32
        %dma_start3A_427 = tpu.memref_slice %arg4[%squeeze3A_422, %dma_start3A_426] : memref<1000000x64xf32, #tpu.memory_space<hbm>> -> memref<1x64xf32, #tpu.memory_space<hbm>>
        %dma_start3A_428 = tpu.memref_squeeze %dma_start3A_427 : memref<1x64xf32, #tpu.memory_space<hbm>> -> memref<64xf32, #tpu.memory_space<hbm>>
        %dma_start3A_429 = arith.constant 0 : i32
        %dma_start3A_430 = tpu.memref_slice %arg9[%add3A_420, %dma_start3A_429] : memref<256x64xf32, #tpu.memory_space<vmem>> -> memref<1x64xf32, #tpu.memory_space<vmem>>
        %dma_start3A_431 = tpu.memref_squeeze %dma_start3A_430 : memref<1x64xf32, #tpu.memory_space<vmem>> -> memref<64xf32, #tpu.memory_space<vmem>>
        %dma_start3A_432 = arith.constant 0 : i32
        %dma_start3A_433 = tpu.memref_slice %arg4[%squeeze3A_422, %dma_start3A_432] : memref<1000000x64xf32, #tpu.memory_space<hbm>> -> memref<1x64xf32, #tpu.memory_space<hbm>>
        %dma_start3A_434 = tpu.memref_squeeze %dma_start3A_433 : memref<1x64xf32, #tpu.memory_space<hbm>> -> memref<64xf32, #tpu.memory_space<hbm>>
        tpu.enqueue_dma source(%dma_start3A_434 : memref<64xf32, #tpu.memory_space<hbm>>) target(%dma_start3A_431 : memref<64xf32, #tpu.memory_space<vmem>>) target_semaphore(%arg12 : memref<!tpu.dma_semaphore, #tpu.memory_space<semaphore_mem>>)
        %slice3A_435 = vector.extract_strided_slice %get3A_27 {offsets = [12], sizes = [1], strides = [1]} : vector<16xi32> to vector<1xi32>
        %squeeze3A_436 = vector.extract %slice3A_435[0] : i32 from vector<1xi32>
        %dma_start3A_437 = arith.constant 0 : i32
        %dma_start3A_438 = tpu.memref_slice %arg10[%add3A_420, %dma_start3A_437] : memref<256x64xf32, #tpu.memory_space<vmem>> -> memref<1x64xf32, #tpu.memory_space<vmem>>
        %dma_start3A_439 = tpu.memref_squeeze %dma_start3A_438 : memref<1x64xf32, #tpu.memory_space<vmem>> -> memref<64xf32, #tpu.memory_space<vmem>>
        %dma_start3A_440 = arith.constant 0 : i32
        %dma_start3A_441 = tpu.memref_slice %arg5[%squeeze3A_436, %dma_start3A_440] : memref<1000000x64xf32, #tpu.memory_space<hbm>> -> memref<1x64xf32, #tpu.memory_space<hbm>>
        %dma_start3A_442 = tpu.memref_squeeze %dma_start3A_441 : memref<1x64xf32, #tpu.memory_space<hbm>> -> memref<64xf32, #tpu.memory_space<hbm>>
        %dma_start3A_443 = arith.constant 0 : i32
        %dma_start3A_444 = tpu.memref_slice %arg10[%add3A_420, %dma_start3A_443] : memref<256x64xf32, #tpu.memory_space<vmem>> -> memref<1x64xf32, #tpu.memory_space<vmem>>
        %dma_start3A_445 = tpu.memref_squeeze %dma_start3A_444 : memref<1x64xf32, #tpu.memory_space<vmem>> -> memref<64xf32, #tpu.memory_space<vmem>>
        %dma_start3A_446 = arith.constant 0 : i32
        %dma_start3A_447 = tpu.memref_slice %arg5[%squeeze3A_436, %dma_start3A_446] : memref<1000000x64xf32, #tpu.memory_space<hbm>> -> memref<1x64xf32, #tpu.memory_space<hbm>>
        %dma_start3A_448 = tpu.memref_squeeze %dma_start3A_447 : memref<1x64xf32, #tpu.memory_space<hbm>> -> memref<64xf32, #tpu.memory_space<hbm>>
        tpu.enqueue_dma source(%dma_start3A_448 : memref<64xf32, #tpu.memory_space<hbm>>) target(%dma_start3A_445 : memref<64xf32, #tpu.memory_space<vmem>>) target_semaphore(%arg14 : memref<!tpu.dma_semaphore, #tpu.memory_space<semaphore_mem>>)
        %mul3A_449 = arith.constant 16 : i32
        %mul3A_450 = arith.muli %scan3A_18, %mul3A_449 : i32
        %add3A_451 = arith.constant 13 : i32
        %add3A_452 = arith.addi %mul3A_450, %add3A_451 : i32
        %slice3A_453 = vector.extract_strided_slice %get3A_25 {offsets = [13], sizes = [1], strides = [1]} : vector<16xi32> to vector<1xi32>
        %squeeze3A_454 = vector.extract %slice3A_453[0] : i32 from vector<1xi32>
        %dma_start3A_455 = arith.constant 0 : i32
        %dma_start3A_456 = tpu.memref_slice %arg9[%add3A_452, %dma_start3A_455] : memref<256x64xf32, #tpu.memory_space<vmem>> -> memref<1x64xf32, #tpu.memory_space<vmem>>
        %dma_start3A_457 = tpu.memref_squeeze %dma_start3A_456 : memref<1x64xf32, #tpu.memory_space<vmem>> -> memref<64xf32, #tpu.memory_space<vmem>>
        %dma_start3A_458 = arith.constant 0 : i32
        %dma_start3A_459 = tpu.memref_slice %arg4[%squeeze3A_454, %dma_start3A_458] : memref<1000000x64xf32, #tpu.memory_space<hbm>> -> memref<1x64xf32, #tpu.memory_space<hbm>>
        %dma_start3A_460 = tpu.memref_squeeze %dma_start3A_459 : memref<1x64xf32, #tpu.memory_space<hbm>> -> memref<64xf32, #tpu.memory_space<hbm>>
        %dma_start3A_461 = arith.constant 0 : i32
        %dma_start3A_462 = tpu.memref_slice %arg9[%add3A_452, %dma_start3A_461] : memref<256x64xf32, #tpu.memory_space<vmem>> -> memref<1x64xf32, #tpu.memory_space<vmem>>
        %dma_start3A_463 = tpu.memref_squeeze %dma_start3A_462 : memref<1x64xf32, #tpu.memory_space<vmem>> -> memref<64xf32, #tpu.memory_space<vmem>>
        %dma_start3A_464 = arith.constant 0 : i32
        %dma_start3A_465 = tpu.memref_slice %arg4[%squeeze3A_454, %dma_start3A_464] : memref<1000000x64xf32, #tpu.memory_space<hbm>> -> memref<1x64xf32, #tpu.memory_space<hbm>>
        %dma_start3A_466 = tpu.memref_squeeze %dma_start3A_465 : memref<1x64xf32, #tpu.memory_space<hbm>> -> memref<64xf32, #tpu.memory_space<hbm>>
        tpu.enqueue_dma source(%dma_start3A_466 : memref<64xf32, #tpu.memory_space<hbm>>) target(%dma_start3A_463 : memref<64xf32, #tpu.memory_space<vmem>>) target_semaphore(%arg12 : memref<!tpu.dma_semaphore, #tpu.memory_space<semaphore_mem>>)
        %slice3A_467 = vector.extract_strided_slice %get3A_27 {offsets = [13], sizes = [1], strides = [1]} : vector<16xi32> to vector<1xi32>
        %squeeze3A_468 = vector.extract %slice3A_467[0] : i32 from vector<1xi32>
        %dma_start3A_469 = arith.constant 0 : i32
        %dma_start3A_470 = tpu.memref_slice %arg10[%add3A_452, %dma_start3A_469] : memref<256x64xf32, #tpu.memory_space<vmem>> -> memref<1x64xf32, #tpu.memory_space<vmem>>
        %dma_start3A_471 = tpu.memref_squeeze %dma_start3A_470 : memref<1x64xf32, #tpu.memory_space<vmem>> -> memref<64xf32, #tpu.memory_space<vmem>>
        %dma_start3A_472 = arith.constant 0 : i32
        %dma_start3A_473 = tpu.memref_slice %arg5[%squeeze3A_468, %dma_start3A_472] : memref<1000000x64xf32, #tpu.memory_space<hbm>> -> memref<1x64xf32, #tpu.memory_space<hbm>>
        %dma_start3A_474 = tpu.memref_squeeze %dma_start3A_473 : memref<1x64xf32, #tpu.memory_space<hbm>> -> memref<64xf32, #tpu.memory_space<hbm>>
        %dma_start3A_475 = arith.constant 0 : i32
        %dma_start3A_476 = tpu.memref_slice %arg10[%add3A_452, %dma_start3A_475] : memref<256x64xf32, #tpu.memory_space<vmem>> -> memref<1x64xf32, #tpu.memory_space<vmem>>
        %dma_start3A_477 = tpu.memref_squeeze %dma_start3A_476 : memref<1x64xf32, #tpu.memory_space<vmem>> -> memref<64xf32, #tpu.memory_space<vmem>>
        %dma_start3A_478 = arith.constant 0 : i32
        %dma_start3A_479 = tpu.memref_slice %arg5[%squeeze3A_468, %dma_start3A_478] : memref<1000000x64xf32, #tpu.memory_space<hbm>> -> memref<1x64xf32, #tpu.memory_space<hbm>>
        %dma_start3A_480 = tpu.memref_squeeze %dma_start3A_479 : memref<1x64xf32, #tpu.memory_space<hbm>> -> memref<64xf32, #tpu.memory_space<hbm>>
        tpu.enqueue_dma source(%dma_start3A_480 : memref<64xf32, #tpu.memory_space<hbm>>) target(%dma_start3A_477 : memref<64xf32, #tpu.memory_space<vmem>>) target_semaphore(%arg14 : memref<!tpu.dma_semaphore, #tpu.memory_space<semaphore_mem>>)
        %mul3A_481 = arith.constant 16 : i32
        %mul3A_482 = arith.muli %scan3A_18, %mul3A_481 : i32
        %add3A_483 = arith.constant 14 : i32
        %add3A_484 = arith.addi %mul3A_482, %add3A_483 : i32
        %slice3A_485 = vector.extract_strided_slice %get3A_25 {offsets = [14], sizes = [1], strides = [1]} : vector<16xi32> to vector<1xi32>
        %squeeze3A_486 = vector.extract %slice3A_485[0] : i32 from vector<1xi32>
        %dma_start3A_487 = arith.constant 0 : i32
        %dma_start3A_488 = tpu.memref_slice %arg9[%add3A_484, %dma_start3A_487] : memref<256x64xf32, #tpu.memory_space<vmem>> -> memref<1x64xf32, #tpu.memory_space<vmem>>
        %dma_start3A_489 = tpu.memref_squeeze %dma_start3A_488 : memref<1x64xf32, #tpu.memory_space<vmem>> -> memref<64xf32, #tpu.memory_space<vmem>>
        %dma_start3A_490 = arith.constant 0 : i32
        %dma_start3A_491 = tpu.memref_slice %arg4[%squeeze3A_486, %dma_start3A_490] : memref<1000000x64xf32, #tpu.memory_space<hbm>> -> memref<1x64xf32, #tpu.memory_space<hbm>>
        %dma_start3A_492 = tpu.memref_squeeze %dma_start3A_491 : memref<1x64xf32, #tpu.memory_space<hbm>> -> memref<64xf32, #tpu.memory_space<hbm>>
        %dma_start3A_493 = arith.constant 0 : i32
        %dma_start3A_494 = tpu.memref_slice %arg9[%add3A_484, %dma_start3A_493] : memref<256x64xf32, #tpu.memory_space<vmem>> -> memref<1x64xf32, #tpu.memory_space<vmem>>
        %dma_start3A_495 = tpu.memref_squeeze %dma_start3A_494 : memref<1x64xf32, #tpu.memory_space<vmem>> -> memref<64xf32, #tpu.memory_space<vmem>>
        %dma_start3A_496 = arith.constant 0 : i32
        %dma_start3A_497 = tpu.memref_slice %arg4[%squeeze3A_486, %dma_start3A_496] : memref<1000000x64xf32, #tpu.memory_space<hbm>> -> memref<1x64xf32, #tpu.memory_space<hbm>>
        %dma_start3A_498 = tpu.memref_squeeze %dma_start3A_497 : memref<1x64xf32, #tpu.memory_space<hbm>> -> memref<64xf32, #tpu.memory_space<hbm>>
        tpu.enqueue_dma source(%dma_start3A_498 : memref<64xf32, #tpu.memory_space<hbm>>) target(%dma_start3A_495 : memref<64xf32, #tpu.memory_space<vmem>>) target_semaphore(%arg12 : memref<!tpu.dma_semaphore, #tpu.memory_space<semaphore_mem>>)
        %slice3A_499 = vector.extract_strided_slice %get3A_27 {offsets = [14], sizes = [1], strides = [1]} : vector<16xi32> to vector<1xi32>
        %squeeze3A_500 = vector.extract %slice3A_499[0] : i32 from vector<1xi32>
        %dma_start3A_501 = arith.constant 0 : i32
        %dma_start3A_502 = tpu.memref_slice %arg10[%add3A_484, %dma_start3A_501] : memref<256x64xf32, #tpu.memory_space<vmem>> -> memref<1x64xf32, #tpu.memory_space<vmem>>
        %dma_start3A_503 = tpu.memref_squeeze %dma_start3A_502 : memref<1x64xf32, #tpu.memory_space<vmem>> -> memref<64xf32, #tpu.memory_space<vmem>>
        %dma_start3A_504 = arith.constant 0 : i32
        %dma_start3A_505 = tpu.memref_slice %arg5[%squeeze3A_500, %dma_start3A_504] : memref<1000000x64xf32, #tpu.memory_space<hbm>> -> memref<1x64xf32, #tpu.memory_space<hbm>>
        %dma_start3A_506 = tpu.memref_squeeze %dma_start3A_505 : memref<1x64xf32, #tpu.memory_space<hbm>> -> memref<64xf32, #tpu.memory_space<hbm>>
        %dma_start3A_507 = arith.constant 0 : i32
        %dma_start3A_508 = tpu.memref_slice %arg10[%add3A_484, %dma_start3A_507] : memref<256x64xf32, #tpu.memory_space<vmem>> -> memref<1x64xf32, #tpu.memory_space<vmem>>
        %dma_start3A_509 = tpu.memref_squeeze %dma_start3A_508 : memref<1x64xf32, #tpu.memory_space<vmem>> -> memref<64xf32, #tpu.memory_space<vmem>>
        %dma_start3A_510 = arith.constant 0 : i32
        %dma_start3A_511 = tpu.memref_slice %arg5[%squeeze3A_500, %dma_start3A_510] : memref<1000000x64xf32, #tpu.memory_space<hbm>> -> memref<1x64xf32, #tpu.memory_space<hbm>>
        %dma_start3A_512 = tpu.memref_squeeze %dma_start3A_511 : memref<1x64xf32, #tpu.memory_space<hbm>> -> memref<64xf32, #tpu.memory_space<hbm>>
        tpu.enqueue_dma source(%dma_start3A_512 : memref<64xf32, #tpu.memory_space<hbm>>) target(%dma_start3A_509 : memref<64xf32, #tpu.memory_space<vmem>>) target_semaphore(%arg14 : memref<!tpu.dma_semaphore, #tpu.memory_space<semaphore_mem>>)
        %mul3A_513 = arith.constant 16 : i32
        %mul3A_514 = arith.muli %scan3A_18, %mul3A_513 : i32
        %add3A_515 = arith.constant 15 : i32
        %add3A_516 = arith.addi %mul3A_514, %add3A_515 : i32
        %slice3A_517 = vector.extract_strided_slice %get3A_25 {offsets = [15], sizes = [1], strides = [1]} : vector<16xi32> to vector<1xi32>
        %squeeze3A_518 = vector.extract %slice3A_517[0] : i32 from vector<1xi32>
        %dma_start3A_519 = arith.constant 0 : i32
        %dma_start3A_520 = tpu.memref_slice %arg9[%add3A_516, %dma_start3A_519] : memref<256x64xf32, #tpu.memory_space<vmem>> -> memref<1x64xf32, #tpu.memory_space<vmem>>
        %dma_start3A_521 = tpu.memref_squeeze %dma_start3A_520 : memref<1x64xf32, #tpu.memory_space<vmem>> -> memref<64xf32, #tpu.memory_space<vmem>>
        %dma_start3A_522 = arith.constant 0 : i32
        %dma_start3A_523 = tpu.memref_slice %arg4[%squeeze3A_518, %dma_start3A_522] : memref<1000000x64xf32, #tpu.memory_space<hbm>> -> memref<1x64xf32, #tpu.memory_space<hbm>>
        %dma_start3A_524 = tpu.memref_squeeze %dma_start3A_523 : memref<1x64xf32, #tpu.memory_space<hbm>> -> memref<64xf32, #tpu.memory_space<hbm>>
        %dma_start3A_525 = arith.constant 0 : i32
        %dma_start3A_526 = tpu.memref_slice %arg9[%add3A_516, %dma_start3A_525] : memref<256x64xf32, #tpu.memory_space<vmem>> -> memref<1x64xf32, #tpu.memory_space<vmem>>
        %dma_start3A_527 = tpu.memref_squeeze %dma_start3A_526 : memref<1x64xf32, #tpu.memory_space<vmem>> -> memref<64xf32, #tpu.memory_space<vmem>>
        %dma_start3A_528 = arith.constant 0 : i32
        %dma_start3A_529 = tpu.memref_slice %arg4[%squeeze3A_518, %dma_start3A_528] : memref<1000000x64xf32, #tpu.memory_space<hbm>> -> memref<1x64xf32, #tpu.memory_space<hbm>>
        %dma_start3A_530 = tpu.memref_squeeze %dma_start3A_529 : memref<1x64xf32, #tpu.memory_space<hbm>> -> memref<64xf32, #tpu.memory_space<hbm>>
        tpu.enqueue_dma source(%dma_start3A_530 : memref<64xf32, #tpu.memory_space<hbm>>) target(%dma_start3A_527 : memref<64xf32, #tpu.memory_space<vmem>>) target_semaphore(%arg12 : memref<!tpu.dma_semaphore, #tpu.memory_space<semaphore_mem>>)
        %slice3A_531 = vector.extract_strided_slice %get3A_27 {offsets = [15], sizes = [1], strides = [1]} : vector<16xi32> to vector<1xi32>
        %squeeze3A_532 = vector.extract %slice3A_531[0] : i32 from vector<1xi32>
        %dma_start3A_533 = arith.constant 0 : i32
        %dma_start3A_534 = tpu.memref_slice %arg10[%add3A_516, %dma_start3A_533] : memref<256x64xf32, #tpu.memory_space<vmem>> -> memref<1x64xf32, #tpu.memory_space<vmem>>
        %dma_start3A_535 = tpu.memref_squeeze %dma_start3A_534 : memref<1x64xf32, #tpu.memory_space<vmem>> -> memref<64xf32, #tpu.memory_space<vmem>>
        %dma_start3A_536 = arith.constant 0 : i32
        %dma_start3A_537 = tpu.memref_slice %arg5[%squeeze3A_532, %dma_start3A_536] : memref<1000000x64xf32, #tpu.memory_space<hbm>> -> memref<1x64xf32, #tpu.memory_space<hbm>>
        %dma_start3A_538 = tpu.memref_squeeze %dma_start3A_537 : memref<1x64xf32, #tpu.memory_space<hbm>> -> memref<64xf32, #tpu.memory_space<hbm>>
        %dma_start3A_539 = arith.constant 0 : i32
        %dma_start3A_540 = tpu.memref_slice %arg10[%add3A_516, %dma_start3A_539] : memref<256x64xf32, #tpu.memory_space<vmem>> -> memref<1x64xf32, #tpu.memory_space<vmem>>
        %dma_start3A_541 = tpu.memref_squeeze %dma_start3A_540 : memref<1x64xf32, #tpu.memory_space<vmem>> -> memref<64xf32, #tpu.memory_space<vmem>>
        %dma_start3A_542 = arith.constant 0 : i32
        %dma_start3A_543 = tpu.memref_slice %arg5[%squeeze3A_532, %dma_start3A_542] : memref<1000000x64xf32, #tpu.memory_space<hbm>> -> memref<1x64xf32, #tpu.memory_space<hbm>>
        %dma_start3A_544 = tpu.memref_squeeze %dma_start3A_543 : memref<1x64xf32, #tpu.memory_space<hbm>> -> memref<64xf32, #tpu.memory_space<hbm>>
        tpu.enqueue_dma source(%dma_start3A_544 : memref<64xf32, #tpu.memory_space<hbm>>) target(%dma_start3A_541 : memref<64xf32, #tpu.memory_space<vmem>>) target_semaphore(%arg14 : memref<!tpu.dma_semaphore, #tpu.memory_space<semaphore_mem>>)
      } else {
      }
      %eq3A_30 = arith.constant 1 : i32
      %eq3A_31 = arith.cmpi eq, %rem3A_4, %eq3A_30 : i32
      %convert_element_type3A_32 = arith.extui %eq3A_31 : i1 to i32
      %cond3A_33 = arith.constant 0 : i32
      %cond3A_34 = arith.cmpi ne, %convert_element_type3A_32, %cond3A_33 : i32
      scf.if %cond3A_34 {
        %mul3A_36 = arith.constant 16 : i32
        %mul3A_37 = arith.muli %scan3A_18, %mul3A_36 : i32
        %add3A_38 = arith.constant 128 : i32
        %add3A_39 = arith.addi %add3A_38, %mul3A_37 : i32
        %add3A_40 = arith.constant 0 : i32
        %add3A_41 = arith.addi %add3A_39, %add3A_40 : i32
        %slice3A = vector.extract_strided_slice %get3A_25 {offsets = [0], sizes = [1], strides = [1]} : vector<16xi32> to vector<1xi32>
        %squeeze3A = vector.extract %slice3A[0] : i32 from vector<1xi32>
        %dma_start3A = arith.constant 0 : i32
        %dma_start3A_42 = tpu.memref_slice %arg9[%add3A_41, %dma_start3A] : memref<256x64xf32, #tpu.memory_space<vmem>> -> memref<1x64xf32, #tpu.memory_space<vmem>>
        %dma_start3A_43 = tpu.memref_squeeze %dma_start3A_42 : memref<1x64xf32, #tpu.memory_space<vmem>> -> memref<64xf32, #tpu.memory_space<vmem>>
        %dma_start3A_44 = arith.constant 0 : i32
        %dma_start3A_45 = tpu.memref_slice %arg4[%squeeze3A, %dma_start3A_44] : memref<1000000x64xf32, #tpu.memory_space<hbm>> -> memref<1x64xf32, #tpu.memory_space<hbm>>
        %dma_start3A_46 = tpu.memref_squeeze %dma_start3A_45 : memref<1x64xf32, #tpu.memory_space<hbm>> -> memref<64xf32, #tpu.memory_space<hbm>>
        %dma_start3A_47 = arith.constant 0 : i32
        %dma_start3A_48 = tpu.memref_slice %arg9[%add3A_41, %dma_start3A_47] : memref<256x64xf32, #tpu.memory_space<vmem>> -> memref<1x64xf32, #tpu.memory_space<vmem>>
        %dma_start3A_49 = tpu.memref_squeeze %dma_start3A_48 : memref<1x64xf32, #tpu.memory_space<vmem>> -> memref<64xf32, #tpu.memory_space<vmem>>
        %dma_start3A_50 = arith.constant 0 : i32
        %dma_start3A_51 = tpu.memref_slice %arg4[%squeeze3A, %dma_start3A_50] : memref<1000000x64xf32, #tpu.memory_space<hbm>> -> memref<1x64xf32, #tpu.memory_space<hbm>>
        %dma_start3A_52 = tpu.memref_squeeze %dma_start3A_51 : memref<1x64xf32, #tpu.memory_space<hbm>> -> memref<64xf32, #tpu.memory_space<hbm>>
        tpu.enqueue_dma source(%dma_start3A_52 : memref<64xf32, #tpu.memory_space<hbm>>) target(%dma_start3A_49 : memref<64xf32, #tpu.memory_space<vmem>>) target_semaphore(%arg13 : memref<!tpu.dma_semaphore, #tpu.memory_space<semaphore_mem>>)
        %slice3A_53 = vector.extract_strided_slice %get3A_27 {offsets = [0], sizes = [1], strides = [1]} : vector<16xi32> to vector<1xi32>
        %squeeze3A_54 = vector.extract %slice3A_53[0] : i32 from vector<1xi32>
        %dma_start3A_55 = arith.constant 0 : i32
        %dma_start3A_56 = tpu.memref_slice %arg10[%add3A_41, %dma_start3A_55] : memref<256x64xf32, #tpu.memory_space<vmem>> -> memref<1x64xf32, #tpu.memory_space<vmem>>
        %dma_start3A_57 = tpu.memref_squeeze %dma_start3A_56 : memref<1x64xf32, #tpu.memory_space<vmem>> -> memref<64xf32, #tpu.memory_space<vmem>>
        %dma_start3A_58 = arith.constant 0 : i32
        %dma_start3A_59 = tpu.memref_slice %arg5[%squeeze3A_54, %dma_start3A_58] : memref<1000000x64xf32, #tpu.memory_space<hbm>> -> memref<1x64xf32, #tpu.memory_space<hbm>>
        %dma_start3A_60 = tpu.memref_squeeze %dma_start3A_59 : memref<1x64xf32, #tpu.memory_space<hbm>> -> memref<64xf32, #tpu.memory_space<hbm>>
        %dma_start3A_61 = arith.constant 0 : i32
        %dma_start3A_62 = tpu.memref_slice %arg10[%add3A_41, %dma_start3A_61] : memref<256x64xf32, #tpu.memory_space<vmem>> -> memref<1x64xf32, #tpu.memory_space<vmem>>
        %dma_start3A_63 = tpu.memref_squeeze %dma_start3A_62 : memref<1x64xf32, #tpu.memory_space<vmem>> -> memref<64xf32, #tpu.memory_space<vmem>>
        %dma_start3A_64 = arith.constant 0 : i32
        %dma_start3A_65 = tpu.memref_slice %arg5[%squeeze3A_54, %dma_start3A_64] : memref<1000000x64xf32, #tpu.memory_space<hbm>> -> memref<1x64xf32, #tpu.memory_space<hbm>>
        %dma_start3A_66 = tpu.memref_squeeze %dma_start3A_65 : memref<1x64xf32, #tpu.memory_space<hbm>> -> memref<64xf32, #tpu.memory_space<hbm>>
        tpu.enqueue_dma source(%dma_start3A_66 : memref<64xf32, #tpu.memory_space<hbm>>) target(%dma_start3A_63 : memref<64xf32, #tpu.memory_space<vmem>>) target_semaphore(%arg15 : memref<!tpu.dma_semaphore, #tpu.memory_space<semaphore_mem>>)
        %mul3A_67 = arith.constant 16 : i32
        %mul3A_68 = arith.muli %scan3A_18, %mul3A_67 : i32
        %add3A_69 = arith.constant 128 : i32
        %add3A_70 = arith.addi %add3A_69, %mul3A_68 : i32
        %add3A_71 = arith.constant 1 : i32
        %add3A_72 = arith.addi %add3A_70, %add3A_71 : i32
        %slice3A_73 = vector.extract_strided_slice %get3A_25 {offsets = [1], sizes = [1], strides = [1]} : vector<16xi32> to vector<1xi32>
        %squeeze3A_74 = vector.extract %slice3A_73[0] : i32 from vector<1xi32>
        %dma_start3A_75 = arith.constant 0 : i32
        %dma_start3A_76 = tpu.memref_slice %arg9[%add3A_72, %dma_start3A_75] : memref<256x64xf32, #tpu.memory_space<vmem>> -> memref<1x64xf32, #tpu.memory_space<vmem>>
        %dma_start3A_77 = tpu.memref_squeeze %dma_start3A_76 : memref<1x64xf32, #tpu.memory_space<vmem>> -> memref<64xf32, #tpu.memory_space<vmem>>
        %dma_start3A_78 = arith.constant 0 : i32
        %dma_start3A_79 = tpu.memref_slice %arg4[%squeeze3A_74, %dma_start3A_78] : memref<1000000x64xf32, #tpu.memory_space<hbm>> -> memref<1x64xf32, #tpu.memory_space<hbm>>
        %dma_start3A_80 = tpu.memref_squeeze %dma_start3A_79 : memref<1x64xf32, #tpu.memory_space<hbm>> -> memref<64xf32, #tpu.memory_space<hbm>>
        %dma_start3A_81 = arith.constant 0 : i32
        %dma_start3A_82 = tpu.memref_slice %arg9[%add3A_72, %dma_start3A_81] : memref<256x64xf32, #tpu.memory_space<vmem>> -> memref<1x64xf32, #tpu.memory_space<vmem>>
        %dma_start3A_83 = tpu.memref_squeeze %dma_start3A_82 : memref<1x64xf32, #tpu.memory_space<vmem>> -> memref<64xf32, #tpu.memory_space<vmem>>
        %dma_start3A_84 = arith.constant 0 : i32
        %dma_start3A_85 = tpu.memref_slice %arg4[%squeeze3A_74, %dma_start3A_84] : memref<1000000x64xf32, #tpu.memory_space<hbm>> -> memref<1x64xf32, #tpu.memory_space<hbm>>
        %dma_start3A_86 = tpu.memref_squeeze %dma_start3A_85 : memref<1x64xf32, #tpu.memory_space<hbm>> -> memref<64xf32, #tpu.memory_space<hbm>>
        tpu.enqueue_dma source(%dma_start3A_86 : memref<64xf32, #tpu.memory_space<hbm>>) target(%dma_start3A_83 : memref<64xf32, #tpu.memory_space<vmem>>) target_semaphore(%arg13 : memref<!tpu.dma_semaphore, #tpu.memory_space<semaphore_mem>>)
        %slice3A_87 = vector.extract_strided_slice %get3A_27 {offsets = [1], sizes = [1], strides = [1]} : vector<16xi32> to vector<1xi32>
        %squeeze3A_88 = vector.extract %slice3A_87[0] : i32 from vector<1xi32>
        %dma_start3A_89 = arith.constant 0 : i32
        %dma_start3A_90 = tpu.memref_slice %arg10[%add3A_72, %dma_start3A_89] : memref<256x64xf32, #tpu.memory_space<vmem>> -> memref<1x64xf32, #tpu.memory_space<vmem>>
        %dma_start3A_91 = tpu.memref_squeeze %dma_start3A_90 : memref<1x64xf32, #tpu.memory_space<vmem>> -> memref<64xf32, #tpu.memory_space<vmem>>
        %dma_start3A_92 = arith.constant 0 : i32
        %dma_start3A_93 = tpu.memref_slice %arg5[%squeeze3A_88, %dma_start3A_92] : memref<1000000x64xf32, #tpu.memory_space<hbm>> -> memref<1x64xf32, #tpu.memory_space<hbm>>
        %dma_start3A_94 = tpu.memref_squeeze %dma_start3A_93 : memref<1x64xf32, #tpu.memory_space<hbm>> -> memref<64xf32, #tpu.memory_space<hbm>>
        %dma_start3A_95 = arith.constant 0 : i32
        %dma_start3A_96 = tpu.memref_slice %arg10[%add3A_72, %dma_start3A_95] : memref<256x64xf32, #tpu.memory_space<vmem>> -> memref<1x64xf32, #tpu.memory_space<vmem>>
        %dma_start3A_97 = tpu.memref_squeeze %dma_start3A_96 : memref<1x64xf32, #tpu.memory_space<vmem>> -> memref<64xf32, #tpu.memory_space<vmem>>
        %dma_start3A_98 = arith.constant 0 : i32
        %dma_start3A_99 = tpu.memref_slice %arg5[%squeeze3A_88, %dma_start3A_98] : memref<1000000x64xf32, #tpu.memory_space<hbm>> -> memref<1x64xf32, #tpu.memory_space<hbm>>
        %dma_start3A_100 = tpu.memref_squeeze %dma_start3A_99 : memref<1x64xf32, #tpu.memory_space<hbm>> -> memref<64xf32, #tpu.memory_space<hbm>>
        tpu.enqueue_dma source(%dma_start3A_100 : memref<64xf32, #tpu.memory_space<hbm>>) target(%dma_start3A_97 : memref<64xf32, #tpu.memory_space<vmem>>) target_semaphore(%arg15 : memref<!tpu.dma_semaphore, #tpu.memory_space<semaphore_mem>>)
        %mul3A_101 = arith.constant 16 : i32
        %mul3A_102 = arith.muli %scan3A_18, %mul3A_101 : i32
        %add3A_103 = arith.constant 128 : i32
        %add3A_104 = arith.addi %add3A_103, %mul3A_102 : i32
        %add3A_105 = arith.constant 2 : i32
        %add3A_106 = arith.addi %add3A_104, %add3A_105 : i32
        %slice3A_107 = vector.extract_strided_slice %get3A_25 {offsets = [2], sizes = [1], strides = [1]} : vector<16xi32> to vector<1xi32>
        %squeeze3A_108 = vector.extract %slice3A_107[0] : i32 from vector<1xi32>
        %dma_start3A_109 = arith.constant 0 : i32
        %dma_start3A_110 = tpu.memref_slice %arg9[%add3A_106, %dma_start3A_109] : memref<256x64xf32, #tpu.memory_space<vmem>> -> memref<1x64xf32, #tpu.memory_space<vmem>>
        %dma_start3A_111 = tpu.memref_squeeze %dma_start3A_110 : memref<1x64xf32, #tpu.memory_space<vmem>> -> memref<64xf32, #tpu.memory_space<vmem>>
        %dma_start3A_112 = arith.constant 0 : i32
        %dma_start3A_113 = tpu.memref_slice %arg4[%squeeze3A_108, %dma_start3A_112] : memref<1000000x64xf32, #tpu.memory_space<hbm>> -> memref<1x64xf32, #tpu.memory_space<hbm>>
        %dma_start3A_114 = tpu.memref_squeeze %dma_start3A_113 : memref<1x64xf32, #tpu.memory_space<hbm>> -> memref<64xf32, #tpu.memory_space<hbm>>
        %dma_start3A_115 = arith.constant 0 : i32
        %dma_start3A_116 = tpu.memref_slice %arg9[%add3A_106, %dma_start3A_115] : memref<256x64xf32, #tpu.memory_space<vmem>> -> memref<1x64xf32, #tpu.memory_space<vmem>>
        %dma_start3A_117 = tpu.memref_squeeze %dma_start3A_116 : memref<1x64xf32, #tpu.memory_space<vmem>> -> memref<64xf32, #tpu.memory_space<vmem>>
        %dma_start3A_118 = arith.constant 0 : i32
        %dma_start3A_119 = tpu.memref_slice %arg4[%squeeze3A_108, %dma_start3A_118] : memref<1000000x64xf32, #tpu.memory_space<hbm>> -> memref<1x64xf32, #tpu.memory_space<hbm>>
        %dma_start3A_120 = tpu.memref_squeeze %dma_start3A_119 : memref<1x64xf32, #tpu.memory_space<hbm>> -> memref<64xf32, #tpu.memory_space<hbm>>
        tpu.enqueue_dma source(%dma_start3A_120 : memref<64xf32, #tpu.memory_space<hbm>>) target(%dma_start3A_117 : memref<64xf32, #tpu.memory_space<vmem>>) target_semaphore(%arg13 : memref<!tpu.dma_semaphore, #tpu.memory_space<semaphore_mem>>)
        %slice3A_121 = vector.extract_strided_slice %get3A_27 {offsets = [2], sizes = [1], strides = [1]} : vector<16xi32> to vector<1xi32>
        %squeeze3A_122 = vector.extract %slice3A_121[0] : i32 from vector<1xi32>
        %dma_start3A_123 = arith.constant 0 : i32
        %dma_start3A_124 = tpu.memref_slice %arg10[%add3A_106, %dma_start3A_123] : memref<256x64xf32, #tpu.memory_space<vmem>> -> memref<1x64xf32, #tpu.memory_space<vmem>>
        %dma_start3A_125 = tpu.memref_squeeze %dma_start3A_124 : memref<1x64xf32, #tpu.memory_space<vmem>> -> memref<64xf32, #tpu.memory_space<vmem>>
        %dma_start3A_126 = arith.constant 0 : i32
        %dma_start3A_127 = tpu.memref_slice %arg5[%squeeze3A_122, %dma_start3A_126] : memref<1000000x64xf32, #tpu.memory_space<hbm>> -> memref<1x64xf32, #tpu.memory_space<hbm>>
        %dma_start3A_128 = tpu.memref_squeeze %dma_start3A_127 : memref<1x64xf32, #tpu.memory_space<hbm>> -> memref<64xf32, #tpu.memory_space<hbm>>
        %dma_start3A_129 = arith.constant 0 : i32
        %dma_start3A_130 = tpu.memref_slice %arg10[%add3A_106, %dma_start3A_129] : memref<256x64xf32, #tpu.memory_space<vmem>> -> memref<1x64xf32, #tpu.memory_space<vmem>>
        %dma_start3A_131 = tpu.memref_squeeze %dma_start3A_130 : memref<1x64xf32, #tpu.memory_space<vmem>> -> memref<64xf32, #tpu.memory_space<vmem>>
        %dma_start3A_132 = arith.constant 0 : i32
        %dma_start3A_133 = tpu.memref_slice %arg5[%squeeze3A_122, %dma_start3A_132] : memref<1000000x64xf32, #tpu.memory_space<hbm>> -> memref<1x64xf32, #tpu.memory_space<hbm>>
        %dma_start3A_134 = tpu.memref_squeeze %dma_start3A_133 : memref<1x64xf32, #tpu.memory_space<hbm>> -> memref<64xf32, #tpu.memory_space<hbm>>
        tpu.enqueue_dma source(%dma_start3A_134 : memref<64xf32, #tpu.memory_space<hbm>>) target(%dma_start3A_131 : memref<64xf32, #tpu.memory_space<vmem>>) target_semaphore(%arg15 : memref<!tpu.dma_semaphore, #tpu.memory_space<semaphore_mem>>)
        %mul3A_135 = arith.constant 16 : i32
        %mul3A_136 = arith.muli %scan3A_18, %mul3A_135 : i32
        %add3A_137 = arith.constant 128 : i32
        %add3A_138 = arith.addi %add3A_137, %mul3A_136 : i32
        %add3A_139 = arith.constant 3 : i32
        %add3A_140 = arith.addi %add3A_138, %add3A_139 : i32
        %slice3A_141 = vector.extract_strided_slice %get3A_25 {offsets = [3], sizes = [1], strides = [1]} : vector<16xi32> to vector<1xi32>
        %squeeze3A_142 = vector.extract %slice3A_141[0] : i32 from vector<1xi32>
        %dma_start3A_143 = arith.constant 0 : i32
        %dma_start3A_144 = tpu.memref_slice %arg9[%add3A_140, %dma_start3A_143] : memref<256x64xf32, #tpu.memory_space<vmem>> -> memref<1x64xf32, #tpu.memory_space<vmem>>
        %dma_start3A_145 = tpu.memref_squeeze %dma_start3A_144 : memref<1x64xf32, #tpu.memory_space<vmem>> -> memref<64xf32, #tpu.memory_space<vmem>>
        %dma_start3A_146 = arith.constant 0 : i32
        %dma_start3A_147 = tpu.memref_slice %arg4[%squeeze3A_142, %dma_start3A_146] : memref<1000000x64xf32, #tpu.memory_space<hbm>> -> memref<1x64xf32, #tpu.memory_space<hbm>>
        %dma_start3A_148 = tpu.memref_squeeze %dma_start3A_147 : memref<1x64xf32, #tpu.memory_space<hbm>> -> memref<64xf32, #tpu.memory_space<hbm>>
        %dma_start3A_149 = arith.constant 0 : i32
        %dma_start3A_150 = tpu.memref_slice %arg9[%add3A_140, %dma_start3A_149] : memref<256x64xf32, #tpu.memory_space<vmem>> -> memref<1x64xf32, #tpu.memory_space<vmem>>
        %dma_start3A_151 = tpu.memref_squeeze %dma_start3A_150 : memref<1x64xf32, #tpu.memory_space<vmem>> -> memref<64xf32, #tpu.memory_space<vmem>>
        %dma_start3A_152 = arith.constant 0 : i32
        %dma_start3A_153 = tpu.memref_slice %arg4[%squeeze3A_142, %dma_start3A_152] : memref<1000000x64xf32, #tpu.memory_space<hbm>> -> memref<1x64xf32, #tpu.memory_space<hbm>>
        %dma_start3A_154 = tpu.memref_squeeze %dma_start3A_153 : memref<1x64xf32, #tpu.memory_space<hbm>> -> memref<64xf32, #tpu.memory_space<hbm>>
        tpu.enqueue_dma source(%dma_start3A_154 : memref<64xf32, #tpu.memory_space<hbm>>) target(%dma_start3A_151 : memref<64xf32, #tpu.memory_space<vmem>>) target_semaphore(%arg13 : memref<!tpu.dma_semaphore, #tpu.memory_space<semaphore_mem>>)
        %slice3A_155 = vector.extract_strided_slice %get3A_27 {offsets = [3], sizes = [1], strides = [1]} : vector<16xi32> to vector<1xi32>
        %squeeze3A_156 = vector.extract %slice3A_155[0] : i32 from vector<1xi32>
        %dma_start3A_157 = arith.constant 0 : i32
        %dma_start3A_158 = tpu.memref_slice %arg10[%add3A_140, %dma_start3A_157] : memref<256x64xf32, #tpu.memory_space<vmem>> -> memref<1x64xf32, #tpu.memory_space<vmem>>
        %dma_start3A_159 = tpu.memref_squeeze %dma_start3A_158 : memref<1x64xf32, #tpu.memory_space<vmem>> -> memref<64xf32, #tpu.memory_space<vmem>>
        %dma_start3A_160 = arith.constant 0 : i32
        %dma_start3A_161 = tpu.memref_slice %arg5[%squeeze3A_156, %dma_start3A_160] : memref<1000000x64xf32, #tpu.memory_space<hbm>> -> memref<1x64xf32, #tpu.memory_space<hbm>>
        %dma_start3A_162 = tpu.memref_squeeze %dma_start3A_161 : memref<1x64xf32, #tpu.memory_space<hbm>> -> memref<64xf32, #tpu.memory_space<hbm>>
        %dma_start3A_163 = arith.constant 0 : i32
        %dma_start3A_164 = tpu.memref_slice %arg10[%add3A_140, %dma_start3A_163] : memref<256x64xf32, #tpu.memory_space<vmem>> -> memref<1x64xf32, #tpu.memory_space<vmem>>
        %dma_start3A_165 = tpu.memref_squeeze %dma_start3A_164 : memref<1x64xf32, #tpu.memory_space<vmem>> -> memref<64xf32, #tpu.memory_space<vmem>>
        %dma_start3A_166 = arith.constant 0 : i32
        %dma_start3A_167 = tpu.memref_slice %arg5[%squeeze3A_156, %dma_start3A_166] : memref<1000000x64xf32, #tpu.memory_space<hbm>> -> memref<1x64xf32, #tpu.memory_space<hbm>>
        %dma_start3A_168 = tpu.memref_squeeze %dma_start3A_167 : memref<1x64xf32, #tpu.memory_space<hbm>> -> memref<64xf32, #tpu.memory_space<hbm>>
        tpu.enqueue_dma source(%dma_start3A_168 : memref<64xf32, #tpu.memory_space<hbm>>) target(%dma_start3A_165 : memref<64xf32, #tpu.memory_space<vmem>>) target_semaphore(%arg15 : memref<!tpu.dma_semaphore, #tpu.memory_space<semaphore_mem>>)
        %mul3A_169 = arith.constant 16 : i32
        %mul3A_170 = arith.muli %scan3A_18, %mul3A_169 : i32
        %add3A_171 = arith.constant 128 : i32
        %add3A_172 = arith.addi %add3A_171, %mul3A_170 : i32
        %add3A_173 = arith.constant 4 : i32
        %add3A_174 = arith.addi %add3A_172, %add3A_173 : i32
        %slice3A_175 = vector.extract_strided_slice %get3A_25 {offsets = [4], sizes = [1], strides = [1]} : vector<16xi32> to vector<1xi32>
        %squeeze3A_176 = vector.extract %slice3A_175[0] : i32 from vector<1xi32>
        %dma_start3A_177 = arith.constant 0 : i32
        %dma_start3A_178 = tpu.memref_slice %arg9[%add3A_174, %dma_start3A_177] : memref<256x64xf32, #tpu.memory_space<vmem>> -> memref<1x64xf32, #tpu.memory_space<vmem>>
        %dma_start3A_179 = tpu.memref_squeeze %dma_start3A_178 : memref<1x64xf32, #tpu.memory_space<vmem>> -> memref<64xf32, #tpu.memory_space<vmem>>
        %dma_start3A_180 = arith.constant 0 : i32
        %dma_start3A_181 = tpu.memref_slice %arg4[%squeeze3A_176, %dma_start3A_180] : memref<1000000x64xf32, #tpu.memory_space<hbm>> -> memref<1x64xf32, #tpu.memory_space<hbm>>
        %dma_start3A_182 = tpu.memref_squeeze %dma_start3A_181 : memref<1x64xf32, #tpu.memory_space<hbm>> -> memref<64xf32, #tpu.memory_space<hbm>>
        %dma_start3A_183 = arith.constant 0 : i32
        %dma_start3A_184 = tpu.memref_slice %arg9[%add3A_174, %dma_start3A_183] : memref<256x64xf32, #tpu.memory_space<vmem>> -> memref<1x64xf32, #tpu.memory_space<vmem>>
        %dma_start3A_185 = tpu.memref_squeeze %dma_start3A_184 : memref<1x64xf32, #tpu.memory_space<vmem>> -> memref<64xf32, #tpu.memory_space<vmem>>
        %dma_start3A_186 = arith.constant 0 : i32
        %dma_start3A_187 = tpu.memref_slice %arg4[%squeeze3A_176, %dma_start3A_186] : memref<1000000x64xf32, #tpu.memory_space<hbm>> -> memref<1x64xf32, #tpu.memory_space<hbm>>
        %dma_start3A_188 = tpu.memref_squeeze %dma_start3A_187 : memref<1x64xf32, #tpu.memory_space<hbm>> -> memref<64xf32, #tpu.memory_space<hbm>>
        tpu.enqueue_dma source(%dma_start3A_188 : memref<64xf32, #tpu.memory_space<hbm>>) target(%dma_start3A_185 : memref<64xf32, #tpu.memory_space<vmem>>) target_semaphore(%arg13 : memref<!tpu.dma_semaphore, #tpu.memory_space<semaphore_mem>>)
        %slice3A_189 = vector.extract_strided_slice %get3A_27 {offsets = [4], sizes = [1], strides = [1]} : vector<16xi32> to vector<1xi32>
        %squeeze3A_190 = vector.extract %slice3A_189[0] : i32 from vector<1xi32>
        %dma_start3A_191 = arith.constant 0 : i32
        %dma_start3A_192 = tpu.memref_slice %arg10[%add3A_174, %dma_start3A_191] : memref<256x64xf32, #tpu.memory_space<vmem>> -> memref<1x64xf32, #tpu.memory_space<vmem>>
        %dma_start3A_193 = tpu.memref_squeeze %dma_start3A_192 : memref<1x64xf32, #tpu.memory_space<vmem>> -> memref<64xf32, #tpu.memory_space<vmem>>
        %dma_start3A_194 = arith.constant 0 : i32
        %dma_start3A_195 = tpu.memref_slice %arg5[%squeeze3A_190, %dma_start3A_194] : memref<1000000x64xf32, #tpu.memory_space<hbm>> -> memref<1x64xf32, #tpu.memory_space<hbm>>
        %dma_start3A_196 = tpu.memref_squeeze %dma_start3A_195 : memref<1x64xf32, #tpu.memory_space<hbm>> -> memref<64xf32, #tpu.memory_space<hbm>>
        %dma_start3A_197 = arith.constant 0 : i32
        %dma_start3A_198 = tpu.memref_slice %arg10[%add3A_174, %dma_start3A_197] : memref<256x64xf32, #tpu.memory_space<vmem>> -> memref<1x64xf32, #tpu.memory_space<vmem>>
        %dma_start3A_199 = tpu.memref_squeeze %dma_start3A_198 : memref<1x64xf32, #tpu.memory_space<vmem>> -> memref<64xf32, #tpu.memory_space<vmem>>
        %dma_start3A_200 = arith.constant 0 : i32
        %dma_start3A_201 = tpu.memref_slice %arg5[%squeeze3A_190, %dma_start3A_200] : memref<1000000x64xf32, #tpu.memory_space<hbm>> -> memref<1x64xf32, #tpu.memory_space<hbm>>
        %dma_start3A_202 = tpu.memref_squeeze %dma_start3A_201 : memref<1x64xf32, #tpu.memory_space<hbm>> -> memref<64xf32, #tpu.memory_space<hbm>>
        tpu.enqueue_dma source(%dma_start3A_202 : memref<64xf32, #tpu.memory_space<hbm>>) target(%dma_start3A_199 : memref<64xf32, #tpu.memory_space<vmem>>) target_semaphore(%arg15 : memref<!tpu.dma_semaphore, #tpu.memory_space<semaphore_mem>>)
        %mul3A_203 = arith.constant 16 : i32
        %mul3A_204 = arith.muli %scan3A_18, %mul3A_203 : i32
        %add3A_205 = arith.constant 128 : i32
        %add3A_206 = arith.addi %add3A_205, %mul3A_204 : i32
        %add3A_207 = arith.constant 5 : i32
        %add3A_208 = arith.addi %add3A_206, %add3A_207 : i32
        %slice3A_209 = vector.extract_strided_slice %get3A_25 {offsets = [5], sizes = [1], strides = [1]} : vector<16xi32> to vector<1xi32>
        %squeeze3A_210 = vector.extract %slice3A_209[0] : i32 from vector<1xi32>
        %dma_start3A_211 = arith.constant 0 : i32
        %dma_start3A_212 = tpu.memref_slice %arg9[%add3A_208, %dma_start3A_211] : memref<256x64xf32, #tpu.memory_space<vmem>> -> memref<1x64xf32, #tpu.memory_space<vmem>>
        %dma_start3A_213 = tpu.memref_squeeze %dma_start3A_212 : memref<1x64xf32, #tpu.memory_space<vmem>> -> memref<64xf32, #tpu.memory_space<vmem>>
        %dma_start3A_214 = arith.constant 0 : i32
        %dma_start3A_215 = tpu.memref_slice %arg4[%squeeze3A_210, %dma_start3A_214] : memref<1000000x64xf32, #tpu.memory_space<hbm>> -> memref<1x64xf32, #tpu.memory_space<hbm>>
        %dma_start3A_216 = tpu.memref_squeeze %dma_start3A_215 : memref<1x64xf32, #tpu.memory_space<hbm>> -> memref<64xf32, #tpu.memory_space<hbm>>
        %dma_start3A_217 = arith.constant 0 : i32
        %dma_start3A_218 = tpu.memref_slice %arg9[%add3A_208, %dma_start3A_217] : memref<256x64xf32, #tpu.memory_space<vmem>> -> memref<1x64xf32, #tpu.memory_space<vmem>>
        %dma_start3A_219 = tpu.memref_squeeze %dma_start3A_218 : memref<1x64xf32, #tpu.memory_space<vmem>> -> memref<64xf32, #tpu.memory_space<vmem>>
        %dma_start3A_220 = arith.constant 0 : i32
        %dma_start3A_221 = tpu.memref_slice %arg4[%squeeze3A_210, %dma_start3A_220] : memref<1000000x64xf32, #tpu.memory_space<hbm>> -> memref<1x64xf32, #tpu.memory_space<hbm>>
        %dma_start3A_222 = tpu.memref_squeeze %dma_start3A_221 : memref<1x64xf32, #tpu.memory_space<hbm>> -> memref<64xf32, #tpu.memory_space<hbm>>
        tpu.enqueue_dma source(%dma_start3A_222 : memref<64xf32, #tpu.memory_space<hbm>>) target(%dma_start3A_219 : memref<64xf32, #tpu.memory_space<vmem>>) target_semaphore(%arg13 : memref<!tpu.dma_semaphore, #tpu.memory_space<semaphore_mem>>)
        %slice3A_223 = vector.extract_strided_slice %get3A_27 {offsets = [5], sizes = [1], strides = [1]} : vector<16xi32> to vector<1xi32>
        %squeeze3A_224 = vector.extract %slice3A_223[0] : i32 from vector<1xi32>
        %dma_start3A_225 = arith.constant 0 : i32
        %dma_start3A_226 = tpu.memref_slice %arg10[%add3A_208, %dma_start3A_225] : memref<256x64xf32, #tpu.memory_space<vmem>> -> memref<1x64xf32, #tpu.memory_space<vmem>>
        %dma_start3A_227 = tpu.memref_squeeze %dma_start3A_226 : memref<1x64xf32, #tpu.memory_space<vmem>> -> memref<64xf32, #tpu.memory_space<vmem>>
        %dma_start3A_228 = arith.constant 0 : i32
        %dma_start3A_229 = tpu.memref_slice %arg5[%squeeze3A_224, %dma_start3A_228] : memref<1000000x64xf32, #tpu.memory_space<hbm>> -> memref<1x64xf32, #tpu.memory_space<hbm>>
        %dma_start3A_230 = tpu.memref_squeeze %dma_start3A_229 : memref<1x64xf32, #tpu.memory_space<hbm>> -> memref<64xf32, #tpu.memory_space<hbm>>
        %dma_start3A_231 = arith.constant 0 : i32
        %dma_start3A_232 = tpu.memref_slice %arg10[%add3A_208, %dma_start3A_231] : memref<256x64xf32, #tpu.memory_space<vmem>> -> memref<1x64xf32, #tpu.memory_space<vmem>>
        %dma_start3A_233 = tpu.memref_squeeze %dma_start3A_232 : memref<1x64xf32, #tpu.memory_space<vmem>> -> memref<64xf32, #tpu.memory_space<vmem>>
        %dma_start3A_234 = arith.constant 0 : i32
        %dma_start3A_235 = tpu.memref_slice %arg5[%squeeze3A_224, %dma_start3A_234] : memref<1000000x64xf32, #tpu.memory_space<hbm>> -> memref<1x64xf32, #tpu.memory_space<hbm>>
        %dma_start3A_236 = tpu.memref_squeeze %dma_start3A_235 : memref<1x64xf32, #tpu.memory_space<hbm>> -> memref<64xf32, #tpu.memory_space<hbm>>
        tpu.enqueue_dma source(%dma_start3A_236 : memref<64xf32, #tpu.memory_space<hbm>>) target(%dma_start3A_233 : memref<64xf32, #tpu.memory_space<vmem>>) target_semaphore(%arg15 : memref<!tpu.dma_semaphore, #tpu.memory_space<semaphore_mem>>)
        %mul3A_237 = arith.constant 16 : i32
        %mul3A_238 = arith.muli %scan3A_18, %mul3A_237 : i32
        %add3A_239 = arith.constant 128 : i32
        %add3A_240 = arith.addi %add3A_239, %mul3A_238 : i32
        %add3A_241 = arith.constant 6 : i32
        %add3A_242 = arith.addi %add3A_240, %add3A_241 : i32
        %slice3A_243 = vector.extract_strided_slice %get3A_25 {offsets = [6], sizes = [1], strides = [1]} : vector<16xi32> to vector<1xi32>
        %squeeze3A_244 = vector.extract %slice3A_243[0] : i32 from vector<1xi32>
        %dma_start3A_245 = arith.constant 0 : i32
        %dma_start3A_246 = tpu.memref_slice %arg9[%add3A_242, %dma_start3A_245] : memref<256x64xf32, #tpu.memory_space<vmem>> -> memref<1x64xf32, #tpu.memory_space<vmem>>
        %dma_start3A_247 = tpu.memref_squeeze %dma_start3A_246 : memref<1x64xf32, #tpu.memory_space<vmem>> -> memref<64xf32, #tpu.memory_space<vmem>>
        %dma_start3A_248 = arith.constant 0 : i32
        %dma_start3A_249 = tpu.memref_slice %arg4[%squeeze3A_244, %dma_start3A_248] : memref<1000000x64xf32, #tpu.memory_space<hbm>> -> memref<1x64xf32, #tpu.memory_space<hbm>>
        %dma_start3A_250 = tpu.memref_squeeze %dma_start3A_249 : memref<1x64xf32, #tpu.memory_space<hbm>> -> memref<64xf32, #tpu.memory_space<hbm>>
        %dma_start3A_251 = arith.constant 0 : i32
        %dma_start3A_252 = tpu.memref_slice %arg9[%add3A_242, %dma_start3A_251] : memref<256x64xf32, #tpu.memory_space<vmem>> -> memref<1x64xf32, #tpu.memory_space<vmem>>
        %dma_start3A_253 = tpu.memref_squeeze %dma_start3A_252 : memref<1x64xf32, #tpu.memory_space<vmem>> -> memref<64xf32, #tpu.memory_space<vmem>>
        %dma_start3A_254 = arith.constant 0 : i32
        %dma_start3A_255 = tpu.memref_slice %arg4[%squeeze3A_244, %dma_start3A_254] : memref<1000000x64xf32, #tpu.memory_space<hbm>> -> memref<1x64xf32, #tpu.memory_space<hbm>>
        %dma_start3A_256 = tpu.memref_squeeze %dma_start3A_255 : memref<1x64xf32, #tpu.memory_space<hbm>> -> memref<64xf32, #tpu.memory_space<hbm>>
        tpu.enqueue_dma source(%dma_start3A_256 : memref<64xf32, #tpu.memory_space<hbm>>) target(%dma_start3A_253 : memref<64xf32, #tpu.memory_space<vmem>>) target_semaphore(%arg13 : memref<!tpu.dma_semaphore, #tpu.memory_space<semaphore_mem>>)
        %slice3A_257 = vector.extract_strided_slice %get3A_27 {offsets = [6], sizes = [1], strides = [1]} : vector<16xi32> to vector<1xi32>
        %squeeze3A_258 = vector.extract %slice3A_257[0] : i32 from vector<1xi32>
        %dma_start3A_259 = arith.constant 0 : i32
        %dma_start3A_260 = tpu.memref_slice %arg10[%add3A_242, %dma_start3A_259] : memref<256x64xf32, #tpu.memory_space<vmem>> -> memref<1x64xf32, #tpu.memory_space<vmem>>
        %dma_start3A_261 = tpu.memref_squeeze %dma_start3A_260 : memref<1x64xf32, #tpu.memory_space<vmem>> -> memref<64xf32, #tpu.memory_space<vmem>>
        %dma_start3A_262 = arith.constant 0 : i32
        %dma_start3A_263 = tpu.memref_slice %arg5[%squeeze3A_258, %dma_start3A_262] : memref<1000000x64xf32, #tpu.memory_space<hbm>> -> memref<1x64xf32, #tpu.memory_space<hbm>>
        %dma_start3A_264 = tpu.memref_squeeze %dma_start3A_263 : memref<1x64xf32, #tpu.memory_space<hbm>> -> memref<64xf32, #tpu.memory_space<hbm>>
        %dma_start3A_265 = arith.constant 0 : i32
        %dma_start3A_266 = tpu.memref_slice %arg10[%add3A_242, %dma_start3A_265] : memref<256x64xf32, #tpu.memory_space<vmem>> -> memref<1x64xf32, #tpu.memory_space<vmem>>
        %dma_start3A_267 = tpu.memref_squeeze %dma_start3A_266 : memref<1x64xf32, #tpu.memory_space<vmem>> -> memref<64xf32, #tpu.memory_space<vmem>>
        %dma_start3A_268 = arith.constant 0 : i32
        %dma_start3A_269 = tpu.memref_slice %arg5[%squeeze3A_258, %dma_start3A_268] : memref<1000000x64xf32, #tpu.memory_space<hbm>> -> memref<1x64xf32, #tpu.memory_space<hbm>>
        %dma_start3A_270 = tpu.memref_squeeze %dma_start3A_269 : memref<1x64xf32, #tpu.memory_space<hbm>> -> memref<64xf32, #tpu.memory_space<hbm>>
        tpu.enqueue_dma source(%dma_start3A_270 : memref<64xf32, #tpu.memory_space<hbm>>) target(%dma_start3A_267 : memref<64xf32, #tpu.memory_space<vmem>>) target_semaphore(%arg15 : memref<!tpu.dma_semaphore, #tpu.memory_space<semaphore_mem>>)
        %mul3A_271 = arith.constant 16 : i32
        %mul3A_272 = arith.muli %scan3A_18, %mul3A_271 : i32
        %add3A_273 = arith.constant 128 : i32
        %add3A_274 = arith.addi %add3A_273, %mul3A_272 : i32
        %add3A_275 = arith.constant 7 : i32
        %add3A_276 = arith.addi %add3A_274, %add3A_275 : i32
        %slice3A_277 = vector.extract_strided_slice %get3A_25 {offsets = [7], sizes = [1], strides = [1]} : vector<16xi32> to vector<1xi32>
        %squeeze3A_278 = vector.extract %slice3A_277[0] : i32 from vector<1xi32>
        %dma_start3A_279 = arith.constant 0 : i32
        %dma_start3A_280 = tpu.memref_slice %arg9[%add3A_276, %dma_start3A_279] : memref<256x64xf32, #tpu.memory_space<vmem>> -> memref<1x64xf32, #tpu.memory_space<vmem>>
        %dma_start3A_281 = tpu.memref_squeeze %dma_start3A_280 : memref<1x64xf32, #tpu.memory_space<vmem>> -> memref<64xf32, #tpu.memory_space<vmem>>
        %dma_start3A_282 = arith.constant 0 : i32
        %dma_start3A_283 = tpu.memref_slice %arg4[%squeeze3A_278, %dma_start3A_282] : memref<1000000x64xf32, #tpu.memory_space<hbm>> -> memref<1x64xf32, #tpu.memory_space<hbm>>
        %dma_start3A_284 = tpu.memref_squeeze %dma_start3A_283 : memref<1x64xf32, #tpu.memory_space<hbm>> -> memref<64xf32, #tpu.memory_space<hbm>>
        %dma_start3A_285 = arith.constant 0 : i32
        %dma_start3A_286 = tpu.memref_slice %arg9[%add3A_276, %dma_start3A_285] : memref<256x64xf32, #tpu.memory_space<vmem>> -> memref<1x64xf32, #tpu.memory_space<vmem>>
        %dma_start3A_287 = tpu.memref_squeeze %dma_start3A_286 : memref<1x64xf32, #tpu.memory_space<vmem>> -> memref<64xf32, #tpu.memory_space<vmem>>
        %dma_start3A_288 = arith.constant 0 : i32
        %dma_start3A_289 = tpu.memref_slice %arg4[%squeeze3A_278, %dma_start3A_288] : memref<1000000x64xf32, #tpu.memory_space<hbm>> -> memref<1x64xf32, #tpu.memory_space<hbm>>
        %dma_start3A_290 = tpu.memref_squeeze %dma_start3A_289 : memref<1x64xf32, #tpu.memory_space<hbm>> -> memref<64xf32, #tpu.memory_space<hbm>>
        tpu.enqueue_dma source(%dma_start3A_290 : memref<64xf32, #tpu.memory_space<hbm>>) target(%dma_start3A_287 : memref<64xf32, #tpu.memory_space<vmem>>) target_semaphore(%arg13 : memref<!tpu.dma_semaphore, #tpu.memory_space<semaphore_mem>>)
        %slice3A_291 = vector.extract_strided_slice %get3A_27 {offsets = [7], sizes = [1], strides = [1]} : vector<16xi32> to vector<1xi32>
        %squeeze3A_292 = vector.extract %slice3A_291[0] : i32 from vector<1xi32>
        %dma_start3A_293 = arith.constant 0 : i32
        %dma_start3A_294 = tpu.memref_slice %arg10[%add3A_276, %dma_start3A_293] : memref<256x64xf32, #tpu.memory_space<vmem>> -> memref<1x64xf32, #tpu.memory_space<vmem>>
        %dma_start3A_295 = tpu.memref_squeeze %dma_start3A_294 : memref<1x64xf32, #tpu.memory_space<vmem>> -> memref<64xf32, #tpu.memory_space<vmem>>
        %dma_start3A_296 = arith.constant 0 : i32
        %dma_start3A_297 = tpu.memref_slice %arg5[%squeeze3A_292, %dma_start3A_296] : memref<1000000x64xf32, #tpu.memory_space<hbm>> -> memref<1x64xf32, #tpu.memory_space<hbm>>
        %dma_start3A_298 = tpu.memref_squeeze %dma_start3A_297 : memref<1x64xf32, #tpu.memory_space<hbm>> -> memref<64xf32, #tpu.memory_space<hbm>>
        %dma_start3A_299 = arith.constant 0 : i32
        %dma_start3A_300 = tpu.memref_slice %arg10[%add3A_276, %dma_start3A_299] : memref<256x64xf32, #tpu.memory_space<vmem>> -> memref<1x64xf32, #tpu.memory_space<vmem>>
        %dma_start3A_301 = tpu.memref_squeeze %dma_start3A_300 : memref<1x64xf32, #tpu.memory_space<vmem>> -> memref<64xf32, #tpu.memory_space<vmem>>
        %dma_start3A_302 = arith.constant 0 : i32
        %dma_start3A_303 = tpu.memref_slice %arg5[%squeeze3A_292, %dma_start3A_302] : memref<1000000x64xf32, #tpu.memory_space<hbm>> -> memref<1x64xf32, #tpu.memory_space<hbm>>
        %dma_start3A_304 = tpu.memref_squeeze %dma_start3A_303 : memref<1x64xf32, #tpu.memory_space<hbm>> -> memref<64xf32, #tpu.memory_space<hbm>>
        tpu.enqueue_dma source(%dma_start3A_304 : memref<64xf32, #tpu.memory_space<hbm>>) target(%dma_start3A_301 : memref<64xf32, #tpu.memory_space<vmem>>) target_semaphore(%arg15 : memref<!tpu.dma_semaphore, #tpu.memory_space<semaphore_mem>>)
        %mul3A_305 = arith.constant 16 : i32
        %mul3A_306 = arith.muli %scan3A_18, %mul3A_305 : i32
        %add3A_307 = arith.constant 128 : i32
        %add3A_308 = arith.addi %add3A_307, %mul3A_306 : i32
        %add3A_309 = arith.constant 8 : i32
        %add3A_310 = arith.addi %add3A_308, %add3A_309 : i32
        %slice3A_311 = vector.extract_strided_slice %get3A_25 {offsets = [8], sizes = [1], strides = [1]} : vector<16xi32> to vector<1xi32>
        %squeeze3A_312 = vector.extract %slice3A_311[0] : i32 from vector<1xi32>
        %dma_start3A_313 = arith.constant 0 : i32
        %dma_start3A_314 = tpu.memref_slice %arg9[%add3A_310, %dma_start3A_313] : memref<256x64xf32, #tpu.memory_space<vmem>> -> memref<1x64xf32, #tpu.memory_space<vmem>>
        %dma_start3A_315 = tpu.memref_squeeze %dma_start3A_314 : memref<1x64xf32, #tpu.memory_space<vmem>> -> memref<64xf32, #tpu.memory_space<vmem>>
        %dma_start3A_316 = arith.constant 0 : i32
        %dma_start3A_317 = tpu.memref_slice %arg4[%squeeze3A_312, %dma_start3A_316] : memref<1000000x64xf32, #tpu.memory_space<hbm>> -> memref<1x64xf32, #tpu.memory_space<hbm>>
        %dma_start3A_318 = tpu.memref_squeeze %dma_start3A_317 : memref<1x64xf32, #tpu.memory_space<hbm>> -> memref<64xf32, #tpu.memory_space<hbm>>
        %dma_start3A_319 = arith.constant 0 : i32
        %dma_start3A_320 = tpu.memref_slice %arg9[%add3A_310, %dma_start3A_319] : memref<256x64xf32, #tpu.memory_space<vmem>> -> memref<1x64xf32, #tpu.memory_space<vmem>>
        %dma_start3A_321 = tpu.memref_squeeze %dma_start3A_320 : memref<1x64xf32, #tpu.memory_space<vmem>> -> memref<64xf32, #tpu.memory_space<vmem>>
        %dma_start3A_322 = arith.constant 0 : i32
        %dma_start3A_323 = tpu.memref_slice %arg4[%squeeze3A_312, %dma_start3A_322] : memref<1000000x64xf32, #tpu.memory_space<hbm>> -> memref<1x64xf32, #tpu.memory_space<hbm>>
        %dma_start3A_324 = tpu.memref_squeeze %dma_start3A_323 : memref<1x64xf32, #tpu.memory_space<hbm>> -> memref<64xf32, #tpu.memory_space<hbm>>
        tpu.enqueue_dma source(%dma_start3A_324 : memref<64xf32, #tpu.memory_space<hbm>>) target(%dma_start3A_321 : memref<64xf32, #tpu.memory_space<vmem>>) target_semaphore(%arg13 : memref<!tpu.dma_semaphore, #tpu.memory_space<semaphore_mem>>)
        %slice3A_325 = vector.extract_strided_slice %get3A_27 {offsets = [8], sizes = [1], strides = [1]} : vector<16xi32> to vector<1xi32>
        %squeeze3A_326 = vector.extract %slice3A_325[0] : i32 from vector<1xi32>
        %dma_start3A_327 = arith.constant 0 : i32
        %dma_start3A_328 = tpu.memref_slice %arg10[%add3A_310, %dma_start3A_327] : memref<256x64xf32, #tpu.memory_space<vmem>> -> memref<1x64xf32, #tpu.memory_space<vmem>>
        %dma_start3A_329 = tpu.memref_squeeze %dma_start3A_328 : memref<1x64xf32, #tpu.memory_space<vmem>> -> memref<64xf32, #tpu.memory_space<vmem>>
        %dma_start3A_330 = arith.constant 0 : i32
        %dma_start3A_331 = tpu.memref_slice %arg5[%squeeze3A_326, %dma_start3A_330] : memref<1000000x64xf32, #tpu.memory_space<hbm>> -> memref<1x64xf32, #tpu.memory_space<hbm>>
        %dma_start3A_332 = tpu.memref_squeeze %dma_start3A_331 : memref<1x64xf32, #tpu.memory_space<hbm>> -> memref<64xf32, #tpu.memory_space<hbm>>
        %dma_start3A_333 = arith.constant 0 : i32
        %dma_start3A_334 = tpu.memref_slice %arg10[%add3A_310, %dma_start3A_333] : memref<256x64xf32, #tpu.memory_space<vmem>> -> memref<1x64xf32, #tpu.memory_space<vmem>>
        %dma_start3A_335 = tpu.memref_squeeze %dma_start3A_334 : memref<1x64xf32, #tpu.memory_space<vmem>> -> memref<64xf32, #tpu.memory_space<vmem>>
        %dma_start3A_336 = arith.constant 0 : i32
        %dma_start3A_337 = tpu.memref_slice %arg5[%squeeze3A_326, %dma_start3A_336] : memref<1000000x64xf32, #tpu.memory_space<hbm>> -> memref<1x64xf32, #tpu.memory_space<hbm>>
        %dma_start3A_338 = tpu.memref_squeeze %dma_start3A_337 : memref<1x64xf32, #tpu.memory_space<hbm>> -> memref<64xf32, #tpu.memory_space<hbm>>
        tpu.enqueue_dma source(%dma_start3A_338 : memref<64xf32, #tpu.memory_space<hbm>>) target(%dma_start3A_335 : memref<64xf32, #tpu.memory_space<vmem>>) target_semaphore(%arg15 : memref<!tpu.dma_semaphore, #tpu.memory_space<semaphore_mem>>)
        %mul3A_339 = arith.constant 16 : i32
        %mul3A_340 = arith.muli %scan3A_18, %mul3A_339 : i32
        %add3A_341 = arith.constant 128 : i32
        %add3A_342 = arith.addi %add3A_341, %mul3A_340 : i32
        %add3A_343 = arith.constant 9 : i32
        %add3A_344 = arith.addi %add3A_342, %add3A_343 : i32
        %slice3A_345 = vector.extract_strided_slice %get3A_25 {offsets = [9], sizes = [1], strides = [1]} : vector<16xi32> to vector<1xi32>
        %squeeze3A_346 = vector.extract %slice3A_345[0] : i32 from vector<1xi32>
        %dma_start3A_347 = arith.constant 0 : i32
        %dma_start3A_348 = tpu.memref_slice %arg9[%add3A_344, %dma_start3A_347] : memref<256x64xf32, #tpu.memory_space<vmem>> -> memref<1x64xf32, #tpu.memory_space<vmem>>
        %dma_start3A_349 = tpu.memref_squeeze %dma_start3A_348 : memref<1x64xf32, #tpu.memory_space<vmem>> -> memref<64xf32, #tpu.memory_space<vmem>>
        %dma_start3A_350 = arith.constant 0 : i32
        %dma_start3A_351 = tpu.memref_slice %arg4[%squeeze3A_346, %dma_start3A_350] : memref<1000000x64xf32, #tpu.memory_space<hbm>> -> memref<1x64xf32, #tpu.memory_space<hbm>>
        %dma_start3A_352 = tpu.memref_squeeze %dma_start3A_351 : memref<1x64xf32, #tpu.memory_space<hbm>> -> memref<64xf32, #tpu.memory_space<hbm>>
        %dma_start3A_353 = arith.constant 0 : i32
        %dma_start3A_354 = tpu.memref_slice %arg9[%add3A_344, %dma_start3A_353] : memref<256x64xf32, #tpu.memory_space<vmem>> -> memref<1x64xf32, #tpu.memory_space<vmem>>
        %dma_start3A_355 = tpu.memref_squeeze %dma_start3A_354 : memref<1x64xf32, #tpu.memory_space<vmem>> -> memref<64xf32, #tpu.memory_space<vmem>>
        %dma_start3A_356 = arith.constant 0 : i32
        %dma_start3A_357 = tpu.memref_slice %arg4[%squeeze3A_346, %dma_start3A_356] : memref<1000000x64xf32, #tpu.memory_space<hbm>> -> memref<1x64xf32, #tpu.memory_space<hbm>>
        %dma_start3A_358 = tpu.memref_squeeze %dma_start3A_357 : memref<1x64xf32, #tpu.memory_space<hbm>> -> memref<64xf32, #tpu.memory_space<hbm>>
        tpu.enqueue_dma source(%dma_start3A_358 : memref<64xf32, #tpu.memory_space<hbm>>) target(%dma_start3A_355 : memref<64xf32, #tpu.memory_space<vmem>>) target_semaphore(%arg13 : memref<!tpu.dma_semaphore, #tpu.memory_space<semaphore_mem>>)
        %slice3A_359 = vector.extract_strided_slice %get3A_27 {offsets = [9], sizes = [1], strides = [1]} : vector<16xi32> to vector<1xi32>
        %squeeze3A_360 = vector.extract %slice3A_359[0] : i32 from vector<1xi32>
        %dma_start3A_361 = arith.constant 0 : i32
        %dma_start3A_362 = tpu.memref_slice %arg10[%add3A_344, %dma_start3A_361] : memref<256x64xf32, #tpu.memory_space<vmem>> -> memref<1x64xf32, #tpu.memory_space<vmem>>
        %dma_start3A_363 = tpu.memref_squeeze %dma_start3A_362 : memref<1x64xf32, #tpu.memory_space<vmem>> -> memref<64xf32, #tpu.memory_space<vmem>>
        %dma_start3A_364 = arith.constant 0 : i32
        %dma_start3A_365 = tpu.memref_slice %arg5[%squeeze3A_360, %dma_start3A_364] : memref<1000000x64xf32, #tpu.memory_space<hbm>> -> memref<1x64xf32, #tpu.memory_space<hbm>>
        %dma_start3A_366 = tpu.memref_squeeze %dma_start3A_365 : memref<1x64xf32, #tpu.memory_space<hbm>> -> memref<64xf32, #tpu.memory_space<hbm>>
        %dma_start3A_367 = arith.constant 0 : i32
        %dma_start3A_368 = tpu.memref_slice %arg10[%add3A_344, %dma_start3A_367] : memref<256x64xf32, #tpu.memory_space<vmem>> -> memref<1x64xf32, #tpu.memory_space<vmem>>
        %dma_start3A_369 = tpu.memref_squeeze %dma_start3A_368 : memref<1x64xf32, #tpu.memory_space<vmem>> -> memref<64xf32, #tpu.memory_space<vmem>>
        %dma_start3A_370 = arith.constant 0 : i32
        %dma_start3A_371 = tpu.memref_slice %arg5[%squeeze3A_360, %dma_start3A_370] : memref<1000000x64xf32, #tpu.memory_space<hbm>> -> memref<1x64xf32, #tpu.memory_space<hbm>>
        %dma_start3A_372 = tpu.memref_squeeze %dma_start3A_371 : memref<1x64xf32, #tpu.memory_space<hbm>> -> memref<64xf32, #tpu.memory_space<hbm>>
        tpu.enqueue_dma source(%dma_start3A_372 : memref<64xf32, #tpu.memory_space<hbm>>) target(%dma_start3A_369 : memref<64xf32, #tpu.memory_space<vmem>>) target_semaphore(%arg15 : memref<!tpu.dma_semaphore, #tpu.memory_space<semaphore_mem>>)
        %mul3A_373 = arith.constant 16 : i32
        %mul3A_374 = arith.muli %scan3A_18, %mul3A_373 : i32
        %add3A_375 = arith.constant 128 : i32
        %add3A_376 = arith.addi %add3A_375, %mul3A_374 : i32
        %add3A_377 = arith.constant 10 : i32
        %add3A_378 = arith.addi %add3A_376, %add3A_377 : i32
        %slice3A_379 = vector.extract_strided_slice %get3A_25 {offsets = [10], sizes = [1], strides = [1]} : vector<16xi32> to vector<1xi32>
        %squeeze3A_380 = vector.extract %slice3A_379[0] : i32 from vector<1xi32>
        %dma_start3A_381 = arith.constant 0 : i32
        %dma_start3A_382 = tpu.memref_slice %arg9[%add3A_378, %dma_start3A_381] : memref<256x64xf32, #tpu.memory_space<vmem>> -> memref<1x64xf32, #tpu.memory_space<vmem>>
        %dma_start3A_383 = tpu.memref_squeeze %dma_start3A_382 : memref<1x64xf32, #tpu.memory_space<vmem>> -> memref<64xf32, #tpu.memory_space<vmem>>
        %dma_start3A_384 = arith.constant 0 : i32
        %dma_start3A_385 = tpu.memref_slice %arg4[%squeeze3A_380, %dma_start3A_384] : memref<1000000x64xf32, #tpu.memory_space<hbm>> -> memref<1x64xf32, #tpu.memory_space<hbm>>
        %dma_start3A_386 = tpu.memref_squeeze %dma_start3A_385 : memref<1x64xf32, #tpu.memory_space<hbm>> -> memref<64xf32, #tpu.memory_space<hbm>>
        %dma_start3A_387 = arith.constant 0 : i32
        %dma_start3A_388 = tpu.memref_slice %arg9[%add3A_378, %dma_start3A_387] : memref<256x64xf32, #tpu.memory_space<vmem>> -> memref<1x64xf32, #tpu.memory_space<vmem>>
        %dma_start3A_389 = tpu.memref_squeeze %dma_start3A_388 : memref<1x64xf32, #tpu.memory_space<vmem>> -> memref<64xf32, #tpu.memory_space<vmem>>
        %dma_start3A_390 = arith.constant 0 : i32
        %dma_start3A_391 = tpu.memref_slice %arg4[%squeeze3A_380, %dma_start3A_390] : memref<1000000x64xf32, #tpu.memory_space<hbm>> -> memref<1x64xf32, #tpu.memory_space<hbm>>
        %dma_start3A_392 = tpu.memref_squeeze %dma_start3A_391 : memref<1x64xf32, #tpu.memory_space<hbm>> -> memref<64xf32, #tpu.memory_space<hbm>>
        tpu.enqueue_dma source(%dma_start3A_392 : memref<64xf32, #tpu.memory_space<hbm>>) target(%dma_start3A_389 : memref<64xf32, #tpu.memory_space<vmem>>) target_semaphore(%arg13 : memref<!tpu.dma_semaphore, #tpu.memory_space<semaphore_mem>>)
        %slice3A_393 = vector.extract_strided_slice %get3A_27 {offsets = [10], sizes = [1], strides = [1]} : vector<16xi32> to vector<1xi32>
        %squeeze3A_394 = vector.extract %slice3A_393[0] : i32 from vector<1xi32>
        %dma_start3A_395 = arith.constant 0 : i32
        %dma_start3A_396 = tpu.memref_slice %arg10[%add3A_378, %dma_start3A_395] : memref<256x64xf32, #tpu.memory_space<vmem>> -> memref<1x64xf32, #tpu.memory_space<vmem>>
        %dma_start3A_397 = tpu.memref_squeeze %dma_start3A_396 : memref<1x64xf32, #tpu.memory_space<vmem>> -> memref<64xf32, #tpu.memory_space<vmem>>
        %dma_start3A_398 = arith.constant 0 : i32
        %dma_start3A_399 = tpu.memref_slice %arg5[%squeeze3A_394, %dma_start3A_398] : memref<1000000x64xf32, #tpu.memory_space<hbm>> -> memref<1x64xf32, #tpu.memory_space<hbm>>
        %dma_start3A_400 = tpu.memref_squeeze %dma_start3A_399 : memref<1x64xf32, #tpu.memory_space<hbm>> -> memref<64xf32, #tpu.memory_space<hbm>>
        %dma_start3A_401 = arith.constant 0 : i32
        %dma_start3A_402 = tpu.memref_slice %arg10[%add3A_378, %dma_start3A_401] : memref<256x64xf32, #tpu.memory_space<vmem>> -> memref<1x64xf32, #tpu.memory_space<vmem>>
        %dma_start3A_403 = tpu.memref_squeeze %dma_start3A_402 : memref<1x64xf32, #tpu.memory_space<vmem>> -> memref<64xf32, #tpu.memory_space<vmem>>
        %dma_start3A_404 = arith.constant 0 : i32
        %dma_start3A_405 = tpu.memref_slice %arg5[%squeeze3A_394, %dma_start3A_404] : memref<1000000x64xf32, #tpu.memory_space<hbm>> -> memref<1x64xf32, #tpu.memory_space<hbm>>
        %dma_start3A_406 = tpu.memref_squeeze %dma_start3A_405 : memref<1x64xf32, #tpu.memory_space<hbm>> -> memref<64xf32, #tpu.memory_space<hbm>>
        tpu.enqueue_dma source(%dma_start3A_406 : memref<64xf32, #tpu.memory_space<hbm>>) target(%dma_start3A_403 : memref<64xf32, #tpu.memory_space<vmem>>) target_semaphore(%arg15 : memref<!tpu.dma_semaphore, #tpu.memory_space<semaphore_mem>>)
        %mul3A_407 = arith.constant 16 : i32
        %mul3A_408 = arith.muli %scan3A_18, %mul3A_407 : i32
        %add3A_409 = arith.constant 128 : i32
        %add3A_410 = arith.addi %add3A_409, %mul3A_408 : i32
        %add3A_411 = arith.constant 11 : i32
        %add3A_412 = arith.addi %add3A_410, %add3A_411 : i32
        %slice3A_413 = vector.extract_strided_slice %get3A_25 {offsets = [11], sizes = [1], strides = [1]} : vector<16xi32> to vector<1xi32>
        %squeeze3A_414 = vector.extract %slice3A_413[0] : i32 from vector<1xi32>
        %dma_start3A_415 = arith.constant 0 : i32
        %dma_start3A_416 = tpu.memref_slice %arg9[%add3A_412, %dma_start3A_415] : memref<256x64xf32, #tpu.memory_space<vmem>> -> memref<1x64xf32, #tpu.memory_space<vmem>>
        %dma_start3A_417 = tpu.memref_squeeze %dma_start3A_416 : memref<1x64xf32, #tpu.memory_space<vmem>> -> memref<64xf32, #tpu.memory_space<vmem>>
        %dma_start3A_418 = arith.constant 0 : i32
        %dma_start3A_419 = tpu.memref_slice %arg4[%squeeze3A_414, %dma_start3A_418] : memref<1000000x64xf32, #tpu.memory_space<hbm>> -> memref<1x64xf32, #tpu.memory_space<hbm>>
        %dma_start3A_420 = tpu.memref_squeeze %dma_start3A_419 : memref<1x64xf32, #tpu.memory_space<hbm>> -> memref<64xf32, #tpu.memory_space<hbm>>
        %dma_start3A_421 = arith.constant 0 : i32
        %dma_start3A_422 = tpu.memref_slice %arg9[%add3A_412, %dma_start3A_421] : memref<256x64xf32, #tpu.memory_space<vmem>> -> memref<1x64xf32, #tpu.memory_space<vmem>>
        %dma_start3A_423 = tpu.memref_squeeze %dma_start3A_422 : memref<1x64xf32, #tpu.memory_space<vmem>> -> memref<64xf32, #tpu.memory_space<vmem>>
        %dma_start3A_424 = arith.constant 0 : i32
        %dma_start3A_425 = tpu.memref_slice %arg4[%squeeze3A_414, %dma_start3A_424] : memref<1000000x64xf32, #tpu.memory_space<hbm>> -> memref<1x64xf32, #tpu.memory_space<hbm>>
        %dma_start3A_426 = tpu.memref_squeeze %dma_start3A_425 : memref<1x64xf32, #tpu.memory_space<hbm>> -> memref<64xf32, #tpu.memory_space<hbm>>
        tpu.enqueue_dma source(%dma_start3A_426 : memref<64xf32, #tpu.memory_space<hbm>>) target(%dma_start3A_423 : memref<64xf32, #tpu.memory_space<vmem>>) target_semaphore(%arg13 : memref<!tpu.dma_semaphore, #tpu.memory_space<semaphore_mem>>)
        %slice3A_427 = vector.extract_strided_slice %get3A_27 {offsets = [11], sizes = [1], strides = [1]} : vector<16xi32> to vector<1xi32>
        %squeeze3A_428 = vector.extract %slice3A_427[0] : i32 from vector<1xi32>
        %dma_start3A_429 = arith.constant 0 : i32
        %dma_start3A_430 = tpu.memref_slice %arg10[%add3A_412, %dma_start3A_429] : memref<256x64xf32, #tpu.memory_space<vmem>> -> memref<1x64xf32, #tpu.memory_space<vmem>>
        %dma_start3A_431 = tpu.memref_squeeze %dma_start3A_430 : memref<1x64xf32, #tpu.memory_space<vmem>> -> memref<64xf32, #tpu.memory_space<vmem>>
        %dma_start3A_432 = arith.constant 0 : i32
        %dma_start3A_433 = tpu.memref_slice %arg5[%squeeze3A_428, %dma_start3A_432] : memref<1000000x64xf32, #tpu.memory_space<hbm>> -> memref<1x64xf32, #tpu.memory_space<hbm>>
        %dma_start3A_434 = tpu.memref_squeeze %dma_start3A_433 : memref<1x64xf32, #tpu.memory_space<hbm>> -> memref<64xf32, #tpu.memory_space<hbm>>
        %dma_start3A_435 = arith.constant 0 : i32
        %dma_start3A_436 = tpu.memref_slice %arg10[%add3A_412, %dma_start3A_435] : memref<256x64xf32, #tpu.memory_space<vmem>> -> memref<1x64xf32, #tpu.memory_space<vmem>>
        %dma_start3A_437 = tpu.memref_squeeze %dma_start3A_436 : memref<1x64xf32, #tpu.memory_space<vmem>> -> memref<64xf32, #tpu.memory_space<vmem>>
        %dma_start3A_438 = arith.constant 0 : i32
        %dma_start3A_439 = tpu.memref_slice %arg5[%squeeze3A_428, %dma_start3A_438] : memref<1000000x64xf32, #tpu.memory_space<hbm>> -> memref<1x64xf32, #tpu.memory_space<hbm>>
        %dma_start3A_440 = tpu.memref_squeeze %dma_start3A_439 : memref<1x64xf32, #tpu.memory_space<hbm>> -> memref<64xf32, #tpu.memory_space<hbm>>
        tpu.enqueue_dma source(%dma_start3A_440 : memref<64xf32, #tpu.memory_space<hbm>>) target(%dma_start3A_437 : memref<64xf32, #tpu.memory_space<vmem>>) target_semaphore(%arg15 : memref<!tpu.dma_semaphore, #tpu.memory_space<semaphore_mem>>)
        %mul3A_441 = arith.constant 16 : i32
        %mul3A_442 = arith.muli %scan3A_18, %mul3A_441 : i32
        %add3A_443 = arith.constant 128 : i32
        %add3A_444 = arith.addi %add3A_443, %mul3A_442 : i32
        %add3A_445 = arith.constant 12 : i32
        %add3A_446 = arith.addi %add3A_444, %add3A_445 : i32
        %slice3A_447 = vector.extract_strided_slice %get3A_25 {offsets = [12], sizes = [1], strides = [1]} : vector<16xi32> to vector<1xi32>
        %squeeze3A_448 = vector.extract %slice3A_447[0] : i32 from vector<1xi32>
        %dma_start3A_449 = arith.constant 0 : i32
        %dma_start3A_450 = tpu.memref_slice %arg9[%add3A_446, %dma_start3A_449] : memref<256x64xf32, #tpu.memory_space<vmem>> -> memref<1x64xf32, #tpu.memory_space<vmem>>
        %dma_start3A_451 = tpu.memref_squeeze %dma_start3A_450 : memref<1x64xf32, #tpu.memory_space<vmem>> -> memref<64xf32, #tpu.memory_space<vmem>>
        %dma_start3A_452 = arith.constant 0 : i32
        %dma_start3A_453 = tpu.memref_slice %arg4[%squeeze3A_448, %dma_start3A_452] : memref<1000000x64xf32, #tpu.memory_space<hbm>> -> memref<1x64xf32, #tpu.memory_space<hbm>>
        %dma_start3A_454 = tpu.memref_squeeze %dma_start3A_453 : memref<1x64xf32, #tpu.memory_space<hbm>> -> memref<64xf32, #tpu.memory_space<hbm>>
        %dma_start3A_455 = arith.constant 0 : i32
        %dma_start3A_456 = tpu.memref_slice %arg9[%add3A_446, %dma_start3A_455] : memref<256x64xf32, #tpu.memory_space<vmem>> -> memref<1x64xf32, #tpu.memory_space<vmem>>
        %dma_start3A_457 = tpu.memref_squeeze %dma_start3A_456 : memref<1x64xf32, #tpu.memory_space<vmem>> -> memref<64xf32, #tpu.memory_space<vmem>>
        %dma_start3A_458 = arith.constant 0 : i32
        %dma_start3A_459 = tpu.memref_slice %arg4[%squeeze3A_448, %dma_start3A_458] : memref<1000000x64xf32, #tpu.memory_space<hbm>> -> memref<1x64xf32, #tpu.memory_space<hbm>>
        %dma_start3A_460 = tpu.memref_squeeze %dma_start3A_459 : memref<1x64xf32, #tpu.memory_space<hbm>> -> memref<64xf32, #tpu.memory_space<hbm>>
        tpu.enqueue_dma source(%dma_start3A_460 : memref<64xf32, #tpu.memory_space<hbm>>) target(%dma_start3A_457 : memref<64xf32, #tpu.memory_space<vmem>>) target_semaphore(%arg13 : memref<!tpu.dma_semaphore, #tpu.memory_space<semaphore_mem>>)
        %slice3A_461 = vector.extract_strided_slice %get3A_27 {offsets = [12], sizes = [1], strides = [1]} : vector<16xi32> to vector<1xi32>
        %squeeze3A_462 = vector.extract %slice3A_461[0] : i32 from vector<1xi32>
        %dma_start3A_463 = arith.constant 0 : i32
        %dma_start3A_464 = tpu.memref_slice %arg10[%add3A_446, %dma_start3A_463] : memref<256x64xf32, #tpu.memory_space<vmem>> -> memref<1x64xf32, #tpu.memory_space<vmem>>
        %dma_start3A_465 = tpu.memref_squeeze %dma_start3A_464 : memref<1x64xf32, #tpu.memory_space<vmem>> -> memref<64xf32, #tpu.memory_space<vmem>>
        %dma_start3A_466 = arith.constant 0 : i32
        %dma_start3A_467 = tpu.memref_slice %arg5[%squeeze3A_462, %dma_start3A_466] : memref<1000000x64xf32, #tpu.memory_space<hbm>> -> memref<1x64xf32, #tpu.memory_space<hbm>>
        %dma_start3A_468 = tpu.memref_squeeze %dma_start3A_467 : memref<1x64xf32, #tpu.memory_space<hbm>> -> memref<64xf32, #tpu.memory_space<hbm>>
        %dma_start3A_469 = arith.constant 0 : i32
        %dma_start3A_470 = tpu.memref_slice %arg10[%add3A_446, %dma_start3A_469] : memref<256x64xf32, #tpu.memory_space<vmem>> -> memref<1x64xf32, #tpu.memory_space<vmem>>
        %dma_start3A_471 = tpu.memref_squeeze %dma_start3A_470 : memref<1x64xf32, #tpu.memory_space<vmem>> -> memref<64xf32, #tpu.memory_space<vmem>>
        %dma_start3A_472 = arith.constant 0 : i32
        %dma_start3A_473 = tpu.memref_slice %arg5[%squeeze3A_462, %dma_start3A_472] : memref<1000000x64xf32, #tpu.memory_space<hbm>> -> memref<1x64xf32, #tpu.memory_space<hbm>>
        %dma_start3A_474 = tpu.memref_squeeze %dma_start3A_473 : memref<1x64xf32, #tpu.memory_space<hbm>> -> memref<64xf32, #tpu.memory_space<hbm>>
        tpu.enqueue_dma source(%dma_start3A_474 : memref<64xf32, #tpu.memory_space<hbm>>) target(%dma_start3A_471 : memref<64xf32, #tpu.memory_space<vmem>>) target_semaphore(%arg15 : memref<!tpu.dma_semaphore, #tpu.memory_space<semaphore_mem>>)
        %mul3A_475 = arith.constant 16 : i32
        %mul3A_476 = arith.muli %scan3A_18, %mul3A_475 : i32
        %add3A_477 = arith.constant 128 : i32
        %add3A_478 = arith.addi %add3A_477, %mul3A_476 : i32
        %add3A_479 = arith.constant 13 : i32
        %add3A_480 = arith.addi %add3A_478, %add3A_479 : i32
        %slice3A_481 = vector.extract_strided_slice %get3A_25 {offsets = [13], sizes = [1], strides = [1]} : vector<16xi32> to vector<1xi32>
        %squeeze3A_482 = vector.extract %slice3A_481[0] : i32 from vector<1xi32>
        %dma_start3A_483 = arith.constant 0 : i32
        %dma_start3A_484 = tpu.memref_slice %arg9[%add3A_480, %dma_start3A_483] : memref<256x64xf32, #tpu.memory_space<vmem>> -> memref<1x64xf32, #tpu.memory_space<vmem>>
        %dma_start3A_485 = tpu.memref_squeeze %dma_start3A_484 : memref<1x64xf32, #tpu.memory_space<vmem>> -> memref<64xf32, #tpu.memory_space<vmem>>
        %dma_start3A_486 = arith.constant 0 : i32
        %dma_start3A_487 = tpu.memref_slice %arg4[%squeeze3A_482, %dma_start3A_486] : memref<1000000x64xf32, #tpu.memory_space<hbm>> -> memref<1x64xf32, #tpu.memory_space<hbm>>
        %dma_start3A_488 = tpu.memref_squeeze %dma_start3A_487 : memref<1x64xf32, #tpu.memory_space<hbm>> -> memref<64xf32, #tpu.memory_space<hbm>>
        %dma_start3A_489 = arith.constant 0 : i32
        %dma_start3A_490 = tpu.memref_slice %arg9[%add3A_480, %dma_start3A_489] : memref<256x64xf32, #tpu.memory_space<vmem>> -> memref<1x64xf32, #tpu.memory_space<vmem>>
        %dma_start3A_491 = tpu.memref_squeeze %dma_start3A_490 : memref<1x64xf32, #tpu.memory_space<vmem>> -> memref<64xf32, #tpu.memory_space<vmem>>
        %dma_start3A_492 = arith.constant 0 : i32
        %dma_start3A_493 = tpu.memref_slice %arg4[%squeeze3A_482, %dma_start3A_492] : memref<1000000x64xf32, #tpu.memory_space<hbm>> -> memref<1x64xf32, #tpu.memory_space<hbm>>
        %dma_start3A_494 = tpu.memref_squeeze %dma_start3A_493 : memref<1x64xf32, #tpu.memory_space<hbm>> -> memref<64xf32, #tpu.memory_space<hbm>>
        tpu.enqueue_dma source(%dma_start3A_494 : memref<64xf32, #tpu.memory_space<hbm>>) target(%dma_start3A_491 : memref<64xf32, #tpu.memory_space<vmem>>) target_semaphore(%arg13 : memref<!tpu.dma_semaphore, #tpu.memory_space<semaphore_mem>>)
        %slice3A_495 = vector.extract_strided_slice %get3A_27 {offsets = [13], sizes = [1], strides = [1]} : vector<16xi32> to vector<1xi32>
        %squeeze3A_496 = vector.extract %slice3A_495[0] : i32 from vector<1xi32>
        %dma_start3A_497 = arith.constant 0 : i32
        %dma_start3A_498 = tpu.memref_slice %arg10[%add3A_480, %dma_start3A_497] : memref<256x64xf32, #tpu.memory_space<vmem>> -> memref<1x64xf32, #tpu.memory_space<vmem>>
        %dma_start3A_499 = tpu.memref_squeeze %dma_start3A_498 : memref<1x64xf32, #tpu.memory_space<vmem>> -> memref<64xf32, #tpu.memory_space<vmem>>
        %dma_start3A_500 = arith.constant 0 : i32
        %dma_start3A_501 = tpu.memref_slice %arg5[%squeeze3A_496, %dma_start3A_500] : memref<1000000x64xf32, #tpu.memory_space<hbm>> -> memref<1x64xf32, #tpu.memory_space<hbm>>
        %dma_start3A_502 = tpu.memref_squeeze %dma_start3A_501 : memref<1x64xf32, #tpu.memory_space<hbm>> -> memref<64xf32, #tpu.memory_space<hbm>>
        %dma_start3A_503 = arith.constant 0 : i32
        %dma_start3A_504 = tpu.memref_slice %arg10[%add3A_480, %dma_start3A_503] : memref<256x64xf32, #tpu.memory_space<vmem>> -> memref<1x64xf32, #tpu.memory_space<vmem>>
        %dma_start3A_505 = tpu.memref_squeeze %dma_start3A_504 : memref<1x64xf32, #tpu.memory_space<vmem>> -> memref<64xf32, #tpu.memory_space<vmem>>
        %dma_start3A_506 = arith.constant 0 : i32
        %dma_start3A_507 = tpu.memref_slice %arg5[%squeeze3A_496, %dma_start3A_506] : memref<1000000x64xf32, #tpu.memory_space<hbm>> -> memref<1x64xf32, #tpu.memory_space<hbm>>
        %dma_start3A_508 = tpu.memref_squeeze %dma_start3A_507 : memref<1x64xf32, #tpu.memory_space<hbm>> -> memref<64xf32, #tpu.memory_space<hbm>>
        tpu.enqueue_dma source(%dma_start3A_508 : memref<64xf32, #tpu.memory_space<hbm>>) target(%dma_start3A_505 : memref<64xf32, #tpu.memory_space<vmem>>) target_semaphore(%arg15 : memref<!tpu.dma_semaphore, #tpu.memory_space<semaphore_mem>>)
        %mul3A_509 = arith.constant 16 : i32
        %mul3A_510 = arith.muli %scan3A_18, %mul3A_509 : i32
        %add3A_511 = arith.constant 128 : i32
        %add3A_512 = arith.addi %add3A_511, %mul3A_510 : i32
        %add3A_513 = arith.constant 14 : i32
        %add3A_514 = arith.addi %add3A_512, %add3A_513 : i32
        %slice3A_515 = vector.extract_strided_slice %get3A_25 {offsets = [14], sizes = [1], strides = [1]} : vector<16xi32> to vector<1xi32>
        %squeeze3A_516 = vector.extract %slice3A_515[0] : i32 from vector<1xi32>
        %dma_start3A_517 = arith.constant 0 : i32
        %dma_start3A_518 = tpu.memref_slice %arg9[%add3A_514, %dma_start3A_517] : memref<256x64xf32, #tpu.memory_space<vmem>> -> memref<1x64xf32, #tpu.memory_space<vmem>>
        %dma_start3A_519 = tpu.memref_squeeze %dma_start3A_518 : memref<1x64xf32, #tpu.memory_space<vmem>> -> memref<64xf32, #tpu.memory_space<vmem>>
        %dma_start3A_520 = arith.constant 0 : i32
        %dma_start3A_521 = tpu.memref_slice %arg4[%squeeze3A_516, %dma_start3A_520] : memref<1000000x64xf32, #tpu.memory_space<hbm>> -> memref<1x64xf32, #tpu.memory_space<hbm>>
        %dma_start3A_522 = tpu.memref_squeeze %dma_start3A_521 : memref<1x64xf32, #tpu.memory_space<hbm>> -> memref<64xf32, #tpu.memory_space<hbm>>
        %dma_start3A_523 = arith.constant 0 : i32
        %dma_start3A_524 = tpu.memref_slice %arg9[%add3A_514, %dma_start3A_523] : memref<256x64xf32, #tpu.memory_space<vmem>> -> memref<1x64xf32, #tpu.memory_space<vmem>>
        %dma_start3A_525 = tpu.memref_squeeze %dma_start3A_524 : memref<1x64xf32, #tpu.memory_space<vmem>> -> memref<64xf32, #tpu.memory_space<vmem>>
        %dma_start3A_526 = arith.constant 0 : i32
        %dma_start3A_527 = tpu.memref_slice %arg4[%squeeze3A_516, %dma_start3A_526] : memref<1000000x64xf32, #tpu.memory_space<hbm>> -> memref<1x64xf32, #tpu.memory_space<hbm>>
        %dma_start3A_528 = tpu.memref_squeeze %dma_start3A_527 : memref<1x64xf32, #tpu.memory_space<hbm>> -> memref<64xf32, #tpu.memory_space<hbm>>
        tpu.enqueue_dma source(%dma_start3A_528 : memref<64xf32, #tpu.memory_space<hbm>>) target(%dma_start3A_525 : memref<64xf32, #tpu.memory_space<vmem>>) target_semaphore(%arg13 : memref<!tpu.dma_semaphore, #tpu.memory_space<semaphore_mem>>)
        %slice3A_529 = vector.extract_strided_slice %get3A_27 {offsets = [14], sizes = [1], strides = [1]} : vector<16xi32> to vector<1xi32>
        %squeeze3A_530 = vector.extract %slice3A_529[0] : i32 from vector<1xi32>
        %dma_start3A_531 = arith.constant 0 : i32
        %dma_start3A_532 = tpu.memref_slice %arg10[%add3A_514, %dma_start3A_531] : memref<256x64xf32, #tpu.memory_space<vmem>> -> memref<1x64xf32, #tpu.memory_space<vmem>>
        %dma_start3A_533 = tpu.memref_squeeze %dma_start3A_532 : memref<1x64xf32, #tpu.memory_space<vmem>> -> memref<64xf32, #tpu.memory_space<vmem>>
        %dma_start3A_534 = arith.constant 0 : i32
        %dma_start3A_535 = tpu.memref_slice %arg5[%squeeze3A_530, %dma_start3A_534] : memref<1000000x64xf32, #tpu.memory_space<hbm>> -> memref<1x64xf32, #tpu.memory_space<hbm>>
        %dma_start3A_536 = tpu.memref_squeeze %dma_start3A_535 : memref<1x64xf32, #tpu.memory_space<hbm>> -> memref<64xf32, #tpu.memory_space<hbm>>
        %dma_start3A_537 = arith.constant 0 : i32
        %dma_start3A_538 = tpu.memref_slice %arg10[%add3A_514, %dma_start3A_537] : memref<256x64xf32, #tpu.memory_space<vmem>> -> memref<1x64xf32, #tpu.memory_space<vmem>>
        %dma_start3A_539 = tpu.memref_squeeze %dma_start3A_538 : memref<1x64xf32, #tpu.memory_space<vmem>> -> memref<64xf32, #tpu.memory_space<vmem>>
        %dma_start3A_540 = arith.constant 0 : i32
        %dma_start3A_541 = tpu.memref_slice %arg5[%squeeze3A_530, %dma_start3A_540] : memref<1000000x64xf32, #tpu.memory_space<hbm>> -> memref<1x64xf32, #tpu.memory_space<hbm>>
        %dma_start3A_542 = tpu.memref_squeeze %dma_start3A_541 : memref<1x64xf32, #tpu.memory_space<hbm>> -> memref<64xf32, #tpu.memory_space<hbm>>
        tpu.enqueue_dma source(%dma_start3A_542 : memref<64xf32, #tpu.memory_space<hbm>>) target(%dma_start3A_539 : memref<64xf32, #tpu.memory_space<vmem>>) target_semaphore(%arg15 : memref<!tpu.dma_semaphore, #tpu.memory_space<semaphore_mem>>)
        %mul3A_543 = arith.constant 16 : i32
        %mul3A_544 = arith.muli %scan3A_18, %mul3A_543 : i32
        %add3A_545 = arith.constant 128 : i32
        %add3A_546 = arith.addi %add3A_545, %mul3A_544 : i32
        %add3A_547 = arith.constant 15 : i32
        %add3A_548 = arith.addi %add3A_546, %add3A_547 : i32
        %slice3A_549 = vector.extract_strided_slice %get3A_25 {offsets = [15], sizes = [1], strides = [1]} : vector<16xi32> to vector<1xi32>
        %squeeze3A_550 = vector.extract %slice3A_549[0] : i32 from vector<1xi32>
        %dma_start3A_551 = arith.constant 0 : i32
        %dma_start3A_552 = tpu.memref_slice %arg9[%add3A_548, %dma_start3A_551] : memref<256x64xf32, #tpu.memory_space<vmem>> -> memref<1x64xf32, #tpu.memory_space<vmem>>
        %dma_start3A_553 = tpu.memref_squeeze %dma_start3A_552 : memref<1x64xf32, #tpu.memory_space<vmem>> -> memref<64xf32, #tpu.memory_space<vmem>>
        %dma_start3A_554 = arith.constant 0 : i32
        %dma_start3A_555 = tpu.memref_slice %arg4[%squeeze3A_550, %dma_start3A_554] : memref<1000000x64xf32, #tpu.memory_space<hbm>> -> memref<1x64xf32, #tpu.memory_space<hbm>>
        %dma_start3A_556 = tpu.memref_squeeze %dma_start3A_555 : memref<1x64xf32, #tpu.memory_space<hbm>> -> memref<64xf32, #tpu.memory_space<hbm>>
        %dma_start3A_557 = arith.constant 0 : i32
        %dma_start3A_558 = tpu.memref_slice %arg9[%add3A_548, %dma_start3A_557] : memref<256x64xf32, #tpu.memory_space<vmem>> -> memref<1x64xf32, #tpu.memory_space<vmem>>
        %dma_start3A_559 = tpu.memref_squeeze %dma_start3A_558 : memref<1x64xf32, #tpu.memory_space<vmem>> -> memref<64xf32, #tpu.memory_space<vmem>>
        %dma_start3A_560 = arith.constant 0 : i32
        %dma_start3A_561 = tpu.memref_slice %arg4[%squeeze3A_550, %dma_start3A_560] : memref<1000000x64xf32, #tpu.memory_space<hbm>> -> memref<1x64xf32, #tpu.memory_space<hbm>>
        %dma_start3A_562 = tpu.memref_squeeze %dma_start3A_561 : memref<1x64xf32, #tpu.memory_space<hbm>> -> memref<64xf32, #tpu.memory_space<hbm>>
        tpu.enqueue_dma source(%dma_start3A_562 : memref<64xf32, #tpu.memory_space<hbm>>) target(%dma_start3A_559 : memref<64xf32, #tpu.memory_space<vmem>>) target_semaphore(%arg13 : memref<!tpu.dma_semaphore, #tpu.memory_space<semaphore_mem>>)
        %slice3A_563 = vector.extract_strided_slice %get3A_27 {offsets = [15], sizes = [1], strides = [1]} : vector<16xi32> to vector<1xi32>
        %squeeze3A_564 = vector.extract %slice3A_563[0] : i32 from vector<1xi32>
        %dma_start3A_565 = arith.constant 0 : i32
        %dma_start3A_566 = tpu.memref_slice %arg10[%add3A_548, %dma_start3A_565] : memref<256x64xf32, #tpu.memory_space<vmem>> -> memref<1x64xf32, #tpu.memory_space<vmem>>
        %dma_start3A_567 = tpu.memref_squeeze %dma_start3A_566 : memref<1x64xf32, #tpu.memory_space<vmem>> -> memref<64xf32, #tpu.memory_space<vmem>>
        %dma_start3A_568 = arith.constant 0 : i32
        %dma_start3A_569 = tpu.memref_slice %arg5[%squeeze3A_564, %dma_start3A_568] : memref<1000000x64xf32, #tpu.memory_space<hbm>> -> memref<1x64xf32, #tpu.memory_space<hbm>>
        %dma_start3A_570 = tpu.memref_squeeze %dma_start3A_569 : memref<1x64xf32, #tpu.memory_space<hbm>> -> memref<64xf32, #tpu.memory_space<hbm>>
        %dma_start3A_571 = arith.constant 0 : i32
        %dma_start3A_572 = tpu.memref_slice %arg10[%add3A_548, %dma_start3A_571] : memref<256x64xf32, #tpu.memory_space<vmem>> -> memref<1x64xf32, #tpu.memory_space<vmem>>
        %dma_start3A_573 = tpu.memref_squeeze %dma_start3A_572 : memref<1x64xf32, #tpu.memory_space<vmem>> -> memref<64xf32, #tpu.memory_space<vmem>>
        %dma_start3A_574 = arith.constant 0 : i32
        %dma_start3A_575 = tpu.memref_slice %arg5[%squeeze3A_564, %dma_start3A_574] : memref<1000000x64xf32, #tpu.memory_space<hbm>> -> memref<1x64xf32, #tpu.memory_space<hbm>>
        %dma_start3A_576 = tpu.memref_squeeze %dma_start3A_575 : memref<1x64xf32, #tpu.memory_space<hbm>> -> memref<64xf32, #tpu.memory_space<hbm>>
        tpu.enqueue_dma source(%dma_start3A_576 : memref<64xf32, #tpu.memory_space<hbm>>) target(%dma_start3A_573 : memref<64xf32, #tpu.memory_space<vmem>>) target_semaphore(%arg15 : memref<!tpu.dma_semaphore, #tpu.memory_space<semaphore_mem>>)
      } else {
      }
      %scan3A_35 = arith.constant 0 : i32
      scf.yield %scan3A_35 : i32
    }
    %scan3A_10 = arith.constant 8 : i32
    %scan3A_11 = arith.constant 0 : i32
    %scan3A_12 = arith.constant 0 : i32
    %scan3A_13 = arith.constant 4 : i32
    %scan3A_14 = arith.addi %scan3A_12, %scan3A_13 : i32
    %scan3A_15 = arith.constant 1 : i32
    %scan3A_16 = scf.for %scan3A_18 = %scan3A_12 to %scan3A_14 step %scan3A_15 iter_args(%scan3A_19 = %scan3A_11) -> (i32)  : i32 {
      %add3A_20 = arith.constant 1 : i32
      %add3A_21 = arith.addi %scan3A_18, %add3A_20 : i32
      %lt3A = arith.constant 4 : i32
      %lt3A_22 = arith.cmpi slt, %add3A_21, %lt3A : i32
      %convert_element_type3A = arith.extui %lt3A_22 : i1 to i32
      %cond3A = arith.constant 0 : i32
      %cond3A_23 = arith.cmpi ne, %convert_element_type3A, %cond3A : i32
      scf.if %cond3A_23 {
        %add3A_45 = arith.constant 1 : i32
        %add3A_46 = arith.addi %scan3A_18, %add3A_45 : i32
        %rem3A_47 = arith.constant 2 : i32
        %rem3A_48 = arith.remsi %add3A_46, %rem3A_47 : i32
        %scan3A_49 = arith.constant 0 : i32
        %scan3A_50 = arith.constant 0 : i32
        %scan3A_51 = arith.constant 8 : i32
        %scan3A_52 = arith.addi %scan3A_50, %scan3A_51 : i32
        %scan3A_53 = arith.constant 1 : i32
        %scan3A_54 = scf.for %scan3A_56 = %scan3A_50 to %scan3A_52 step %scan3A_53 iter_args(%scan3A_57 = %scan3A_49) -> (i32)  : i32 {
          %mul3A_58 = arith.constant 128 : i32
          %mul3A_59 = arith.muli %add3A_46, %mul3A_58 : i32
          %mul3A_60 = arith.constant 16 : i32
          %mul3A_61 = arith.muli %scan3A_56, %mul3A_60 : i32
          %add3A_62 = arith.addi %mul3A_59, %mul3A_61 : i32
          %multiple_of3A_63 = tpu.assume_multiple %add3A_62, 8 : i32
          %get3A = arith.index_cast %multiple_of3A_63 : i32 to index
          %get3A_64 = tpu.vector_load %arg7[%get3A] {strides = array<i32>} : memref<512xi32, #tpu.memory_space<vmem>>, vector<16xi32>,
          %get3A_65 = arith.index_cast %multiple_of3A_63 : i32 to index
          %get3A_66 = tpu.vector_load %arg8[%get3A_65] {strides = array<i32>} : memref<512xi32, #tpu.memory_space<vmem>>, vector<16xi32>,
          %eq3A = arith.constant 0 : i32
          %eq3A_67 = arith.cmpi eq, %rem3A_48, %eq3A : i32
          %convert_element_type3A_68 = arith.extui %eq3A_67 : i1 to i32
          %cond3A_69 = arith.constant 0 : i32
          %cond3A_70 = arith.cmpi ne, %convert_element_type3A_68, %cond3A_69 : i32
          scf.if %cond3A_70 {
            %mul3A_77 = arith.constant 16 : i32
            %mul3A_78 = arith.muli %scan3A_56, %mul3A_77 : i32
            %add3A_79 = arith.constant 0 : i32
            %add3A_80 = arith.addi %mul3A_78, %add3A_79 : i32
            %slice3A = vector.extract_strided_slice %get3A_64 {offsets = [0], sizes = [1], strides = [1]} : vector<16xi32> to vector<1xi32>
            %squeeze3A = vector.extract %slice3A[0] : i32 from vector<1xi32>
            %dma_start3A = arith.constant 0 : i32
            %dma_start3A_81 = tpu.memref_slice %arg9[%add3A_80, %dma_start3A] : memref<256x64xf32, #tpu.memory_space<vmem>> -> memref<1x64xf32, #tpu.memory_space<vmem>>
            %dma_start3A_82 = tpu.memref_squeeze %dma_start3A_81 : memref<1x64xf32, #tpu.memory_space<vmem>> -> memref<64xf32, #tpu.memory_space<vmem>>
            %dma_start3A_83 = arith.constant 0 : i32
            %dma_start3A_84 = tpu.memref_slice %arg4[%squeeze3A, %dma_start3A_83] : memref<1000000x64xf32, #tpu.memory_space<hbm>> -> memref<1x64xf32, #tpu.memory_space<hbm>>
            %dma_start3A_85 = tpu.memref_squeeze %dma_start3A_84 : memref<1x64xf32, #tpu.memory_space<hbm>> -> memref<64xf32, #tpu.memory_space<hbm>>
            %dma_start3A_86 = arith.constant 0 : i32
            %dma_start3A_87 = tpu.memref_slice %arg9[%add3A_80, %dma_start3A_86] : memref<256x64xf32, #tpu.memory_space<vmem>> -> memref<1x64xf32, #tpu.memory_space<vmem>>
            %dma_start3A_88 = tpu.memref_squeeze %dma_start3A_87 : memref<1x64xf32, #tpu.memory_space<vmem>> -> memref<64xf32, #tpu.memory_space<vmem>>
            %dma_start3A_89 = arith.constant 0 : i32
            %dma_start3A_90 = tpu.memref_slice %arg4[%squeeze3A, %dma_start3A_89] : memref<1000000x64xf32, #tpu.memory_space<hbm>> -> memref<1x64xf32, #tpu.memory_space<hbm>>
            %dma_start3A_91 = tpu.memref_squeeze %dma_start3A_90 : memref<1x64xf32, #tpu.memory_space<hbm>> -> memref<64xf32, #tpu.memory_space<hbm>>
            tpu.enqueue_dma source(%dma_start3A_91 : memref<64xf32, #tpu.memory_space<hbm>>) target(%dma_start3A_88 : memref<64xf32, #tpu.memory_space<vmem>>) target_semaphore(%arg12 : memref<!tpu.dma_semaphore, #tpu.memory_space<semaphore_mem>>)
            %slice3A_92 = vector.extract_strided_slice %get3A_66 {offsets = [0], sizes = [1], strides = [1]} : vector<16xi32> to vector<1xi32>
            %squeeze3A_93 = vector.extract %slice3A_92[0] : i32 from vector<1xi32>
            %dma_start3A_94 = arith.constant 0 : i32
            %dma_start3A_95 = tpu.memref_slice %arg10[%add3A_80, %dma_start3A_94] : memref<256x64xf32, #tpu.memory_space<vmem>> -> memref<1x64xf32, #tpu.memory_space<vmem>>
            %dma_start3A_96 = tpu.memref_squeeze %dma_start3A_95 : memref<1x64xf32, #tpu.memory_space<vmem>> -> memref<64xf32, #tpu.memory_space<vmem>>
            %dma_start3A_97 = arith.constant 0 : i32
            %dma_start3A_98 = tpu.memref_slice %arg5[%squeeze3A_93, %dma_start3A_97] : memref<1000000x64xf32, #tpu.memory_space<hbm>> -> memref<1x64xf32, #tpu.memory_space<hbm>>
            %dma_start3A_99 = tpu.memref_squeeze %dma_start3A_98 : memref<1x64xf32, #tpu.memory_space<hbm>> -> memref<64xf32, #tpu.memory_space<hbm>>
            %dma_start3A_100 = arith.constant 0 : i32
            %dma_start3A_101 = tpu.memref_slice %arg10[%add3A_80, %dma_start3A_100] : memref<256x64xf32, #tpu.memory_space<vmem>> -> memref<1x64xf32, #tpu.memory_space<vmem>>
            %dma_start3A_102 = tpu.memref_squeeze %dma_start3A_101 : memref<1x64xf32, #tpu.memory_space<vmem>> -> memref<64xf32, #tpu.memory_space<vmem>>
            %dma_start3A_103 = arith.constant 0 : i32
            %dma_start3A_104 = tpu.memref_slice %arg5[%squeeze3A_93, %dma_start3A_103] : memref<1000000x64xf32, #tpu.memory_space<hbm>> -> memref<1x64xf32, #tpu.memory_space<hbm>>
            %dma_start3A_105 = tpu.memref_squeeze %dma_start3A_104 : memref<1x64xf32, #tpu.memory_space<hbm>> -> memref<64xf32, #tpu.memory_space<hbm>>
            tpu.enqueue_dma source(%dma_start3A_105 : memref<64xf32, #tpu.memory_space<hbm>>) target(%dma_start3A_102 : memref<64xf32, #tpu.memory_space<vmem>>) target_semaphore(%arg14 : memref<!tpu.dma_semaphore, #tpu.memory_space<semaphore_mem>>)
            %mul3A_106 = arith.constant 16 : i32
            %mul3A_107 = arith.muli %scan3A_56, %mul3A_106 : i32
            %add3A_108 = arith.constant 1 : i32
            %add3A_109 = arith.addi %mul3A_107, %add3A_108 : i32
            %slice3A_110 = vector.extract_strided_slice %get3A_64 {offsets = [1], sizes = [1], strides = [1]} : vector<16xi32> to vector<1xi32>
            %squeeze3A_111 = vector.extract %slice3A_110[0] : i32 from vector<1xi32>
            %dma_start3A_112 = arith.constant 0 : i32
            %dma_start3A_113 = tpu.memref_slice %arg9[%add3A_109, %dma_start3A_112] : memref<256x64xf32, #tpu.memory_space<vmem>> -> memref<1x64xf32, #tpu.memory_space<vmem>>
            %dma_start3A_114 = tpu.memref_squeeze %dma_start3A_113 : memref<1x64xf32, #tpu.memory_space<vmem>> -> memref<64xf32, #tpu.memory_space<vmem>>
            %dma_start3A_115 = arith.constant 0 : i32
            %dma_start3A_116 = tpu.memref_slice %arg4[%squeeze3A_111, %dma_start3A_115] : memref<1000000x64xf32, #tpu.memory_space<hbm>> -> memref<1x64xf32, #tpu.memory_space<hbm>>
            %dma_start3A_117 = tpu.memref_squeeze %dma_start3A_116 : memref<1x64xf32, #tpu.memory_space<hbm>> -> memref<64xf32, #tpu.memory_space<hbm>>
            %dma_start3A_118 = arith.constant 0 : i32
            %dma_start3A_119 = tpu.memref_slice %arg9[%add3A_109, %dma_start3A_118] : memref<256x64xf32, #tpu.memory_space<vmem>> -> memref<1x64xf32, #tpu.memory_space<vmem>>
            %dma_start3A_120 = tpu.memref_squeeze %dma_start3A_119 : memref<1x64xf32, #tpu.memory_space<vmem>> -> memref<64xf32, #tpu.memory_space<vmem>>
            %dma_start3A_121 = arith.constant 0 : i32
            %dma_start3A_122 = tpu.memref_slice %arg4[%squeeze3A_111, %dma_start3A_121] : memref<1000000x64xf32, #tpu.memory_space<hbm>> -> memref<1x64xf32, #tpu.memory_space<hbm>>
            %dma_start3A_123 = tpu.memref_squeeze %dma_start3A_122 : memref<1x64xf32, #tpu.memory_space<hbm>> -> memref<64xf32, #tpu.memory_space<hbm>>
            tpu.enqueue_dma source(%dma_start3A_123 : memref<64xf32, #tpu.memory_space<hbm>>) target(%dma_start3A_120 : memref<64xf32, #tpu.memory_space<vmem>>) target_semaphore(%arg12 : memref<!tpu.dma_semaphore, #tpu.memory_space<semaphore_mem>>)
            %slice3A_124 = vector.extract_strided_slice %get3A_66 {offsets = [1], sizes = [1], strides = [1]} : vector<16xi32> to vector<1xi32>
            %squeeze3A_125 = vector.extract %slice3A_124[0] : i32 from vector<1xi32>
            %dma_start3A_126 = arith.constant 0 : i32
            %dma_start3A_127 = tpu.memref_slice %arg10[%add3A_109, %dma_start3A_126] : memref<256x64xf32, #tpu.memory_space<vmem>> -> memref<1x64xf32, #tpu.memory_space<vmem>>
            %dma_start3A_128 = tpu.memref_squeeze %dma_start3A_127 : memref<1x64xf32, #tpu.memory_space<vmem>> -> memref<64xf32, #tpu.memory_space<vmem>>
            %dma_start3A_129 = arith.constant 0 : i32
            %dma_start3A_130 = tpu.memref_slice %arg5[%squeeze3A_125, %dma_start3A_129] : memref<1000000x64xf32, #tpu.memory_space<hbm>> -> memref<1x64xf32, #tpu.memory_space<hbm>>
            %dma_start3A_131 = tpu.memref_squeeze %dma_start3A_130 : memref<1x64xf32, #tpu.memory_space<hbm>> -> memref<64xf32, #tpu.memory_space<hbm>>
            %dma_start3A_132 = arith.constant 0 : i32
            %dma_start3A_133 = tpu.memref_slice %arg10[%add3A_109, %dma_start3A_132] : memref<256x64xf32, #tpu.memory_space<vmem>> -> memref<1x64xf32, #tpu.memory_space<vmem>>
            %dma_start3A_134 = tpu.memref_squeeze %dma_start3A_133 : memref<1x64xf32, #tpu.memory_space<vmem>> -> memref<64xf32, #tpu.memory_space<vmem>>
            %dma_start3A_135 = arith.constant 0 : i32
            %dma_start3A_136 = tpu.memref_slice %arg5[%squeeze3A_125, %dma_start3A_135] : memref<1000000x64xf32, #tpu.memory_space<hbm>> -> memref<1x64xf32, #tpu.memory_space<hbm>>
            %dma_start3A_137 = tpu.memref_squeeze %dma_start3A_136 : memref<1x64xf32, #tpu.memory_space<hbm>> -> memref<64xf32, #tpu.memory_space<hbm>>
            tpu.enqueue_dma source(%dma_start3A_137 : memref<64xf32, #tpu.memory_space<hbm>>) target(%dma_start3A_134 : memref<64xf32, #tpu.memory_space<vmem>>) target_semaphore(%arg14 : memref<!tpu.dma_semaphore, #tpu.memory_space<semaphore_mem>>)
            %mul3A_138 = arith.constant 16 : i32
            %mul3A_139 = arith.muli %scan3A_56, %mul3A_138 : i32
            %add3A_140 = arith.constant 2 : i32
            %add3A_141 = arith.addi %mul3A_139, %add3A_140 : i32
            %slice3A_142 = vector.extract_strided_slice %get3A_64 {offsets = [2], sizes = [1], strides = [1]} : vector<16xi32> to vector<1xi32>
            %squeeze3A_143 = vector.extract %slice3A_142[0] : i32 from vector<1xi32>
            %dma_start3A_144 = arith.constant 0 : i32
            %dma_start3A_145 = tpu.memref_slice %arg9[%add3A_141, %dma_start3A_144] : memref<256x64xf32, #tpu.memory_space<vmem>> -> memref<1x64xf32, #tpu.memory_space<vmem>>
            %dma_start3A_146 = tpu.memref_squeeze %dma_start3A_145 : memref<1x64xf32, #tpu.memory_space<vmem>> -> memref<64xf32, #tpu.memory_space<vmem>>
            %dma_start3A_147 = arith.constant 0 : i32
            %dma_start3A_148 = tpu.memref_slice %arg4[%squeeze3A_143, %dma_start3A_147] : memref<1000000x64xf32, #tpu.memory_space<hbm>> -> memref<1x64xf32, #tpu.memory_space<hbm>>
            %dma_start3A_149 = tpu.memref_squeeze %dma_start3A_148 : memref<1x64xf32, #tpu.memory_space<hbm>> -> memref<64xf32, #tpu.memory_space<hbm>>
            %dma_start3A_150 = arith.constant 0 : i32
            %dma_start3A_151 = tpu.memref_slice %arg9[%add3A_141, %dma_start3A_150] : memref<256x64xf32, #tpu.memory_space<vmem>> -> memref<1x64xf32, #tpu.memory_space<vmem>>
            %dma_start3A_152 = tpu.memref_squeeze %dma_start3A_151 : memref<1x64xf32, #tpu.memory_space<vmem>> -> memref<64xf32, #tpu.memory_space<vmem>>
            %dma_start3A_153 = arith.constant 0 : i32
            %dma_start3A_154 = tpu.memref_slice %arg4[%squeeze3A_143, %dma_start3A_153] : memref<1000000x64xf32, #tpu.memory_space<hbm>> -> memref<1x64xf32, #tpu.memory_space<hbm>>
            %dma_start3A_155 = tpu.memref_squeeze %dma_start3A_154 : memref<1x64xf32, #tpu.memory_space<hbm>> -> memref<64xf32, #tpu.memory_space<hbm>>
            tpu.enqueue_dma source(%dma_start3A_155 : memref<64xf32, #tpu.memory_space<hbm>>) target(%dma_start3A_152 : memref<64xf32, #tpu.memory_space<vmem>>) target_semaphore(%arg12 : memref<!tpu.dma_semaphore, #tpu.memory_space<semaphore_mem>>)
            %slice3A_156 = vector.extract_strided_slice %get3A_66 {offsets = [2], sizes = [1], strides = [1]} : vector<16xi32> to vector<1xi32>
            %squeeze3A_157 = vector.extract %slice3A_156[0] : i32 from vector<1xi32>
            %dma_start3A_158 = arith.constant 0 : i32
            %dma_start3A_159 = tpu.memref_slice %arg10[%add3A_141, %dma_start3A_158] : memref<256x64xf32, #tpu.memory_space<vmem>> -> memref<1x64xf32, #tpu.memory_space<vmem>>
            %dma_start3A_160 = tpu.memref_squeeze %dma_start3A_159 : memref<1x64xf32, #tpu.memory_space<vmem>> -> memref<64xf32, #tpu.memory_space<vmem>>
            %dma_start3A_161 = arith.constant 0 : i32
            %dma_start3A_162 = tpu.memref_slice %arg5[%squeeze3A_157, %dma_start3A_161] : memref<1000000x64xf32, #tpu.memory_space<hbm>> -> memref<1x64xf32, #tpu.memory_space<hbm>>
            %dma_start3A_163 = tpu.memref_squeeze %dma_start3A_162 : memref<1x64xf32, #tpu.memory_space<hbm>> -> memref<64xf32, #tpu.memory_space<hbm>>
            %dma_start3A_164 = arith.constant 0 : i32
            %dma_start3A_165 = tpu.memref_slice %arg10[%add3A_141, %dma_start3A_164] : memref<256x64xf32, #tpu.memory_space<vmem>> -> memref<1x64xf32, #tpu.memory_space<vmem>>
            %dma_start3A_166 = tpu.memref_squeeze %dma_start3A_165 : memref<1x64xf32, #tpu.memory_space<vmem>> -> memref<64xf32, #tpu.memory_space<vmem>>
            %dma_start3A_167 = arith.constant 0 : i32
            %dma_start3A_168 = tpu.memref_slice %arg5[%squeeze3A_157, %dma_start3A_167] : memref<1000000x64xf32, #tpu.memory_space<hbm>> -> memref<1x64xf32, #tpu.memory_space<hbm>>
            %dma_start3A_169 = tpu.memref_squeeze %dma_start3A_168 : memref<1x64xf32, #tpu.memory_space<hbm>> -> memref<64xf32, #tpu.memory_space<hbm>>
            tpu.enqueue_dma source(%dma_start3A_169 : memref<64xf32, #tpu.memory_space<hbm>>) target(%dma_start3A_166 : memref<64xf32, #tpu.memory_space<vmem>>) target_semaphore(%arg14 : memref<!tpu.dma_semaphore, #tpu.memory_space<semaphore_mem>>)
            %mul3A_170 = arith.constant 16 : i32
            %mul3A_171 = arith.muli %scan3A_56, %mul3A_170 : i32
            %add3A_172 = arith.constant 3 : i32
            %add3A_173 = arith.addi %mul3A_171, %add3A_172 : i32
            %slice3A_174 = vector.extract_strided_slice %get3A_64 {offsets = [3], sizes = [1], strides = [1]} : vector<16xi32> to vector<1xi32>
            %squeeze3A_175 = vector.extract %slice3A_174[0] : i32 from vector<1xi32>
            %dma_start3A_176 = arith.constant 0 : i32
            %dma_start3A_177 = tpu.memref_slice %arg9[%add3A_173, %dma_start3A_176] : memref<256x64xf32, #tpu.memory_space<vmem>> -> memref<1x64xf32, #tpu.memory_space<vmem>>
            %dma_start3A_178 = tpu.memref_squeeze %dma_start3A_177 : memref<1x64xf32, #tpu.memory_space<vmem>> -> memref<64xf32, #tpu.memory_space<vmem>>
            %dma_start3A_179 = arith.constant 0 : i32
            %dma_start3A_180 = tpu.memref_slice %arg4[%squeeze3A_175, %dma_start3A_179] : memref<1000000x64xf32, #tpu.memory_space<hbm>> -> memref<1x64xf32, #tpu.memory_space<hbm>>
            %dma_start3A_181 = tpu.memref_squeeze %dma_start3A_180 : memref<1x64xf32, #tpu.memory_space<hbm>> -> memref<64xf32, #tpu.memory_space<hbm>>
            %dma_start3A_182 = arith.constant 0 : i32
            %dma_start3A_183 = tpu.memref_slice %arg9[%add3A_173, %dma_start3A_182] : memref<256x64xf32, #tpu.memory_space<vmem>> -> memref<1x64xf32, #tpu.memory_space<vmem>>
            %dma_start3A_184 = tpu.memref_squeeze %dma_start3A_183 : memref<1x64xf32, #tpu.memory_space<vmem>> -> memref<64xf32, #tpu.memory_space<vmem>>
            %dma_start3A_185 = arith.constant 0 : i32
            %dma_start3A_186 = tpu.memref_slice %arg4[%squeeze3A_175, %dma_start3A_185] : memref<1000000x64xf32, #tpu.memory_space<hbm>> -> memref<1x64xf32, #tpu.memory_space<hbm>>
            %dma_start3A_187 = tpu.memref_squeeze %dma_start3A_186 : memref<1x64xf32, #tpu.memory_space<hbm>> -> memref<64xf32, #tpu.memory_space<hbm>>
            tpu.enqueue_dma source(%dma_start3A_187 : memref<64xf32, #tpu.memory_space<hbm>>) target(%dma_start3A_184 : memref<64xf32, #tpu.memory_space<vmem>>) target_semaphore(%arg12 : memref<!tpu.dma_semaphore, #tpu.memory_space<semaphore_mem>>)
            %slice3A_188 = vector.extract_strided_slice %get3A_66 {offsets = [3], sizes = [1], strides = [1]} : vector<16xi32> to vector<1xi32>
            %squeeze3A_189 = vector.extract %slice3A_188[0] : i32 from vector<1xi32>
            %dma_start3A_190 = arith.constant 0 : i32
            %dma_start3A_191 = tpu.memref_slice %arg10[%add3A_173, %dma_start3A_190] : memref<256x64xf32, #tpu.memory_space<vmem>> -> memref<1x64xf32, #tpu.memory_space<vmem>>
            %dma_start3A_192 = tpu.memref_squeeze %dma_start3A_191 : memref<1x64xf32, #tpu.memory_space<vmem>> -> memref<64xf32, #tpu.memory_space<vmem>>
            %dma_start3A_193 = arith.constant 0 : i32
            %dma_start3A_194 = tpu.memref_slice %arg5[%squeeze3A_189, %dma_start3A_193] : memref<1000000x64xf32, #tpu.memory_space<hbm>> -> memref<1x64xf32, #tpu.memory_space<hbm>>
            %dma_start3A_195 = tpu.memref_squeeze %dma_start3A_194 : memref<1x64xf32, #tpu.memory_space<hbm>> -> memref<64xf32, #tpu.memory_space<hbm>>
            %dma_start3A_196 = arith.constant 0 : i32
            %dma_start3A_197 = tpu.memref_slice %arg10[%add3A_173, %dma_start3A_196] : memref<256x64xf32, #tpu.memory_space<vmem>> -> memref<1x64xf32, #tpu.memory_space<vmem>>
            %dma_start3A_198 = tpu.memref_squeeze %dma_start3A_197 : memref<1x64xf32, #tpu.memory_space<vmem>> -> memref<64xf32, #tpu.memory_space<vmem>>
            %dma_start3A_199 = arith.constant 0 : i32
            %dma_start3A_200 = tpu.memref_slice %arg5[%squeeze3A_189, %dma_start3A_199] : memref<1000000x64xf32, #tpu.memory_space<hbm>> -> memref<1x64xf32, #tpu.memory_space<hbm>>
            %dma_start3A_201 = tpu.memref_squeeze %dma_start3A_200 : memref<1x64xf32, #tpu.memory_space<hbm>> -> memref<64xf32, #tpu.memory_space<hbm>>
            tpu.enqueue_dma source(%dma_start3A_201 : memref<64xf32, #tpu.memory_space<hbm>>) target(%dma_start3A_198 : memref<64xf32, #tpu.memory_space<vmem>>) target_semaphore(%arg14 : memref<!tpu.dma_semaphore, #tpu.memory_space<semaphore_mem>>)
            %mul3A_202 = arith.constant 16 : i32
            %mul3A_203 = arith.muli %scan3A_56, %mul3A_202 : i32
            %add3A_204 = arith.constant 4 : i32
            %add3A_205 = arith.addi %mul3A_203, %add3A_204 : i32
            %slice3A_206 = vector.extract_strided_slice %get3A_64 {offsets = [4], sizes = [1], strides = [1]} : vector<16xi32> to vector<1xi32>
            %squeeze3A_207 = vector.extract %slice3A_206[0] : i32 from vector<1xi32>
            %dma_start3A_208 = arith.constant 0 : i32
            %dma_start3A_209 = tpu.memref_slice %arg9[%add3A_205, %dma_start3A_208] : memref<256x64xf32, #tpu.memory_space<vmem>> -> memref<1x64xf32, #tpu.memory_space<vmem>>
            %dma_start3A_210 = tpu.memref_squeeze %dma_start3A_209 : memref<1x64xf32, #tpu.memory_space<vmem>> -> memref<64xf32, #tpu.memory_space<vmem>>
            %dma_start3A_211 = arith.constant 0 : i32
            %dma_start3A_212 = tpu.memref_slice %arg4[%squeeze3A_207, %dma_start3A_211] : memref<1000000x64xf32, #tpu.memory_space<hbm>> -> memref<1x64xf32, #tpu.memory_space<hbm>>
            %dma_start3A_213 = tpu.memref_squeeze %dma_start3A_212 : memref<1x64xf32, #tpu.memory_space<hbm>> -> memref<64xf32, #tpu.memory_space<hbm>>
            %dma_start3A_214 = arith.constant 0 : i32
            %dma_start3A_215 = tpu.memref_slice %arg9[%add3A_205, %dma_start3A_214] : memref<256x64xf32, #tpu.memory_space<vmem>> -> memref<1x64xf32, #tpu.memory_space<vmem>>
            %dma_start3A_216 = tpu.memref_squeeze %dma_start3A_215 : memref<1x64xf32, #tpu.memory_space<vmem>> -> memref<64xf32, #tpu.memory_space<vmem>>
            %dma_start3A_217 = arith.constant 0 : i32
            %dma_start3A_218 = tpu.memref_slice %arg4[%squeeze3A_207, %dma_start3A_217] : memref<1000000x64xf32, #tpu.memory_space<hbm>> -> memref<1x64xf32, #tpu.memory_space<hbm>>
            %dma_start3A_219 = tpu.memref_squeeze %dma_start3A_218 : memref<1x64xf32, #tpu.memory_space<hbm>> -> memref<64xf32, #tpu.memory_space<hbm>>
            tpu.enqueue_dma source(%dma_start3A_219 : memref<64xf32, #tpu.memory_space<hbm>>) target(%dma_start3A_216 : memref<64xf32, #tpu.memory_space<vmem>>) target_semaphore(%arg12 : memref<!tpu.dma_semaphore, #tpu.memory_space<semaphore_mem>>)
            %slice3A_220 = vector.extract_strided_slice %get3A_66 {offsets = [4], sizes = [1], strides = [1]} : vector<16xi32> to vector<1xi32>
            %squeeze3A_221 = vector.extract %slice3A_220[0] : i32 from vector<1xi32>
            %dma_start3A_222 = arith.constant 0 : i32
            %dma_start3A_223 = tpu.memref_slice %arg10[%add3A_205, %dma_start3A_222] : memref<256x64xf32, #tpu.memory_space<vmem>> -> memref<1x64xf32, #tpu.memory_space<vmem>>
            %dma_start3A_224 = tpu.memref_squeeze %dma_start3A_223 : memref<1x64xf32, #tpu.memory_space<vmem>> -> memref<64xf32, #tpu.memory_space<vmem>>
            %dma_start3A_225 = arith.constant 0 : i32
            %dma_start3A_226 = tpu.memref_slice %arg5[%squeeze3A_221, %dma_start3A_225] : memref<1000000x64xf32, #tpu.memory_space<hbm>> -> memref<1x64xf32, #tpu.memory_space<hbm>>
            %dma_start3A_227 = tpu.memref_squeeze %dma_start3A_226 : memref<1x64xf32, #tpu.memory_space<hbm>> -> memref<64xf32, #tpu.memory_space<hbm>>
            %dma_start3A_228 = arith.constant 0 : i32
            %dma_start3A_229 = tpu.memref_slice %arg10[%add3A_205, %dma_start3A_228] : memref<256x64xf32, #tpu.memory_space<vmem>> -> memref<1x64xf32, #tpu.memory_space<vmem>>
            %dma_start3A_230 = tpu.memref_squeeze %dma_start3A_229 : memref<1x64xf32, #tpu.memory_space<vmem>> -> memref<64xf32, #tpu.memory_space<vmem>>
            %dma_start3A_231 = arith.constant 0 : i32
            %dma_start3A_232 = tpu.memref_slice %arg5[%squeeze3A_221, %dma_start3A_231] : memref<1000000x64xf32, #tpu.memory_space<hbm>> -> memref<1x64xf32, #tpu.memory_space<hbm>>
            %dma_start3A_233 = tpu.memref_squeeze %dma_start3A_232 : memref<1x64xf32, #tpu.memory_space<hbm>> -> memref<64xf32, #tpu.memory_space<hbm>>
            tpu.enqueue_dma source(%dma_start3A_233 : memref<64xf32, #tpu.memory_space<hbm>>) target(%dma_start3A_230 : memref<64xf32, #tpu.memory_space<vmem>>) target_semaphore(%arg14 : memref<!tpu.dma_semaphore, #tpu.memory_space<semaphore_mem>>)
            %mul3A_234 = arith.constant 16 : i32
            %mul3A_235 = arith.muli %scan3A_56, %mul3A_234 : i32
            %add3A_236 = arith.constant 5 : i32
            %add3A_237 = arith.addi %mul3A_235, %add3A_236 : i32
            %slice3A_238 = vector.extract_strided_slice %get3A_64 {offsets = [5], sizes = [1], strides = [1]} : vector<16xi32> to vector<1xi32>
            %squeeze3A_239 = vector.extract %slice3A_238[0] : i32 from vector<1xi32>
            %dma_start3A_240 = arith.constant 0 : i32
            %dma_start3A_241 = tpu.memref_slice %arg9[%add3A_237, %dma_start3A_240] : memref<256x64xf32, #tpu.memory_space<vmem>> -> memref<1x64xf32, #tpu.memory_space<vmem>>
            %dma_start3A_242 = tpu.memref_squeeze %dma_start3A_241 : memref<1x64xf32, #tpu.memory_space<vmem>> -> memref<64xf32, #tpu.memory_space<vmem>>
            %dma_start3A_243 = arith.constant 0 : i32
            %dma_start3A_244 = tpu.memref_slice %arg4[%squeeze3A_239, %dma_start3A_243] : memref<1000000x64xf32, #tpu.memory_space<hbm>> -> memref<1x64xf32, #tpu.memory_space<hbm>>
            %dma_start3A_245 = tpu.memref_squeeze %dma_start3A_244 : memref<1x64xf32, #tpu.memory_space<hbm>> -> memref<64xf32, #tpu.memory_space<hbm>>
            %dma_start3A_246 = arith.constant 0 : i32
            %dma_start3A_247 = tpu.memref_slice %arg9[%add3A_237, %dma_start3A_246] : memref<256x64xf32, #tpu.memory_space<vmem>> -> memref<1x64xf32, #tpu.memory_space<vmem>>
            %dma_start3A_248 = tpu.memref_squeeze %dma_start3A_247 : memref<1x64xf32, #tpu.memory_space<vmem>> -> memref<64xf32, #tpu.memory_space<vmem>>
            %dma_start3A_249 = arith.constant 0 : i32
            %dma_start3A_250 = tpu.memref_slice %arg4[%squeeze3A_239, %dma_start3A_249] : memref<1000000x64xf32, #tpu.memory_space<hbm>> -> memref<1x64xf32, #tpu.memory_space<hbm>>
            %dma_start3A_251 = tpu.memref_squeeze %dma_start3A_250 : memref<1x64xf32, #tpu.memory_space<hbm>> -> memref<64xf32, #tpu.memory_space<hbm>>
            tpu.enqueue_dma source(%dma_start3A_251 : memref<64xf32, #tpu.memory_space<hbm>>) target(%dma_start3A_248 : memref<64xf32, #tpu.memory_space<vmem>>) target_semaphore(%arg12 : memref<!tpu.dma_semaphore, #tpu.memory_space<semaphore_mem>>)
            %slice3A_252 = vector.extract_strided_slice %get3A_66 {offsets = [5], sizes = [1], strides = [1]} : vector<16xi32> to vector<1xi32>
            %squeeze3A_253 = vector.extract %slice3A_252[0] : i32 from vector<1xi32>
            %dma_start3A_254 = arith.constant 0 : i32
            %dma_start3A_255 = tpu.memref_slice %arg10[%add3A_237, %dma_start3A_254] : memref<256x64xf32, #tpu.memory_space<vmem>> -> memref<1x64xf32, #tpu.memory_space<vmem>>
            %dma_start3A_256 = tpu.memref_squeeze %dma_start3A_255 : memref<1x64xf32, #tpu.memory_space<vmem>> -> memref<64xf32, #tpu.memory_space<vmem>>
            %dma_start3A_257 = arith.constant 0 : i32
            %dma_start3A_258 = tpu.memref_slice %arg5[%squeeze3A_253, %dma_start3A_257] : memref<1000000x64xf32, #tpu.memory_space<hbm>> -> memref<1x64xf32, #tpu.memory_space<hbm>>
            %dma_start3A_259 = tpu.memref_squeeze %dma_start3A_258 : memref<1x64xf32, #tpu.memory_space<hbm>> -> memref<64xf32, #tpu.memory_space<hbm>>
            %dma_start3A_260 = arith.constant 0 : i32
            %dma_start3A_261 = tpu.memref_slice %arg10[%add3A_237, %dma_start3A_260] : memref<256x64xf32, #tpu.memory_space<vmem>> -> memref<1x64xf32, #tpu.memory_space<vmem>>
            %dma_start3A_262 = tpu.memref_squeeze %dma_start3A_261 : memref<1x64xf32, #tpu.memory_space<vmem>> -> memref<64xf32, #tpu.memory_space<vmem>>
            %dma_start3A_263 = arith.constant 0 : i32
            %dma_start3A_264 = tpu.memref_slice %arg5[%squeeze3A_253, %dma_start3A_263] : memref<1000000x64xf32, #tpu.memory_space<hbm>> -> memref<1x64xf32, #tpu.memory_space<hbm>>
            %dma_start3A_265 = tpu.memref_squeeze %dma_start3A_264 : memref<1x64xf32, #tpu.memory_space<hbm>> -> memref<64xf32, #tpu.memory_space<hbm>>
            tpu.enqueue_dma source(%dma_start3A_265 : memref<64xf32, #tpu.memory_space<hbm>>) target(%dma_start3A_262 : memref<64xf32, #tpu.memory_space<vmem>>) target_semaphore(%arg14 : memref<!tpu.dma_semaphore, #tpu.memory_space<semaphore_mem>>)
            %mul3A_266 = arith.constant 16 : i32
            %mul3A_267 = arith.muli %scan3A_56, %mul3A_266 : i32
            %add3A_268 = arith.constant 6 : i32
            %add3A_269 = arith.addi %mul3A_267, %add3A_268 : i32
            %slice3A_270 = vector.extract_strided_slice %get3A_64 {offsets = [6], sizes = [1], strides = [1]} : vector<16xi32> to vector<1xi32>
            %squeeze3A_271 = vector.extract %slice3A_270[0] : i32 from vector<1xi32>
            %dma_start3A_272 = arith.constant 0 : i32
            %dma_start3A_273 = tpu.memref_slice %arg9[%add3A_269, %dma_start3A_272] : memref<256x64xf32, #tpu.memory_space<vmem>> -> memref<1x64xf32, #tpu.memory_space<vmem>>
            %dma_start3A_274 = tpu.memref_squeeze %dma_start3A_273 : memref<1x64xf32, #tpu.memory_space<vmem>> -> memref<64xf32, #tpu.memory_space<vmem>>
            %dma_start3A_275 = arith.constant 0 : i32
            %dma_start3A_276 = tpu.memref_slice %arg4[%squeeze3A_271, %dma_start3A_275] : memref<1000000x64xf32, #tpu.memory_space<hbm>> -> memref<1x64xf32, #tpu.memory_space<hbm>>
            %dma_start3A_277 = tpu.memref_squeeze %dma_start3A_276 : memref<1x64xf32, #tpu.memory_space<hbm>> -> memref<64xf32, #tpu.memory_space<hbm>>
            %dma_start3A_278 = arith.constant 0 : i32
            %dma_start3A_279 = tpu.memref_slice %arg9[%add3A_269, %dma_start3A_278] : memref<256x64xf32, #tpu.memory_space<vmem>> -> memref<1x64xf32, #tpu.memory_space<vmem>>
            %dma_start3A_280 = tpu.memref_squeeze %dma_start3A_279 : memref<1x64xf32, #tpu.memory_space<vmem>> -> memref<64xf32, #tpu.memory_space<vmem>>
            %dma_start3A_281 = arith.constant 0 : i32
            %dma_start3A_282 = tpu.memref_slice %arg4[%squeeze3A_271, %dma_start3A_281] : memref<1000000x64xf32, #tpu.memory_space<hbm>> -> memref<1x64xf32, #tpu.memory_space<hbm>>
            %dma_start3A_283 = tpu.memref_squeeze %dma_start3A_282 : memref<1x64xf32, #tpu.memory_space<hbm>> -> memref<64xf32, #tpu.memory_space<hbm>>
            tpu.enqueue_dma source(%dma_start3A_283 : memref<64xf32, #tpu.memory_space<hbm>>) target(%dma_start3A_280 : memref<64xf32, #tpu.memory_space<vmem>>) target_semaphore(%arg12 : memref<!tpu.dma_semaphore, #tpu.memory_space<semaphore_mem>>)
            %slice3A_284 = vector.extract_strided_slice %get3A_66 {offsets = [6], sizes = [1], strides = [1]} : vector<16xi32> to vector<1xi32>
            %squeeze3A_285 = vector.extract %slice3A_284[0] : i32 from vector<1xi32>
            %dma_start3A_286 = arith.constant 0 : i32
            %dma_start3A_287 = tpu.memref_slice %arg10[%add3A_269, %dma_start3A_286] : memref<256x64xf32, #tpu.memory_space<vmem>> -> memref<1x64xf32, #tpu.memory_space<vmem>>
            %dma_start3A_288 = tpu.memref_squeeze %dma_start3A_287 : memref<1x64xf32, #tpu.memory_space<vmem>> -> memref<64xf32, #tpu.memory_space<vmem>>
            %dma_start3A_289 = arith.constant 0 : i32
            %dma_start3A_290 = tpu.memref_slice %arg5[%squeeze3A_285, %dma_start3A_289] : memref<1000000x64xf32, #tpu.memory_space<hbm>> -> memref<1x64xf32, #tpu.memory_space<hbm>>
            %dma_start3A_291 = tpu.memref_squeeze %dma_start3A_290 : memref<1x64xf32, #tpu.memory_space<hbm>> -> memref<64xf32, #tpu.memory_space<hbm>>
            %dma_start3A_292 = arith.constant 0 : i32
            %dma_start3A_293 = tpu.memref_slice %arg10[%add3A_269, %dma_start3A_292] : memref<256x64xf32, #tpu.memory_space<vmem>> -> memref<1x64xf32, #tpu.memory_space<vmem>>
            %dma_start3A_294 = tpu.memref_squeeze %dma_start3A_293 : memref<1x64xf32, #tpu.memory_space<vmem>> -> memref<64xf32, #tpu.memory_space<vmem>>
            %dma_start3A_295 = arith.constant 0 : i32
            %dma_start3A_296 = tpu.memref_slice %arg5[%squeeze3A_285, %dma_start3A_295] : memref<1000000x64xf32, #tpu.memory_space<hbm>> -> memref<1x64xf32, #tpu.memory_space<hbm>>
            %dma_start3A_297 = tpu.memref_squeeze %dma_start3A_296 : memref<1x64xf32, #tpu.memory_space<hbm>> -> memref<64xf32, #tpu.memory_space<hbm>>
            tpu.enqueue_dma source(%dma_start3A_297 : memref<64xf32, #tpu.memory_space<hbm>>) target(%dma_start3A_294 : memref<64xf32, #tpu.memory_space<vmem>>) target_semaphore(%arg14 : memref<!tpu.dma_semaphore, #tpu.memory_space<semaphore_mem>>)
            %mul3A_298 = arith.constant 16 : i32
            %mul3A_299 = arith.muli %scan3A_56, %mul3A_298 : i32
            %add3A_300 = arith.constant 7 : i32
            %add3A_301 = arith.addi %mul3A_299, %add3A_300 : i32
            %slice3A_302 = vector.extract_strided_slice %get3A_64 {offsets = [7], sizes = [1], strides = [1]} : vector<16xi32> to vector<1xi32>
            %squeeze3A_303 = vector.extract %slice3A_302[0] : i32 from vector<1xi32>
            %dma_start3A_304 = arith.constant 0 : i32
            %dma_start3A_305 = tpu.memref_slice %arg9[%add3A_301, %dma_start3A_304] : memref<256x64xf32, #tpu.memory_space<vmem>> -> memref<1x64xf32, #tpu.memory_space<vmem>>
            %dma_start3A_306 = tpu.memref_squeeze %dma_start3A_305 : memref<1x64xf32, #tpu.memory_space<vmem>> -> memref<64xf32, #tpu.memory_space<vmem>>
            %dma_start3A_307 = arith.constant 0 : i32
            %dma_start3A_308 = tpu.memref_slice %arg4[%squeeze3A_303, %dma_start3A_307] : memref<1000000x64xf32, #tpu.memory_space<hbm>> -> memref<1x64xf32, #tpu.memory_space<hbm>>
            %dma_start3A_309 = tpu.memref_squeeze %dma_start3A_308 : memref<1x64xf32, #tpu.memory_space<hbm>> -> memref<64xf32, #tpu.memory_space<hbm>>
            %dma_start3A_310 = arith.constant 0 : i32
            %dma_start3A_311 = tpu.memref_slice %arg9[%add3A_301, %dma_start3A_310] : memref<256x64xf32, #tpu.memory_space<vmem>> -> memref<1x64xf32, #tpu.memory_space<vmem>>
            %dma_start3A_312 = tpu.memref_squeeze %dma_start3A_311 : memref<1x64xf32, #tpu.memory_space<vmem>> -> memref<64xf32, #tpu.memory_space<vmem>>
            %dma_start3A_313 = arith.constant 0 : i32
            %dma_start3A_314 = tpu.memref_slice %arg4[%squeeze3A_303, %dma_start3A_313] : memref<1000000x64xf32, #tpu.memory_space<hbm>> -> memref<1x64xf32, #tpu.memory_space<hbm>>
            %dma_start3A_315 = tpu.memref_squeeze %dma_start3A_314 : memref<1x64xf32, #tpu.memory_space<hbm>> -> memref<64xf32, #tpu.memory_space<hbm>>
            tpu.enqueue_dma source(%dma_start3A_315 : memref<64xf32, #tpu.memory_space<hbm>>) target(%dma_start3A_312 : memref<64xf32, #tpu.memory_space<vmem>>) target_semaphore(%arg12 : memref<!tpu.dma_semaphore, #tpu.memory_space<semaphore_mem>>)
            %slice3A_316 = vector.extract_strided_slice %get3A_66 {offsets = [7], sizes = [1], strides = [1]} : vector<16xi32> to vector<1xi32>
            %squeeze3A_317 = vector.extract %slice3A_316[0] : i32 from vector<1xi32>
            %dma_start3A_318 = arith.constant 0 : i32
            %dma_start3A_319 = tpu.memref_slice %arg10[%add3A_301, %dma_start3A_318] : memref<256x64xf32, #tpu.memory_space<vmem>> -> memref<1x64xf32, #tpu.memory_space<vmem>>
            %dma_start3A_320 = tpu.memref_squeeze %dma_start3A_319 : memref<1x64xf32, #tpu.memory_space<vmem>> -> memref<64xf32, #tpu.memory_space<vmem>>
            %dma_start3A_321 = arith.constant 0 : i32
            %dma_start3A_322 = tpu.memref_slice %arg5[%squeeze3A_317, %dma_start3A_321] : memref<1000000x64xf32, #tpu.memory_space<hbm>> -> memref<1x64xf32, #tpu.memory_space<hbm>>
            %dma_start3A_323 = tpu.memref_squeeze %dma_start3A_322 : memref<1x64xf32, #tpu.memory_space<hbm>> -> memref<64xf32, #tpu.memory_space<hbm>>
            %dma_start3A_324 = arith.constant 0 : i32
            %dma_start3A_325 = tpu.memref_slice %arg10[%add3A_301, %dma_start3A_324] : memref<256x64xf32, #tpu.memory_space<vmem>> -> memref<1x64xf32, #tpu.memory_space<vmem>>
            %dma_start3A_326 = tpu.memref_squeeze %dma_start3A_325 : memref<1x64xf32, #tpu.memory_space<vmem>> -> memref<64xf32, #tpu.memory_space<vmem>>
            %dma_start3A_327 = arith.constant 0 : i32
            %dma_start3A_328 = tpu.memref_slice %arg5[%squeeze3A_317, %dma_start3A_327] : memref<1000000x64xf32, #tpu.memory_space<hbm>> -> memref<1x64xf32, #tpu.memory_space<hbm>>
            %dma_start3A_329 = tpu.memref_squeeze %dma_start3A_328 : memref<1x64xf32, #tpu.memory_space<hbm>> -> memref<64xf32, #tpu.memory_space<hbm>>
            tpu.enqueue_dma source(%dma_start3A_329 : memref<64xf32, #tpu.memory_space<hbm>>) target(%dma_start3A_326 : memref<64xf32, #tpu.memory_space<vmem>>) target_semaphore(%arg14 : memref<!tpu.dma_semaphore, #tpu.memory_space<semaphore_mem>>)
            %mul3A_330 = arith.constant 16 : i32
            %mul3A_331 = arith.muli %scan3A_56, %mul3A_330 : i32
            %add3A_332 = arith.constant 8 : i32
            %add3A_333 = arith.addi %mul3A_331, %add3A_332 : i32
            %slice3A_334 = vector.extract_strided_slice %get3A_64 {offsets = [8], sizes = [1], strides = [1]} : vector<16xi32> to vector<1xi32>
            %squeeze3A_335 = vector.extract %slice3A_334[0] : i32 from vector<1xi32>
            %dma_start3A_336 = arith.constant 0 : i32
            %dma_start3A_337 = tpu.memref_slice %arg9[%add3A_333, %dma_start3A_336] : memref<256x64xf32, #tpu.memory_space<vmem>> -> memref<1x64xf32, #tpu.memory_space<vmem>>
            %dma_start3A_338 = tpu.memref_squeeze %dma_start3A_337 : memref<1x64xf32, #tpu.memory_space<vmem>> -> memref<64xf32, #tpu.memory_space<vmem>>
            %dma_start3A_339 = arith.constant 0 : i32
            %dma_start3A_340 = tpu.memref_slice %arg4[%squeeze3A_335, %dma_start3A_339] : memref<1000000x64xf32, #tpu.memory_space<hbm>> -> memref<1x64xf32, #tpu.memory_space<hbm>>
            %dma_start3A_341 = tpu.memref_squeeze %dma_start3A_340 : memref<1x64xf32, #tpu.memory_space<hbm>> -> memref<64xf32, #tpu.memory_space<hbm>>
            %dma_start3A_342 = arith.constant 0 : i32
            %dma_start3A_343 = tpu.memref_slice %arg9[%add3A_333, %dma_start3A_342] : memref<256x64xf32, #tpu.memory_space<vmem>> -> memref<1x64xf32, #tpu.memory_space<vmem>>
            %dma_start3A_344 = tpu.memref_squeeze %dma_start3A_343 : memref<1x64xf32, #tpu.memory_space<vmem>> -> memref<64xf32, #tpu.memory_space<vmem>>
            %dma_start3A_345 = arith.constant 0 : i32
            %dma_start3A_346 = tpu.memref_slice %arg4[%squeeze3A_335, %dma_start3A_345] : memref<1000000x64xf32, #tpu.memory_space<hbm>> -> memref<1x64xf32, #tpu.memory_space<hbm>>
            %dma_start3A_347 = tpu.memref_squeeze %dma_start3A_346 : memref<1x64xf32, #tpu.memory_space<hbm>> -> memref<64xf32, #tpu.memory_space<hbm>>
            tpu.enqueue_dma source(%dma_start3A_347 : memref<64xf32, #tpu.memory_space<hbm>>) target(%dma_start3A_344 : memref<64xf32, #tpu.memory_space<vmem>>) target_semaphore(%arg12 : memref<!tpu.dma_semaphore, #tpu.memory_space<semaphore_mem>>)
            %slice3A_348 = vector.extract_strided_slice %get3A_66 {offsets = [8], sizes = [1], strides = [1]} : vector<16xi32> to vector<1xi32>
            %squeeze3A_349 = vector.extract %slice3A_348[0] : i32 from vector<1xi32>
            %dma_start3A_350 = arith.constant 0 : i32
            %dma_start3A_351 = tpu.memref_slice %arg10[%add3A_333, %dma_start3A_350] : memref<256x64xf32, #tpu.memory_space<vmem>> -> memref<1x64xf32, #tpu.memory_space<vmem>>
            %dma_start3A_352 = tpu.memref_squeeze %dma_start3A_351 : memref<1x64xf32, #tpu.memory_space<vmem>> -> memref<64xf32, #tpu.memory_space<vmem>>
            %dma_start3A_353 = arith.constant 0 : i32
            %dma_start3A_354 = tpu.memref_slice %arg5[%squeeze3A_349, %dma_start3A_353] : memref<1000000x64xf32, #tpu.memory_space<hbm>> -> memref<1x64xf32, #tpu.memory_space<hbm>>
            %dma_start3A_355 = tpu.memref_squeeze %dma_start3A_354 : memref<1x64xf32, #tpu.memory_space<hbm>> -> memref<64xf32, #tpu.memory_space<hbm>>
            %dma_start3A_356 = arith.constant 0 : i32
            %dma_start3A_357 = tpu.memref_slice %arg10[%add3A_333, %dma_start3A_356] : memref<256x64xf32, #tpu.memory_space<vmem>> -> memref<1x64xf32, #tpu.memory_space<vmem>>
            %dma_start3A_358 = tpu.memref_squeeze %dma_start3A_357 : memref<1x64xf32, #tpu.memory_space<vmem>> -> memref<64xf32, #tpu.memory_space<vmem>>
            %dma_start3A_359 = arith.constant 0 : i32
            %dma_start3A_360 = tpu.memref_slice %arg5[%squeeze3A_349, %dma_start3A_359] : memref<1000000x64xf32, #tpu.memory_space<hbm>> -> memref<1x64xf32, #tpu.memory_space<hbm>>
            %dma_start3A_361 = tpu.memref_squeeze %dma_start3A_360 : memref<1x64xf32, #tpu.memory_space<hbm>> -> memref<64xf32, #tpu.memory_space<hbm>>
            tpu.enqueue_dma source(%dma_start3A_361 : memref<64xf32, #tpu.memory_space<hbm>>) target(%dma_start3A_358 : memref<64xf32, #tpu.memory_space<vmem>>) target_semaphore(%arg14 : memref<!tpu.dma_semaphore, #tpu.memory_space<semaphore_mem>>)
            %mul3A_362 = arith.constant 16 : i32
            %mul3A_363 = arith.muli %scan3A_56, %mul3A_362 : i32
            %add3A_364 = arith.constant 9 : i32
            %add3A_365 = arith.addi %mul3A_363, %add3A_364 : i32
            %slice3A_366 = vector.extract_strided_slice %get3A_64 {offsets = [9], sizes = [1], strides = [1]} : vector<16xi32> to vector<1xi32>
            %squeeze3A_367 = vector.extract %slice3A_366[0] : i32 from vector<1xi32>
            %dma_start3A_368 = arith.constant 0 : i32
            %dma_start3A_369 = tpu.memref_slice %arg9[%add3A_365, %dma_start3A_368] : memref<256x64xf32, #tpu.memory_space<vmem>> -> memref<1x64xf32, #tpu.memory_space<vmem>>
            %dma_start3A_370 = tpu.memref_squeeze %dma_start3A_369 : memref<1x64xf32, #tpu.memory_space<vmem>> -> memref<64xf32, #tpu.memory_space<vmem>>
            %dma_start3A_371 = arith.constant 0 : i32
            %dma_start3A_372 = tpu.memref_slice %arg4[%squeeze3A_367, %dma_start3A_371] : memref<1000000x64xf32, #tpu.memory_space<hbm>> -> memref<1x64xf32, #tpu.memory_space<hbm>>
            %dma_start3A_373 = tpu.memref_squeeze %dma_start3A_372 : memref<1x64xf32, #tpu.memory_space<hbm>> -> memref<64xf32, #tpu.memory_space<hbm>>
            %dma_start3A_374 = arith.constant 0 : i32
            %dma_start3A_375 = tpu.memref_slice %arg9[%add3A_365, %dma_start3A_374] : memref<256x64xf32, #tpu.memory_space<vmem>> -> memref<1x64xf32, #tpu.memory_space<vmem>>
            %dma_start3A_376 = tpu.memref_squeeze %dma_start3A_375 : memref<1x64xf32, #tpu.memory_space<vmem>> -> memref<64xf32, #tpu.memory_space<vmem>>
            %dma_start3A_377 = arith.constant 0 : i32
            %dma_start3A_378 = tpu.memref_slice %arg4[%squeeze3A_367, %dma_start3A_377] : memref<1000000x64xf32, #tpu.memory_space<hbm>> -> memref<1x64xf32, #tpu.memory_space<hbm>>
            %dma_start3A_379 = tpu.memref_squeeze %dma_start3A_378 : memref<1x64xf32, #tpu.memory_space<hbm>> -> memref<64xf32, #tpu.memory_space<hbm>>
            tpu.enqueue_dma source(%dma_start3A_379 : memref<64xf32, #tpu.memory_space<hbm>>) target(%dma_start3A_376 : memref<64xf32, #tpu.memory_space<vmem>>) target_semaphore(%arg12 : memref<!tpu.dma_semaphore, #tpu.memory_space<semaphore_mem>>)
            %slice3A_380 = vector.extract_strided_slice %get3A_66 {offsets = [9], sizes = [1], strides = [1]} : vector<16xi32> to vector<1xi32>
            %squeeze3A_381 = vector.extract %slice3A_380[0] : i32 from vector<1xi32>
            %dma_start3A_382 = arith.constant 0 : i32
            %dma_start3A_383 = tpu.memref_slice %arg10[%add3A_365, %dma_start3A_382] : memref<256x64xf32, #tpu.memory_space<vmem>> -> memref<1x64xf32, #tpu.memory_space<vmem>>
            %dma_start3A_384 = tpu.memref_squeeze %dma_start3A_383 : memref<1x64xf32, #tpu.memory_space<vmem>> -> memref<64xf32, #tpu.memory_space<vmem>>
            %dma_start3A_385 = arith.constant 0 : i32
            %dma_start3A_386 = tpu.memref_slice %arg5[%squeeze3A_381, %dma_start3A_385] : memref<1000000x64xf32, #tpu.memory_space<hbm>> -> memref<1x64xf32, #tpu.memory_space<hbm>>
            %dma_start3A_387 = tpu.memref_squeeze %dma_start3A_386 : memref<1x64xf32, #tpu.memory_space<hbm>> -> memref<64xf32, #tpu.memory_space<hbm>>
            %dma_start3A_388 = arith.constant 0 : i32
            %dma_start3A_389 = tpu.memref_slice %arg10[%add3A_365, %dma_start3A_388] : memref<256x64xf32, #tpu.memory_space<vmem>> -> memref<1x64xf32, #tpu.memory_space<vmem>>
            %dma_start3A_390 = tpu.memref_squeeze %dma_start3A_389 : memref<1x64xf32, #tpu.memory_space<vmem>> -> memref<64xf32, #tpu.memory_space<vmem>>
            %dma_start3A_391 = arith.constant 0 : i32
            %dma_start3A_392 = tpu.memref_slice %arg5[%squeeze3A_381, %dma_start3A_391] : memref<1000000x64xf32, #tpu.memory_space<hbm>> -> memref<1x64xf32, #tpu.memory_space<hbm>>
            %dma_start3A_393 = tpu.memref_squeeze %dma_start3A_392 : memref<1x64xf32, #tpu.memory_space<hbm>> -> memref<64xf32, #tpu.memory_space<hbm>>
            tpu.enqueue_dma source(%dma_start3A_393 : memref<64xf32, #tpu.memory_space<hbm>>) target(%dma_start3A_390 : memref<64xf32, #tpu.memory_space<vmem>>) target_semaphore(%arg14 : memref<!tpu.dma_semaphore, #tpu.memory_space<semaphore_mem>>)
            %mul3A_394 = arith.constant 16 : i32
            %mul3A_395 = arith.muli %scan3A_56, %mul3A_394 : i32
            %add3A_396 = arith.constant 10 : i32
            %add3A_397 = arith.addi %mul3A_395, %add3A_396 : i32
            %slice3A_398 = vector.extract_strided_slice %get3A_64 {offsets = [10], sizes = [1], strides = [1]} : vector<16xi32> to vector<1xi32>
            %squeeze3A_399 = vector.extract %slice3A_398[0] : i32 from vector<1xi32>
            %dma_start3A_400 = arith.constant 0 : i32
            %dma_start3A_401 = tpu.memref_slice %arg9[%add3A_397, %dma_start3A_400] : memref<256x64xf32, #tpu.memory_space<vmem>> -> memref<1x64xf32, #tpu.memory_space<vmem>>
            %dma_start3A_402 = tpu.memref_squeeze %dma_start3A_401 : memref<1x64xf32, #tpu.memory_space<vmem>> -> memref<64xf32, #tpu.memory_space<vmem>>
            %dma_start3A_403 = arith.constant 0 : i32
            %dma_start3A_404 = tpu.memref_slice %arg4[%squeeze3A_399, %dma_start3A_403] : memref<1000000x64xf32, #tpu.memory_space<hbm>> -> memref<1x64xf32, #tpu.memory_space<hbm>>
            %dma_start3A_405 = tpu.memref_squeeze %dma_start3A_404 : memref<1x64xf32, #tpu.memory_space<hbm>> -> memref<64xf32, #tpu.memory_space<hbm>>
            %dma_start3A_406 = arith.constant 0 : i32
            %dma_start3A_407 = tpu.memref_slice %arg9[%add3A_397, %dma_start3A_406] : memref<256x64xf32, #tpu.memory_space<vmem>> -> memref<1x64xf32, #tpu.memory_space<vmem>>
            %dma_start3A_408 = tpu.memref_squeeze %dma_start3A_407 : memref<1x64xf32, #tpu.memory_space<vmem>> -> memref<64xf32, #tpu.memory_space<vmem>>
            %dma_start3A_409 = arith.constant 0 : i32
            %dma_start3A_410 = tpu.memref_slice %arg4[%squeeze3A_399, %dma_start3A_409] : memref<1000000x64xf32, #tpu.memory_space<hbm>> -> memref<1x64xf32, #tpu.memory_space<hbm>>
            %dma_start3A_411 = tpu.memref_squeeze %dma_start3A_410 : memref<1x64xf32, #tpu.memory_space<hbm>> -> memref<64xf32, #tpu.memory_space<hbm>>
            tpu.enqueue_dma source(%dma_start3A_411 : memref<64xf32, #tpu.memory_space<hbm>>) target(%dma_start3A_408 : memref<64xf32, #tpu.memory_space<vmem>>) target_semaphore(%arg12 : memref<!tpu.dma_semaphore, #tpu.memory_space<semaphore_mem>>)
            %slice3A_412 = vector.extract_strided_slice %get3A_66 {offsets = [10], sizes = [1], strides = [1]} : vector<16xi32> to vector<1xi32>
            %squeeze3A_413 = vector.extract %slice3A_412[0] : i32 from vector<1xi32>
            %dma_start3A_414 = arith.constant 0 : i32
            %dma_start3A_415 = tpu.memref_slice %arg10[%add3A_397, %dma_start3A_414] : memref<256x64xf32, #tpu.memory_space<vmem>> -> memref<1x64xf32, #tpu.memory_space<vmem>>
            %dma_start3A_416 = tpu.memref_squeeze %dma_start3A_415 : memref<1x64xf32, #tpu.memory_space<vmem>> -> memref<64xf32, #tpu.memory_space<vmem>>
            %dma_start3A_417 = arith.constant 0 : i32
            %dma_start3A_418 = tpu.memref_slice %arg5[%squeeze3A_413, %dma_start3A_417] : memref<1000000x64xf32, #tpu.memory_space<hbm>> -> memref<1x64xf32, #tpu.memory_space<hbm>>
            %dma_start3A_419 = tpu.memref_squeeze %dma_start3A_418 : memref<1x64xf32, #tpu.memory_space<hbm>> -> memref<64xf32, #tpu.memory_space<hbm>>
            %dma_start3A_420 = arith.constant 0 : i32
            %dma_start3A_421 = tpu.memref_slice %arg10[%add3A_397, %dma_start3A_420] : memref<256x64xf32, #tpu.memory_space<vmem>> -> memref<1x64xf32, #tpu.memory_space<vmem>>
            %dma_start3A_422 = tpu.memref_squeeze %dma_start3A_421 : memref<1x64xf32, #tpu.memory_space<vmem>> -> memref<64xf32, #tpu.memory_space<vmem>>
            %dma_start3A_423 = arith.constant 0 : i32
            %dma_start3A_424 = tpu.memref_slice %arg5[%squeeze3A_413, %dma_start3A_423] : memref<1000000x64xf32, #tpu.memory_space<hbm>> -> memref<1x64xf32, #tpu.memory_space<hbm>>
            %dma_start3A_425 = tpu.memref_squeeze %dma_start3A_424 : memref<1x64xf32, #tpu.memory_space<hbm>> -> memref<64xf32, #tpu.memory_space<hbm>>
            tpu.enqueue_dma source(%dma_start3A_425 : memref<64xf32, #tpu.memory_space<hbm>>) target(%dma_start3A_422 : memref<64xf32, #tpu.memory_space<vmem>>) target_semaphore(%arg14 : memref<!tpu.dma_semaphore, #tpu.memory_space<semaphore_mem>>)
            %mul3A_426 = arith.constant 16 : i32
            %mul3A_427 = arith.muli %scan3A_56, %mul3A_426 : i32
            %add3A_428 = arith.constant 11 : i32
            %add3A_429 = arith.addi %mul3A_427, %add3A_428 : i32
            %slice3A_430 = vector.extract_strided_slice %get3A_64 {offsets = [11], sizes = [1], strides = [1]} : vector<16xi32> to vector<1xi32>
            %squeeze3A_431 = vector.extract %slice3A_430[0] : i32 from vector<1xi32>
            %dma_start3A_432 = arith.constant 0 : i32
            %dma_start3A_433 = tpu.memref_slice %arg9[%add3A_429, %dma_start3A_432] : memref<256x64xf32, #tpu.memory_space<vmem>> -> memref<1x64xf32, #tpu.memory_space<vmem>>
            %dma_start3A_434 = tpu.memref_squeeze %dma_start3A_433 : memref<1x64xf32, #tpu.memory_space<vmem>> -> memref<64xf32, #tpu.memory_space<vmem>>
            %dma_start3A_435 = arith.constant 0 : i32
            %dma_start3A_436 = tpu.memref_slice %arg4[%squeeze3A_431, %dma_start3A_435] : memref<1000000x64xf32, #tpu.memory_space<hbm>> -> memref<1x64xf32, #tpu.memory_space<hbm>>
            %dma_start3A_437 = tpu.memref_squeeze %dma_start3A_436 : memref<1x64xf32, #tpu.memory_space<hbm>> -> memref<64xf32, #tpu.memory_space<hbm>>
            %dma_start3A_438 = arith.constant 0 : i32
            %dma_start3A_439 = tpu.memref_slice %arg9[%add3A_429, %dma_start3A_438] : memref<256x64xf32, #tpu.memory_space<vmem>> -> memref<1x64xf32, #tpu.memory_space<vmem>>
            %dma_start3A_440 = tpu.memref_squeeze %dma_start3A_439 : memref<1x64xf32, #tpu.memory_space<vmem>> -> memref<64xf32, #tpu.memory_space<vmem>>
            %dma_start3A_441 = arith.constant 0 : i32
            %dma_start3A_442 = tpu.memref_slice %arg4[%squeeze3A_431, %dma_start3A_441] : memref<1000000x64xf32, #tpu.memory_space<hbm>> -> memref<1x64xf32, #tpu.memory_space<hbm>>
            %dma_start3A_443 = tpu.memref_squeeze %dma_start3A_442 : memref<1x64xf32, #tpu.memory_space<hbm>> -> memref<64xf32, #tpu.memory_space<hbm>>
            tpu.enqueue_dma source(%dma_start3A_443 : memref<64xf32, #tpu.memory_space<hbm>>) target(%dma_start3A_440 : memref<64xf32, #tpu.memory_space<vmem>>) target_semaphore(%arg12 : memref<!tpu.dma_semaphore, #tpu.memory_space<semaphore_mem>>)
            %slice3A_444 = vector.extract_strided_slice %get3A_66 {offsets = [11], sizes = [1], strides = [1]} : vector<16xi32> to vector<1xi32>
            %squeeze3A_445 = vector.extract %slice3A_444[0] : i32 from vector<1xi32>
            %dma_start3A_446 = arith.constant 0 : i32
            %dma_start3A_447 = tpu.memref_slice %arg10[%add3A_429, %dma_start3A_446] : memref<256x64xf32, #tpu.memory_space<vmem>> -> memref<1x64xf32, #tpu.memory_space<vmem>>
            %dma_start3A_448 = tpu.memref_squeeze %dma_start3A_447 : memref<1x64xf32, #tpu.memory_space<vmem>> -> memref<64xf32, #tpu.memory_space<vmem>>
            %dma_start3A_449 = arith.constant 0 : i32
            %dma_start3A_450 = tpu.memref_slice %arg5[%squeeze3A_445, %dma_start3A_449] : memref<1000000x64xf32, #tpu.memory_space<hbm>> -> memref<1x64xf32, #tpu.memory_space<hbm>>
            %dma_start3A_451 = tpu.memref_squeeze %dma_start3A_450 : memref<1x64xf32, #tpu.memory_space<hbm>> -> memref<64xf32, #tpu.memory_space<hbm>>
            %dma_start3A_452 = arith.constant 0 : i32
            %dma_start3A_453 = tpu.memref_slice %arg10[%add3A_429, %dma_start3A_452] : memref<256x64xf32, #tpu.memory_space<vmem>> -> memref<1x64xf32, #tpu.memory_space<vmem>>
            %dma_start3A_454 = tpu.memref_squeeze %dma_start3A_453 : memref<1x64xf32, #tpu.memory_space<vmem>> -> memref<64xf32, #tpu.memory_space<vmem>>
            %dma_start3A_455 = arith.constant 0 : i32
            %dma_start3A_456 = tpu.memref_slice %arg5[%squeeze3A_445, %dma_start3A_455] : memref<1000000x64xf32, #tpu.memory_space<hbm>> -> memref<1x64xf32, #tpu.memory_space<hbm>>
            %dma_start3A_457 = tpu.memref_squeeze %dma_start3A_456 : memref<1x64xf32, #tpu.memory_space<hbm>> -> memref<64xf32, #tpu.memory_space<hbm>>
            tpu.enqueue_dma source(%dma_start3A_457 : memref<64xf32, #tpu.memory_space<hbm>>) target(%dma_start3A_454 : memref<64xf32, #tpu.memory_space<vmem>>) target_semaphore(%arg14 : memref<!tpu.dma_semaphore, #tpu.memory_space<semaphore_mem>>)
            %mul3A_458 = arith.constant 16 : i32
            %mul3A_459 = arith.muli %scan3A_56, %mul3A_458 : i32
            %add3A_460 = arith.constant 12 : i32
            %add3A_461 = arith.addi %mul3A_459, %add3A_460 : i32
            %slice3A_462 = vector.extract_strided_slice %get3A_64 {offsets = [12], sizes = [1], strides = [1]} : vector<16xi32> to vector<1xi32>
            %squeeze3A_463 = vector.extract %slice3A_462[0] : i32 from vector<1xi32>
            %dma_start3A_464 = arith.constant 0 : i32
            %dma_start3A_465 = tpu.memref_slice %arg9[%add3A_461, %dma_start3A_464] : memref<256x64xf32, #tpu.memory_space<vmem>> -> memref<1x64xf32, #tpu.memory_space<vmem>>
            %dma_start3A_466 = tpu.memref_squeeze %dma_start3A_465 : memref<1x64xf32, #tpu.memory_space<vmem>> -> memref<64xf32, #tpu.memory_space<vmem>>
            %dma_start3A_467 = arith.constant 0 : i32
            %dma_start3A_468 = tpu.memref_slice %arg4[%squeeze3A_463, %dma_start3A_467] : memref<1000000x64xf32, #tpu.memory_space<hbm>> -> memref<1x64xf32, #tpu.memory_space<hbm>>
            %dma_start3A_469 = tpu.memref_squeeze %dma_start3A_468 : memref<1x64xf32, #tpu.memory_space<hbm>> -> memref<64xf32, #tpu.memory_space<hbm>>
            %dma_start3A_470 = arith.constant 0 : i32
            %dma_start3A_471 = tpu.memref_slice %arg9[%add3A_461, %dma_start3A_470] : memref<256x64xf32, #tpu.memory_space<vmem>> -> memref<1x64xf32, #tpu.memory_space<vmem>>
            %dma_start3A_472 = tpu.memref_squeeze %dma_start3A_471 : memref<1x64xf32, #tpu.memory_space<vmem>> -> memref<64xf32, #tpu.memory_space<vmem>>
            %dma_start3A_473 = arith.constant 0 : i32
            %dma_start3A_474 = tpu.memref_slice %arg4[%squeeze3A_463, %dma_start3A_473] : memref<1000000x64xf32, #tpu.memory_space<hbm>> -> memref<1x64xf32, #tpu.memory_space<hbm>>
            %dma_start3A_475 = tpu.memref_squeeze %dma_start3A_474 : memref<1x64xf32, #tpu.memory_space<hbm>> -> memref<64xf32, #tpu.memory_space<hbm>>
            tpu.enqueue_dma source(%dma_start3A_475 : memref<64xf32, #tpu.memory_space<hbm>>) target(%dma_start3A_472 : memref<64xf32, #tpu.memory_space<vmem>>) target_semaphore(%arg12 : memref<!tpu.dma_semaphore, #tpu.memory_space<semaphore_mem>>)
            %slice3A_476 = vector.extract_strided_slice %get3A_66 {offsets = [12], sizes = [1], strides = [1]} : vector<16xi32> to vector<1xi32>
            %squeeze3A_477 = vector.extract %slice3A_476[0] : i32 from vector<1xi32>
            %dma_start3A_478 = arith.constant 0 : i32
            %dma_start3A_479 = tpu.memref_slice %arg10[%add3A_461, %dma_start3A_478] : memref<256x64xf32, #tpu.memory_space<vmem>> -> memref<1x64xf32, #tpu.memory_space<vmem>>
            %dma_start3A_480 = tpu.memref_squeeze %dma_start3A_479 : memref<1x64xf32, #tpu.memory_space<vmem>> -> memref<64xf32, #tpu.memory_space<vmem>>
            %dma_start3A_481 = arith.constant 0 : i32
            %dma_start3A_482 = tpu.memref_slice %arg5[%squeeze3A_477, %dma_start3A_481] : memref<1000000x64xf32, #tpu.memory_space<hbm>> -> memref<1x64xf32, #tpu.memory_space<hbm>>
            %dma_start3A_483 = tpu.memref_squeeze %dma_start3A_482 : memref<1x64xf32, #tpu.memory_space<hbm>> -> memref<64xf32, #tpu.memory_space<hbm>>
            %dma_start3A_484 = arith.constant 0 : i32
            %dma_start3A_485 = tpu.memref_slice %arg10[%add3A_461, %dma_start3A_484] : memref<256x64xf32, #tpu.memory_space<vmem>> -> memref<1x64xf32, #tpu.memory_space<vmem>>
            %dma_start3A_486 = tpu.memref_squeeze %dma_start3A_485 : memref<1x64xf32, #tpu.memory_space<vmem>> -> memref<64xf32, #tpu.memory_space<vmem>>
            %dma_start3A_487 = arith.constant 0 : i32
            %dma_start3A_488 = tpu.memref_slice %arg5[%squeeze3A_477, %dma_start3A_487] : memref<1000000x64xf32, #tpu.memory_space<hbm>> -> memref<1x64xf32, #tpu.memory_space<hbm>>
            %dma_start3A_489 = tpu.memref_squeeze %dma_start3A_488 : memref<1x64xf32, #tpu.memory_space<hbm>> -> memref<64xf32, #tpu.memory_space<hbm>>
            tpu.enqueue_dma source(%dma_start3A_489 : memref<64xf32, #tpu.memory_space<hbm>>) target(%dma_start3A_486 : memref<64xf32, #tpu.memory_space<vmem>>) target_semaphore(%arg14 : memref<!tpu.dma_semaphore, #tpu.memory_space<semaphore_mem>>)
            %mul3A_490 = arith.constant 16 : i32
            %mul3A_491 = arith.muli %scan3A_56, %mul3A_490 : i32
            %add3A_492 = arith.constant 13 : i32
            %add3A_493 = arith.addi %mul3A_491, %add3A_492 : i32
            %slice3A_494 = vector.extract_strided_slice %get3A_64 {offsets = [13], sizes = [1], strides = [1]} : vector<16xi32> to vector<1xi32>
            %squeeze3A_495 = vector.extract %slice3A_494[0] : i32 from vector<1xi32>
            %dma_start3A_496 = arith.constant 0 : i32
            %dma_start3A_497 = tpu.memref_slice %arg9[%add3A_493, %dma_start3A_496] : memref<256x64xf32, #tpu.memory_space<vmem>> -> memref<1x64xf32, #tpu.memory_space<vmem>>
            %dma_start3A_498 = tpu.memref_squeeze %dma_start3A_497 : memref<1x64xf32, #tpu.memory_space<vmem>> -> memref<64xf32, #tpu.memory_space<vmem>>
            %dma_start3A_499 = arith.constant 0 : i32
            %dma_start3A_500 = tpu.memref_slice %arg4[%squeeze3A_495, %dma_start3A_499] : memref<1000000x64xf32, #tpu.memory_space<hbm>> -> memref<1x64xf32, #tpu.memory_space<hbm>>
            %dma_start3A_501 = tpu.memref_squeeze %dma_start3A_500 : memref<1x64xf32, #tpu.memory_space<hbm>> -> memref<64xf32, #tpu.memory_space<hbm>>
            %dma_start3A_502 = arith.constant 0 : i32
            %dma_start3A_503 = tpu.memref_slice %arg9[%add3A_493, %dma_start3A_502] : memref<256x64xf32, #tpu.memory_space<vmem>> -> memref<1x64xf32, #tpu.memory_space<vmem>>
            %dma_start3A_504 = tpu.memref_squeeze %dma_start3A_503 : memref<1x64xf32, #tpu.memory_space<vmem>> -> memref<64xf32, #tpu.memory_space<vmem>>
            %dma_start3A_505 = arith.constant 0 : i32
            %dma_start3A_506 = tpu.memref_slice %arg4[%squeeze3A_495, %dma_start3A_505] : memref<1000000x64xf32, #tpu.memory_space<hbm>> -> memref<1x64xf32, #tpu.memory_space<hbm>>
            %dma_start3A_507 = tpu.memref_squeeze %dma_start3A_506 : memref<1x64xf32, #tpu.memory_space<hbm>> -> memref<64xf32, #tpu.memory_space<hbm>>
            tpu.enqueue_dma source(%dma_start3A_507 : memref<64xf32, #tpu.memory_space<hbm>>) target(%dma_start3A_504 : memref<64xf32, #tpu.memory_space<vmem>>) target_semaphore(%arg12 : memref<!tpu.dma_semaphore, #tpu.memory_space<semaphore_mem>>)
            %slice3A_508 = vector.extract_strided_slice %get3A_66 {offsets = [13], sizes = [1], strides = [1]} : vector<16xi32> to vector<1xi32>
            %squeeze3A_509 = vector.extract %slice3A_508[0] : i32 from vector<1xi32>
            %dma_start3A_510 = arith.constant 0 : i32
            %dma_start3A_511 = tpu.memref_slice %arg10[%add3A_493, %dma_start3A_510] : memref<256x64xf32, #tpu.memory_space<vmem>> -> memref<1x64xf32, #tpu.memory_space<vmem>>
            %dma_start3A_512 = tpu.memref_squeeze %dma_start3A_511 : memref<1x64xf32, #tpu.memory_space<vmem>> -> memref<64xf32, #tpu.memory_space<vmem>>
            %dma_start3A_513 = arith.constant 0 : i32
            %dma_start3A_514 = tpu.memref_slice %arg5[%squeeze3A_509, %dma_start3A_513] : memref<1000000x64xf32, #tpu.memory_space<hbm>> -> memref<1x64xf32, #tpu.memory_space<hbm>>
            %dma_start3A_515 = tpu.memref_squeeze %dma_start3A_514 : memref<1x64xf32, #tpu.memory_space<hbm>> -> memref<64xf32, #tpu.memory_space<hbm>>
            %dma_start3A_516 = arith.constant 0 : i32
            %dma_start3A_517 = tpu.memref_slice %arg10[%add3A_493, %dma_start3A_516] : memref<256x64xf32, #tpu.memory_space<vmem>> -> memref<1x64xf32, #tpu.memory_space<vmem>>
            %dma_start3A_518 = tpu.memref_squeeze %dma_start3A_517 : memref<1x64xf32, #tpu.memory_space<vmem>> -> memref<64xf32, #tpu.memory_space<vmem>>
            %dma_start3A_519 = arith.constant 0 : i32
            %dma_start3A_520 = tpu.memref_slice %arg5[%squeeze3A_509, %dma_start3A_519] : memref<1000000x64xf32, #tpu.memory_space<hbm>> -> memref<1x64xf32, #tpu.memory_space<hbm>>
            %dma_start3A_521 = tpu.memref_squeeze %dma_start3A_520 : memref<1x64xf32, #tpu.memory_space<hbm>> -> memref<64xf32, #tpu.memory_space<hbm>>
            tpu.enqueue_dma source(%dma_start3A_521 : memref<64xf32, #tpu.memory_space<hbm>>) target(%dma_start3A_518 : memref<64xf32, #tpu.memory_space<vmem>>) target_semaphore(%arg14 : memref<!tpu.dma_semaphore, #tpu.memory_space<semaphore_mem>>)
            %mul3A_522 = arith.constant 16 : i32
            %mul3A_523 = arith.muli %scan3A_56, %mul3A_522 : i32
            %add3A_524 = arith.constant 14 : i32
            %add3A_525 = arith.addi %mul3A_523, %add3A_524 : i32
            %slice3A_526 = vector.extract_strided_slice %get3A_64 {offsets = [14], sizes = [1], strides = [1]} : vector<16xi32> to vector<1xi32>
            %squeeze3A_527 = vector.extract %slice3A_526[0] : i32 from vector<1xi32>
            %dma_start3A_528 = arith.constant 0 : i32
            %dma_start3A_529 = tpu.memref_slice %arg9[%add3A_525, %dma_start3A_528] : memref<256x64xf32, #tpu.memory_space<vmem>> -> memref<1x64xf32, #tpu.memory_space<vmem>>
            %dma_start3A_530 = tpu.memref_squeeze %dma_start3A_529 : memref<1x64xf32, #tpu.memory_space<vmem>> -> memref<64xf32, #tpu.memory_space<vmem>>
            %dma_start3A_531 = arith.constant 0 : i32
            %dma_start3A_532 = tpu.memref_slice %arg4[%squeeze3A_527, %dma_start3A_531] : memref<1000000x64xf32, #tpu.memory_space<hbm>> -> memref<1x64xf32, #tpu.memory_space<hbm>>
            %dma_start3A_533 = tpu.memref_squeeze %dma_start3A_532 : memref<1x64xf32, #tpu.memory_space<hbm>> -> memref<64xf32, #tpu.memory_space<hbm>>
            %dma_start3A_534 = arith.constant 0 : i32
            %dma_start3A_535 = tpu.memref_slice %arg9[%add3A_525, %dma_start3A_534] : memref<256x64xf32, #tpu.memory_space<vmem>> -> memref<1x64xf32, #tpu.memory_space<vmem>>
            %dma_start3A_536 = tpu.memref_squeeze %dma_start3A_535 : memref<1x64xf32, #tpu.memory_space<vmem>> -> memref<64xf32, #tpu.memory_space<vmem>>
            %dma_start3A_537 = arith.constant 0 : i32
            %dma_start3A_538 = tpu.memref_slice %arg4[%squeeze3A_527, %dma_start3A_537] : memref<1000000x64xf32, #tpu.memory_space<hbm>> -> memref<1x64xf32, #tpu.memory_space<hbm>>
            %dma_start3A_539 = tpu.memref_squeeze %dma_start3A_538 : memref<1x64xf32, #tpu.memory_space<hbm>> -> memref<64xf32, #tpu.memory_space<hbm>>
            tpu.enqueue_dma source(%dma_start3A_539 : memref<64xf32, #tpu.memory_space<hbm>>) target(%dma_start3A_536 : memref<64xf32, #tpu.memory_space<vmem>>) target_semaphore(%arg12 : memref<!tpu.dma_semaphore, #tpu.memory_space<semaphore_mem>>)
            %slice3A_540 = vector.extract_strided_slice %get3A_66 {offsets = [14], sizes = [1], strides = [1]} : vector<16xi32> to vector<1xi32>
            %squeeze3A_541 = vector.extract %slice3A_540[0] : i32 from vector<1xi32>
            %dma_start3A_542 = arith.constant 0 : i32
            %dma_start3A_543 = tpu.memref_slice %arg10[%add3A_525, %dma_start3A_542] : memref<256x64xf32, #tpu.memory_space<vmem>> -> memref<1x64xf32, #tpu.memory_space<vmem>>
            %dma_start3A_544 = tpu.memref_squeeze %dma_start3A_543 : memref<1x64xf32, #tpu.memory_space<vmem>> -> memref<64xf32, #tpu.memory_space<vmem>>
            %dma_start3A_545 = arith.constant 0 : i32
            %dma_start3A_546 = tpu.memref_slice %arg5[%squeeze3A_541, %dma_start3A_545] : memref<1000000x64xf32, #tpu.memory_space<hbm>> -> memref<1x64xf32, #tpu.memory_space<hbm>>
            %dma_start3A_547 = tpu.memref_squeeze %dma_start3A_546 : memref<1x64xf32, #tpu.memory_space<hbm>> -> memref<64xf32, #tpu.memory_space<hbm>>
            %dma_start3A_548 = arith.constant 0 : i32
            %dma_start3A_549 = tpu.memref_slice %arg10[%add3A_525, %dma_start3A_548] : memref<256x64xf32, #tpu.memory_space<vmem>> -> memref<1x64xf32, #tpu.memory_space<vmem>>
            %dma_start3A_550 = tpu.memref_squeeze %dma_start3A_549 : memref<1x64xf32, #tpu.memory_space<vmem>> -> memref<64xf32, #tpu.memory_space<vmem>>
            %dma_start3A_551 = arith.constant 0 : i32
            %dma_start3A_552 = tpu.memref_slice %arg5[%squeeze3A_541, %dma_start3A_551] : memref<1000000x64xf32, #tpu.memory_space<hbm>> -> memref<1x64xf32, #tpu.memory_space<hbm>>
            %dma_start3A_553 = tpu.memref_squeeze %dma_start3A_552 : memref<1x64xf32, #tpu.memory_space<hbm>> -> memref<64xf32, #tpu.memory_space<hbm>>
            tpu.enqueue_dma source(%dma_start3A_553 : memref<64xf32, #tpu.memory_space<hbm>>) target(%dma_start3A_550 : memref<64xf32, #tpu.memory_space<vmem>>) target_semaphore(%arg14 : memref<!tpu.dma_semaphore, #tpu.memory_space<semaphore_mem>>)
            %mul3A_554 = arith.constant 16 : i32
            %mul3A_555 = arith.muli %scan3A_56, %mul3A_554 : i32
            %add3A_556 = arith.constant 15 : i32
            %add3A_557 = arith.addi %mul3A_555, %add3A_556 : i32
            %slice3A_558 = vector.extract_strided_slice %get3A_64 {offsets = [15], sizes = [1], strides = [1]} : vector<16xi32> to vector<1xi32>
            %squeeze3A_559 = vector.extract %slice3A_558[0] : i32 from vector<1xi32>
            %dma_start3A_560 = arith.constant 0 : i32
            %dma_start3A_561 = tpu.memref_slice %arg9[%add3A_557, %dma_start3A_560] : memref<256x64xf32, #tpu.memory_space<vmem>> -> memref<1x64xf32, #tpu.memory_space<vmem>>
            %dma_start3A_562 = tpu.memref_squeeze %dma_start3A_561 : memref<1x64xf32, #tpu.memory_space<vmem>> -> memref<64xf32, #tpu.memory_space<vmem>>
            %dma_start3A_563 = arith.constant 0 : i32
            %dma_start3A_564 = tpu.memref_slice %arg4[%squeeze3A_559, %dma_start3A_563] : memref<1000000x64xf32, #tpu.memory_space<hbm>> -> memref<1x64xf32, #tpu.memory_space<hbm>>
            %dma_start3A_565 = tpu.memref_squeeze %dma_start3A_564 : memref<1x64xf32, #tpu.memory_space<hbm>> -> memref<64xf32, #tpu.memory_space<hbm>>
            %dma_start3A_566 = arith.constant 0 : i32
            %dma_start3A_567 = tpu.memref_slice %arg9[%add3A_557, %dma_start3A_566] : memref<256x64xf32, #tpu.memory_space<vmem>> -> memref<1x64xf32, #tpu.memory_space<vmem>>
            %dma_start3A_568 = tpu.memref_squeeze %dma_start3A_567 : memref<1x64xf32, #tpu.memory_space<vmem>> -> memref<64xf32, #tpu.memory_space<vmem>>
            %dma_start3A_569 = arith.constant 0 : i32
            %dma_start3A_570 = tpu.memref_slice %arg4[%squeeze3A_559, %dma_start3A_569] : memref<1000000x64xf32, #tpu.memory_space<hbm>> -> memref<1x64xf32, #tpu.memory_space<hbm>>
            %dma_start3A_571 = tpu.memref_squeeze %dma_start3A_570 : memref<1x64xf32, #tpu.memory_space<hbm>> -> memref<64xf32, #tpu.memory_space<hbm>>
            tpu.enqueue_dma source(%dma_start3A_571 : memref<64xf32, #tpu.memory_space<hbm>>) target(%dma_start3A_568 : memref<64xf32, #tpu.memory_space<vmem>>) target_semaphore(%arg12 : memref<!tpu.dma_semaphore, #tpu.memory_space<semaphore_mem>>)
            %slice3A_572 = vector.extract_strided_slice %get3A_66 {offsets = [15], sizes = [1], strides = [1]} : vector<16xi32> to vector<1xi32>
            %squeeze3A_573 = vector.extract %slice3A_572[0] : i32 from vector<1xi32>
            %dma_start3A_574 = arith.constant 0 : i32
            %dma_start3A_575 = tpu.memref_slice %arg10[%add3A_557, %dma_start3A_574] : memref<256x64xf32, #tpu.memory_space<vmem>> -> memref<1x64xf32, #tpu.memory_space<vmem>>
            %dma_start3A_576 = tpu.memref_squeeze %dma_start3A_575 : memref<1x64xf32, #tpu.memory_space<vmem>> -> memref<64xf32, #tpu.memory_space<vmem>>
            %dma_start3A_577 = arith.constant 0 : i32
            %dma_start3A_578 = tpu.memref_slice %arg5[%squeeze3A_573, %dma_start3A_577] : memref<1000000x64xf32, #tpu.memory_space<hbm>> -> memref<1x64xf32, #tpu.memory_space<hbm>>
            %dma_start3A_579 = tpu.memref_squeeze %dma_start3A_578 : memref<1x64xf32, #tpu.memory_space<hbm>> -> memref<64xf32, #tpu.memory_space<hbm>>
            %dma_start3A_580 = arith.constant 0 : i32
            %dma_start3A_581 = tpu.memref_slice %arg10[%add3A_557, %dma_start3A_580] : memref<256x64xf32, #tpu.memory_space<vmem>> -> memref<1x64xf32, #tpu.memory_space<vmem>>
            %dma_start3A_582 = tpu.memref_squeeze %dma_start3A_581 : memref<1x64xf32, #tpu.memory_space<vmem>> -> memref<64xf32, #tpu.memory_space<vmem>>
            %dma_start3A_583 = arith.constant 0 : i32
            %dma_start3A_584 = tpu.memref_slice %arg5[%squeeze3A_573, %dma_start3A_583] : memref<1000000x64xf32, #tpu.memory_space<hbm>> -> memref<1x64xf32, #tpu.memory_space<hbm>>
            %dma_start3A_585 = tpu.memref_squeeze %dma_start3A_584 : memref<1x64xf32, #tpu.memory_space<hbm>> -> memref<64xf32, #tpu.memory_space<hbm>>
            tpu.enqueue_dma source(%dma_start3A_585 : memref<64xf32, #tpu.memory_space<hbm>>) target(%dma_start3A_582 : memref<64xf32, #tpu.memory_space<vmem>>) target_semaphore(%arg14 : memref<!tpu.dma_semaphore, #tpu.memory_space<semaphore_mem>>)
          } else {
          }
          %eq3A_71 = arith.constant 1 : i32
          %eq3A_72 = arith.cmpi eq, %rem3A_48, %eq3A_71 : i32
          %convert_element_type3A_73 = arith.extui %eq3A_72 : i1 to i32
          %cond3A_74 = arith.constant 0 : i32
          %cond3A_75 = arith.cmpi ne, %convert_element_type3A_73, %cond3A_74 : i32
          scf.if %cond3A_75 {
            %mul3A_77 = arith.constant 16 : i32
            %mul3A_78 = arith.muli %scan3A_56, %mul3A_77 : i32
            %add3A_79 = arith.constant 128 : i32
            %add3A_80 = arith.addi %add3A_79, %mul3A_78 : i32
            %add3A_81 = arith.constant 0 : i32
            %add3A_82 = arith.addi %add3A_80, %add3A_81 : i32
            %slice3A = vector.extract_strided_slice %get3A_64 {offsets = [0], sizes = [1], strides = [1]} : vector<16xi32> to vector<1xi32>
            %squeeze3A = vector.extract %slice3A[0] : i32 from vector<1xi32>
            %dma_start3A = arith.constant 0 : i32
            %dma_start3A_83 = tpu.memref_slice %arg9[%add3A_82, %dma_start3A] : memref<256x64xf32, #tpu.memory_space<vmem>> -> memref<1x64xf32, #tpu.memory_space<vmem>>
            %dma_start3A_84 = tpu.memref_squeeze %dma_start3A_83 : memref<1x64xf32, #tpu.memory_space<vmem>> -> memref<64xf32, #tpu.memory_space<vmem>>
            %dma_start3A_85 = arith.constant 0 : i32
            %dma_start3A_86 = tpu.memref_slice %arg4[%squeeze3A, %dma_start3A_85] : memref<1000000x64xf32, #tpu.memory_space<hbm>> -> memref<1x64xf32, #tpu.memory_space<hbm>>
            %dma_start3A_87 = tpu.memref_squeeze %dma_start3A_86 : memref<1x64xf32, #tpu.memory_space<hbm>> -> memref<64xf32, #tpu.memory_space<hbm>>
            %dma_start3A_88 = arith.constant 0 : i32
            %dma_start3A_89 = tpu.memref_slice %arg9[%add3A_82, %dma_start3A_88] : memref<256x64xf32, #tpu.memory_space<vmem>> -> memref<1x64xf32, #tpu.memory_space<vmem>>
            %dma_start3A_90 = tpu.memref_squeeze %dma_start3A_89 : memref<1x64xf32, #tpu.memory_space<vmem>> -> memref<64xf32, #tpu.memory_space<vmem>>
            %dma_start3A_91 = arith.constant 0 : i32
            %dma_start3A_92 = tpu.memref_slice %arg4[%squeeze3A, %dma_start3A_91] : memref<1000000x64xf32, #tpu.memory_space<hbm>> -> memref<1x64xf32, #tpu.memory_space<hbm>>
            %dma_start3A_93 = tpu.memref_squeeze %dma_start3A_92 : memref<1x64xf32, #tpu.memory_space<hbm>> -> memref<64xf32, #tpu.memory_space<hbm>>
            tpu.enqueue_dma source(%dma_start3A_93 : memref<64xf32, #tpu.memory_space<hbm>>) target(%dma_start3A_90 : memref<64xf32, #tpu.memory_space<vmem>>) target_semaphore(%arg13 : memref<!tpu.dma_semaphore, #tpu.memory_space<semaphore_mem>>)
            %slice3A_94 = vector.extract_strided_slice %get3A_66 {offsets = [0], sizes = [1], strides = [1]} : vector<16xi32> to vector<1xi32>
            %squeeze3A_95 = vector.extract %slice3A_94[0] : i32 from vector<1xi32>
            %dma_start3A_96 = arith.constant 0 : i32
            %dma_start3A_97 = tpu.memref_slice %arg10[%add3A_82, %dma_start3A_96] : memref<256x64xf32, #tpu.memory_space<vmem>> -> memref<1x64xf32, #tpu.memory_space<vmem>>
            %dma_start3A_98 = tpu.memref_squeeze %dma_start3A_97 : memref<1x64xf32, #tpu.memory_space<vmem>> -> memref<64xf32, #tpu.memory_space<vmem>>
            %dma_start3A_99 = arith.constant 0 : i32
            %dma_start3A_100 = tpu.memref_slice %arg5[%squeeze3A_95, %dma_start3A_99] : memref<1000000x64xf32, #tpu.memory_space<hbm>> -> memref<1x64xf32, #tpu.memory_space<hbm>>
            %dma_start3A_101 = tpu.memref_squeeze %dma_start3A_100 : memref<1x64xf32, #tpu.memory_space<hbm>> -> memref<64xf32, #tpu.memory_space<hbm>>
            %dma_start3A_102 = arith.constant 0 : i32
            %dma_start3A_103 = tpu.memref_slice %arg10[%add3A_82, %dma_start3A_102] : memref<256x64xf32, #tpu.memory_space<vmem>> -> memref<1x64xf32, #tpu.memory_space<vmem>>
            %dma_start3A_104 = tpu.memref_squeeze %dma_start3A_103 : memref<1x64xf32, #tpu.memory_space<vmem>> -> memref<64xf32, #tpu.memory_space<vmem>>
            %dma_start3A_105 = arith.constant 0 : i32
            %dma_start3A_106 = tpu.memref_slice %arg5[%squeeze3A_95, %dma_start3A_105] : memref<1000000x64xf32, #tpu.memory_space<hbm>> -> memref<1x64xf32, #tpu.memory_space<hbm>>
            %dma_start3A_107 = tpu.memref_squeeze %dma_start3A_106 : memref<1x64xf32, #tpu.memory_space<hbm>> -> memref<64xf32, #tpu.memory_space<hbm>>
            tpu.enqueue_dma source(%dma_start3A_107 : memref<64xf32, #tpu.memory_space<hbm>>) target(%dma_start3A_104 : memref<64xf32, #tpu.memory_space<vmem>>) target_semaphore(%arg15 : memref<!tpu.dma_semaphore, #tpu.memory_space<semaphore_mem>>)
            %mul3A_108 = arith.constant 16 : i32
            %mul3A_109 = arith.muli %scan3A_56, %mul3A_108 : i32
            %add3A_110 = arith.constant 128 : i32
            %add3A_111 = arith.addi %add3A_110, %mul3A_109 : i32
            %add3A_112 = arith.constant 1 : i32
            %add3A_113 = arith.addi %add3A_111, %add3A_112 : i32
            %slice3A_114 = vector.extract_strided_slice %get3A_64 {offsets = [1], sizes = [1], strides = [1]} : vector<16xi32> to vector<1xi32>
            %squeeze3A_115 = vector.extract %slice3A_114[0] : i32 from vector<1xi32>
            %dma_start3A_116 = arith.constant 0 : i32
            %dma_start3A_117 = tpu.memref_slice %arg9[%add3A_113, %dma_start3A_116] : memref<256x64xf32, #tpu.memory_space<vmem>> -> memref<1x64xf32, #tpu.memory_space<vmem>>
            %dma_start3A_118 = tpu.memref_squeeze %dma_start3A_117 : memref<1x64xf32, #tpu.memory_space<vmem>> -> memref<64xf32, #tpu.memory_space<vmem>>
            %dma_start3A_119 = arith.constant 0 : i32
            %dma_start3A_120 = tpu.memref_slice %arg4[%squeeze3A_115, %dma_start3A_119] : memref<1000000x64xf32, #tpu.memory_space<hbm>> -> memref<1x64xf32, #tpu.memory_space<hbm>>
            %dma_start3A_121 = tpu.memref_squeeze %dma_start3A_120 : memref<1x64xf32, #tpu.memory_space<hbm>> -> memref<64xf32, #tpu.memory_space<hbm>>
            %dma_start3A_122 = arith.constant 0 : i32
            %dma_start3A_123 = tpu.memref_slice %arg9[%add3A_113, %dma_start3A_122] : memref<256x64xf32, #tpu.memory_space<vmem>> -> memref<1x64xf32, #tpu.memory_space<vmem>>
            %dma_start3A_124 = tpu.memref_squeeze %dma_start3A_123 : memref<1x64xf32, #tpu.memory_space<vmem>> -> memref<64xf32, #tpu.memory_space<vmem>>
            %dma_start3A_125 = arith.constant 0 : i32
            %dma_start3A_126 = tpu.memref_slice %arg4[%squeeze3A_115, %dma_start3A_125] : memref<1000000x64xf32, #tpu.memory_space<hbm>> -> memref<1x64xf32, #tpu.memory_space<hbm>>
            %dma_start3A_127 = tpu.memref_squeeze %dma_start3A_126 : memref<1x64xf32, #tpu.memory_space<hbm>> -> memref<64xf32, #tpu.memory_space<hbm>>
            tpu.enqueue_dma source(%dma_start3A_127 : memref<64xf32, #tpu.memory_space<hbm>>) target(%dma_start3A_124 : memref<64xf32, #tpu.memory_space<vmem>>) target_semaphore(%arg13 : memref<!tpu.dma_semaphore, #tpu.memory_space<semaphore_mem>>)
            %slice3A_128 = vector.extract_strided_slice %get3A_66 {offsets = [1], sizes = [1], strides = [1]} : vector<16xi32> to vector<1xi32>
            %squeeze3A_129 = vector.extract %slice3A_128[0] : i32 from vector<1xi32>
            %dma_start3A_130 = arith.constant 0 : i32
            %dma_start3A_131 = tpu.memref_slice %arg10[%add3A_113, %dma_start3A_130] : memref<256x64xf32, #tpu.memory_space<vmem>> -> memref<1x64xf32, #tpu.memory_space<vmem>>
            %dma_start3A_132 = tpu.memref_squeeze %dma_start3A_131 : memref<1x64xf32, #tpu.memory_space<vmem>> -> memref<64xf32, #tpu.memory_space<vmem>>
            %dma_start3A_133 = arith.constant 0 : i32
            %dma_start3A_134 = tpu.memref_slice %arg5[%squeeze3A_129, %dma_start3A_133] : memref<1000000x64xf32, #tpu.memory_space<hbm>> -> memref<1x64xf32, #tpu.memory_space<hbm>>
            %dma_start3A_135 = tpu.memref_squeeze %dma_start3A_134 : memref<1x64xf32, #tpu.memory_space<hbm>> -> memref<64xf32, #tpu.memory_space<hbm>>
            %dma_start3A_136 = arith.constant 0 : i32
            %dma_start3A_137 = tpu.memref_slice %arg10[%add3A_113, %dma_start3A_136] : memref<256x64xf32, #tpu.memory_space<vmem>> -> memref<1x64xf32, #tpu.memory_space<vmem>>
            %dma_start3A_138 = tpu.memref_squeeze %dma_start3A_137 : memref<1x64xf32, #tpu.memory_space<vmem>> -> memref<64xf32, #tpu.memory_space<vmem>>
            %dma_start3A_139 = arith.constant 0 : i32
            %dma_start3A_140 = tpu.memref_slice %arg5[%squeeze3A_129, %dma_start3A_139] : memref<1000000x64xf32, #tpu.memory_space<hbm>> -> memref<1x64xf32, #tpu.memory_space<hbm>>
            %dma_start3A_141 = tpu.memref_squeeze %dma_start3A_140 : memref<1x64xf32, #tpu.memory_space<hbm>> -> memref<64xf32, #tpu.memory_space<hbm>>
            tpu.enqueue_dma source(%dma_start3A_141 : memref<64xf32, #tpu.memory_space<hbm>>) target(%dma_start3A_138 : memref<64xf32, #tpu.memory_space<vmem>>) target_semaphore(%arg15 : memref<!tpu.dma_semaphore, #tpu.memory_space<semaphore_mem>>)
            %mul3A_142 = arith.constant 16 : i32
            %mul3A_143 = arith.muli %scan3A_56, %mul3A_142 : i32
            %add3A_144 = arith.constant 128 : i32
            %add3A_145 = arith.addi %add3A_144, %mul3A_143 : i32
            %add3A_146 = arith.constant 2 : i32
            %add3A_147 = arith.addi %add3A_145, %add3A_146 : i32
            %slice3A_148 = vector.extract_strided_slice %get3A_64 {offsets = [2], sizes = [1], strides = [1]} : vector<16xi32> to vector<1xi32>
            %squeeze3A_149 = vector.extract %slice3A_148[0] : i32 from vector<1xi32>
            %dma_start3A_150 = arith.constant 0 : i32
            %dma_start3A_151 = tpu.memref_slice %arg9[%add3A_147, %dma_start3A_150] : memref<256x64xf32, #tpu.memory_space<vmem>> -> memref<1x64xf32, #tpu.memory_space<vmem>>
            %dma_start3A_152 = tpu.memref_squeeze %dma_start3A_151 : memref<1x64xf32, #tpu.memory_space<vmem>> -> memref<64xf32, #tpu.memory_space<vmem>>
            %dma_start3A_153 = arith.constant 0 : i32
            %dma_start3A_154 = tpu.memref_slice %arg4[%squeeze3A_149, %dma_start3A_153] : memref<1000000x64xf32, #tpu.memory_space<hbm>> -> memref<1x64xf32, #tpu.memory_space<hbm>>
            %dma_start3A_155 = tpu.memref_squeeze %dma_start3A_154 : memref<1x64xf32, #tpu.memory_space<hbm>> -> memref<64xf32, #tpu.memory_space<hbm>>
            %dma_start3A_156 = arith.constant 0 : i32
            %dma_start3A_157 = tpu.memref_slice %arg9[%add3A_147, %dma_start3A_156] : memref<256x64xf32, #tpu.memory_space<vmem>> -> memref<1x64xf32, #tpu.memory_space<vmem>>
            %dma_start3A_158 = tpu.memref_squeeze %dma_start3A_157 : memref<1x64xf32, #tpu.memory_space<vmem>> -> memref<64xf32, #tpu.memory_space<vmem>>
            %dma_start3A_159 = arith.constant 0 : i32
            %dma_start3A_160 = tpu.memref_slice %arg4[%squeeze3A_149, %dma_start3A_159] : memref<1000000x64xf32, #tpu.memory_space<hbm>> -> memref<1x64xf32, #tpu.memory_space<hbm>>
            %dma_start3A_161 = tpu.memref_squeeze %dma_start3A_160 : memref<1x64xf32, #tpu.memory_space<hbm>> -> memref<64xf32, #tpu.memory_space<hbm>>
            tpu.enqueue_dma source(%dma_start3A_161 : memref<64xf32, #tpu.memory_space<hbm>>) target(%dma_start3A_158 : memref<64xf32, #tpu.memory_space<vmem>>) target_semaphore(%arg13 : memref<!tpu.dma_semaphore, #tpu.memory_space<semaphore_mem>>)
            %slice3A_162 = vector.extract_strided_slice %get3A_66 {offsets = [2], sizes = [1], strides = [1]} : vector<16xi32> to vector<1xi32>
            %squeeze3A_163 = vector.extract %slice3A_162[0] : i32 from vector<1xi32>
            %dma_start3A_164 = arith.constant 0 : i32
            %dma_start3A_165 = tpu.memref_slice %arg10[%add3A_147, %dma_start3A_164] : memref<256x64xf32, #tpu.memory_space<vmem>> -> memref<1x64xf32, #tpu.memory_space<vmem>>
            %dma_start3A_166 = tpu.memref_squeeze %dma_start3A_165 : memref<1x64xf32, #tpu.memory_space<vmem>> -> memref<64xf32, #tpu.memory_space<vmem>>
            %dma_start3A_167 = arith.constant 0 : i32
            %dma_start3A_168 = tpu.memref_slice %arg5[%squeeze3A_163, %dma_start3A_167] : memref<1000000x64xf32, #tpu.memory_space<hbm>> -> memref<1x64xf32, #tpu.memory_space<hbm>>
            %dma_start3A_169 = tpu.memref_squeeze %dma_start3A_168 : memref<1x64xf32, #tpu.memory_space<hbm>> -> memref<64xf32, #tpu.memory_space<hbm>>
            %dma_start3A_170 = arith.constant 0 : i32
            %dma_start3A_171 = tpu.memref_slice %arg10[%add3A_147, %dma_start3A_170] : memref<256x64xf32, #tpu.memory_space<vmem>> -> memref<1x64xf32, #tpu.memory_space<vmem>>
            %dma_start3A_172 = tpu.memref_squeeze %dma_start3A_171 : memref<1x64xf32, #tpu.memory_space<vmem>> -> memref<64xf32, #tpu.memory_space<vmem>>
            %dma_start3A_173 = arith.constant 0 : i32
            %dma_start3A_174 = tpu.memref_slice %arg5[%squeeze3A_163, %dma_start3A_173] : memref<1000000x64xf32, #tpu.memory_space<hbm>> -> memref<1x64xf32, #tpu.memory_space<hbm>>
            %dma_start3A_175 = tpu.memref_squeeze %dma_start3A_174 : memref<1x64xf32, #tpu.memory_space<hbm>> -> memref<64xf32, #tpu.memory_space<hbm>>
            tpu.enqueue_dma source(%dma_start3A_175 : memref<64xf32, #tpu.memory_space<hbm>>) target(%dma_start3A_172 : memref<64xf32, #tpu.memory_space<vmem>>) target_semaphore(%arg15 : memref<!tpu.dma_semaphore, #tpu.memory_space<semaphore_mem>>)
            %mul3A_176 = arith.constant 16 : i32
            %mul3A_177 = arith.muli %scan3A_56, %mul3A_176 : i32
            %add3A_178 = arith.constant 128 : i32
            %add3A_179 = arith.addi %add3A_178, %mul3A_177 : i32
            %add3A_180 = arith.constant 3 : i32
            %add3A_181 = arith.addi %add3A_179, %add3A_180 : i32
            %slice3A_182 = vector.extract_strided_slice %get3A_64 {offsets = [3], sizes = [1], strides = [1]} : vector<16xi32> to vector<1xi32>
            %squeeze3A_183 = vector.extract %slice3A_182[0] : i32 from vector<1xi32>
            %dma_start3A_184 = arith.constant 0 : i32
            %dma_start3A_185 = tpu.memref_slice %arg9[%add3A_181, %dma_start3A_184] : memref<256x64xf32, #tpu.memory_space<vmem>> -> memref<1x64xf32, #tpu.memory_space<vmem>>
            %dma_start3A_186 = tpu.memref_squeeze %dma_start3A_185 : memref<1x64xf32, #tpu.memory_space<vmem>> -> memref<64xf32, #tpu.memory_space<vmem>>
            %dma_start3A_187 = arith.constant 0 : i32
            %dma_start3A_188 = tpu.memref_slice %arg4[%squeeze3A_183, %dma_start3A_187] : memref<1000000x64xf32, #tpu.memory_space<hbm>> -> memref<1x64xf32, #tpu.memory_space<hbm>>
            %dma_start3A_189 = tpu.memref_squeeze %dma_start3A_188 : memref<1x64xf32, #tpu.memory_space<hbm>> -> memref<64xf32, #tpu.memory_space<hbm>>
            %dma_start3A_190 = arith.constant 0 : i32
            %dma_start3A_191 = tpu.memref_slice %arg9[%add3A_181, %dma_start3A_190] : memref<256x64xf32, #tpu.memory_space<vmem>> -> memref<1x64xf32, #tpu.memory_space<vmem>>
            %dma_start3A_192 = tpu.memref_squeeze %dma_start3A_191 : memref<1x64xf32, #tpu.memory_space<vmem>> -> memref<64xf32, #tpu.memory_space<vmem>>
            %dma_start3A_193 = arith.constant 0 : i32
            %dma_start3A_194 = tpu.memref_slice %arg4[%squeeze3A_183, %dma_start3A_193] : memref<1000000x64xf32, #tpu.memory_space<hbm>> -> memref<1x64xf32, #tpu.memory_space<hbm>>
            %dma_start3A_195 = tpu.memref_squeeze %dma_start3A_194 : memref<1x64xf32, #tpu.memory_space<hbm>> -> memref<64xf32, #tpu.memory_space<hbm>>
            tpu.enqueue_dma source(%dma_start3A_195 : memref<64xf32, #tpu.memory_space<hbm>>) target(%dma_start3A_192 : memref<64xf32, #tpu.memory_space<vmem>>) target_semaphore(%arg13 : memref<!tpu.dma_semaphore, #tpu.memory_space<semaphore_mem>>)
            %slice3A_196 = vector.extract_strided_slice %get3A_66 {offsets = [3], sizes = [1], strides = [1]} : vector<16xi32> to vector<1xi32>
            %squeeze3A_197 = vector.extract %slice3A_196[0] : i32 from vector<1xi32>
            %dma_start3A_198 = arith.constant 0 : i32
            %dma_start3A_199 = tpu.memref_slice %arg10[%add3A_181, %dma_start3A_198] : memref<256x64xf32, #tpu.memory_space<vmem>> -> memref<1x64xf32, #tpu.memory_space<vmem>>
            %dma_start3A_200 = tpu.memref_squeeze %dma_start3A_199 : memref<1x64xf32, #tpu.memory_space<vmem>> -> memref<64xf32, #tpu.memory_space<vmem>>
            %dma_start3A_201 = arith.constant 0 : i32
            %dma_start3A_202 = tpu.memref_slice %arg5[%squeeze3A_197, %dma_start3A_201] : memref<1000000x64xf32, #tpu.memory_space<hbm>> -> memref<1x64xf32, #tpu.memory_space<hbm>>
            %dma_start3A_203 = tpu.memref_squeeze %dma_start3A_202 : memref<1x64xf32, #tpu.memory_space<hbm>> -> memref<64xf32, #tpu.memory_space<hbm>>
            %dma_start3A_204 = arith.constant 0 : i32
            %dma_start3A_205 = tpu.memref_slice %arg10[%add3A_181, %dma_start3A_204] : memref<256x64xf32, #tpu.memory_space<vmem>> -> memref<1x64xf32, #tpu.memory_space<vmem>>
            %dma_start3A_206 = tpu.memref_squeeze %dma_start3A_205 : memref<1x64xf32, #tpu.memory_space<vmem>> -> memref<64xf32, #tpu.memory_space<vmem>>
            %dma_start3A_207 = arith.constant 0 : i32
            %dma_start3A_208 = tpu.memref_slice %arg5[%squeeze3A_197, %dma_start3A_207] : memref<1000000x64xf32, #tpu.memory_space<hbm>> -> memref<1x64xf32, #tpu.memory_space<hbm>>
            %dma_start3A_209 = tpu.memref_squeeze %dma_start3A_208 : memref<1x64xf32, #tpu.memory_space<hbm>> -> memref<64xf32, #tpu.memory_space<hbm>>
            tpu.enqueue_dma source(%dma_start3A_209 : memref<64xf32, #tpu.memory_space<hbm>>) target(%dma_start3A_206 : memref<64xf32, #tpu.memory_space<vmem>>) target_semaphore(%arg15 : memref<!tpu.dma_semaphore, #tpu.memory_space<semaphore_mem>>)
            %mul3A_210 = arith.constant 16 : i32
            %mul3A_211 = arith.muli %scan3A_56, %mul3A_210 : i32
            %add3A_212 = arith.constant 128 : i32
            %add3A_213 = arith.addi %add3A_212, %mul3A_211 : i32
            %add3A_214 = arith.constant 4 : i32
            %add3A_215 = arith.addi %add3A_213, %add3A_214 : i32
            %slice3A_216 = vector.extract_strided_slice %get3A_64 {offsets = [4], sizes = [1], strides = [1]} : vector<16xi32> to vector<1xi32>
            %squeeze3A_217 = vector.extract %slice3A_216[0] : i32 from vector<1xi32>
            %dma_start3A_218 = arith.constant 0 : i32
            %dma_start3A_219 = tpu.memref_slice %arg9[%add3A_215, %dma_start3A_218] : memref<256x64xf32, #tpu.memory_space<vmem>> -> memref<1x64xf32, #tpu.memory_space<vmem>>
            %dma_start3A_220 = tpu.memref_squeeze %dma_start3A_219 : memref<1x64xf32, #tpu.memory_space<vmem>> -> memref<64xf32, #tpu.memory_space<vmem>>
            %dma_start3A_221 = arith.constant 0 : i32
            %dma_start3A_222 = tpu.memref_slice %arg4[%squeeze3A_217, %dma_start3A_221] : memref<1000000x64xf32, #tpu.memory_space<hbm>> -> memref<1x64xf32, #tpu.memory_space<hbm>>
            %dma_start3A_223 = tpu.memref_squeeze %dma_start3A_222 : memref<1x64xf32, #tpu.memory_space<hbm>> -> memref<64xf32, #tpu.memory_space<hbm>>
            %dma_start3A_224 = arith.constant 0 : i32
            %dma_start3A_225 = tpu.memref_slice %arg9[%add3A_215, %dma_start3A_224] : memref<256x64xf32, #tpu.memory_space<vmem>> -> memref<1x64xf32, #tpu.memory_space<vmem>>
            %dma_start3A_226 = tpu.memref_squeeze %dma_start3A_225 : memref<1x64xf32, #tpu.memory_space<vmem>> -> memref<64xf32, #tpu.memory_space<vmem>>
            %dma_start3A_227 = arith.constant 0 : i32
            %dma_start3A_228 = tpu.memref_slice %arg4[%squeeze3A_217, %dma_start3A_227] : memref<1000000x64xf32, #tpu.memory_space<hbm>> -> memref<1x64xf32, #tpu.memory_space<hbm>>
            %dma_start3A_229 = tpu.memref_squeeze %dma_start3A_228 : memref<1x64xf32, #tpu.memory_space<hbm>> -> memref<64xf32, #tpu.memory_space<hbm>>
            tpu.enqueue_dma source(%dma_start3A_229 : memref<64xf32, #tpu.memory_space<hbm>>) target(%dma_start3A_226 : memref<64xf32, #tpu.memory_space<vmem>>) target_semaphore(%arg13 : memref<!tpu.dma_semaphore, #tpu.memory_space<semaphore_mem>>)
            %slice3A_230 = vector.extract_strided_slice %get3A_66 {offsets = [4], sizes = [1], strides = [1]} : vector<16xi32> to vector<1xi32>
            %squeeze3A_231 = vector.extract %slice3A_230[0] : i32 from vector<1xi32>
            %dma_start3A_232 = arith.constant 0 : i32
            %dma_start3A_233 = tpu.memref_slice %arg10[%add3A_215, %dma_start3A_232] : memref<256x64xf32, #tpu.memory_space<vmem>> -> memref<1x64xf32, #tpu.memory_space<vmem>>
            %dma_start3A_234 = tpu.memref_squeeze %dma_start3A_233 : memref<1x64xf32, #tpu.memory_space<vmem>> -> memref<64xf32, #tpu.memory_space<vmem>>
            %dma_start3A_235 = arith.constant 0 : i32
            %dma_start3A_236 = tpu.memref_slice %arg5[%squeeze3A_231, %dma_start3A_235] : memref<1000000x64xf32, #tpu.memory_space<hbm>> -> memref<1x64xf32, #tpu.memory_space<hbm>>
            %dma_start3A_237 = tpu.memref_squeeze %dma_start3A_236 : memref<1x64xf32, #tpu.memory_space<hbm>> -> memref<64xf32, #tpu.memory_space<hbm>>
            %dma_start3A_238 = arith.constant 0 : i32
            %dma_start3A_239 = tpu.memref_slice %arg10[%add3A_215, %dma_start3A_238] : memref<256x64xf32, #tpu.memory_space<vmem>> -> memref<1x64xf32, #tpu.memory_space<vmem>>
            %dma_start3A_240 = tpu.memref_squeeze %dma_start3A_239 : memref<1x64xf32, #tpu.memory_space<vmem>> -> memref<64xf32, #tpu.memory_space<vmem>>
            %dma_start3A_241 = arith.constant 0 : i32
            %dma_start3A_242 = tpu.memref_slice %arg5[%squeeze3A_231, %dma_start3A_241] : memref<1000000x64xf32, #tpu.memory_space<hbm>> -> memref<1x64xf32, #tpu.memory_space<hbm>>
            %dma_start3A_243 = tpu.memref_squeeze %dma_start3A_242 : memref<1x64xf32, #tpu.memory_space<hbm>> -> memref<64xf32, #tpu.memory_space<hbm>>
            tpu.enqueue_dma source(%dma_start3A_243 : memref<64xf32, #tpu.memory_space<hbm>>) target(%dma_start3A_240 : memref<64xf32, #tpu.memory_space<vmem>>) target_semaphore(%arg15 : memref<!tpu.dma_semaphore, #tpu.memory_space<semaphore_mem>>)
            %mul3A_244 = arith.constant 16 : i32
            %mul3A_245 = arith.muli %scan3A_56, %mul3A_244 : i32
            %add3A_246 = arith.constant 128 : i32
            %add3A_247 = arith.addi %add3A_246, %mul3A_245 : i32
            %add3A_248 = arith.constant 5 : i32
            %add3A_249 = arith.addi %add3A_247, %add3A_248 : i32
            %slice3A_250 = vector.extract_strided_slice %get3A_64 {offsets = [5], sizes = [1], strides = [1]} : vector<16xi32> to vector<1xi32>
            %squeeze3A_251 = vector.extract %slice3A_250[0] : i32 from vector<1xi32>
            %dma_start3A_252 = arith.constant 0 : i32
            %dma_start3A_253 = tpu.memref_slice %arg9[%add3A_249, %dma_start3A_252] : memref<256x64xf32, #tpu.memory_space<vmem>> -> memref<1x64xf32, #tpu.memory_space<vmem>>
            %dma_start3A_254 = tpu.memref_squeeze %dma_start3A_253 : memref<1x64xf32, #tpu.memory_space<vmem>> -> memref<64xf32, #tpu.memory_space<vmem>>
            %dma_start3A_255 = arith.constant 0 : i32
            %dma_start3A_256 = tpu.memref_slice %arg4[%squeeze3A_251, %dma_start3A_255] : memref<1000000x64xf32, #tpu.memory_space<hbm>> -> memref<1x64xf32, #tpu.memory_space<hbm>>
            %dma_start3A_257 = tpu.memref_squeeze %dma_start3A_256 : memref<1x64xf32, #tpu.memory_space<hbm>> -> memref<64xf32, #tpu.memory_space<hbm>>
            %dma_start3A_258 = arith.constant 0 : i32
            %dma_start3A_259 = tpu.memref_slice %arg9[%add3A_249, %dma_start3A_258] : memref<256x64xf32, #tpu.memory_space<vmem>> -> memref<1x64xf32, #tpu.memory_space<vmem>>
            %dma_start3A_260 = tpu.memref_squeeze %dma_start3A_259 : memref<1x64xf32, #tpu.memory_space<vmem>> -> memref<64xf32, #tpu.memory_space<vmem>>
            %dma_start3A_261 = arith.constant 0 : i32
            %dma_start3A_262 = tpu.memref_slice %arg4[%squeeze3A_251, %dma_start3A_261] : memref<1000000x64xf32, #tpu.memory_space<hbm>> -> memref<1x64xf32, #tpu.memory_space<hbm>>
            %dma_start3A_263 = tpu.memref_squeeze %dma_start3A_262 : memref<1x64xf32, #tpu.memory_space<hbm>> -> memref<64xf32, #tpu.memory_space<hbm>>
            tpu.enqueue_dma source(%dma_start3A_263 : memref<64xf32, #tpu.memory_space<hbm>>) target(%dma_start3A_260 : memref<64xf32, #tpu.memory_space<vmem>>) target_semaphore(%arg13 : memref<!tpu.dma_semaphore, #tpu.memory_space<semaphore_mem>>)
            %slice3A_264 = vector.extract_strided_slice %get3A_66 {offsets = [5], sizes = [1], strides = [1]} : vector<16xi32> to vector<1xi32>
            %squeeze3A_265 = vector.extract %slice3A_264[0] : i32 from vector<1xi32>
            %dma_start3A_266 = arith.constant 0 : i32
            %dma_start3A_267 = tpu.memref_slice %arg10[%add3A_249, %dma_start3A_266] : memref<256x64xf32, #tpu.memory_space<vmem>> -> memref<1x64xf32, #tpu.memory_space<vmem>>
            %dma_start3A_268 = tpu.memref_squeeze %dma_start3A_267 : memref<1x64xf32, #tpu.memory_space<vmem>> -> memref<64xf32, #tpu.memory_space<vmem>>
            %dma_start3A_269 = arith.constant 0 : i32
            %dma_start3A_270 = tpu.memref_slice %arg5[%squeeze3A_265, %dma_start3A_269] : memref<1000000x64xf32, #tpu.memory_space<hbm>> -> memref<1x64xf32, #tpu.memory_space<hbm>>
            %dma_start3A_271 = tpu.memref_squeeze %dma_start3A_270 : memref<1x64xf32, #tpu.memory_space<hbm>> -> memref<64xf32, #tpu.memory_space<hbm>>
            %dma_start3A_272 = arith.constant 0 : i32
            %dma_start3A_273 = tpu.memref_slice %arg10[%add3A_249, %dma_start3A_272] : memref<256x64xf32, #tpu.memory_space<vmem>> -> memref<1x64xf32, #tpu.memory_space<vmem>>
            %dma_start3A_274 = tpu.memref_squeeze %dma_start3A_273 : memref<1x64xf32, #tpu.memory_space<vmem>> -> memref<64xf32, #tpu.memory_space<vmem>>
            %dma_start3A_275 = arith.constant 0 : i32
            %dma_start3A_276 = tpu.memref_slice %arg5[%squeeze3A_265, %dma_start3A_275] : memref<1000000x64xf32, #tpu.memory_space<hbm>> -> memref<1x64xf32, #tpu.memory_space<hbm>>
            %dma_start3A_277 = tpu.memref_squeeze %dma_start3A_276 : memref<1x64xf32, #tpu.memory_space<hbm>> -> memref<64xf32, #tpu.memory_space<hbm>>
            tpu.enqueue_dma source(%dma_start3A_277 : memref<64xf32, #tpu.memory_space<hbm>>) target(%dma_start3A_274 : memref<64xf32, #tpu.memory_space<vmem>>) target_semaphore(%arg15 : memref<!tpu.dma_semaphore, #tpu.memory_space<semaphore_mem>>)
            %mul3A_278 = arith.constant 16 : i32
            %mul3A_279 = arith.muli %scan3A_56, %mul3A_278 : i32
            %add3A_280 = arith.constant 128 : i32
            %add3A_281 = arith.addi %add3A_280, %mul3A_279 : i32
            %add3A_282 = arith.constant 6 : i32
            %add3A_283 = arith.addi %add3A_281, %add3A_282 : i32
            %slice3A_284 = vector.extract_strided_slice %get3A_64 {offsets = [6], sizes = [1], strides = [1]} : vector<16xi32> to vector<1xi32>
            %squeeze3A_285 = vector.extract %slice3A_284[0] : i32 from vector<1xi32>
            %dma_start3A_286 = arith.constant 0 : i32
            %dma_start3A_287 = tpu.memref_slice %arg9[%add3A_283, %dma_start3A_286] : memref<256x64xf32, #tpu.memory_space<vmem>> -> memref<1x64xf32, #tpu.memory_space<vmem>>
            %dma_start3A_288 = tpu.memref_squeeze %dma_start3A_287 : memref<1x64xf32, #tpu.memory_space<vmem>> -> memref<64xf32, #tpu.memory_space<vmem>>
            %dma_start3A_289 = arith.constant 0 : i32
            %dma_start3A_290 = tpu.memref_slice %arg4[%squeeze3A_285, %dma_start3A_289] : memref<1000000x64xf32, #tpu.memory_space<hbm>> -> memref<1x64xf32, #tpu.memory_space<hbm>>
            %dma_start3A_291 = tpu.memref_squeeze %dma_start3A_290 : memref<1x64xf32, #tpu.memory_space<hbm>> -> memref<64xf32, #tpu.memory_space<hbm>>
            %dma_start3A_292 = arith.constant 0 : i32
            %dma_start3A_293 = tpu.memref_slice %arg9[%add3A_283, %dma_start3A_292] : memref<256x64xf32, #tpu.memory_space<vmem>> -> memref<1x64xf32, #tpu.memory_space<vmem>>
            %dma_start3A_294 = tpu.memref_squeeze %dma_start3A_293 : memref<1x64xf32, #tpu.memory_space<vmem>> -> memref<64xf32, #tpu.memory_space<vmem>>
            %dma_start3A_295 = arith.constant 0 : i32
            %dma_start3A_296 = tpu.memref_slice %arg4[%squeeze3A_285, %dma_start3A_295] : memref<1000000x64xf32, #tpu.memory_space<hbm>> -> memref<1x64xf32, #tpu.memory_space<hbm>>
            %dma_start3A_297 = tpu.memref_squeeze %dma_start3A_296 : memref<1x64xf32, #tpu.memory_space<hbm>> -> memref<64xf32, #tpu.memory_space<hbm>>
            tpu.enqueue_dma source(%dma_start3A_297 : memref<64xf32, #tpu.memory_space<hbm>>) target(%dma_start3A_294 : memref<64xf32, #tpu.memory_space<vmem>>) target_semaphore(%arg13 : memref<!tpu.dma_semaphore, #tpu.memory_space<semaphore_mem>>)
            %slice3A_298 = vector.extract_strided_slice %get3A_66 {offsets = [6], sizes = [1], strides = [1]} : vector<16xi32> to vector<1xi32>
            %squeeze3A_299 = vector.extract %slice3A_298[0] : i32 from vector<1xi32>
            %dma_start3A_300 = arith.constant 0 : i32
            %dma_start3A_301 = tpu.memref_slice %arg10[%add3A_283, %dma_start3A_300] : memref<256x64xf32, #tpu.memory_space<vmem>> -> memref<1x64xf32, #tpu.memory_space<vmem>>
            %dma_start3A_302 = tpu.memref_squeeze %dma_start3A_301 : memref<1x64xf32, #tpu.memory_space<vmem>> -> memref<64xf32, #tpu.memory_space<vmem>>
            %dma_start3A_303 = arith.constant 0 : i32
            %dma_start3A_304 = tpu.memref_slice %arg5[%squeeze3A_299, %dma_start3A_303] : memref<1000000x64xf32, #tpu.memory_space<hbm>> -> memref<1x64xf32, #tpu.memory_space<hbm>>
            %dma_start3A_305 = tpu.memref_squeeze %dma_start3A_304 : memref<1x64xf32, #tpu.memory_space<hbm>> -> memref<64xf32, #tpu.memory_space<hbm>>
            %dma_start3A_306 = arith.constant 0 : i32
            %dma_start3A_307 = tpu.memref_slice %arg10[%add3A_283, %dma_start3A_306] : memref<256x64xf32, #tpu.memory_space<vmem>> -> memref<1x64xf32, #tpu.memory_space<vmem>>
            %dma_start3A_308 = tpu.memref_squeeze %dma_start3A_307 : memref<1x64xf32, #tpu.memory_space<vmem>> -> memref<64xf32, #tpu.memory_space<vmem>>
            %dma_start3A_309 = arith.constant 0 : i32
            %dma_start3A_310 = tpu.memref_slice %arg5[%squeeze3A_299, %dma_start3A_309] : memref<1000000x64xf32, #tpu.memory_space<hbm>> -> memref<1x64xf32, #tpu.memory_space<hbm>>
            %dma_start3A_311 = tpu.memref_squeeze %dma_start3A_310 : memref<1x64xf32, #tpu.memory_space<hbm>> -> memref<64xf32, #tpu.memory_space<hbm>>
            tpu.enqueue_dma source(%dma_start3A_311 : memref<64xf32, #tpu.memory_space<hbm>>) target(%dma_start3A_308 : memref<64xf32, #tpu.memory_space<vmem>>) target_semaphore(%arg15 : memref<!tpu.dma_semaphore, #tpu.memory_space<semaphore_mem>>)
            %mul3A_312 = arith.constant 16 : i32
            %mul3A_313 = arith.muli %scan3A_56, %mul3A_312 : i32
            %add3A_314 = arith.constant 128 : i32
            %add3A_315 = arith.addi %add3A_314, %mul3A_313 : i32
            %add3A_316 = arith.constant 7 : i32
            %add3A_317 = arith.addi %add3A_315, %add3A_316 : i32
            %slice3A_318 = vector.extract_strided_slice %get3A_64 {offsets = [7], sizes = [1], strides = [1]} : vector<16xi32> to vector<1xi32>
            %squeeze3A_319 = vector.extract %slice3A_318[0] : i32 from vector<1xi32>
            %dma_start3A_320 = arith.constant 0 : i32
            %dma_start3A_321 = tpu.memref_slice %arg9[%add3A_317, %dma_start3A_320] : memref<256x64xf32, #tpu.memory_space<vmem>> -> memref<1x64xf32, #tpu.memory_space<vmem>>
            %dma_start3A_322 = tpu.memref_squeeze %dma_start3A_321 : memref<1x64xf32, #tpu.memory_space<vmem>> -> memref<64xf32, #tpu.memory_space<vmem>>
            %dma_start3A_323 = arith.constant 0 : i32
            %dma_start3A_324 = tpu.memref_slice %arg4[%squeeze3A_319, %dma_start3A_323] : memref<1000000x64xf32, #tpu.memory_space<hbm>> -> memref<1x64xf32, #tpu.memory_space<hbm>>
            %dma_start3A_325 = tpu.memref_squeeze %dma_start3A_324 : memref<1x64xf32, #tpu.memory_space<hbm>> -> memref<64xf32, #tpu.memory_space<hbm>>
            %dma_start3A_326 = arith.constant 0 : i32
            %dma_start3A_327 = tpu.memref_slice %arg9[%add3A_317, %dma_start3A_326] : memref<256x64xf32, #tpu.memory_space<vmem>> -> memref<1x64xf32, #tpu.memory_space<vmem>>
            %dma_start3A_328 = tpu.memref_squeeze %dma_start3A_327 : memref<1x64xf32, #tpu.memory_space<vmem>> -> memref<64xf32, #tpu.memory_space<vmem>>
            %dma_start3A_329 = arith.constant 0 : i32
            %dma_start3A_330 = tpu.memref_slice %arg4[%squeeze3A_319, %dma_start3A_329] : memref<1000000x64xf32, #tpu.memory_space<hbm>> -> memref<1x64xf32, #tpu.memory_space<hbm>>
            %dma_start3A_331 = tpu.memref_squeeze %dma_start3A_330 : memref<1x64xf32, #tpu.memory_space<hbm>> -> memref<64xf32, #tpu.memory_space<hbm>>
            tpu.enqueue_dma source(%dma_start3A_331 : memref<64xf32, #tpu.memory_space<hbm>>) target(%dma_start3A_328 : memref<64xf32, #tpu.memory_space<vmem>>) target_semaphore(%arg13 : memref<!tpu.dma_semaphore, #tpu.memory_space<semaphore_mem>>)
            %slice3A_332 = vector.extract_strided_slice %get3A_66 {offsets = [7], sizes = [1], strides = [1]} : vector<16xi32> to vector<1xi32>
            %squeeze3A_333 = vector.extract %slice3A_332[0] : i32 from vector<1xi32>
            %dma_start3A_334 = arith.constant 0 : i32
            %dma_start3A_335 = tpu.memref_slice %arg10[%add3A_317, %dma_start3A_334] : memref<256x64xf32, #tpu.memory_space<vmem>> -> memref<1x64xf32, #tpu.memory_space<vmem>>
            %dma_start3A_336 = tpu.memref_squeeze %dma_start3A_335 : memref<1x64xf32, #tpu.memory_space<vmem>> -> memref<64xf32, #tpu.memory_space<vmem>>
            %dma_start3A_337 = arith.constant 0 : i32
            %dma_start3A_338 = tpu.memref_slice %arg5[%squeeze3A_333, %dma_start3A_337] : memref<1000000x64xf32, #tpu.memory_space<hbm>> -> memref<1x64xf32, #tpu.memory_space<hbm>>
            %dma_start3A_339 = tpu.memref_squeeze %dma_start3A_338 : memref<1x64xf32, #tpu.memory_space<hbm>> -> memref<64xf32, #tpu.memory_space<hbm>>
            %dma_start3A_340 = arith.constant 0 : i32
            %dma_start3A_341 = tpu.memref_slice %arg10[%add3A_317, %dma_start3A_340] : memref<256x64xf32, #tpu.memory_space<vmem>> -> memref<1x64xf32, #tpu.memory_space<vmem>>
            %dma_start3A_342 = tpu.memref_squeeze %dma_start3A_341 : memref<1x64xf32, #tpu.memory_space<vmem>> -> memref<64xf32, #tpu.memory_space<vmem>>
            %dma_start3A_343 = arith.constant 0 : i32
            %dma_start3A_344 = tpu.memref_slice %arg5[%squeeze3A_333, %dma_start3A_343] : memref<1000000x64xf32, #tpu.memory_space<hbm>> -> memref<1x64xf32, #tpu.memory_space<hbm>>
            %dma_start3A_345 = tpu.memref_squeeze %dma_start3A_344 : memref<1x64xf32, #tpu.memory_space<hbm>> -> memref<64xf32, #tpu.memory_space<hbm>>
            tpu.enqueue_dma source(%dma_start3A_345 : memref<64xf32, #tpu.memory_space<hbm>>) target(%dma_start3A_342 : memref<64xf32, #tpu.memory_space<vmem>>) target_semaphore(%arg15 : memref<!tpu.dma_semaphore, #tpu.memory_space<semaphore_mem>>)
            %mul3A_346 = arith.constant 16 : i32
            %mul3A_347 = arith.muli %scan3A_56, %mul3A_346 : i32
            %add3A_348 = arith.constant 128 : i32
            %add3A_349 = arith.addi %add3A_348, %mul3A_347 : i32
            %add3A_350 = arith.constant 8 : i32
            %add3A_351 = arith.addi %add3A_349, %add3A_350 : i32
            %slice3A_352 = vector.extract_strided_slice %get3A_64 {offsets = [8], sizes = [1], strides = [1]} : vector<16xi32> to vector<1xi32>
            %squeeze3A_353 = vector.extract %slice3A_352[0] : i32 from vector<1xi32>
            %dma_start3A_354 = arith.constant 0 : i32
            %dma_start3A_355 = tpu.memref_slice %arg9[%add3A_351, %dma_start3A_354] : memref<256x64xf32, #tpu.memory_space<vmem>> -> memref<1x64xf32, #tpu.memory_space<vmem>>
            %dma_start3A_356 = tpu.memref_squeeze %dma_start3A_355 : memref<1x64xf32, #tpu.memory_space<vmem>> -> memref<64xf32, #tpu.memory_space<vmem>>
            %dma_start3A_357 = arith.constant 0 : i32
            %dma_start3A_358 = tpu.memref_slice %arg4[%squeeze3A_353, %dma_start3A_357] : memref<1000000x64xf32, #tpu.memory_space<hbm>> -> memref<1x64xf32, #tpu.memory_space<hbm>>
            %dma_start3A_359 = tpu.memref_squeeze %dma_start3A_358 : memref<1x64xf32, #tpu.memory_space<hbm>> -> memref<64xf32, #tpu.memory_space<hbm>>
            %dma_start3A_360 = arith.constant 0 : i32
            %dma_start3A_361 = tpu.memref_slice %arg9[%add3A_351, %dma_start3A_360] : memref<256x64xf32, #tpu.memory_space<vmem>> -> memref<1x64xf32, #tpu.memory_space<vmem>>
            %dma_start3A_362 = tpu.memref_squeeze %dma_start3A_361 : memref<1x64xf32, #tpu.memory_space<vmem>> -> memref<64xf32, #tpu.memory_space<vmem>>
            %dma_start3A_363 = arith.constant 0 : i32
            %dma_start3A_364 = tpu.memref_slice %arg4[%squeeze3A_353, %dma_start3A_363] : memref<1000000x64xf32, #tpu.memory_space<hbm>> -> memref<1x64xf32, #tpu.memory_space<hbm>>
            %dma_start3A_365 = tpu.memref_squeeze %dma_start3A_364 : memref<1x64xf32, #tpu.memory_space<hbm>> -> memref<64xf32, #tpu.memory_space<hbm>>
            tpu.enqueue_dma source(%dma_start3A_365 : memref<64xf32, #tpu.memory_space<hbm>>) target(%dma_start3A_362 : memref<64xf32, #tpu.memory_space<vmem>>) target_semaphore(%arg13 : memref<!tpu.dma_semaphore, #tpu.memory_space<semaphore_mem>>)
            %slice3A_366 = vector.extract_strided_slice %get3A_66 {offsets = [8], sizes = [1], strides = [1]} : vector<16xi32> to vector<1xi32>
            %squeeze3A_367 = vector.extract %slice3A_366[0] : i32 from vector<1xi32>
            %dma_start3A_368 = arith.constant 0 : i32
            %dma_start3A_369 = tpu.memref_slice %arg10[%add3A_351, %dma_start3A_368] : memref<256x64xf32, #tpu.memory_space<vmem>> -> memref<1x64xf32, #tpu.memory_space<vmem>>
            %dma_start3A_370 = tpu.memref_squeeze %dma_start3A_369 : memref<1x64xf32, #tpu.memory_space<vmem>> -> memref<64xf32, #tpu.memory_space<vmem>>
            %dma_start3A_371 = arith.constant 0 : i32
            %dma_start3A_372 = tpu.memref_slice %arg5[%squeeze3A_367, %dma_start3A_371] : memref<1000000x64xf32, #tpu.memory_space<hbm>> -> memref<1x64xf32, #tpu.memory_space<hbm>>
            %dma_start3A_373 = tpu.memref_squeeze %dma_start3A_372 : memref<1x64xf32, #tpu.memory_space<hbm>> -> memref<64xf32, #tpu.memory_space<hbm>>
            %dma_start3A_374 = arith.constant 0 : i32
            %dma_start3A_375 = tpu.memref_slice %arg10[%add3A_351, %dma_start3A_374] : memref<256x64xf32, #tpu.memory_space<vmem>> -> memref<1x64xf32, #tpu.memory_space<vmem>>
            %dma_start3A_376 = tpu.memref_squeeze %dma_start3A_375 : memref<1x64xf32, #tpu.memory_space<vmem>> -> memref<64xf32, #tpu.memory_space<vmem>>
            %dma_start3A_377 = arith.constant 0 : i32
            %dma_start3A_378 = tpu.memref_slice %arg5[%squeeze3A_367, %dma_start3A_377] : memref<1000000x64xf32, #tpu.memory_space<hbm>> -> memref<1x64xf32, #tpu.memory_space<hbm>>
            %dma_start3A_379 = tpu.memref_squeeze %dma_start3A_378 : memref<1x64xf32, #tpu.memory_space<hbm>> -> memref<64xf32, #tpu.memory_space<hbm>>
            tpu.enqueue_dma source(%dma_start3A_379 : memref<64xf32, #tpu.memory_space<hbm>>) target(%dma_start3A_376 : memref<64xf32, #tpu.memory_space<vmem>>) target_semaphore(%arg15 : memref<!tpu.dma_semaphore, #tpu.memory_space<semaphore_mem>>)
            %mul3A_380 = arith.constant 16 : i32
            %mul3A_381 = arith.muli %scan3A_56, %mul3A_380 : i32
            %add3A_382 = arith.constant 128 : i32
            %add3A_383 = arith.addi %add3A_382, %mul3A_381 : i32
            %add3A_384 = arith.constant 9 : i32
            %add3A_385 = arith.addi %add3A_383, %add3A_384 : i32
            %slice3A_386 = vector.extract_strided_slice %get3A_64 {offsets = [9], sizes = [1], strides = [1]} : vector<16xi32> to vector<1xi32>
            %squeeze3A_387 = vector.extract %slice3A_386[0] : i32 from vector<1xi32>
            %dma_start3A_388 = arith.constant 0 : i32
            %dma_start3A_389 = tpu.memref_slice %arg9[%add3A_385, %dma_start3A_388] : memref<256x64xf32, #tpu.memory_space<vmem>> -> memref<1x64xf32, #tpu.memory_space<vmem>>
            %dma_start3A_390 = tpu.memref_squeeze %dma_start3A_389 : memref<1x64xf32, #tpu.memory_space<vmem>> -> memref<64xf32, #tpu.memory_space<vmem>>
            %dma_start3A_391 = arith.constant 0 : i32
            %dma_start3A_392 = tpu.memref_slice %arg4[%squeeze3A_387, %dma_start3A_391] : memref<1000000x64xf32, #tpu.memory_space<hbm>> -> memref<1x64xf32, #tpu.memory_space<hbm>>
            %dma_start3A_393 = tpu.memref_squeeze %dma_start3A_392 : memref<1x64xf32, #tpu.memory_space<hbm>> -> memref<64xf32, #tpu.memory_space<hbm>>
            %dma_start3A_394 = arith.constant 0 : i32
            %dma_start3A_395 = tpu.memref_slice %arg9[%add3A_385, %dma_start3A_394] : memref<256x64xf32, #tpu.memory_space<vmem>> -> memref<1x64xf32, #tpu.memory_space<vmem>>
            %dma_start3A_396 = tpu.memref_squeeze %dma_start3A_395 : memref<1x64xf32, #tpu.memory_space<vmem>> -> memref<64xf32, #tpu.memory_space<vmem>>
            %dma_start3A_397 = arith.constant 0 : i32
            %dma_start3A_398 = tpu.memref_slice %arg4[%squeeze3A_387, %dma_start3A_397] : memref<1000000x64xf32, #tpu.memory_space<hbm>> -> memref<1x64xf32, #tpu.memory_space<hbm>>
            %dma_start3A_399 = tpu.memref_squeeze %dma_start3A_398 : memref<1x64xf32, #tpu.memory_space<hbm>> -> memref<64xf32, #tpu.memory_space<hbm>>
            tpu.enqueue_dma source(%dma_start3A_399 : memref<64xf32, #tpu.memory_space<hbm>>) target(%dma_start3A_396 : memref<64xf32, #tpu.memory_space<vmem>>) target_semaphore(%arg13 : memref<!tpu.dma_semaphore, #tpu.memory_space<semaphore_mem>>)
            %slice3A_400 = vector.extract_strided_slice %get3A_66 {offsets = [9], sizes = [1], strides = [1]} : vector<16xi32> to vector<1xi32>
            %squeeze3A_401 = vector.extract %slice3A_400[0] : i32 from vector<1xi32>
            %dma_start3A_402 = arith.constant 0 : i32
            %dma_start3A_403 = tpu.memref_slice %arg10[%add3A_385, %dma_start3A_402] : memref<256x64xf32, #tpu.memory_space<vmem>> -> memref<1x64xf32, #tpu.memory_space<vmem>>
            %dma_start3A_404 = tpu.memref_squeeze %dma_start3A_403 : memref<1x64xf32, #tpu.memory_space<vmem>> -> memref<64xf32, #tpu.memory_space<vmem>>
            %dma_start3A_405 = arith.constant 0 : i32
            %dma_start3A_406 = tpu.memref_slice %arg5[%squeeze3A_401, %dma_start3A_405] : memref<1000000x64xf32, #tpu.memory_space<hbm>> -> memref<1x64xf32, #tpu.memory_space<hbm>>
            %dma_start3A_407 = tpu.memref_squeeze %dma_start3A_406 : memref<1x64xf32, #tpu.memory_space<hbm>> -> memref<64xf32, #tpu.memory_space<hbm>>
            %dma_start3A_408 = arith.constant 0 : i32
            %dma_start3A_409 = tpu.memref_slice %arg10[%add3A_385, %dma_start3A_408] : memref<256x64xf32, #tpu.memory_space<vmem>> -> memref<1x64xf32, #tpu.memory_space<vmem>>
            %dma_start3A_410 = tpu.memref_squeeze %dma_start3A_409 : memref<1x64xf32, #tpu.memory_space<vmem>> -> memref<64xf32, #tpu.memory_space<vmem>>
            %dma_start3A_411 = arith.constant 0 : i32
            %dma_start3A_412 = tpu.memref_slice %arg5[%squeeze3A_401, %dma_start3A_411] : memref<1000000x64xf32, #tpu.memory_space<hbm>> -> memref<1x64xf32, #tpu.memory_space<hbm>>
            %dma_start3A_413 = tpu.memref_squeeze %dma_start3A_412 : memref<1x64xf32, #tpu.memory_space<hbm>> -> memref<64xf32, #tpu.memory_space<hbm>>
            tpu.enqueue_dma source(%dma_start3A_413 : memref<64xf32, #tpu.memory_space<hbm>>) target(%dma_start3A_410 : memref<64xf32, #tpu.memory_space<vmem>>) target_semaphore(%arg15 : memref<!tpu.dma_semaphore, #tpu.memory_space<semaphore_mem>>)
            %mul3A_414 = arith.constant 16 : i32
            %mul3A_415 = arith.muli %scan3A_56, %mul3A_414 : i32
            %add3A_416 = arith.constant 128 : i32
            %add3A_417 = arith.addi %add3A_416, %mul3A_415 : i32
            %add3A_418 = arith.constant 10 : i32
            %add3A_419 = arith.addi %add3A_417, %add3A_418 : i32
            %slice3A_420 = vector.extract_strided_slice %get3A_64 {offsets = [10], sizes = [1], strides = [1]} : vector<16xi32> to vector<1xi32>
            %squeeze3A_421 = vector.extract %slice3A_420[0] : i32 from vector<1xi32>
            %dma_start3A_422 = arith.constant 0 : i32
            %dma_start3A_423 = tpu.memref_slice %arg9[%add3A_419, %dma_start3A_422] : memref<256x64xf32, #tpu.memory_space<vmem>> -> memref<1x64xf32, #tpu.memory_space<vmem>>
            %dma_start3A_424 = tpu.memref_squeeze %dma_start3A_423 : memref<1x64xf32, #tpu.memory_space<vmem>> -> memref<64xf32, #tpu.memory_space<vmem>>
            %dma_start3A_425 = arith.constant 0 : i32
            %dma_start3A_426 = tpu.memref_slice %arg4[%squeeze3A_421, %dma_start3A_425] : memref<1000000x64xf32, #tpu.memory_space<hbm>> -> memref<1x64xf32, #tpu.memory_space<hbm>>
            %dma_start3A_427 = tpu.memref_squeeze %dma_start3A_426 : memref<1x64xf32, #tpu.memory_space<hbm>> -> memref<64xf32, #tpu.memory_space<hbm>>
            %dma_start3A_428 = arith.constant 0 : i32
            %dma_start3A_429 = tpu.memref_slice %arg9[%add3A_419, %dma_start3A_428] : memref<256x64xf32, #tpu.memory_space<vmem>> -> memref<1x64xf32, #tpu.memory_space<vmem>>
            %dma_start3A_430 = tpu.memref_squeeze %dma_start3A_429 : memref<1x64xf32, #tpu.memory_space<vmem>> -> memref<64xf32, #tpu.memory_space<vmem>>
            %dma_start3A_431 = arith.constant 0 : i32
            %dma_start3A_432 = tpu.memref_slice %arg4[%squeeze3A_421, %dma_start3A_431] : memref<1000000x64xf32, #tpu.memory_space<hbm>> -> memref<1x64xf32, #tpu.memory_space<hbm>>
            %dma_start3A_433 = tpu.memref_squeeze %dma_start3A_432 : memref<1x64xf32, #tpu.memory_space<hbm>> -> memref<64xf32, #tpu.memory_space<hbm>>
            tpu.enqueue_dma source(%dma_start3A_433 : memref<64xf32, #tpu.memory_space<hbm>>) target(%dma_start3A_430 : memref<64xf32, #tpu.memory_space<vmem>>) target_semaphore(%arg13 : memref<!tpu.dma_semaphore, #tpu.memory_space<semaphore_mem>>)
            %slice3A_434 = vector.extract_strided_slice %get3A_66 {offsets = [10], sizes = [1], strides = [1]} : vector<16xi32> to vector<1xi32>
            %squeeze3A_435 = vector.extract %slice3A_434[0] : i32 from vector<1xi32>
            %dma_start3A_436 = arith.constant 0 : i32
            %dma_start3A_437 = tpu.memref_slice %arg10[%add3A_419, %dma_start3A_436] : memref<256x64xf32, #tpu.memory_space<vmem>> -> memref<1x64xf32, #tpu.memory_space<vmem>>
            %dma_start3A_438 = tpu.memref_squeeze %dma_start3A_437 : memref<1x64xf32, #tpu.memory_space<vmem>> -> memref<64xf32, #tpu.memory_space<vmem>>
            %dma_start3A_439 = arith.constant 0 : i32
            %dma_start3A_440 = tpu.memref_slice %arg5[%squeeze3A_435, %dma_start3A_439] : memref<1000000x64xf32, #tpu.memory_space<hbm>> -> memref<1x64xf32, #tpu.memory_space<hbm>>
            %dma_start3A_441 = tpu.memref_squeeze %dma_start3A_440 : memref<1x64xf32, #tpu.memory_space<hbm>> -> memref<64xf32, #tpu.memory_space<hbm>>
            %dma_start3A_442 = arith.constant 0 : i32
            %dma_start3A_443 = tpu.memref_slice %arg10[%add3A_419, %dma_start3A_442] : memref<256x64xf32, #tpu.memory_space<vmem>> -> memref<1x64xf32, #tpu.memory_space<vmem>>
            %dma_start3A_444 = tpu.memref_squeeze %dma_start3A_443 : memref<1x64xf32, #tpu.memory_space<vmem>> -> memref<64xf32, #tpu.memory_space<vmem>>
            %dma_start3A_445 = arith.constant 0 : i32
            %dma_start3A_446 = tpu.memref_slice %arg5[%squeeze3A_435, %dma_start3A_445] : memref<1000000x64xf32, #tpu.memory_space<hbm>> -> memref<1x64xf32, #tpu.memory_space<hbm>>
            %dma_start3A_447 = tpu.memref_squeeze %dma_start3A_446 : memref<1x64xf32, #tpu.memory_space<hbm>> -> memref<64xf32, #tpu.memory_space<hbm>>
            tpu.enqueue_dma source(%dma_start3A_447 : memref<64xf32, #tpu.memory_space<hbm>>) target(%dma_start3A_444 : memref<64xf32, #tpu.memory_space<vmem>>) target_semaphore(%arg15 : memref<!tpu.dma_semaphore, #tpu.memory_space<semaphore_mem>>)
            %mul3A_448 = arith.constant 16 : i32
            %mul3A_449 = arith.muli %scan3A_56, %mul3A_448 : i32
            %add3A_450 = arith.constant 128 : i32
            %add3A_451 = arith.addi %add3A_450, %mul3A_449 : i32
            %add3A_452 = arith.constant 11 : i32
            %add3A_453 = arith.addi %add3A_451, %add3A_452 : i32
            %slice3A_454 = vector.extract_strided_slice %get3A_64 {offsets = [11], sizes = [1], strides = [1]} : vector<16xi32> to vector<1xi32>
            %squeeze3A_455 = vector.extract %slice3A_454[0] : i32 from vector<1xi32>
            %dma_start3A_456 = arith.constant 0 : i32
            %dma_start3A_457 = tpu.memref_slice %arg9[%add3A_453, %dma_start3A_456] : memref<256x64xf32, #tpu.memory_space<vmem>> -> memref<1x64xf32, #tpu.memory_space<vmem>>
            %dma_start3A_458 = tpu.memref_squeeze %dma_start3A_457 : memref<1x64xf32, #tpu.memory_space<vmem>> -> memref<64xf32, #tpu.memory_space<vmem>>
            %dma_start3A_459 = arith.constant 0 : i32
            %dma_start3A_460 = tpu.memref_slice %arg4[%squeeze3A_455, %dma_start3A_459] : memref<1000000x64xf32, #tpu.memory_space<hbm>> -> memref<1x64xf32, #tpu.memory_space<hbm>>
            %dma_start3A_461 = tpu.memref_squeeze %dma_start3A_460 : memref<1x64xf32, #tpu.memory_space<hbm>> -> memref<64xf32, #tpu.memory_space<hbm>>
            %dma_start3A_462 = arith.constant 0 : i32
            %dma_start3A_463 = tpu.memref_slice %arg9[%add3A_453, %dma_start3A_462] : memref<256x64xf32, #tpu.memory_space<vmem>> -> memref<1x64xf32, #tpu.memory_space<vmem>>
            %dma_start3A_464 = tpu.memref_squeeze %dma_start3A_463 : memref<1x64xf32, #tpu.memory_space<vmem>> -> memref<64xf32, #tpu.memory_space<vmem>>
            %dma_start3A_465 = arith.constant 0 : i32
            %dma_start3A_466 = tpu.memref_slice %arg4[%squeeze3A_455, %dma_start3A_465] : memref<1000000x64xf32, #tpu.memory_space<hbm>> -> memref<1x64xf32, #tpu.memory_space<hbm>>
            %dma_start3A_467 = tpu.memref_squeeze %dma_start3A_466 : memref<1x64xf32, #tpu.memory_space<hbm>> -> memref<64xf32, #tpu.memory_space<hbm>>
            tpu.enqueue_dma source(%dma_start3A_467 : memref<64xf32, #tpu.memory_space<hbm>>) target(%dma_start3A_464 : memref<64xf32, #tpu.memory_space<vmem>>) target_semaphore(%arg13 : memref<!tpu.dma_semaphore, #tpu.memory_space<semaphore_mem>>)
            %slice3A_468 = vector.extract_strided_slice %get3A_66 {offsets = [11], sizes = [1], strides = [1]} : vector<16xi32> to vector<1xi32>
            %squeeze3A_469 = vector.extract %slice3A_468[0] : i32 from vector<1xi32>
            %dma_start3A_470 = arith.constant 0 : i32
            %dma_start3A_471 = tpu.memref_slice %arg10[%add3A_453, %dma_start3A_470] : memref<256x64xf32, #tpu.memory_space<vmem>> -> memref<1x64xf32, #tpu.memory_space<vmem>>
            %dma_start3A_472 = tpu.memref_squeeze %dma_start3A_471 : memref<1x64xf32, #tpu.memory_space<vmem>> -> memref<64xf32, #tpu.memory_space<vmem>>
            %dma_start3A_473 = arith.constant 0 : i32
            %dma_start3A_474 = tpu.memref_slice %arg5[%squeeze3A_469, %dma_start3A_473] : memref<1000000x64xf32, #tpu.memory_space<hbm>> -> memref<1x64xf32, #tpu.memory_space<hbm>>
            %dma_start3A_475 = tpu.memref_squeeze %dma_start3A_474 : memref<1x64xf32, #tpu.memory_space<hbm>> -> memref<64xf32, #tpu.memory_space<hbm>>
            %dma_start3A_476 = arith.constant 0 : i32
            %dma_start3A_477 = tpu.memref_slice %arg10[%add3A_453, %dma_start3A_476] : memref<256x64xf32, #tpu.memory_space<vmem>> -> memref<1x64xf32, #tpu.memory_space<vmem>>
            %dma_start3A_478 = tpu.memref_squeeze %dma_start3A_477 : memref<1x64xf32, #tpu.memory_space<vmem>> -> memref<64xf32, #tpu.memory_space<vmem>>
            %dma_start3A_479 = arith.constant 0 : i32
            %dma_start3A_480 = tpu.memref_slice %arg5[%squeeze3A_469, %dma_start3A_479] : memref<1000000x64xf32, #tpu.memory_space<hbm>> -> memref<1x64xf32, #tpu.memory_space<hbm>>
            %dma_start3A_481 = tpu.memref_squeeze %dma_start3A_480 : memref<1x64xf32, #tpu.memory_space<hbm>> -> memref<64xf32, #tpu.memory_space<hbm>>
            tpu.enqueue_dma source(%dma_start3A_481 : memref<64xf32, #tpu.memory_space<hbm>>) target(%dma_start3A_478 : memref<64xf32, #tpu.memory_space<vmem>>) target_semaphore(%arg15 : memref<!tpu.dma_semaphore, #tpu.memory_space<semaphore_mem>>)
            %mul3A_482 = arith.constant 16 : i32
            %mul3A_483 = arith.muli %scan3A_56, %mul3A_482 : i32
            %add3A_484 = arith.constant 128 : i32
            %add3A_485 = arith.addi %add3A_484, %mul3A_483 : i32
            %add3A_486 = arith.constant 12 : i32
            %add3A_487 = arith.addi %add3A_485, %add3A_486 : i32
            %slice3A_488 = vector.extract_strided_slice %get3A_64 {offsets = [12], sizes = [1], strides = [1]} : vector<16xi32> to vector<1xi32>
            %squeeze3A_489 = vector.extract %slice3A_488[0] : i32 from vector<1xi32>
            %dma_start3A_490 = arith.constant 0 : i32
            %dma_start3A_491 = tpu.memref_slice %arg9[%add3A_487, %dma_start3A_490] : memref<256x64xf32, #tpu.memory_space<vmem>> -> memref<1x64xf32, #tpu.memory_space<vmem>>
            %dma_start3A_492 = tpu.memref_squeeze %dma_start3A_491 : memref<1x64xf32, #tpu.memory_space<vmem>> -> memref<64xf32, #tpu.memory_space<vmem>>
            %dma_start3A_493 = arith.constant 0 : i32
            %dma_start3A_494 = tpu.memref_slice %arg4[%squeeze3A_489, %dma_start3A_493] : memref<1000000x64xf32, #tpu.memory_space<hbm>> -> memref<1x64xf32, #tpu.memory_space<hbm>>
            %dma_start3A_495 = tpu.memref_squeeze %dma_start3A_494 : memref<1x64xf32, #tpu.memory_space<hbm>> -> memref<64xf32, #tpu.memory_space<hbm>>
            %dma_start3A_496 = arith.constant 0 : i32
            %dma_start3A_497 = tpu.memref_slice %arg9[%add3A_487, %dma_start3A_496] : memref<256x64xf32, #tpu.memory_space<vmem>> -> memref<1x64xf32, #tpu.memory_space<vmem>>
            %dma_start3A_498 = tpu.memref_squeeze %dma_start3A_497 : memref<1x64xf32, #tpu.memory_space<vmem>> -> memref<64xf32, #tpu.memory_space<vmem>>
            %dma_start3A_499 = arith.constant 0 : i32
            %dma_start3A_500 = tpu.memref_slice %arg4[%squeeze3A_489, %dma_start3A_499] : memref<1000000x64xf32, #tpu.memory_space<hbm>> -> memref<1x64xf32, #tpu.memory_space<hbm>>
            %dma_start3A_501 = tpu.memref_squeeze %dma_start3A_500 : memref<1x64xf32, #tpu.memory_space<hbm>> -> memref<64xf32, #tpu.memory_space<hbm>>
            tpu.enqueue_dma source(%dma_start3A_501 : memref<64xf32, #tpu.memory_space<hbm>>) target(%dma_start3A_498 : memref<64xf32, #tpu.memory_space<vmem>>) target_semaphore(%arg13 : memref<!tpu.dma_semaphore, #tpu.memory_space<semaphore_mem>>)
            %slice3A_502 = vector.extract_strided_slice %get3A_66 {offsets = [12], sizes = [1], strides = [1]} : vector<16xi32> to vector<1xi32>
            %squeeze3A_503 = vector.extract %slice3A_502[0] : i32 from vector<1xi32>
            %dma_start3A_504 = arith.constant 0 : i32
            %dma_start3A_505 = tpu.memref_slice %arg10[%add3A_487, %dma_start3A_504] : memref<256x64xf32, #tpu.memory_space<vmem>> -> memref<1x64xf32, #tpu.memory_space<vmem>>
            %dma_start3A_506 = tpu.memref_squeeze %dma_start3A_505 : memref<1x64xf32, #tpu.memory_space<vmem>> -> memref<64xf32, #tpu.memory_space<vmem>>
            %dma_start3A_507 = arith.constant 0 : i32
            %dma_start3A_508 = tpu.memref_slice %arg5[%squeeze3A_503, %dma_start3A_507] : memref<1000000x64xf32, #tpu.memory_space<hbm>> -> memref<1x64xf32, #tpu.memory_space<hbm>>
            %dma_start3A_509 = tpu.memref_squeeze %dma_start3A_508 : memref<1x64xf32, #tpu.memory_space<hbm>> -> memref<64xf32, #tpu.memory_space<hbm>>
            %dma_start3A_510 = arith.constant 0 : i32
            %dma_start3A_511 = tpu.memref_slice %arg10[%add3A_487, %dma_start3A_510] : memref<256x64xf32, #tpu.memory_space<vmem>> -> memref<1x64xf32, #tpu.memory_space<vmem>>
            %dma_start3A_512 = tpu.memref_squeeze %dma_start3A_511 : memref<1x64xf32, #tpu.memory_space<vmem>> -> memref<64xf32, #tpu.memory_space<vmem>>
            %dma_start3A_513 = arith.constant 0 : i32
            %dma_start3A_514 = tpu.memref_slice %arg5[%squeeze3A_503, %dma_start3A_513] : memref<1000000x64xf32, #tpu.memory_space<hbm>> -> memref<1x64xf32, #tpu.memory_space<hbm>>
            %dma_start3A_515 = tpu.memref_squeeze %dma_start3A_514 : memref<1x64xf32, #tpu.memory_space<hbm>> -> memref<64xf32, #tpu.memory_space<hbm>>
            tpu.enqueue_dma source(%dma_start3A_515 : memref<64xf32, #tpu.memory_space<hbm>>) target(%dma_start3A_512 : memref<64xf32, #tpu.memory_space<vmem>>) target_semaphore(%arg15 : memref<!tpu.dma_semaphore, #tpu.memory_space<semaphore_mem>>)
            %mul3A_516 = arith.constant 16 : i32
            %mul3A_517 = arith.muli %scan3A_56, %mul3A_516 : i32
            %add3A_518 = arith.constant 128 : i32
            %add3A_519 = arith.addi %add3A_518, %mul3A_517 : i32
            %add3A_520 = arith.constant 13 : i32
            %add3A_521 = arith.addi %add3A_519, %add3A_520 : i32
            %slice3A_522 = vector.extract_strided_slice %get3A_64 {offsets = [13], sizes = [1], strides = [1]} : vector<16xi32> to vector<1xi32>
            %squeeze3A_523 = vector.extract %slice3A_522[0] : i32 from vector<1xi32>
            %dma_start3A_524 = arith.constant 0 : i32
            %dma_start3A_525 = tpu.memref_slice %arg9[%add3A_521, %dma_start3A_524] : memref<256x64xf32, #tpu.memory_space<vmem>> -> memref<1x64xf32, #tpu.memory_space<vmem>>
            %dma_start3A_526 = tpu.memref_squeeze %dma_start3A_525 : memref<1x64xf32, #tpu.memory_space<vmem>> -> memref<64xf32, #tpu.memory_space<vmem>>
            %dma_start3A_527 = arith.constant 0 : i32
            %dma_start3A_528 = tpu.memref_slice %arg4[%squeeze3A_523, %dma_start3A_527] : memref<1000000x64xf32, #tpu.memory_space<hbm>> -> memref<1x64xf32, #tpu.memory_space<hbm>>
            %dma_start3A_529 = tpu.memref_squeeze %dma_start3A_528 : memref<1x64xf32, #tpu.memory_space<hbm>> -> memref<64xf32, #tpu.memory_space<hbm>>
            %dma_start3A_530 = arith.constant 0 : i32
            %dma_start3A_531 = tpu.memref_slice %arg9[%add3A_521, %dma_start3A_530] : memref<256x64xf32, #tpu.memory_space<vmem>> -> memref<1x64xf32, #tpu.memory_space<vmem>>
            %dma_start3A_532 = tpu.memref_squeeze %dma_start3A_531 : memref<1x64xf32, #tpu.memory_space<vmem>> -> memref<64xf32, #tpu.memory_space<vmem>>
            %dma_start3A_533 = arith.constant 0 : i32
            %dma_start3A_534 = tpu.memref_slice %arg4[%squeeze3A_523, %dma_start3A_533] : memref<1000000x64xf32, #tpu.memory_space<hbm>> -> memref<1x64xf32, #tpu.memory_space<hbm>>
            %dma_start3A_535 = tpu.memref_squeeze %dma_start3A_534 : memref<1x64xf32, #tpu.memory_space<hbm>> -> memref<64xf32, #tpu.memory_space<hbm>>
            tpu.enqueue_dma source(%dma_start3A_535 : memref<64xf32, #tpu.memory_space<hbm>>) target(%dma_start3A_532 : memref<64xf32, #tpu.memory_space<vmem>>) target_semaphore(%arg13 : memref<!tpu.dma_semaphore, #tpu.memory_space<semaphore_mem>>)
            %slice3A_536 = vector.extract_strided_slice %get3A_66 {offsets = [13], sizes = [1], strides = [1]} : vector<16xi32> to vector<1xi32>
            %squeeze3A_537 = vector.extract %slice3A_536[0] : i32 from vector<1xi32>
            %dma_start3A_538 = arith.constant 0 : i32
            %dma_start3A_539 = tpu.memref_slice %arg10[%add3A_521, %dma_start3A_538] : memref<256x64xf32, #tpu.memory_space<vmem>> -> memref<1x64xf32, #tpu.memory_space<vmem>>
            %dma_start3A_540 = tpu.memref_squeeze %dma_start3A_539 : memref<1x64xf32, #tpu.memory_space<vmem>> -> memref<64xf32, #tpu.memory_space<vmem>>
            %dma_start3A_541 = arith.constant 0 : i32
            %dma_start3A_542 = tpu.memref_slice %arg5[%squeeze3A_537, %dma_start3A_541] : memref<1000000x64xf32, #tpu.memory_space<hbm>> -> memref<1x64xf32, #tpu.memory_space<hbm>>
            %dma_start3A_543 = tpu.memref_squeeze %dma_start3A_542 : memref<1x64xf32, #tpu.memory_space<hbm>> -> memref<64xf32, #tpu.memory_space<hbm>>
            %dma_start3A_544 = arith.constant 0 : i32
            %dma_start3A_545 = tpu.memref_slice %arg10[%add3A_521, %dma_start3A_544] : memref<256x64xf32, #tpu.memory_space<vmem>> -> memref<1x64xf32, #tpu.memory_space<vmem>>
            %dma_start3A_546 = tpu.memref_squeeze %dma_start3A_545 : memref<1x64xf32, #tpu.memory_space<vmem>> -> memref<64xf32, #tpu.memory_space<vmem>>
            %dma_start3A_547 = arith.constant 0 : i32
            %dma_start3A_548 = tpu.memref_slice %arg5[%squeeze3A_537, %dma_start3A_547] : memref<1000000x64xf32, #tpu.memory_space<hbm>> -> memref<1x64xf32, #tpu.memory_space<hbm>>
            %dma_start3A_549 = tpu.memref_squeeze %dma_start3A_548 : memref<1x64xf32, #tpu.memory_space<hbm>> -> memref<64xf32, #tpu.memory_space<hbm>>
            tpu.enqueue_dma source(%dma_start3A_549 : memref<64xf32, #tpu.memory_space<hbm>>) target(%dma_start3A_546 : memref<64xf32, #tpu.memory_space<vmem>>) target_semaphore(%arg15 : memref<!tpu.dma_semaphore, #tpu.memory_space<semaphore_mem>>)
            %mul3A_550 = arith.constant 16 : i32
            %mul3A_551 = arith.muli %scan3A_56, %mul3A_550 : i32
            %add3A_552 = arith.constant 128 : i32
            %add3A_553 = arith.addi %add3A_552, %mul3A_551 : i32
            %add3A_554 = arith.constant 14 : i32
            %add3A_555 = arith.addi %add3A_553, %add3A_554 : i32
            %slice3A_556 = vector.extract_strided_slice %get3A_64 {offsets = [14], sizes = [1], strides = [1]} : vector<16xi32> to vector<1xi32>
            %squeeze3A_557 = vector.extract %slice3A_556[0] : i32 from vector<1xi32>
            %dma_start3A_558 = arith.constant 0 : i32
            %dma_start3A_559 = tpu.memref_slice %arg9[%add3A_555, %dma_start3A_558] : memref<256x64xf32, #tpu.memory_space<vmem>> -> memref<1x64xf32, #tpu.memory_space<vmem>>
            %dma_start3A_560 = tpu.memref_squeeze %dma_start3A_559 : memref<1x64xf32, #tpu.memory_space<vmem>> -> memref<64xf32, #tpu.memory_space<vmem>>
            %dma_start3A_561 = arith.constant 0 : i32
            %dma_start3A_562 = tpu.memref_slice %arg4[%squeeze3A_557, %dma_start3A_561] : memref<1000000x64xf32, #tpu.memory_space<hbm>> -> memref<1x64xf32, #tpu.memory_space<hbm>>
            %dma_start3A_563 = tpu.memref_squeeze %dma_start3A_562 : memref<1x64xf32, #tpu.memory_space<hbm>> -> memref<64xf32, #tpu.memory_space<hbm>>
            %dma_start3A_564 = arith.constant 0 : i32
            %dma_start3A_565 = tpu.memref_slice %arg9[%add3A_555, %dma_start3A_564] : memref<256x64xf32, #tpu.memory_space<vmem>> -> memref<1x64xf32, #tpu.memory_space<vmem>>
            %dma_start3A_566 = tpu.memref_squeeze %dma_start3A_565 : memref<1x64xf32, #tpu.memory_space<vmem>> -> memref<64xf32, #tpu.memory_space<vmem>>
            %dma_start3A_567 = arith.constant 0 : i32
            %dma_start3A_568 = tpu.memref_slice %arg4[%squeeze3A_557, %dma_start3A_567] : memref<1000000x64xf32, #tpu.memory_space<hbm>> -> memref<1x64xf32, #tpu.memory_space<hbm>>
            %dma_start3A_569 = tpu.memref_squeeze %dma_start3A_568 : memref<1x64xf32, #tpu.memory_space<hbm>> -> memref<64xf32, #tpu.memory_space<hbm>>
            tpu.enqueue_dma source(%dma_start3A_569 : memref<64xf32, #tpu.memory_space<hbm>>) target(%dma_start3A_566 : memref<64xf32, #tpu.memory_space<vmem>>) target_semaphore(%arg13 : memref<!tpu.dma_semaphore, #tpu.memory_space<semaphore_mem>>)
            %slice3A_570 = vector.extract_strided_slice %get3A_66 {offsets = [14], sizes = [1], strides = [1]} : vector<16xi32> to vector<1xi32>
            %squeeze3A_571 = vector.extract %slice3A_570[0] : i32 from vector<1xi32>
            %dma_start3A_572 = arith.constant 0 : i32
            %dma_start3A_573 = tpu.memref_slice %arg10[%add3A_555, %dma_start3A_572] : memref<256x64xf32, #tpu.memory_space<vmem>> -> memref<1x64xf32, #tpu.memory_space<vmem>>
            %dma_start3A_574 = tpu.memref_squeeze %dma_start3A_573 : memref<1x64xf32, #tpu.memory_space<vmem>> -> memref<64xf32, #tpu.memory_space<vmem>>
            %dma_start3A_575 = arith.constant 0 : i32
            %dma_start3A_576 = tpu.memref_slice %arg5[%squeeze3A_571, %dma_start3A_575] : memref<1000000x64xf32, #tpu.memory_space<hbm>> -> memref<1x64xf32, #tpu.memory_space<hbm>>
            %dma_start3A_577 = tpu.memref_squeeze %dma_start3A_576 : memref<1x64xf32, #tpu.memory_space<hbm>> -> memref<64xf32, #tpu.memory_space<hbm>>
            %dma_start3A_578 = arith.constant 0 : i32
            %dma_start3A_579 = tpu.memref_slice %arg10[%add3A_555, %dma_start3A_578] : memref<256x64xf32, #tpu.memory_space<vmem>> -> memref<1x64xf32, #tpu.memory_space<vmem>>
            %dma_start3A_580 = tpu.memref_squeeze %dma_start3A_579 : memref<1x64xf32, #tpu.memory_space<vmem>> -> memref<64xf32, #tpu.memory_space<vmem>>
            %dma_start3A_581 = arith.constant 0 : i32
            %dma_start3A_582 = tpu.memref_slice %arg5[%squeeze3A_571, %dma_start3A_581] : memref<1000000x64xf32, #tpu.memory_space<hbm>> -> memref<1x64xf32, #tpu.memory_space<hbm>>
            %dma_start3A_583 = tpu.memref_squeeze %dma_start3A_582 : memref<1x64xf32, #tpu.memory_space<hbm>> -> memref<64xf32, #tpu.memory_space<hbm>>
            tpu.enqueue_dma source(%dma_start3A_583 : memref<64xf32, #tpu.memory_space<hbm>>) target(%dma_start3A_580 : memref<64xf32, #tpu.memory_space<vmem>>) target_semaphore(%arg15 : memref<!tpu.dma_semaphore, #tpu.memory_space<semaphore_mem>>)
            %mul3A_584 = arith.constant 16 : i32
            %mul3A_585 = arith.muli %scan3A_56, %mul3A_584 : i32
            %add3A_586 = arith.constant 128 : i32
            %add3A_587 = arith.addi %add3A_586, %mul3A_585 : i32
            %add3A_588 = arith.constant 15 : i32
            %add3A_589 = arith.addi %add3A_587, %add3A_588 : i32
            %slice3A_590 = vector.extract_strided_slice %get3A_64 {offsets = [15], sizes = [1], strides = [1]} : vector<16xi32> to vector<1xi32>
            %squeeze3A_591 = vector.extract %slice3A_590[0] : i32 from vector<1xi32>
            %dma_start3A_592 = arith.constant 0 : i32
            %dma_start3A_593 = tpu.memref_slice %arg9[%add3A_589, %dma_start3A_592] : memref<256x64xf32, #tpu.memory_space<vmem>> -> memref<1x64xf32, #tpu.memory_space<vmem>>
            %dma_start3A_594 = tpu.memref_squeeze %dma_start3A_593 : memref<1x64xf32, #tpu.memory_space<vmem>> -> memref<64xf32, #tpu.memory_space<vmem>>
            %dma_start3A_595 = arith.constant 0 : i32
            %dma_start3A_596 = tpu.memref_slice %arg4[%squeeze3A_591, %dma_start3A_595] : memref<1000000x64xf32, #tpu.memory_space<hbm>> -> memref<1x64xf32, #tpu.memory_space<hbm>>
            %dma_start3A_597 = tpu.memref_squeeze %dma_start3A_596 : memref<1x64xf32, #tpu.memory_space<hbm>> -> memref<64xf32, #tpu.memory_space<hbm>>
            %dma_start3A_598 = arith.constant 0 : i32
            %dma_start3A_599 = tpu.memref_slice %arg9[%add3A_589, %dma_start3A_598] : memref<256x64xf32, #tpu.memory_space<vmem>> -> memref<1x64xf32, #tpu.memory_space<vmem>>
            %dma_start3A_600 = tpu.memref_squeeze %dma_start3A_599 : memref<1x64xf32, #tpu.memory_space<vmem>> -> memref<64xf32, #tpu.memory_space<vmem>>
            %dma_start3A_601 = arith.constant 0 : i32
            %dma_start3A_602 = tpu.memref_slice %arg4[%squeeze3A_591, %dma_start3A_601] : memref<1000000x64xf32, #tpu.memory_space<hbm>> -> memref<1x64xf32, #tpu.memory_space<hbm>>
            %dma_start3A_603 = tpu.memref_squeeze %dma_start3A_602 : memref<1x64xf32, #tpu.memory_space<hbm>> -> memref<64xf32, #tpu.memory_space<hbm>>
            tpu.enqueue_dma source(%dma_start3A_603 : memref<64xf32, #tpu.memory_space<hbm>>) target(%dma_start3A_600 : memref<64xf32, #tpu.memory_space<vmem>>) target_semaphore(%arg13 : memref<!tpu.dma_semaphore, #tpu.memory_space<semaphore_mem>>)
            %slice3A_604 = vector.extract_strided_slice %get3A_66 {offsets = [15], sizes = [1], strides = [1]} : vector<16xi32> to vector<1xi32>
            %squeeze3A_605 = vector.extract %slice3A_604[0] : i32 from vector<1xi32>
            %dma_start3A_606 = arith.constant 0 : i32
            %dma_start3A_607 = tpu.memref_slice %arg10[%add3A_589, %dma_start3A_606] : memref<256x64xf32, #tpu.memory_space<vmem>> -> memref<1x64xf32, #tpu.memory_space<vmem>>
            %dma_start3A_608 = tpu.memref_squeeze %dma_start3A_607 : memref<1x64xf32, #tpu.memory_space<vmem>> -> memref<64xf32, #tpu.memory_space<vmem>>
            %dma_start3A_609 = arith.constant 0 : i32
            %dma_start3A_610 = tpu.memref_slice %arg5[%squeeze3A_605, %dma_start3A_609] : memref<1000000x64xf32, #tpu.memory_space<hbm>> -> memref<1x64xf32, #tpu.memory_space<hbm>>
            %dma_start3A_611 = tpu.memref_squeeze %dma_start3A_610 : memref<1x64xf32, #tpu.memory_space<hbm>> -> memref<64xf32, #tpu.memory_space<hbm>>
            %dma_start3A_612 = arith.constant 0 : i32
            %dma_start3A_613 = tpu.memref_slice %arg10[%add3A_589, %dma_start3A_612] : memref<256x64xf32, #tpu.memory_space<vmem>> -> memref<1x64xf32, #tpu.memory_space<vmem>>
            %dma_start3A_614 = tpu.memref_squeeze %dma_start3A_613 : memref<1x64xf32, #tpu.memory_space<vmem>> -> memref<64xf32, #tpu.memory_space<vmem>>
            %dma_start3A_615 = arith.constant 0 : i32
            %dma_start3A_616 = tpu.memref_slice %arg5[%squeeze3A_605, %dma_start3A_615] : memref<1000000x64xf32, #tpu.memory_space<hbm>> -> memref<1x64xf32, #tpu.memory_space<hbm>>
            %dma_start3A_617 = tpu.memref_squeeze %dma_start3A_616 : memref<1x64xf32, #tpu.memory_space<hbm>> -> memref<64xf32, #tpu.memory_space<hbm>>
            tpu.enqueue_dma source(%dma_start3A_617 : memref<64xf32, #tpu.memory_space<hbm>>) target(%dma_start3A_614 : memref<64xf32, #tpu.memory_space<vmem>>) target_semaphore(%arg15 : memref<!tpu.dma_semaphore, #tpu.memory_space<semaphore_mem>>)
          } else {
          }
          %scan3A_76 = arith.constant 0 : i32
          scf.yield %scan3A_76 : i32
        }
        %scan3A_55 = arith.constant 8 : i32
      } else {
      }
      %rem3A_24 = arith.constant 2 : i32
      %rem3A_25 = arith.remsi %scan3A_18, %rem3A_24 : i32
      %scan3A_26 = arith.constant 0 : i32
      %scan3A_27 = arith.constant 0 : i32
      %scan3A_28 = arith.constant 128 : i32
      %scan3A_29 = arith.addi %scan3A_27, %scan3A_28 : i32
      %scan3A_30 = arith.constant 1 : i32
      %scan3A_31 = scf.for %scan3A_45 = %scan3A_27 to %scan3A_29 step %scan3A_30 iter_args(%scan3A_46 = %scan3A_26) -> (i32)  : i32 {
        %eq3A = arith.constant 0 : i32
        %eq3A_47 = arith.cmpi eq, %rem3A_25, %eq3A : i32
        %convert_element_type3A_48 = arith.extui %eq3A_47 : i1 to i32
        %cond3A_49 = arith.constant 0 : i32
        %cond3A_50 = arith.cmpi ne, %convert_element_type3A_48, %cond3A_49 : i32
        scf.if %cond3A_50 {
          %dma_wait3A = arith.constant 0 : i32
          %dma_wait3A_57 = arith.constant 0 : i32
          %dma_wait3A_58 = arith.constant 0 : i32
          %dma_wait3A_59 = tpu.memref_slice %arg9[%dma_wait3A_57, %dma_wait3A_58] : memref<256x64xf32, #tpu.memory_space<vmem>> -> memref<1x64xf32, #tpu.memory_space<vmem>>
          %dma_wait3A_60 = tpu.memref_squeeze %dma_wait3A_59 : memref<1x64xf32, #tpu.memory_space<vmem>> -> memref<64xf32, #tpu.memory_space<vmem>>
          %dma_wait3A_61 = arith.constant 0 : i32
          %dma_wait3A_62 = tpu.memref_slice %arg4[%dma_wait3A, %dma_wait3A_61] : memref<1000000x64xf32, #tpu.memory_space<hbm>> -> memref<1x64xf32, #tpu.memory_space<hbm>>
          %dma_wait3A_63 = tpu.memref_squeeze %dma_wait3A_62 : memref<1x64xf32, #tpu.memory_space<hbm>> -> memref<64xf32, #tpu.memory_space<hbm>>
          %dma_wait3A_64 = arith.constant 0 : i32
          %dma_wait3A_65 = tpu.memref_slice %arg9[%dma_wait3A_57, %dma_wait3A_64] : memref<256x64xf32, #tpu.memory_space<vmem>> -> memref<1x64xf32, #tpu.memory_space<vmem>>
          %dma_wait3A_66 = tpu.memref_squeeze %dma_wait3A_65 : memref<1x64xf32, #tpu.memory_space<vmem>> -> memref<64xf32, #tpu.memory_space<vmem>>
          %dma_wait3A_67 = arith.constant 0 : i32
          %dma_wait3A_68 = tpu.memref_slice %arg4[%dma_wait3A, %dma_wait3A_67] : memref<1000000x64xf32, #tpu.memory_space<hbm>> -> memref<1x64xf32, #tpu.memory_space<hbm>>
          %dma_wait3A_69 = tpu.memref_squeeze %dma_wait3A_68 : memref<1x64xf32, #tpu.memory_space<hbm>> -> memref<64xf32, #tpu.memory_space<hbm>>
          tpu.wait_dma2 semaphore(%arg12 : memref<!tpu.dma_semaphore, #tpu.memory_space<semaphore_mem>>) src(%dma_wait3A_69 : memref<64xf32, #tpu.memory_space<hbm>>) dst(%dma_wait3A_66 : memref<64xf32, #tpu.memory_space<vmem>>)
          %dma_wait3A_70 = arith.constant 0 : i32
          %dma_wait3A_71 = arith.constant 0 : i32
          %dma_wait3A_72 = arith.constant 0 : i32
          %dma_wait3A_73 = tpu.memref_slice %arg10[%dma_wait3A_71, %dma_wait3A_72] : memref<256x64xf32, #tpu.memory_space<vmem>> -> memref<1x64xf32, #tpu.memory_space<vmem>>
          %dma_wait3A_74 = tpu.memref_squeeze %dma_wait3A_73 : memref<1x64xf32, #tpu.memory_space<vmem>> -> memref<64xf32, #tpu.memory_space<vmem>>
          %dma_wait3A_75 = arith.constant 0 : i32
          %dma_wait3A_76 = tpu.memref_slice %arg5[%dma_wait3A_70, %dma_wait3A_75] : memref<1000000x64xf32, #tpu.memory_space<hbm>> -> memref<1x64xf32, #tpu.memory_space<hbm>>
          %dma_wait3A_77 = tpu.memref_squeeze %dma_wait3A_76 : memref<1x64xf32, #tpu.memory_space<hbm>> -> memref<64xf32, #tpu.memory_space<hbm>>
          %dma_wait3A_78 = arith.constant 0 : i32
          %dma_wait3A_79 = tpu.memref_slice %arg10[%dma_wait3A_71, %dma_wait3A_78] : memref<256x64xf32, #tpu.memory_space<vmem>> -> memref<1x64xf32, #tpu.memory_space<vmem>>
          %dma_wait3A_80 = tpu.memref_squeeze %dma_wait3A_79 : memref<1x64xf32, #tpu.memory_space<vmem>> -> memref<64xf32, #tpu.memory_space<vmem>>
          %dma_wait3A_81 = arith.constant 0 : i32
          %dma_wait3A_82 = tpu.memref_slice %arg5[%dma_wait3A_70, %dma_wait3A_81] : memref<1000000x64xf32, #tpu.memory_space<hbm>> -> memref<1x64xf32, #tpu.memory_space<hbm>>
          %dma_wait3A_83 = tpu.memref_squeeze %dma_wait3A_82 : memref<1x64xf32, #tpu.memory_space<hbm>> -> memref<64xf32, #tpu.memory_space<hbm>>
          tpu.wait_dma2 semaphore(%arg14 : memref<!tpu.dma_semaphore, #tpu.memory_space<semaphore_mem>>) src(%dma_wait3A_83 : memref<64xf32, #tpu.memory_space<hbm>>) dst(%dma_wait3A_80 : memref<64xf32, #tpu.memory_space<vmem>>)
        } else {
        }
        %eq3A_51 = arith.constant 1 : i32
        %eq3A_52 = arith.cmpi eq, %rem3A_25, %eq3A_51 : i32
        %convert_element_type3A_53 = arith.extui %eq3A_52 : i1 to i32
        %cond3A_54 = arith.constant 0 : i32
        %cond3A_55 = arith.cmpi ne, %convert_element_type3A_53, %cond3A_54 : i32
        scf.if %cond3A_55 {
          %dma_wait3A = arith.constant 0 : i32
          %dma_wait3A_57 = arith.constant 0 : i32
          %dma_wait3A_58 = arith.constant 0 : i32
          %dma_wait3A_59 = tpu.memref_slice %arg9[%dma_wait3A_57, %dma_wait3A_58] : memref<256x64xf32, #tpu.memory_space<vmem>> -> memref<1x64xf32, #tpu.memory_space<vmem>>
          %dma_wait3A_60 = tpu.memref_squeeze %dma_wait3A_59 : memref<1x64xf32, #tpu.memory_space<vmem>> -> memref<64xf32, #tpu.memory_space<vmem>>
          %dma_wait3A_61 = arith.constant 0 : i32
          %dma_wait3A_62 = tpu.memref_slice %arg4[%dma_wait3A, %dma_wait3A_61] : memref<1000000x64xf32, #tpu.memory_space<hbm>> -> memref<1x64xf32, #tpu.memory_space<hbm>>
          %dma_wait3A_63 = tpu.memref_squeeze %dma_wait3A_62 : memref<1x64xf32, #tpu.memory_space<hbm>> -> memref<64xf32, #tpu.memory_space<hbm>>
          %dma_wait3A_64 = arith.constant 0 : i32
          %dma_wait3A_65 = tpu.memref_slice %arg9[%dma_wait3A_57, %dma_wait3A_64] : memref<256x64xf32, #tpu.memory_space<vmem>> -> memref<1x64xf32, #tpu.memory_space<vmem>>
          %dma_wait3A_66 = tpu.memref_squeeze %dma_wait3A_65 : memref<1x64xf32, #tpu.memory_space<vmem>> -> memref<64xf32, #tpu.memory_space<vmem>>
          %dma_wait3A_67 = arith.constant 0 : i32
          %dma_wait3A_68 = tpu.memref_slice %arg4[%dma_wait3A, %dma_wait3A_67] : memref<1000000x64xf32, #tpu.memory_space<hbm>> -> memref<1x64xf32, #tpu.memory_space<hbm>>
          %dma_wait3A_69 = tpu.memref_squeeze %dma_wait3A_68 : memref<1x64xf32, #tpu.memory_space<hbm>> -> memref<64xf32, #tpu.memory_space<hbm>>
          tpu.wait_dma2 semaphore(%arg13 : memref<!tpu.dma_semaphore, #tpu.memory_space<semaphore_mem>>) src(%dma_wait3A_69 : memref<64xf32, #tpu.memory_space<hbm>>) dst(%dma_wait3A_66 : memref<64xf32, #tpu.memory_space<vmem>>)
          %dma_wait3A_70 = arith.constant 0 : i32
          %dma_wait3A_71 = arith.constant 0 : i32
          %dma_wait3A_72 = arith.constant 0 : i32
          %dma_wait3A_73 = tpu.memref_slice %arg10[%dma_wait3A_71, %dma_wait3A_72] : memref<256x64xf32, #tpu.memory_space<vmem>> -> memref<1x64xf32, #tpu.memory_space<vmem>>
          %dma_wait3A_74 = tpu.memref_squeeze %dma_wait3A_73 : memref<1x64xf32, #tpu.memory_space<vmem>> -> memref<64xf32, #tpu.memory_space<vmem>>
          %dma_wait3A_75 = arith.constant 0 : i32
          %dma_wait3A_76 = tpu.memref_slice %arg5[%dma_wait3A_70, %dma_wait3A_75] : memref<1000000x64xf32, #tpu.memory_space<hbm>> -> memref<1x64xf32, #tpu.memory_space<hbm>>
          %dma_wait3A_77 = tpu.memref_squeeze %dma_wait3A_76 : memref<1x64xf32, #tpu.memory_space<hbm>> -> memref<64xf32, #tpu.memory_space<hbm>>
          %dma_wait3A_78 = arith.constant 0 : i32
          %dma_wait3A_79 = tpu.memref_slice %arg10[%dma_wait3A_71, %dma_wait3A_78] : memref<256x64xf32, #tpu.memory_space<vmem>> -> memref<1x64xf32, #tpu.memory_space<vmem>>
          %dma_wait3A_80 = tpu.memref_squeeze %dma_wait3A_79 : memref<1x64xf32, #tpu.memory_space<vmem>> -> memref<64xf32, #tpu.memory_space<vmem>>
          %dma_wait3A_81 = arith.constant 0 : i32
          %dma_wait3A_82 = tpu.memref_slice %arg5[%dma_wait3A_70, %dma_wait3A_81] : memref<1000000x64xf32, #tpu.memory_space<hbm>> -> memref<1x64xf32, #tpu.memory_space<hbm>>
          %dma_wait3A_83 = tpu.memref_squeeze %dma_wait3A_82 : memref<1x64xf32, #tpu.memory_space<hbm>> -> memref<64xf32, #tpu.memory_space<hbm>>
          tpu.wait_dma2 semaphore(%arg15 : memref<!tpu.dma_semaphore, #tpu.memory_space<semaphore_mem>>) src(%dma_wait3A_83 : memref<64xf32, #tpu.memory_space<hbm>>) dst(%dma_wait3A_80 : memref<64xf32, #tpu.memory_space<vmem>>)
        } else {
        }
        %scan3A_56 = arith.constant 0 : i32
        scf.yield %scan3A_56 : i32
      }
      %scan3A_32 = arith.constant 128 : i32
      %rem3A_33 = arith.constant 2 : i32
      %rem3A_34 = arith.remsi %scan3A_18, %rem3A_33 : i32
      %mul3A_35 = arith.constant 128 : i32
      %mul3A_36 = arith.muli %rem3A_34, %mul3A_35 : i32
      %scan3A_37 = arith.constant 0 : i32
      %scan3A_38 = arith.constant 0 : i32
      %scan3A_39 = arith.constant 8 : i32
      %scan3A_40 = arith.addi %scan3A_38, %scan3A_39 : i32
      %scan3A_41 = arith.constant 1 : i32
      %scan3A_42 = scf.for %scan3A_45 = %scan3A_38 to %scan3A_40 step %scan3A_41 iter_args(%scan3A_46 = %scan3A_37) -> (i32)  : i32 {
        %mul3A_47 = arith.constant 16 : i32
        %mul3A_48 = arith.muli %scan3A_45, %mul3A_47 : i32
        %add3A_49 = arith.addi %mul3A_36, %mul3A_48 : i32
        %broadcast_in_dim3A = vector.broadcast %add3A_49 : i32 to vector<16xi32>
        %add3A_50 = arith.addi %broadcast_in_dim3A, %iota3A : vector<16xi32>
        %broadcast_in_dim3A_51 = arith.constant 0.000000e+00 : f32
        %broadcast_in_dim3A_52 = vector.broadcast %broadcast_in_dim3A_51 : f32 to vector<16xf32>
        %broadcast_in_dim3A_53 = arith.constant 0 : i32
        %broadcast_in_dim3A_54 = vector.broadcast %broadcast_in_dim3A_53 : i32 to vector<16xi32>
        %gather3A = tpu.vector_load_idx %arg9[%add3A_50, %broadcast_in_dim3A_54] : memref<256x64xf32, #tpu.memory_space<vmem>>[vector<16xi32>, vector<16xi32>], vector<16xf32>,
        %gather3A_55 = tpu.vector_load_idx %arg10[%add3A_50, %broadcast_in_dim3A_54] : memref<256x64xf32, #tpu.memory_space<vmem>>[vector<16xi32>, vector<16xi32>], vector<16xf32>,
        %mul3A_56 = arith.mulf %gather3A, %gather3A_55 : vector<16xf32>
        %add3A_57 = arith.addf %broadcast_in_dim3A_52, %mul3A_56 : vector<16xf32>
        %broadcast_in_dim3A_58 = arith.constant 1 : i32
        %broadcast_in_dim3A_59 = vector.broadcast %broadcast_in_dim3A_58 : i32 to vector<16xi32>
        %gather3A_60 = tpu.vector_load_idx %arg9[%add3A_50, %broadcast_in_dim3A_59] : memref<256x64xf32, #tpu.memory_space<vmem>>[vector<16xi32>, vector<16xi32>], vector<16xf32>,
        %gather3A_61 = tpu.vector_load_idx %arg10[%add3A_50, %broadcast_in_dim3A_59] : memref<256x64xf32, #tpu.memory_space<vmem>>[vector<16xi32>, vector<16xi32>], vector<16xf32>,
        %mul3A_62 = arith.mulf %gather3A_60, %gather3A_61 : vector<16xf32>
        %add3A_63 = arith.addf %add3A_57, %mul3A_62 : vector<16xf32>
        %broadcast_in_dim3A_64 = arith.constant 2 : i32
        %broadcast_in_dim3A_65 = vector.broadcast %broadcast_in_dim3A_64 : i32 to vector<16xi32>
        %gather3A_66 = tpu.vector_load_idx %arg9[%add3A_50, %broadcast_in_dim3A_65] : memref<256x64xf32, #tpu.memory_space<vmem>>[vector<16xi32>, vector<16xi32>], vector<16xf32>,
        %gather3A_67 = tpu.vector_load_idx %arg10[%add3A_50, %broadcast_in_dim3A_65] : memref<256x64xf32, #tpu.memory_space<vmem>>[vector<16xi32>, vector<16xi32>], vector<16xf32>,
        %mul3A_68 = arith.mulf %gather3A_66, %gather3A_67 : vector<16xf32>
        %add3A_69 = arith.addf %add3A_63, %mul3A_68 : vector<16xf32>
        %broadcast_in_dim3A_70 = arith.constant 3 : i32
        %broadcast_in_dim3A_71 = vector.broadcast %broadcast_in_dim3A_70 : i32 to vector<16xi32>
        %gather3A_72 = tpu.vector_load_idx %arg9[%add3A_50, %broadcast_in_dim3A_71] : memref<256x64xf32, #tpu.memory_space<vmem>>[vector<16xi32>, vector<16xi32>], vector<16xf32>,
        %gather3A_73 = tpu.vector_load_idx %arg10[%add3A_50, %broadcast_in_dim3A_71] : memref<256x64xf32, #tpu.memory_space<vmem>>[vector<16xi32>, vector<16xi32>], vector<16xf32>,
        %mul3A_74 = arith.mulf %gather3A_72, %gather3A_73 : vector<16xf32>
        %add3A_75 = arith.addf %add3A_69, %mul3A_74 : vector<16xf32>
        %broadcast_in_dim3A_76 = arith.constant 4 : i32
        %broadcast_in_dim3A_77 = vector.broadcast %broadcast_in_dim3A_76 : i32 to vector<16xi32>
        %gather3A_78 = tpu.vector_load_idx %arg9[%add3A_50, %broadcast_in_dim3A_77] : memref<256x64xf32, #tpu.memory_space<vmem>>[vector<16xi32>, vector<16xi32>], vector<16xf32>,
        %gather3A_79 = tpu.vector_load_idx %arg10[%add3A_50, %broadcast_in_dim3A_77] : memref<256x64xf32, #tpu.memory_space<vmem>>[vector<16xi32>, vector<16xi32>], vector<16xf32>,
        %mul3A_80 = arith.mulf %gather3A_78, %gather3A_79 : vector<16xf32>
        %add3A_81 = arith.addf %add3A_75, %mul3A_80 : vector<16xf32>
        %broadcast_in_dim3A_82 = arith.constant 5 : i32
        %broadcast_in_dim3A_83 = vector.broadcast %broadcast_in_dim3A_82 : i32 to vector<16xi32>
        %gather3A_84 = tpu.vector_load_idx %arg9[%add3A_50, %broadcast_in_dim3A_83] : memref<256x64xf32, #tpu.memory_space<vmem>>[vector<16xi32>, vector<16xi32>], vector<16xf32>,
        %gather3A_85 = tpu.vector_load_idx %arg10[%add3A_50, %broadcast_in_dim3A_83] : memref<256x64xf32, #tpu.memory_space<vmem>>[vector<16xi32>, vector<16xi32>], vector<16xf32>,
        %mul3A_86 = arith.mulf %gather3A_84, %gather3A_85 : vector<16xf32>
        %add3A_87 = arith.addf %add3A_81, %mul3A_86 : vector<16xf32>
        %broadcast_in_dim3A_88 = arith.constant 6 : i32
        %broadcast_in_dim3A_89 = vector.broadcast %broadcast_in_dim3A_88 : i32 to vector<16xi32>
        %gather3A_90 = tpu.vector_load_idx %arg9[%add3A_50, %broadcast_in_dim3A_89] : memref<256x64xf32, #tpu.memory_space<vmem>>[vector<16xi32>, vector<16xi32>], vector<16xf32>,
        %gather3A_91 = tpu.vector_load_idx %arg10[%add3A_50, %broadcast_in_dim3A_89] : memref<256x64xf32, #tpu.memory_space<vmem>>[vector<16xi32>, vector<16xi32>], vector<16xf32>,
        %mul3A_92 = arith.mulf %gather3A_90, %gather3A_91 : vector<16xf32>
        %add3A_93 = arith.addf %add3A_87, %mul3A_92 : vector<16xf32>
        %broadcast_in_dim3A_94 = arith.constant 7 : i32
        %broadcast_in_dim3A_95 = vector.broadcast %broadcast_in_dim3A_94 : i32 to vector<16xi32>
        %gather3A_96 = tpu.vector_load_idx %arg9[%add3A_50, %broadcast_in_dim3A_95] : memref<256x64xf32, #tpu.memory_space<vmem>>[vector<16xi32>, vector<16xi32>], vector<16xf32>,
        %gather3A_97 = tpu.vector_load_idx %arg10[%add3A_50, %broadcast_in_dim3A_95] : memref<256x64xf32, #tpu.memory_space<vmem>>[vector<16xi32>, vector<16xi32>], vector<16xf32>,
        %mul3A_98 = arith.mulf %gather3A_96, %gather3A_97 : vector<16xf32>
        %add3A_99 = arith.addf %add3A_93, %mul3A_98 : vector<16xf32>
        %broadcast_in_dim3A_100 = arith.constant 8 : i32
        %broadcast_in_dim3A_101 = vector.broadcast %broadcast_in_dim3A_100 : i32 to vector<16xi32>
        %gather3A_102 = tpu.vector_load_idx %arg9[%add3A_50, %broadcast_in_dim3A_101] : memref<256x64xf32, #tpu.memory_space<vmem>>[vector<16xi32>, vector<16xi32>], vector<16xf32>,
        %gather3A_103 = tpu.vector_load_idx %arg10[%add3A_50, %broadcast_in_dim3A_101] : memref<256x64xf32, #tpu.memory_space<vmem>>[vector<16xi32>, vector<16xi32>], vector<16xf32>,
        %mul3A_104 = arith.mulf %gather3A_102, %gather3A_103 : vector<16xf32>
        %add3A_105 = arith.addf %add3A_99, %mul3A_104 : vector<16xf32>
        %broadcast_in_dim3A_106 = arith.constant 9 : i32
        %broadcast_in_dim3A_107 = vector.broadcast %broadcast_in_dim3A_106 : i32 to vector<16xi32>
        %gather3A_108 = tpu.vector_load_idx %arg9[%add3A_50, %broadcast_in_dim3A_107] : memref<256x64xf32, #tpu.memory_space<vmem>>[vector<16xi32>, vector<16xi32>], vector<16xf32>,
        %gather3A_109 = tpu.vector_load_idx %arg10[%add3A_50, %broadcast_in_dim3A_107] : memref<256x64xf32, #tpu.memory_space<vmem>>[vector<16xi32>, vector<16xi32>], vector<16xf32>,
        %mul3A_110 = arith.mulf %gather3A_108, %gather3A_109 : vector<16xf32>
        %add3A_111 = arith.addf %add3A_105, %mul3A_110 : vector<16xf32>
        %broadcast_in_dim3A_112 = arith.constant 10 : i32
        %broadcast_in_dim3A_113 = vector.broadcast %broadcast_in_dim3A_112 : i32 to vector<16xi32>
        %gather3A_114 = tpu.vector_load_idx %arg9[%add3A_50, %broadcast_in_dim3A_113] : memref<256x64xf32, #tpu.memory_space<vmem>>[vector<16xi32>, vector<16xi32>], vector<16xf32>,
        %gather3A_115 = tpu.vector_load_idx %arg10[%add3A_50, %broadcast_in_dim3A_113] : memref<256x64xf32, #tpu.memory_space<vmem>>[vector<16xi32>, vector<16xi32>], vector<16xf32>,
        %mul3A_116 = arith.mulf %gather3A_114, %gather3A_115 : vector<16xf32>
        %add3A_117 = arith.addf %add3A_111, %mul3A_116 : vector<16xf32>
        %broadcast_in_dim3A_118 = arith.constant 11 : i32
        %broadcast_in_dim3A_119 = vector.broadcast %broadcast_in_dim3A_118 : i32 to vector<16xi32>
        %gather3A_120 = tpu.vector_load_idx %arg9[%add3A_50, %broadcast_in_dim3A_119] : memref<256x64xf32, #tpu.memory_space<vmem>>[vector<16xi32>, vector<16xi32>], vector<16xf32>,
        %gather3A_121 = tpu.vector_load_idx %arg10[%add3A_50, %broadcast_in_dim3A_119] : memref<256x64xf32, #tpu.memory_space<vmem>>[vector<16xi32>, vector<16xi32>], vector<16xf32>,
        %mul3A_122 = arith.mulf %gather3A_120, %gather3A_121 : vector<16xf32>
        %add3A_123 = arith.addf %add3A_117, %mul3A_122 : vector<16xf32>
        %broadcast_in_dim3A_124 = arith.constant 12 : i32
        %broadcast_in_dim3A_125 = vector.broadcast %broadcast_in_dim3A_124 : i32 to vector<16xi32>
        %gather3A_126 = tpu.vector_load_idx %arg9[%add3A_50, %broadcast_in_dim3A_125] : memref<256x64xf32, #tpu.memory_space<vmem>>[vector<16xi32>, vector<16xi32>], vector<16xf32>,
        %gather3A_127 = tpu.vector_load_idx %arg10[%add3A_50, %broadcast_in_dim3A_125] : memref<256x64xf32, #tpu.memory_space<vmem>>[vector<16xi32>, vector<16xi32>], vector<16xf32>,
        %mul3A_128 = arith.mulf %gather3A_126, %gather3A_127 : vector<16xf32>
        %add3A_129 = arith.addf %add3A_123, %mul3A_128 : vector<16xf32>
        %broadcast_in_dim3A_130 = arith.constant 13 : i32
        %broadcast_in_dim3A_131 = vector.broadcast %broadcast_in_dim3A_130 : i32 to vector<16xi32>
        %gather3A_132 = tpu.vector_load_idx %arg9[%add3A_50, %broadcast_in_dim3A_131] : memref<256x64xf32, #tpu.memory_space<vmem>>[vector<16xi32>, vector<16xi32>], vector<16xf32>,
        %gather3A_133 = tpu.vector_load_idx %arg10[%add3A_50, %broadcast_in_dim3A_131] : memref<256x64xf32, #tpu.memory_space<vmem>>[vector<16xi32>, vector<16xi32>], vector<16xf32>,
        %mul3A_134 = arith.mulf %gather3A_132, %gather3A_133 : vector<16xf32>
        %add3A_135 = arith.addf %add3A_129, %mul3A_134 : vector<16xf32>
        %broadcast_in_dim3A_136 = arith.constant 14 : i32
        %broadcast_in_dim3A_137 = vector.broadcast %broadcast_in_dim3A_136 : i32 to vector<16xi32>
        %gather3A_138 = tpu.vector_load_idx %arg9[%add3A_50, %broadcast_in_dim3A_137] : memref<256x64xf32, #tpu.memory_space<vmem>>[vector<16xi32>, vector<16xi32>], vector<16xf32>,
        %gather3A_139 = tpu.vector_load_idx %arg10[%add3A_50, %broadcast_in_dim3A_137] : memref<256x64xf32, #tpu.memory_space<vmem>>[vector<16xi32>, vector<16xi32>], vector<16xf32>,
        %mul3A_140 = arith.mulf %gather3A_138, %gather3A_139 : vector<16xf32>
        %add3A_141 = arith.addf %add3A_135, %mul3A_140 : vector<16xf32>
        %broadcast_in_dim3A_142 = arith.constant 15 : i32
        %broadcast_in_dim3A_143 = vector.broadcast %broadcast_in_dim3A_142 : i32 to vector<16xi32>
        %gather3A_144 = tpu.vector_load_idx %arg9[%add3A_50, %broadcast_in_dim3A_143] : memref<256x64xf32, #tpu.memory_space<vmem>>[vector<16xi32>, vector<16xi32>], vector<16xf32>,
        %gather3A_145 = tpu.vector_load_idx %arg10[%add3A_50, %broadcast_in_dim3A_143] : memref<256x64xf32, #tpu.memory_space<vmem>>[vector<16xi32>, vector<16xi32>], vector<16xf32>,
        %mul3A_146 = arith.mulf %gather3A_144, %gather3A_145 : vector<16xf32>
        %add3A_147 = arith.addf %add3A_141, %mul3A_146 : vector<16xf32>
        %broadcast_in_dim3A_148 = arith.constant 16 : i32
        %broadcast_in_dim3A_149 = vector.broadcast %broadcast_in_dim3A_148 : i32 to vector<16xi32>
        %gather3A_150 = tpu.vector_load_idx %arg9[%add3A_50, %broadcast_in_dim3A_149] : memref<256x64xf32, #tpu.memory_space<vmem>>[vector<16xi32>, vector<16xi32>], vector<16xf32>,
        %gather3A_151 = tpu.vector_load_idx %arg10[%add3A_50, %broadcast_in_dim3A_149] : memref<256x64xf32, #tpu.memory_space<vmem>>[vector<16xi32>, vector<16xi32>], vector<16xf32>,
        %mul3A_152 = arith.mulf %gather3A_150, %gather3A_151 : vector<16xf32>
        %add3A_153 = arith.addf %add3A_147, %mul3A_152 : vector<16xf32>
        %broadcast_in_dim3A_154 = arith.constant 17 : i32
        %broadcast_in_dim3A_155 = vector.broadcast %broadcast_in_dim3A_154 : i32 to vector<16xi32>
        %gather3A_156 = tpu.vector_load_idx %arg9[%add3A_50, %broadcast_in_dim3A_155] : memref<256x64xf32, #tpu.memory_space<vmem>>[vector<16xi32>, vector<16xi32>], vector<16xf32>,
        %gather3A_157 = tpu.vector_load_idx %arg10[%add3A_50, %broadcast_in_dim3A_155] : memref<256x64xf32, #tpu.memory_space<vmem>>[vector<16xi32>, vector<16xi32>], vector<16xf32>,
        %mul3A_158 = arith.mulf %gather3A_156, %gather3A_157 : vector<16xf32>
        %add3A_159 = arith.addf %add3A_153, %mul3A_158 : vector<16xf32>
        %broadcast_in_dim3A_160 = arith.constant 18 : i32
        %broadcast_in_dim3A_161 = vector.broadcast %broadcast_in_dim3A_160 : i32 to vector<16xi32>
        %gather3A_162 = tpu.vector_load_idx %arg9[%add3A_50, %broadcast_in_dim3A_161] : memref<256x64xf32, #tpu.memory_space<vmem>>[vector<16xi32>, vector<16xi32>], vector<16xf32>,
        %gather3A_163 = tpu.vector_load_idx %arg10[%add3A_50, %broadcast_in_dim3A_161] : memref<256x64xf32, #tpu.memory_space<vmem>>[vector<16xi32>, vector<16xi32>], vector<16xf32>,
        %mul3A_164 = arith.mulf %gather3A_162, %gather3A_163 : vector<16xf32>
        %add3A_165 = arith.addf %add3A_159, %mul3A_164 : vector<16xf32>
        %broadcast_in_dim3A_166 = arith.constant 19 : i32
        %broadcast_in_dim3A_167 = vector.broadcast %broadcast_in_dim3A_166 : i32 to vector<16xi32>
        %gather3A_168 = tpu.vector_load_idx %arg9[%add3A_50, %broadcast_in_dim3A_167] : memref<256x64xf32, #tpu.memory_space<vmem>>[vector<16xi32>, vector<16xi32>], vector<16xf32>,
        %gather3A_169 = tpu.vector_load_idx %arg10[%add3A_50, %broadcast_in_dim3A_167] : memref<256x64xf32, #tpu.memory_space<vmem>>[vector<16xi32>, vector<16xi32>], vector<16xf32>,
        %mul3A_170 = arith.mulf %gather3A_168, %gather3A_169 : vector<16xf32>
        %add3A_171 = arith.addf %add3A_165, %mul3A_170 : vector<16xf32>
        %broadcast_in_dim3A_172 = arith.constant 20 : i32
        %broadcast_in_dim3A_173 = vector.broadcast %broadcast_in_dim3A_172 : i32 to vector<16xi32>
        %gather3A_174 = tpu.vector_load_idx %arg9[%add3A_50, %broadcast_in_dim3A_173] : memref<256x64xf32, #tpu.memory_space<vmem>>[vector<16xi32>, vector<16xi32>], vector<16xf32>,
        %gather3A_175 = tpu.vector_load_idx %arg10[%add3A_50, %broadcast_in_dim3A_173] : memref<256x64xf32, #tpu.memory_space<vmem>>[vector<16xi32>, vector<16xi32>], vector<16xf32>,
        %mul3A_176 = arith.mulf %gather3A_174, %gather3A_175 : vector<16xf32>
        %add3A_177 = arith.addf %add3A_171, %mul3A_176 : vector<16xf32>
        %broadcast_in_dim3A_178 = arith.constant 21 : i32
        %broadcast_in_dim3A_179 = vector.broadcast %broadcast_in_dim3A_178 : i32 to vector<16xi32>
        %gather3A_180 = tpu.vector_load_idx %arg9[%add3A_50, %broadcast_in_dim3A_179] : memref<256x64xf32, #tpu.memory_space<vmem>>[vector<16xi32>, vector<16xi32>], vector<16xf32>,
        %gather3A_181 = tpu.vector_load_idx %arg10[%add3A_50, %broadcast_in_dim3A_179] : memref<256x64xf32, #tpu.memory_space<vmem>>[vector<16xi32>, vector<16xi32>], vector<16xf32>,
        %mul3A_182 = arith.mulf %gather3A_180, %gather3A_181 : vector<16xf32>
        %add3A_183 = arith.addf %add3A_177, %mul3A_182 : vector<16xf32>
        %broadcast_in_dim3A_184 = arith.constant 22 : i32
        %broadcast_in_dim3A_185 = vector.broadcast %broadcast_in_dim3A_184 : i32 to vector<16xi32>
        %gather3A_186 = tpu.vector_load_idx %arg9[%add3A_50, %broadcast_in_dim3A_185] : memref<256x64xf32, #tpu.memory_space<vmem>>[vector<16xi32>, vector<16xi32>], vector<16xf32>,
        %gather3A_187 = tpu.vector_load_idx %arg10[%add3A_50, %broadcast_in_dim3A_185] : memref<256x64xf32, #tpu.memory_space<vmem>>[vector<16xi32>, vector<16xi32>], vector<16xf32>,
        %mul3A_188 = arith.mulf %gather3A_186, %gather3A_187 : vector<16xf32>
        %add3A_189 = arith.addf %add3A_183, %mul3A_188 : vector<16xf32>
        %broadcast_in_dim3A_190 = arith.constant 23 : i32
        %broadcast_in_dim3A_191 = vector.broadcast %broadcast_in_dim3A_190 : i32 to vector<16xi32>
        %gather3A_192 = tpu.vector_load_idx %arg9[%add3A_50, %broadcast_in_dim3A_191] : memref<256x64xf32, #tpu.memory_space<vmem>>[vector<16xi32>, vector<16xi32>], vector<16xf32>,
        %gather3A_193 = tpu.vector_load_idx %arg10[%add3A_50, %broadcast_in_dim3A_191] : memref<256x64xf32, #tpu.memory_space<vmem>>[vector<16xi32>, vector<16xi32>], vector<16xf32>,
        %mul3A_194 = arith.mulf %gather3A_192, %gather3A_193 : vector<16xf32>
        %add3A_195 = arith.addf %add3A_189, %mul3A_194 : vector<16xf32>
        %broadcast_in_dim3A_196 = arith.constant 24 : i32
        %broadcast_in_dim3A_197 = vector.broadcast %broadcast_in_dim3A_196 : i32 to vector<16xi32>
        %gather3A_198 = tpu.vector_load_idx %arg9[%add3A_50, %broadcast_in_dim3A_197] : memref<256x64xf32, #tpu.memory_space<vmem>>[vector<16xi32>, vector<16xi32>], vector<16xf32>,
        %gather3A_199 = tpu.vector_load_idx %arg10[%add3A_50, %broadcast_in_dim3A_197] : memref<256x64xf32, #tpu.memory_space<vmem>>[vector<16xi32>, vector<16xi32>], vector<16xf32>,
        %mul3A_200 = arith.mulf %gather3A_198, %gather3A_199 : vector<16xf32>
        %add3A_201 = arith.addf %add3A_195, %mul3A_200 : vector<16xf32>
        %broadcast_in_dim3A_202 = arith.constant 25 : i32
        %broadcast_in_dim3A_203 = vector.broadcast %broadcast_in_dim3A_202 : i32 to vector<16xi32>
        %gather3A_204 = tpu.vector_load_idx %arg9[%add3A_50, %broadcast_in_dim3A_203] : memref<256x64xf32, #tpu.memory_space<vmem>>[vector<16xi32>, vector<16xi32>], vector<16xf32>,
        %gather3A_205 = tpu.vector_load_idx %arg10[%add3A_50, %broadcast_in_dim3A_203] : memref<256x64xf32, #tpu.memory_space<vmem>>[vector<16xi32>, vector<16xi32>], vector<16xf32>,
        %mul3A_206 = arith.mulf %gather3A_204, %gather3A_205 : vector<16xf32>
        %add3A_207 = arith.addf %add3A_201, %mul3A_206 : vector<16xf32>
        %broadcast_in_dim3A_208 = arith.constant 26 : i32
        %broadcast_in_dim3A_209 = vector.broadcast %broadcast_in_dim3A_208 : i32 to vector<16xi32>
        %gather3A_210 = tpu.vector_load_idx %arg9[%add3A_50, %broadcast_in_dim3A_209] : memref<256x64xf32, #tpu.memory_space<vmem>>[vector<16xi32>, vector<16xi32>], vector<16xf32>,
        %gather3A_211 = tpu.vector_load_idx %arg10[%add3A_50, %broadcast_in_dim3A_209] : memref<256x64xf32, #tpu.memory_space<vmem>>[vector<16xi32>, vector<16xi32>], vector<16xf32>,
        %mul3A_212 = arith.mulf %gather3A_210, %gather3A_211 : vector<16xf32>
        %add3A_213 = arith.addf %add3A_207, %mul3A_212 : vector<16xf32>
        %broadcast_in_dim3A_214 = arith.constant 27 : i32
        %broadcast_in_dim3A_215 = vector.broadcast %broadcast_in_dim3A_214 : i32 to vector<16xi32>
        %gather3A_216 = tpu.vector_load_idx %arg9[%add3A_50, %broadcast_in_dim3A_215] : memref<256x64xf32, #tpu.memory_space<vmem>>[vector<16xi32>, vector<16xi32>], vector<16xf32>,
        %gather3A_217 = tpu.vector_load_idx %arg10[%add3A_50, %broadcast_in_dim3A_215] : memref<256x64xf32, #tpu.memory_space<vmem>>[vector<16xi32>, vector<16xi32>], vector<16xf32>,
        %mul3A_218 = arith.mulf %gather3A_216, %gather3A_217 : vector<16xf32>
        %add3A_219 = arith.addf %add3A_213, %mul3A_218 : vector<16xf32>
        %broadcast_in_dim3A_220 = arith.constant 28 : i32
        %broadcast_in_dim3A_221 = vector.broadcast %broadcast_in_dim3A_220 : i32 to vector<16xi32>
        %gather3A_222 = tpu.vector_load_idx %arg9[%add3A_50, %broadcast_in_dim3A_221] : memref<256x64xf32, #tpu.memory_space<vmem>>[vector<16xi32>, vector<16xi32>], vector<16xf32>,
        %gather3A_223 = tpu.vector_load_idx %arg10[%add3A_50, %broadcast_in_dim3A_221] : memref<256x64xf32, #tpu.memory_space<vmem>>[vector<16xi32>, vector<16xi32>], vector<16xf32>,
        %mul3A_224 = arith.mulf %gather3A_222, %gather3A_223 : vector<16xf32>
        %add3A_225 = arith.addf %add3A_219, %mul3A_224 : vector<16xf32>
        %broadcast_in_dim3A_226 = arith.constant 29 : i32
        %broadcast_in_dim3A_227 = vector.broadcast %broadcast_in_dim3A_226 : i32 to vector<16xi32>
        %gather3A_228 = tpu.vector_load_idx %arg9[%add3A_50, %broadcast_in_dim3A_227] : memref<256x64xf32, #tpu.memory_space<vmem>>[vector<16xi32>, vector<16xi32>], vector<16xf32>,
        %gather3A_229 = tpu.vector_load_idx %arg10[%add3A_50, %broadcast_in_dim3A_227] : memref<256x64xf32, #tpu.memory_space<vmem>>[vector<16xi32>, vector<16xi32>], vector<16xf32>,
        %mul3A_230 = arith.mulf %gather3A_228, %gather3A_229 : vector<16xf32>
        %add3A_231 = arith.addf %add3A_225, %mul3A_230 : vector<16xf32>
        %broadcast_in_dim3A_232 = arith.constant 30 : i32
        %broadcast_in_dim3A_233 = vector.broadcast %broadcast_in_dim3A_232 : i32 to vector<16xi32>
        %gather3A_234 = tpu.vector_load_idx %arg9[%add3A_50, %broadcast_in_dim3A_233] : memref<256x64xf32, #tpu.memory_space<vmem>>[vector<16xi32>, vector<16xi32>], vector<16xf32>,
        %gather3A_235 = tpu.vector_load_idx %arg10[%add3A_50, %broadcast_in_dim3A_233] : memref<256x64xf32, #tpu.memory_space<vmem>>[vector<16xi32>, vector<16xi32>], vector<16xf32>,
        %mul3A_236 = arith.mulf %gather3A_234, %gather3A_235 : vector<16xf32>
        %add3A_237 = arith.addf %add3A_231, %mul3A_236 : vector<16xf32>
        %broadcast_in_dim3A_238 = arith.constant 31 : i32
        %broadcast_in_dim3A_239 = vector.broadcast %broadcast_in_dim3A_238 : i32 to vector<16xi32>
        %gather3A_240 = tpu.vector_load_idx %arg9[%add3A_50, %broadcast_in_dim3A_239] : memref<256x64xf32, #tpu.memory_space<vmem>>[vector<16xi32>, vector<16xi32>], vector<16xf32>,
        %gather3A_241 = tpu.vector_load_idx %arg10[%add3A_50, %broadcast_in_dim3A_239] : memref<256x64xf32, #tpu.memory_space<vmem>>[vector<16xi32>, vector<16xi32>], vector<16xf32>,
        %mul3A_242 = arith.mulf %gather3A_240, %gather3A_241 : vector<16xf32>
        %add3A_243 = arith.addf %add3A_237, %mul3A_242 : vector<16xf32>
        %broadcast_in_dim3A_244 = arith.constant 32 : i32
        %broadcast_in_dim3A_245 = vector.broadcast %broadcast_in_dim3A_244 : i32 to vector<16xi32>
        %gather3A_246 = tpu.vector_load_idx %arg9[%add3A_50, %broadcast_in_dim3A_245] : memref<256x64xf32, #tpu.memory_space<vmem>>[vector<16xi32>, vector<16xi32>], vector<16xf32>,
        %gather3A_247 = tpu.vector_load_idx %arg10[%add3A_50, %broadcast_in_dim3A_245] : memref<256x64xf32, #tpu.memory_space<vmem>>[vector<16xi32>, vector<16xi32>], vector<16xf32>,
        %mul3A_248 = arith.mulf %gather3A_246, %gather3A_247 : vector<16xf32>
        %add3A_249 = arith.addf %add3A_243, %mul3A_248 : vector<16xf32>
        %broadcast_in_dim3A_250 = arith.constant 33 : i32
        %broadcast_in_dim3A_251 = vector.broadcast %broadcast_in_dim3A_250 : i32 to vector<16xi32>
        %gather3A_252 = tpu.vector_load_idx %arg9[%add3A_50, %broadcast_in_dim3A_251] : memref<256x64xf32, #tpu.memory_space<vmem>>[vector<16xi32>, vector<16xi32>], vector<16xf32>,
        %gather3A_253 = tpu.vector_load_idx %arg10[%add3A_50, %broadcast_in_dim3A_251] : memref<256x64xf32, #tpu.memory_space<vmem>>[vector<16xi32>, vector<16xi32>], vector<16xf32>,
        %mul3A_254 = arith.mulf %gather3A_252, %gather3A_253 : vector<16xf32>
        %add3A_255 = arith.addf %add3A_249, %mul3A_254 : vector<16xf32>
        %broadcast_in_dim3A_256 = arith.constant 34 : i32
        %broadcast_in_dim3A_257 = vector.broadcast %broadcast_in_dim3A_256 : i32 to vector<16xi32>
        %gather3A_258 = tpu.vector_load_idx %arg9[%add3A_50, %broadcast_in_dim3A_257] : memref<256x64xf32, #tpu.memory_space<vmem>>[vector<16xi32>, vector<16xi32>], vector<16xf32>,
        %gather3A_259 = tpu.vector_load_idx %arg10[%add3A_50, %broadcast_in_dim3A_257] : memref<256x64xf32, #tpu.memory_space<vmem>>[vector<16xi32>, vector<16xi32>], vector<16xf32>,
        %mul3A_260 = arith.mulf %gather3A_258, %gather3A_259 : vector<16xf32>
        %add3A_261 = arith.addf %add3A_255, %mul3A_260 : vector<16xf32>
        %broadcast_in_dim3A_262 = arith.constant 35 : i32
        %broadcast_in_dim3A_263 = vector.broadcast %broadcast_in_dim3A_262 : i32 to vector<16xi32>
        %gather3A_264 = tpu.vector_load_idx %arg9[%add3A_50, %broadcast_in_dim3A_263] : memref<256x64xf32, #tpu.memory_space<vmem>>[vector<16xi32>, vector<16xi32>], vector<16xf32>,
        %gather3A_265 = tpu.vector_load_idx %arg10[%add3A_50, %broadcast_in_dim3A_263] : memref<256x64xf32, #tpu.memory_space<vmem>>[vector<16xi32>, vector<16xi32>], vector<16xf32>,
        %mul3A_266 = arith.mulf %gather3A_264, %gather3A_265 : vector<16xf32>
        %add3A_267 = arith.addf %add3A_261, %mul3A_266 : vector<16xf32>
        %broadcast_in_dim3A_268 = arith.constant 36 : i32
        %broadcast_in_dim3A_269 = vector.broadcast %broadcast_in_dim3A_268 : i32 to vector<16xi32>
        %gather3A_270 = tpu.vector_load_idx %arg9[%add3A_50, %broadcast_in_dim3A_269] : memref<256x64xf32, #tpu.memory_space<vmem>>[vector<16xi32>, vector<16xi32>], vector<16xf32>,
        %gather3A_271 = tpu.vector_load_idx %arg10[%add3A_50, %broadcast_in_dim3A_269] : memref<256x64xf32, #tpu.memory_space<vmem>>[vector<16xi32>, vector<16xi32>], vector<16xf32>,
        %mul3A_272 = arith.mulf %gather3A_270, %gather3A_271 : vector<16xf32>
        %add3A_273 = arith.addf %add3A_267, %mul3A_272 : vector<16xf32>
        %broadcast_in_dim3A_274 = arith.constant 37 : i32
        %broadcast_in_dim3A_275 = vector.broadcast %broadcast_in_dim3A_274 : i32 to vector<16xi32>
        %gather3A_276 = tpu.vector_load_idx %arg9[%add3A_50, %broadcast_in_dim3A_275] : memref<256x64xf32, #tpu.memory_space<vmem>>[vector<16xi32>, vector<16xi32>], vector<16xf32>,
        %gather3A_277 = tpu.vector_load_idx %arg10[%add3A_50, %broadcast_in_dim3A_275] : memref<256x64xf32, #tpu.memory_space<vmem>>[vector<16xi32>, vector<16xi32>], vector<16xf32>,
        %mul3A_278 = arith.mulf %gather3A_276, %gather3A_277 : vector<16xf32>
        %add3A_279 = arith.addf %add3A_273, %mul3A_278 : vector<16xf32>
        %broadcast_in_dim3A_280 = arith.constant 38 : i32
        %broadcast_in_dim3A_281 = vector.broadcast %broadcast_in_dim3A_280 : i32 to vector<16xi32>
        %gather3A_282 = tpu.vector_load_idx %arg9[%add3A_50, %broadcast_in_dim3A_281] : memref<256x64xf32, #tpu.memory_space<vmem>>[vector<16xi32>, vector<16xi32>], vector<16xf32>,
        %gather3A_283 = tpu.vector_load_idx %arg10[%add3A_50, %broadcast_in_dim3A_281] : memref<256x64xf32, #tpu.memory_space<vmem>>[vector<16xi32>, vector<16xi32>], vector<16xf32>,
        %mul3A_284 = arith.mulf %gather3A_282, %gather3A_283 : vector<16xf32>
        %add3A_285 = arith.addf %add3A_279, %mul3A_284 : vector<16xf32>
        %broadcast_in_dim3A_286 = arith.constant 39 : i32
        %broadcast_in_dim3A_287 = vector.broadcast %broadcast_in_dim3A_286 : i32 to vector<16xi32>
        %gather3A_288 = tpu.vector_load_idx %arg9[%add3A_50, %broadcast_in_dim3A_287] : memref<256x64xf32, #tpu.memory_space<vmem>>[vector<16xi32>, vector<16xi32>], vector<16xf32>,
        %gather3A_289 = tpu.vector_load_idx %arg10[%add3A_50, %broadcast_in_dim3A_287] : memref<256x64xf32, #tpu.memory_space<vmem>>[vector<16xi32>, vector<16xi32>], vector<16xf32>,
        %mul3A_290 = arith.mulf %gather3A_288, %gather3A_289 : vector<16xf32>
        %add3A_291 = arith.addf %add3A_285, %mul3A_290 : vector<16xf32>
        %broadcast_in_dim3A_292 = arith.constant 40 : i32
        %broadcast_in_dim3A_293 = vector.broadcast %broadcast_in_dim3A_292 : i32 to vector<16xi32>
        %gather3A_294 = tpu.vector_load_idx %arg9[%add3A_50, %broadcast_in_dim3A_293] : memref<256x64xf32, #tpu.memory_space<vmem>>[vector<16xi32>, vector<16xi32>], vector<16xf32>,
        %gather3A_295 = tpu.vector_load_idx %arg10[%add3A_50, %broadcast_in_dim3A_293] : memref<256x64xf32, #tpu.memory_space<vmem>>[vector<16xi32>, vector<16xi32>], vector<16xf32>,
        %mul3A_296 = arith.mulf %gather3A_294, %gather3A_295 : vector<16xf32>
        %add3A_297 = arith.addf %add3A_291, %mul3A_296 : vector<16xf32>
        %broadcast_in_dim3A_298 = arith.constant 41 : i32
        %broadcast_in_dim3A_299 = vector.broadcast %broadcast_in_dim3A_298 : i32 to vector<16xi32>
        %gather3A_300 = tpu.vector_load_idx %arg9[%add3A_50, %broadcast_in_dim3A_299] : memref<256x64xf32, #tpu.memory_space<vmem>>[vector<16xi32>, vector<16xi32>], vector<16xf32>,
        %gather3A_301 = tpu.vector_load_idx %arg10[%add3A_50, %broadcast_in_dim3A_299] : memref<256x64xf32, #tpu.memory_space<vmem>>[vector<16xi32>, vector<16xi32>], vector<16xf32>,
        %mul3A_302 = arith.mulf %gather3A_300, %gather3A_301 : vector<16xf32>
        %add3A_303 = arith.addf %add3A_297, %mul3A_302 : vector<16xf32>
        %broadcast_in_dim3A_304 = arith.constant 42 : i32
        %broadcast_in_dim3A_305 = vector.broadcast %broadcast_in_dim3A_304 : i32 to vector<16xi32>
        %gather3A_306 = tpu.vector_load_idx %arg9[%add3A_50, %broadcast_in_dim3A_305] : memref<256x64xf32, #tpu.memory_space<vmem>>[vector<16xi32>, vector<16xi32>], vector<16xf32>,
        %gather3A_307 = tpu.vector_load_idx %arg10[%add3A_50, %broadcast_in_dim3A_305] : memref<256x64xf32, #tpu.memory_space<vmem>>[vector<16xi32>, vector<16xi32>], vector<16xf32>,
        %mul3A_308 = arith.mulf %gather3A_306, %gather3A_307 : vector<16xf32>
        %add3A_309 = arith.addf %add3A_303, %mul3A_308 : vector<16xf32>
        %broadcast_in_dim3A_310 = arith.constant 43 : i32
        %broadcast_in_dim3A_311 = vector.broadcast %broadcast_in_dim3A_310 : i32 to vector<16xi32>
        %gather3A_312 = tpu.vector_load_idx %arg9[%add3A_50, %broadcast_in_dim3A_311] : memref<256x64xf32, #tpu.memory_space<vmem>>[vector<16xi32>, vector<16xi32>], vector<16xf32>,
        %gather3A_313 = tpu.vector_load_idx %arg10[%add3A_50, %broadcast_in_dim3A_311] : memref<256x64xf32, #tpu.memory_space<vmem>>[vector<16xi32>, vector<16xi32>], vector<16xf32>,
        %mul3A_314 = arith.mulf %gather3A_312, %gather3A_313 : vector<16xf32>
        %add3A_315 = arith.addf %add3A_309, %mul3A_314 : vector<16xf32>
        %broadcast_in_dim3A_316 = arith.constant 44 : i32
        %broadcast_in_dim3A_317 = vector.broadcast %broadcast_in_dim3A_316 : i32 to vector<16xi32>
        %gather3A_318 = tpu.vector_load_idx %arg9[%add3A_50, %broadcast_in_dim3A_317] : memref<256x64xf32, #tpu.memory_space<vmem>>[vector<16xi32>, vector<16xi32>], vector<16xf32>,
        %gather3A_319 = tpu.vector_load_idx %arg10[%add3A_50, %broadcast_in_dim3A_317] : memref<256x64xf32, #tpu.memory_space<vmem>>[vector<16xi32>, vector<16xi32>], vector<16xf32>,
        %mul3A_320 = arith.mulf %gather3A_318, %gather3A_319 : vector<16xf32>
        %add3A_321 = arith.addf %add3A_315, %mul3A_320 : vector<16xf32>
        %broadcast_in_dim3A_322 = arith.constant 45 : i32
        %broadcast_in_dim3A_323 = vector.broadcast %broadcast_in_dim3A_322 : i32 to vector<16xi32>
        %gather3A_324 = tpu.vector_load_idx %arg9[%add3A_50, %broadcast_in_dim3A_323] : memref<256x64xf32, #tpu.memory_space<vmem>>[vector<16xi32>, vector<16xi32>], vector<16xf32>,
        %gather3A_325 = tpu.vector_load_idx %arg10[%add3A_50, %broadcast_in_dim3A_323] : memref<256x64xf32, #tpu.memory_space<vmem>>[vector<16xi32>, vector<16xi32>], vector<16xf32>,
        %mul3A_326 = arith.mulf %gather3A_324, %gather3A_325 : vector<16xf32>
        %add3A_327 = arith.addf %add3A_321, %mul3A_326 : vector<16xf32>
        %broadcast_in_dim3A_328 = arith.constant 46 : i32
        %broadcast_in_dim3A_329 = vector.broadcast %broadcast_in_dim3A_328 : i32 to vector<16xi32>
        %gather3A_330 = tpu.vector_load_idx %arg9[%add3A_50, %broadcast_in_dim3A_329] : memref<256x64xf32, #tpu.memory_space<vmem>>[vector<16xi32>, vector<16xi32>], vector<16xf32>,
        %gather3A_331 = tpu.vector_load_idx %arg10[%add3A_50, %broadcast_in_dim3A_329] : memref<256x64xf32, #tpu.memory_space<vmem>>[vector<16xi32>, vector<16xi32>], vector<16xf32>,
        %mul3A_332 = arith.mulf %gather3A_330, %gather3A_331 : vector<16xf32>
        %add3A_333 = arith.addf %add3A_327, %mul3A_332 : vector<16xf32>
        %broadcast_in_dim3A_334 = arith.constant 47 : i32
        %broadcast_in_dim3A_335 = vector.broadcast %broadcast_in_dim3A_334 : i32 to vector<16xi32>
        %gather3A_336 = tpu.vector_load_idx %arg9[%add3A_50, %broadcast_in_dim3A_335] : memref<256x64xf32, #tpu.memory_space<vmem>>[vector<16xi32>, vector<16xi32>], vector<16xf32>,
        %gather3A_337 = tpu.vector_load_idx %arg10[%add3A_50, %broadcast_in_dim3A_335] : memref<256x64xf32, #tpu.memory_space<vmem>>[vector<16xi32>, vector<16xi32>], vector<16xf32>,
        %mul3A_338 = arith.mulf %gather3A_336, %gather3A_337 : vector<16xf32>
        %add3A_339 = arith.addf %add3A_333, %mul3A_338 : vector<16xf32>
        %broadcast_in_dim3A_340 = arith.constant 48 : i32
        %broadcast_in_dim3A_341 = vector.broadcast %broadcast_in_dim3A_340 : i32 to vector<16xi32>
        %gather3A_342 = tpu.vector_load_idx %arg9[%add3A_50, %broadcast_in_dim3A_341] : memref<256x64xf32, #tpu.memory_space<vmem>>[vector<16xi32>, vector<16xi32>], vector<16xf32>,
        %gather3A_343 = tpu.vector_load_idx %arg10[%add3A_50, %broadcast_in_dim3A_341] : memref<256x64xf32, #tpu.memory_space<vmem>>[vector<16xi32>, vector<16xi32>], vector<16xf32>,
        %mul3A_344 = arith.mulf %gather3A_342, %gather3A_343 : vector<16xf32>
        %add3A_345 = arith.addf %add3A_339, %mul3A_344 : vector<16xf32>
        %broadcast_in_dim3A_346 = arith.constant 49 : i32
        %broadcast_in_dim3A_347 = vector.broadcast %broadcast_in_dim3A_346 : i32 to vector<16xi32>
        %gather3A_348 = tpu.vector_load_idx %arg9[%add3A_50, %broadcast_in_dim3A_347] : memref<256x64xf32, #tpu.memory_space<vmem>>[vector<16xi32>, vector<16xi32>], vector<16xf32>,
        %gather3A_349 = tpu.vector_load_idx %arg10[%add3A_50, %broadcast_in_dim3A_347] : memref<256x64xf32, #tpu.memory_space<vmem>>[vector<16xi32>, vector<16xi32>], vector<16xf32>,
        %mul3A_350 = arith.mulf %gather3A_348, %gather3A_349 : vector<16xf32>
        %add3A_351 = arith.addf %add3A_345, %mul3A_350 : vector<16xf32>
        %broadcast_in_dim3A_352 = arith.constant 50 : i32
        %broadcast_in_dim3A_353 = vector.broadcast %broadcast_in_dim3A_352 : i32 to vector<16xi32>
        %gather3A_354 = tpu.vector_load_idx %arg9[%add3A_50, %broadcast_in_dim3A_353] : memref<256x64xf32, #tpu.memory_space<vmem>>[vector<16xi32>, vector<16xi32>], vector<16xf32>,
        %gather3A_355 = tpu.vector_load_idx %arg10[%add3A_50, %broadcast_in_dim3A_353] : memref<256x64xf32, #tpu.memory_space<vmem>>[vector<16xi32>, vector<16xi32>], vector<16xf32>,
        %mul3A_356 = arith.mulf %gather3A_354, %gather3A_355 : vector<16xf32>
        %add3A_357 = arith.addf %add3A_351, %mul3A_356 : vector<16xf32>
        %broadcast_in_dim3A_358 = arith.constant 51 : i32
        %broadcast_in_dim3A_359 = vector.broadcast %broadcast_in_dim3A_358 : i32 to vector<16xi32>
        %gather3A_360 = tpu.vector_load_idx %arg9[%add3A_50, %broadcast_in_dim3A_359] : memref<256x64xf32, #tpu.memory_space<vmem>>[vector<16xi32>, vector<16xi32>], vector<16xf32>,
        %gather3A_361 = tpu.vector_load_idx %arg10[%add3A_50, %broadcast_in_dim3A_359] : memref<256x64xf32, #tpu.memory_space<vmem>>[vector<16xi32>, vector<16xi32>], vector<16xf32>,
        %mul3A_362 = arith.mulf %gather3A_360, %gather3A_361 : vector<16xf32>
        %add3A_363 = arith.addf %add3A_357, %mul3A_362 : vector<16xf32>
        %broadcast_in_dim3A_364 = arith.constant 52 : i32
        %broadcast_in_dim3A_365 = vector.broadcast %broadcast_in_dim3A_364 : i32 to vector<16xi32>
        %gather3A_366 = tpu.vector_load_idx %arg9[%add3A_50, %broadcast_in_dim3A_365] : memref<256x64xf32, #tpu.memory_space<vmem>>[vector<16xi32>, vector<16xi32>], vector<16xf32>,
        %gather3A_367 = tpu.vector_load_idx %arg10[%add3A_50, %broadcast_in_dim3A_365] : memref<256x64xf32, #tpu.memory_space<vmem>>[vector<16xi32>, vector<16xi32>], vector<16xf32>,
        %mul3A_368 = arith.mulf %gather3A_366, %gather3A_367 : vector<16xf32>
        %add3A_369 = arith.addf %add3A_363, %mul3A_368 : vector<16xf32>
        %broadcast_in_dim3A_370 = arith.constant 53 : i32
        %broadcast_in_dim3A_371 = vector.broadcast %broadcast_in_dim3A_370 : i32 to vector<16xi32>
        %gather3A_372 = tpu.vector_load_idx %arg9[%add3A_50, %broadcast_in_dim3A_371] : memref<256x64xf32, #tpu.memory_space<vmem>>[vector<16xi32>, vector<16xi32>], vector<16xf32>,
        %gather3A_373 = tpu.vector_load_idx %arg10[%add3A_50, %broadcast_in_dim3A_371] : memref<256x64xf32, #tpu.memory_space<vmem>>[vector<16xi32>, vector<16xi32>], vector<16xf32>,
        %mul3A_374 = arith.mulf %gather3A_372, %gather3A_373 : vector<16xf32>
        %add3A_375 = arith.addf %add3A_369, %mul3A_374 : vector<16xf32>
        %broadcast_in_dim3A_376 = arith.constant 54 : i32
        %broadcast_in_dim3A_377 = vector.broadcast %broadcast_in_dim3A_376 : i32 to vector<16xi32>
        %gather3A_378 = tpu.vector_load_idx %arg9[%add3A_50, %broadcast_in_dim3A_377] : memref<256x64xf32, #tpu.memory_space<vmem>>[vector<16xi32>, vector<16xi32>], vector<16xf32>,
        %gather3A_379 = tpu.vector_load_idx %arg10[%add3A_50, %broadcast_in_dim3A_377] : memref<256x64xf32, #tpu.memory_space<vmem>>[vector<16xi32>, vector<16xi32>], vector<16xf32>,
        %mul3A_380 = arith.mulf %gather3A_378, %gather3A_379 : vector<16xf32>
        %add3A_381 = arith.addf %add3A_375, %mul3A_380 : vector<16xf32>
        %broadcast_in_dim3A_382 = arith.constant 55 : i32
        %broadcast_in_dim3A_383 = vector.broadcast %broadcast_in_dim3A_382 : i32 to vector<16xi32>
        %gather3A_384 = tpu.vector_load_idx %arg9[%add3A_50, %broadcast_in_dim3A_383] : memref<256x64xf32, #tpu.memory_space<vmem>>[vector<16xi32>, vector<16xi32>], vector<16xf32>,
        %gather3A_385 = tpu.vector_load_idx %arg10[%add3A_50, %broadcast_in_dim3A_383] : memref<256x64xf32, #tpu.memory_space<vmem>>[vector<16xi32>, vector<16xi32>], vector<16xf32>,
        %mul3A_386 = arith.mulf %gather3A_384, %gather3A_385 : vector<16xf32>
        %add3A_387 = arith.addf %add3A_381, %mul3A_386 : vector<16xf32>
        %broadcast_in_dim3A_388 = arith.constant 56 : i32
        %broadcast_in_dim3A_389 = vector.broadcast %broadcast_in_dim3A_388 : i32 to vector<16xi32>
        %gather3A_390 = tpu.vector_load_idx %arg9[%add3A_50, %broadcast_in_dim3A_389] : memref<256x64xf32, #tpu.memory_space<vmem>>[vector<16xi32>, vector<16xi32>], vector<16xf32>,
        %gather3A_391 = tpu.vector_load_idx %arg10[%add3A_50, %broadcast_in_dim3A_389] : memref<256x64xf32, #tpu.memory_space<vmem>>[vector<16xi32>, vector<16xi32>], vector<16xf32>,
        %mul3A_392 = arith.mulf %gather3A_390, %gather3A_391 : vector<16xf32>
        %add3A_393 = arith.addf %add3A_387, %mul3A_392 : vector<16xf32>
        %broadcast_in_dim3A_394 = arith.constant 57 : i32
        %broadcast_in_dim3A_395 = vector.broadcast %broadcast_in_dim3A_394 : i32 to vector<16xi32>
        %gather3A_396 = tpu.vector_load_idx %arg9[%add3A_50, %broadcast_in_dim3A_395] : memref<256x64xf32, #tpu.memory_space<vmem>>[vector<16xi32>, vector<16xi32>], vector<16xf32>,
        %gather3A_397 = tpu.vector_load_idx %arg10[%add3A_50, %broadcast_in_dim3A_395] : memref<256x64xf32, #tpu.memory_space<vmem>>[vector<16xi32>, vector<16xi32>], vector<16xf32>,
        %mul3A_398 = arith.mulf %gather3A_396, %gather3A_397 : vector<16xf32>
        %add3A_399 = arith.addf %add3A_393, %mul3A_398 : vector<16xf32>
        %broadcast_in_dim3A_400 = arith.constant 58 : i32
        %broadcast_in_dim3A_401 = vector.broadcast %broadcast_in_dim3A_400 : i32 to vector<16xi32>
        %gather3A_402 = tpu.vector_load_idx %arg9[%add3A_50, %broadcast_in_dim3A_401] : memref<256x64xf32, #tpu.memory_space<vmem>>[vector<16xi32>, vector<16xi32>], vector<16xf32>,
        %gather3A_403 = tpu.vector_load_idx %arg10[%add3A_50, %broadcast_in_dim3A_401] : memref<256x64xf32, #tpu.memory_space<vmem>>[vector<16xi32>, vector<16xi32>], vector<16xf32>,
        %mul3A_404 = arith.mulf %gather3A_402, %gather3A_403 : vector<16xf32>
        %add3A_405 = arith.addf %add3A_399, %mul3A_404 : vector<16xf32>
        %broadcast_in_dim3A_406 = arith.constant 59 : i32
        %broadcast_in_dim3A_407 = vector.broadcast %broadcast_in_dim3A_406 : i32 to vector<16xi32>
        %gather3A_408 = tpu.vector_load_idx %arg9[%add3A_50, %broadcast_in_dim3A_407] : memref<256x64xf32, #tpu.memory_space<vmem>>[vector<16xi32>, vector<16xi32>], vector<16xf32>,
        %gather3A_409 = tpu.vector_load_idx %arg10[%add3A_50, %broadcast_in_dim3A_407] : memref<256x64xf32, #tpu.memory_space<vmem>>[vector<16xi32>, vector<16xi32>], vector<16xf32>,
        %mul3A_410 = arith.mulf %gather3A_408, %gather3A_409 : vector<16xf32>
        %add3A_411 = arith.addf %add3A_405, %mul3A_410 : vector<16xf32>
        %broadcast_in_dim3A_412 = arith.constant 60 : i32
        %broadcast_in_dim3A_413 = vector.broadcast %broadcast_in_dim3A_412 : i32 to vector<16xi32>
        %gather3A_414 = tpu.vector_load_idx %arg9[%add3A_50, %broadcast_in_dim3A_413] : memref<256x64xf32, #tpu.memory_space<vmem>>[vector<16xi32>, vector<16xi32>], vector<16xf32>,
        %gather3A_415 = tpu.vector_load_idx %arg10[%add3A_50, %broadcast_in_dim3A_413] : memref<256x64xf32, #tpu.memory_space<vmem>>[vector<16xi32>, vector<16xi32>], vector<16xf32>,
        %mul3A_416 = arith.mulf %gather3A_414, %gather3A_415 : vector<16xf32>
        %add3A_417 = arith.addf %add3A_411, %mul3A_416 : vector<16xf32>
        %broadcast_in_dim3A_418 = arith.constant 61 : i32
        %broadcast_in_dim3A_419 = vector.broadcast %broadcast_in_dim3A_418 : i32 to vector<16xi32>
        %gather3A_420 = tpu.vector_load_idx %arg9[%add3A_50, %broadcast_in_dim3A_419] : memref<256x64xf32, #tpu.memory_space<vmem>>[vector<16xi32>, vector<16xi32>], vector<16xf32>,
        %gather3A_421 = tpu.vector_load_idx %arg10[%add3A_50, %broadcast_in_dim3A_419] : memref<256x64xf32, #tpu.memory_space<vmem>>[vector<16xi32>, vector<16xi32>], vector<16xf32>,
        %mul3A_422 = arith.mulf %gather3A_420, %gather3A_421 : vector<16xf32>
        %add3A_423 = arith.addf %add3A_417, %mul3A_422 : vector<16xf32>
        %broadcast_in_dim3A_424 = arith.constant 62 : i32
        %broadcast_in_dim3A_425 = vector.broadcast %broadcast_in_dim3A_424 : i32 to vector<16xi32>
        %gather3A_426 = tpu.vector_load_idx %arg9[%add3A_50, %broadcast_in_dim3A_425] : memref<256x64xf32, #tpu.memory_space<vmem>>[vector<16xi32>, vector<16xi32>], vector<16xf32>,
        %gather3A_427 = tpu.vector_load_idx %arg10[%add3A_50, %broadcast_in_dim3A_425] : memref<256x64xf32, #tpu.memory_space<vmem>>[vector<16xi32>, vector<16xi32>], vector<16xf32>,
        %mul3A_428 = arith.mulf %gather3A_426, %gather3A_427 : vector<16xf32>
        %add3A_429 = arith.addf %add3A_423, %mul3A_428 : vector<16xf32>
        %broadcast_in_dim3A_430 = arith.constant 63 : i32
        %broadcast_in_dim3A_431 = vector.broadcast %broadcast_in_dim3A_430 : i32 to vector<16xi32>
        %gather3A_432 = tpu.vector_load_idx %arg9[%add3A_50, %broadcast_in_dim3A_431] : memref<256x64xf32, #tpu.memory_space<vmem>>[vector<16xi32>, vector<16xi32>], vector<16xf32>,
        %gather3A_433 = tpu.vector_load_idx %arg10[%add3A_50, %broadcast_in_dim3A_431] : memref<256x64xf32, #tpu.memory_space<vmem>>[vector<16xi32>, vector<16xi32>], vector<16xf32>,
        %mul3A_434 = arith.mulf %gather3A_432, %gather3A_433 : vector<16xf32>
        %add3A_435 = arith.addf %add3A_429, %mul3A_434 : vector<16xf32>
        %neg3A = arith.constant 0.000000e+00 : f32
        %neg3A_436 = vector.broadcast %neg3A : f32 to vector<16xf32>
        %neg3A_437 = arith.subf %neg3A_436, %add3A_435 : vector<16xf32>
        %exp3A = math.exp %neg3A_437 : vector<16xf32>
        %add3A_438 = arith.constant 1.000000e+00 : f32
        %add3A_439 = vector.broadcast %add3A_438 : f32 to vector<16xf32>
        %add3A_440 = arith.addf %add3A_439, %exp3A : vector<16xf32>
        %div3A = arith.constant 1.000000e+00 : f32
        %div3A_441 = vector.broadcast %div3A : f32 to vector<16xf32>
        %div3A_442 = arith.divf %div3A_441, %add3A_440 : vector<16xf32>
        %mul3A_443 = arith.constant 128 : i32
        %mul3A_444 = arith.muli %scan3A_18, %mul3A_443 : i32
        %mul3A_445 = arith.constant 16 : i32
        %mul3A_446 = arith.muli %scan3A_45, %mul3A_445 : i32
        %add3A_447 = arith.addi %mul3A_444, %mul3A_446 : i32
        %multiple_of3A_448 = tpu.assume_multiple %add3A_447, 8 : i32
        %swap3A = arith.index_cast %multiple_of3A_448 : i32 to index
        %swap3A_449 = tpu.vector_load %arg11[%swap3A] {strides = array<i32>} : memref<512xf32, #tpu.memory_space<vmem>>, vector<16xf32>,
        tpu.vector_store %arg11[%swap3A], %div3A_442 {strides = array<i32>} : memref<512xf32, #tpu.memory_space<vmem>>, vector<16xf32>,
        %scan3A_450 = arith.constant 0 : i32
        scf.yield %scan3A_450 : i32
      }
      %scan3A_43 = arith.constant 8 : i32
      %scan3A_44 = arith.constant 0 : i32
      scf.yield %scan3A_44 : i32
    }
    %scan3A_17 = arith.constant 4 : i32
    "tpu.region"() ({
      %run_scoped3A = tpu.sem_alloc : memref<!tpu.dma_semaphore, #tpu.memory_space<semaphore_mem>>
      %dma_start3A = tpu.memref_slice %arg6[%multiple_of3A] : memref<16384xf32, #tpu.memory_space<hbm>> -> memref<512xf32, #tpu.memory_space<hbm>>
      %dma_start3A_18 = tpu.memref_slice %arg6[%multiple_of3A] : memref<16384xf32, #tpu.memory_space<hbm>> -> memref<512xf32, #tpu.memory_space<hbm>>
      tpu.enqueue_dma source(%arg11 : memref<512xf32, #tpu.memory_space<vmem>>) target(%dma_start3A_18 : memref<512xf32, #tpu.memory_space<hbm>>) target_semaphore(%run_scoped3A : memref<!tpu.dma_semaphore, #tpu.memory_space<semaphore_mem>>)
      %dma_wait3A = tpu.memref_slice %arg6[%multiple_of3A] : memref<16384xf32, #tpu.memory_space<hbm>> -> memref<512xf32, #tpu.memory_space<hbm>>
      %dma_wait3A_19 = tpu.memref_slice %arg6[%multiple_of3A] : memref<16384xf32, #tpu.memory_space<hbm>> -> memref<512xf32, #tpu.memory_space<hbm>>
      tpu.wait_dma2 semaphore(%run_scoped3A : memref<!tpu.dma_semaphore, #tpu.memory_space<semaphore_mem>>) src(%arg11 : memref<512xf32, #tpu.memory_space<vmem>>) dst(%dma_wait3A_19 : memref<512xf32, #tpu.memory_space<hbm>>)
      tpu.yield
    }) : () -> ()
    return
  }
}

</mosaic_0001>

<sc_bundles>
// kernel: kernel.3.cloned.1.call-start
scs
__scs_entry_jumppad:
0x0: {  	(pc) =	sbr.rel $0x88, $3  }
0x1: {  	(tag) =	ssettag $0x0;
	lr =	simm.s32 $0x1  }
0x2: {  	[smem:$0x3F9D] =	sst lr;
	_ =	strace $0xD0000000  }
0x3: {  	_ = 	snop  }
0x4: {  	_ = 	snop  }
0x5: {  	_ = 	snop  }
0x6: {  	_ = 	snop  }
0x7: {  	_ = 	snop  }
__scs_overlays_trampoline_lowered:
0x8: {  	[smem:$0x3FAC] =	sst s0  }
0x9: {  	[smem:$0x3FAD] =	sst s1  }
0xa: {  	[smem:$0x3FAE] =	sst s2  }
0xb: {  	[smem:$0x3FAF] =	sst s3  }
0xc: {  	[smem:$0x3FB0] =	sst s4  }
0xd: {  	[smem:$0x3FB1] =	sst s5  }
0xe: {  	[smem:$0x3FB2] =	sst s6  }
0xf: {  	[smem:$0x3FB3] =	sst s7  }
0x10: {  	[smem:$0x3FB4] =	sst s8  }
0x11: {  	[smem:$0x3FB5] =	sst s9;
	s0 =	simm.s32 @!p0 $0x0  }
0x12: {  	s1 =	sld [smem:$0x3F9B];
	s0 =	simm.s32 @p0 $0x1  }
0x13: {  	[smem:$0x3FB6] =	sst s0;
	s0 =	simm.s32 @!p1 $0x0  }
0x14: {  	s2 =	sld [smem:$0x3F9A];
	s0 =	simm.s32 @p1 $0x1  }
0x15: {  	[smem:$0x3FB7] =	sst s0;
	s0 =	simm.s32 @!p2 $0x0  }
0x16: {  	s3 =	sld [smem:$0x3FDB];
	s0 =	simm.s32 @p2 $0x1  }
0x17: {  	s4 =	simm.s32 $0x1BF5;
	[smem:$0x3FB9] =	sst s0  }
0x18: {  	s0 =	sld [smem:$0x3F9C];
	_ =	swait.ge [sflag:s4], $0x0  }
0x19: {  	s7 =	sld [smem:$0x3F9D]  }
0x1a: {  	s8 =	sadd.s32 $0xFFFFE003, lr  }
0x1b: {  	s9 =	sadd.s32 $0xFFFFFEF7, lr;
	s5 =	simm.s32 $0xFFFFFFFF;
	p2 =	slt.u32 s8, $0xFFFFF086  }
0x1c: {  	p1 =	slt.u32 s9, $0xF7A;
	s5 =	simm.s32 @!p2 $0x0  }
0x1d: {  	s5 =	simm.s32 @p1 $0x1;
	p0 =	seq.s32 s7, s2  }
0x1e: {  	s7 =	smul.u32 @!p0 $0xF7A, s2;
	p2 =	seq.s32 @!p0 s5, $0x0  }
0x1f: {  	s9 =	smul.u32 $0xF7A, s1;
	s8 =	simm.s32 @!p0 $0x1BF5;
	p2 =	por !p2, p0  }
0x20: {  	[sflag:s8] =	ssyncset.s32 @!p0 $0xFFFFF086;
	s6 =	sadd.s32 @!p0 s3, s7;
	s7 =	simm.s32 @!p0 $0x108  }
0x21: {  	s3 =	sadd.s32 s3, s9;
	s6 =	sadd.s32 @!p0 $0x88, s6;
	s7 =	simm.s32 @p2 $0x1082  }
0x22: {  	[simem:s7], [sflag:s8] =	dma.local @!p0 [hbm:s6], $0xF7A  }
0x23: {  	s9 =	sor.u32 $0xD0000000, s2;
	s6 =	simm.s32 $0x108;
	_ =	swait.ge @!p0 [sflag:s8], $0x0  }
0x24: {  	s3 =	sadd.s32 $0x88, s3;
	s6 =	simm.s32 @!p1 $0x1082;
	[sflag:s4] =	ssyncset.s32 $0xFFFFF086  }
0x25: {  	[simem:s6], [sflag:s4] =	dma.local [hbm:s3], $0xF7A  }
0x26: {  	[smem:$0x3F9D] =	sst s1;
	(tag) =	ssettag s2;
	_ =	strace s9  }
0x27: {  	s1 =	sld [smem:$0x3FAD]  }
0x28: {  	s2 =	sld [smem:$0x3FAE]  }
0x29: {  	s4 =	sld [smem:$0x3FB0]  }
0x2a: {  	p0 =	seq.s32 s5, $0x0;
	s5 =	sld [smem:$0x3FB1]  }
0x2b: {  	s6 =	sld [smem:$0x3FB2]  }
0x2c: {  	s7 =	sld [smem:$0x3FB3]  }
0x2d: {  	s3 =	simm.s32 $0x108;
	s8 =	sld [smem:$0x3FB4]  }
0x2e: {  	s3 =	simm.s32 @!p0 $0x1082;
	s9 =	sld [smem:$0x3FB5]  }
0x2f: {  	lr =	sadd.s32 s0, s3;
	s0 =	sld [smem:$0x3FAC]  }
0x30: {  	s3 =	sld [smem:$0x3FAF]  }
0x31: {  	[smem:$0x3FB8] =	sst s10  }
0x32: {  	s10 =	sld [smem:$0x3FB6];
	_ =	sdelay $0x3  }
0x33: {  	p0 =	seq.s32 s10, $0x1;
	s10 =	sld [smem:$0x3FB8];
	_ =	sdelay $0x3  }
0x34: {  	[smem:$0x3FB8] =	sst s10  }
0x35: {  	s10 =	sld [smem:$0x3FB7];
	_ =	sdelay $0x3  }
0x36: {  	p1 =	seq.s32 s10, $0x1;
	s10 =	sld [smem:$0x3FB8];
	_ =	sdelay $0x3  }
0x37: {  	[smem:$0x3FB8] =	sst s10  }
0x38: {  	s10 =	sld [smem:$0x3FB9]  }
0x39: {  	_ = 	snop;
	(pc) =	sbr.ind lr, $3  }
0x3a: {  	_ = 	snop  }
0x3b: {  	_ = 	snop  }
0x3c: {  	p2 =	seq.s32 s10, $0x1;
	s10 =	sld [smem:$0x3FB8]  }
0x3d: {  	_ =	shalt  }
0x3e: {  	_ =	shalt  }
0x3f: {  	_ =	shalt  }
0x40: {  	_ =	shalt  }
0x41: {  	_ =	shalt  }
0x42: {  	_ =	shalt  }
0x43: {  	_ =	shalt  }
0x44: {  	_ =	shalt  }
0x45: {  	_ =	shalt  }
0x46: {  	_ =	shalt  }
0x47: {  	_ =	shalt  }
0x48: {  	_ =	shalt  }
0x49: {  	_ =	shalt  }
0x4a: {  	_ =	shalt  }
0x4b: {  	_ =	shalt  }
0x4c: {  	_ =	shalt  }
0x4d: {  	_ =	shalt  }
0x4e: {  	_ =	shalt  }
0x4f: {  	_ =	shalt  }
0x50: {  	_ =	shalt  }
0x51: {  	_ =	shalt  }
0x52: {  	_ =	shalt  }
0x53: {  	_ =	shalt  }
0x54: {  	_ =	shalt  }
0x55: {  	_ =	shalt  }
0x56: {  	_ =	shalt  }
0x57: {  	_ =	shalt  }
0x58: {  	_ =	shalt  }
0x59: {  	_ =	shalt  }
0x5a: {  	_ =	shalt  }
0x5b: {  	_ =	shalt  }
0x5c: {  	_ =	shalt  }
0x5d: {  	_ =	shalt  }
0x5e: {  	_ =	shalt  }
0x5f: {  	_ =	shalt  }
0x60: {  	_ =	shalt  }
0x61: {  	_ =	shalt  }
0x62: {  	_ =	shalt  }
0x63: {  	_ =	shalt  }
0x64: {  	_ =	shalt  }
0x65: {  	_ =	shalt  }
0x66: {  	_ =	shalt  }
0x67: {  	_ =	shalt  }
0x68: {  	_ =	shalt  }
0x69: {  	_ =	shalt  }
0x6a: {  	_ =	shalt  }
0x6b: {  	_ =	shalt  }
0x6c: {  	_ =	shalt  }
0x6d: {  	_ =	shalt  }
0x6e: {  	_ =	shalt  }
0x6f: {  	_ =	shalt  }
0x70: {  	_ =	shalt  }
0x71: {  	_ =	shalt  }
0x72: {  	_ =	shalt  }
0x73: {  	_ =	shalt  }
0x74: {  	_ =	shalt  }
0x75: {  	_ =	shalt  }
0x76: {  	_ =	shalt  }
0x77: {  	_ =	shalt  }
0x78: {  	_ =	shalt  }
0x79: {  	_ =	shalt  }
0x7a: {  	_ =	shalt  }
0x7b: {  	_ =	shalt  }
0x7c: {  	_ =	shalt  }
0x7d: {  	_ =	shalt  }
0x7e: {  	_ =	shalt  }
0x7f: {  	_ =	shalt  }
0x80: {  	_ =	shalt  }
0x81: {  	_ =	shalt  }
0x82: {  	_ =	shalt  }
0x83: {  	_ =	shalt  }
0x84: {  	_ =	shalt  }
0x85: {  	_ =	shalt  }
0x86: {  	_ =	shalt  }
0x87: {  	_ =	shalt  }
.Lfunc_end0:
.L_simem_size_0:
called_computation_lowered:
.L_overlay_start_0:
0x88: {  	s2 =	sld [smem:$0x3FD9]  }
0x89: {  	s3 =	sld [smem:$0x3FFE];
	_ =	sdelay $0x1  }
0x8a: {  	s1 =	srdreg.scid  }
0x8b: {  	s0 =	sand.u32 $0x1, s1  }
0x8c: {  	s17 =	sshll.u32 s0, $0xA;
	s2 =	sadd.s32 s3, s2  }
0x8d: {  	s2 =	sadd.s32 s2, s17  }
0x8e: {  	[smem:$0x3FC4] =	sst s2  }
0x8f: {  	_ = 	snop  }
0x90: {  	s2 =	sld [smem:$0x3FC9]  }
0x91: {  	s18 =	sld [smem:$0x3FC8]  }
0x92: {  	s4 =	sld [smem:$0x3FD0];
	(tm) =	ssettm $0x1  }
0x93: {  	s5 =	sld [smem:$0x3FFB];
	_ =	sdelay $0x3  }
0x94: {  	_ =	strace s5  }
0x95: {  	s5 =	sld [smem:$0x3FFC];
	_ =	sdelay $0x3  }
0x96: {  	_ =	strace s5  }
0x97: {  	s5 =	sld [smem:$0x3FFD];
	_ =	sdelay $0x3  }
0x98: {  	_ =	strace s5  }
0x99: {  	_ =	strace $0x8FFFFFFF  }
0x9a: {  	s19 =	sld [smem:$0x3FDB];
	_ =	sdelay $0x1  }
0x9b: {  	s6 =	simm.s32 $_scs_section_size  }
0x9c: {  	s7 =	simm.s32 $_size__tile_overlayer_lowered;
	s8 =	simm.s32 $_tile_overlayer_lowered  }
0x9d: {  	s22 =	simm.s32 $0x1BFF;
	s21 =	sshll.u32 s8, $0x1;
	s5 =	sadd.s32 s6, s19  }
0x9e: {  	s9 =	simm.s32 $0x0;
	s20 =	sshll.u32 s7, $0x1;
	s7 =	sadd.s32 s21, s5  }
0x9f: {  	[timem:s9], [sflag:s22] =	dma.local [hbm:s7], s20  }
0xa0: {  	_ =	swait.ge [sflag:s22], s20  }
0xa1: {  	s6 =	ssub.s32 $0x0, s20;
	[sflag:s22] =	ssyncset.done $0x0  }
0xa2: {  	[sflag:s22] =	ssyncadd.s32 s6;
	_ =	sdelay $0x1  }
0xa3: {  	s23 =	simm.s32 $0x1B8B  }
0xa4: {  	_ =	swait.ge [sflag:s23], $0x1  }
0xa5: {  	[sflag:s23] =	ssyncset.done $0x0  }
0xa6: {  	s25 =	simm.s32 $0x1B8E;
	s24 =	sld [smem:$0x3FFE];
	[sflag:s23] =	ssyncadd.s32 $0xFFFFFFFF  }
0xa7: {  	s26 =	simm.s32 $execute0_lowered;
	[smem:$0x3FD2] =	sst s25  }
0xa8: {  	s7 =	sshll.u32 s26, $0x1;
	_ =	strace $0x80000046;
	[dreg:$0x1] =	wrdreg $0xFFFFFFFF  }
0xa9: {  	s28 =	simm.s32 $_size_execute0_lowered;
	s5 =	sadd.s32 s5, s7;
	[dreg:$0x0] =	wrdreg $0x0  }
0xaa: {  	s7 =	sshll.u32 s28, $0x1;
	[dreg:$0x2] =	wrdreg s5  }
0xab: {  	[dreg:$0x3] =	wrdreg s7  }
0xac: {  	[dreg:$0x4] =	wrdreg $0xC0  }
0xad: {  	_ =	task [dreg:s9], $0x5FFFF  }
0xae: {  	[dreg:$0x1] =	wrdreg $0xFFFFFFFF  }
0xaf: {  	[dreg:$0x0] =	wrdreg $0x60  }
0xb0: {  	[dreg:$0x2] =	wrdreg s2  }
0xb1: {  	[dreg:$0x3] =	wrdreg s18  }
0xb2: {  	[dreg:$0x4] =	wrdreg s24  }
0xb3: {  	[dreg:$0x5] =	wrdreg s4  }
0xb4: {  	[dreg:$0x6] =	wrdreg $0x9  }
0xb5: {  	_ =	task.clear_ibuf [dreg:s9], $0x7FFFF;
	_ =	strace $0x90000046  }
0xb6: {  	s29 =	simm.s32 $0x9;
	_ =	strace $0x80000048  }
0xb7: {  	_ =	swait.ge [sflag:s29], $0x1  }
0xb8: {  	[sflag:s29] =	ssyncadd.s32 $0xFFFFFFFF  }
0xb9: {  	_ =	strace $0x90000048  }
0xba: {  	_ =	sfence  }
0xbb: {  	s30 =	sld [smem:$0x0];
	_ =	sdelay $0x2  }
0xbc: {  	s31 =	sshll.u32 s1, $0xD;
	s1 =	sshrl.u32 s1, $0x2  }
0xbd: {  	s3 =	sand.u32 $0x4000, s31;
	s1 =	sadd.s32 s1, s30  }
0xbe: {  	s0 =	sor.u32 s3, s0;
	s1 =	sshll.u32 s1, $0x11  }
0xbf: {  	s0 =	sor.u32 s1, s0  }
0xc0: {  	s0 =	sadd.s32 $0x8F2B, s0  }
0xc1: {  	[sflag:s0] =	ssyncadd.remote.s32 $0x1  }
0xc2: {  	_ =	sfence.sel $0xFFFF  }
0xc3: {  	[dreg:$0x0] =	wrdreg $0xFFFFFFFF;
	(pc) =	sbr.abs _section_cstart, $3  }
0xc4: {  	[dreg:$0x1] =	wrdreg $0xFFFFFFFF  }
0xc5: {  	_ =	task.clear_ibuf [dreg:s9], $0x2FFFF;
	_ =	strace $0x9FFFFFFF  }
0xc6: {  	(tm) =	ssettm $0x7FFFFFFF  }
0xc7: {  	_ =	shalt  }
tec
execute0_lowered:
.L_overlay_start_1:
0x0: {  	(tag) =	ssettag $0x1  }
0x1: {  	s0 =	rddreg [dreg:$0x0]  }
0x2: {  	s1 =	rddreg [dreg:$0x1]  }
0x3: {  	s2 =	rddreg [dreg:$0x2]  }
0x4: {  	s3 =	rddreg [dreg:$0x3];
	s25 =	simm.s32 $0x0  }
0x5: {  	s5 =	simm.s32 $0x780;
	[smem:$0x7FF] =	sst s25  }
0x6: {  	s12 =	simm.s32 $0x700;
	_ =	strace $0x80000047;
	[dreg:$0x12] =	wrdreg s5  }
0x7: {  	s13 =	simm.s32 $0x680;
	[dreg:$0x11] =	wrdreg s12  }
0x8: {  	s15 =	simm.s32 $0x600;
	[dreg:$0x10] =	wrdreg s13  }
0x9: {  	s16 =	simm.s32 $0x580;
	[dreg:$0xf] =	wrdreg s15  }
0xa: {  	s17 =	simm.s32 $0x500;
	[dreg:$0xe] =	wrdreg s16  }
0xb: {  	s18 =	simm.s32 $0x480;
	[dreg:$0xd] =	wrdreg s17  }
0xc: {  	s19 =	simm.s32 $0x380;
	[dreg:$0xc] =	wrdreg s18  }
0xd: {  	s21 =	simm.s32 $0x300;
	[dreg:$0xb] =	wrdreg s19  }
0xe: {  	s4 =	srdreg.scid;
	s23 =	simm.s32 $0x280;
	[dreg:$0xa] =	wrdreg s21  }
0xf: {  	s7 =	stileid.u32;
	s24 =	simm.s32 $0x180;
	[dreg:$0x9] =	wrdreg s23  }
0x10: {  	s28 =	simm.s32 $0x100;
	s30 =	simm.s32 $0x80;
	[dreg:$0x8] =	wrdreg s24  }
0x11: {  	s31 =	simm.s32 $0x3;
	s26 =	sadd.s32 $0x400, s2;
	[dreg:$0x7] =	wrdreg s28  }
0x12: {  	s29 =	sadd.s32 $0xF42800, s2;
	s11 =	sand.u32 $0x1, s4;
	[dreg:$0x6] =	wrdreg s30  }
0x13: {  	s14 =	sshll.u32 s7, $0x7;
	s2 =	sshll.u32 s11, $0x6;
	[dreg:$0x5] =	wrdreg s31  }
0x14: {  	s10 =	simm.s32 $0x400;
	[dreg:$0x13] =	wrdreg s26;
	s2 =	sor.u32 s2, s14  }
0x15: {  	s4 =	ssub.s32 $0x2, s11;
	[dreg:$0x14] =	wrdreg s29;
	s0 =	sadd.s32 s0, s2  }
0x16: {  	s6 =	sshrl.u32 s4, $0x1;
	s1 =	sadd.s32 s1, s2;
	[smem:$0x7FA] =	sst s0  }
0x17: {  	v0 =	vlaneseq.u32;
	s4 =	ssub.s32 s4, s6;
	s20 =	sadd.s32 s3, s2;
	[smem:$0x7FB] =	sst s1  }
0x18: {  	v0 =	vmul.u32 $0x80, v0;
	s11 =	simm.s32 $0x8400;
	[smem:$0x7FC] =	sst s20;
	s22 =	smax.u32 s4, $0x1  }
0x19: {  	s2 =	simm.s32 $0x0;
	s1 =	simm.s32 $0x5;
	[smem:$0x7FD] =	sst s22  }
.LBB2_1:
0x1a: {  	s0 =	sld [smem:$0x7FA];
	_ =	sdelay $0x1  }
0x1b: {  	[smem:$0x7F9] =	sst s2  }
0x1c: {  	[tilespmem:s25], [sflag:$0x5] =	stream.linear.gather [hbm4b:s0+s25], $0x200, $0x38;
	[tilespmem:$0x10600] =	vst v63  }
0x1d: {  	_ =	swait.ge [sflag:s1], $0x200  }
0x1e: {  	s21 =	sld [smem:$0x7FB]  }
0x1f: {  	[sflag:s1] =	ssyncset.done $0x0  }
0x20: {  	s22 =	simm.s32 $0x200;
	[sflag:s1] =	ssyncadd.s32 $0xFFFFFE00  }
0x21: {  	[tilespmem:s22], [sflag:$0x5] =	stream.linear.gather [hbm4b:s21+s25], $0x200, $0x38;
	[tilespmem:$0x10600] =	vst v63  }
0x22: {  	_ =	swait.ge [sflag:s1], $0x200  }
0x23: {  	[sflag:s1] =	ssyncset.done $0x0  }
0x24: {  	[sflag:s1] =	ssyncadd.s32 $0xFFFFFE00  }
0x25: {  	v1 =	vld [tilespmem:s25+$0x0]  }
0x26: {  	v2 =	vld [tilespmem:s22+$0x0];
	_ =	sdelay $0x3  }
0x27: {  	v1 =	vshll.u32 v1, $0x4  }
0x28: {  	v2 =	vshll.u32 v2, $0x4;
	(v2sf) =	vpush v1, $0x0  }
0x29: {  	(v2sf) =	vpush v2, $0x0;
	_ =	sdelay $0x2  }
0x2a: {  	(v2sf) =	vpush v1, $0x1  }
0x2b: {  	(v2sf) =	vpush v2, $0x1  }
0x2c: {  	(v2sf) =	vpush v1, $0x2;
	_ =	sdelay $0x1  }
0x2d: {  	(v2sf) =	vpush v2, $0x2;
	_ =	sdelay $0x2  }
0x2e: {  	p0 =	por $0x0, $0x0  }
0x2f: {  	s16 =	simm.s32 $0x2000;
	s15 =	simm.s32 $0x0;
	s23 =	simm.s32 $0x8400;
	(v2sf) =	vpush v1, $0x3  }
0x30: {  	s2 =	simm.s32 $0x680;
	s6 =	simm.s32 $0x880;
	s24 =	simm.s32 $0x400  }
0x31: {  	s3 =	simm.s32 $0x600;
	s5 =	simm.s32 $0x8900;
	s7 =	simm.s32 $0x580  }
0x32: {  	s8 =	simm.s32 $0x8580;
	s13 =	simm.s32 $0x8A00;
	s4 =	spop (v2sf)  }
0x33: {  	s12 =	simm.s32 $0x480;
	(v2sf) =	vpush v2, $0x3;
	s4 =	sand.u32 $0x1FFFFFF0, s4;
	s9 =	spop (v2sf)  }
0x34: {  	s18 =	simm.s32 $0x8480;
	s4 =	sadd.s32 s26, s4;
	s28 =	sand.u32 $0x1FFFFFF0, s9  }
0x35: {  	(v2sf) =	vpush v1, $0x4;
	[tilespmem:s24], [sflag:$0x1] =	stream.linear.gather [hbm4b:s4+s25], $0x80, $0x38;
	[tilespmem:$0x10600] =	vst v63  }
0x36: {  	s20 =	simm.s32 $0x500;
	(v2sf) =	vpush v2, $0x4;
	s30 =	spop (v2sf);
	s1 =	sadd.s32 s29, s28  }
0x37: {  	s4 =	sand.u32 $0x1FFFFFF0, s30;
	s31 =	spop (v2sf);
	s30 =	simm.s32 $0x8600  }
0x38: {  	(v2sf) =	vpush v1, $0x5;
	s14 =	sadd.s32 s26, s4;
	s17 =	sand.u32 $0x1FFFFFF0, s31;
	s19 =	spop (v2sf)  }
0x39: {  	(v2sf) =	vpush v2, $0x5;
	[tilespmem:s23], [sflag:$0x3] =	stream.linear.gather [hbm4b:s1+s25], $0x80, $0x38;
	[tilespmem:$0x10600] =	vst v63  }
0x3a: {  	s4 =	sadd.s32 s29, s17;
	s1 =	sand.u32 $0x1FFFFFF0, s19;
	s21 =	spop (v2sf)  }
0x3b: {  	(v2sf) =	vpush v1, $0x6;
	[tilespmem:s12], [sflag:$0x1] =	stream.linear.gather [hbm4b:s14+s25], $0x80, $0x38;
	[tilespmem:$0x10600] =	vst v63  }
0x3c: {  	s23 =	simm.s32 $0x8500;
	s19 =	simm.s32 $0x700;
	s17 =	simm.s32 $0x8A80  }
0x3d: {  	[tilespmem:s18], [sflag:$0x3] =	stream.linear.gather [hbm4b:s4+s25], $0x80, $0x38;
	[tilespmem:$0x10600] =	vst v63  }
0x3e: {  	s1 =	sadd.s32 s26, s1;
	s22 =	spop (v2sf);
	s4 =	sand.u32 $0x1FFFFFF0, s21  }
0x3f: {  	(v2sf) =	vpush v2, $0x6;
	[tilespmem:s20], [sflag:$0x1] =	stream.linear.gather [hbm4b:s1+s25], $0x80, $0x38;
	[tilespmem:$0x10600] =	vst v63  }
0x40: {  	s28 =	sand.u32 $0x1FFFFFF0, s22;
	s14 =	simm.s32 $0x8680;
	s24 =	sadd.s32 s29, s4  }
0x41: {  	[tilespmem:s23], [sflag:$0x3] =	stream.linear.gather [hbm4b:s24+s25], $0x80, $0x38;
	[tilespmem:$0x10600] =	vst v63  }
0x42: {  	s4 =	sadd.s32 s26, s28;
	s1 =	simm.s32 $0x8980;
	s31 =	spop (v2sf)  }
0x43: {  	(v2sf) =	vpush v1, $0x7;
	[tilespmem:s7], [sflag:$0x1] =	stream.linear.gather [hbm4b:s4+s25], $0x80, $0x38;
	[tilespmem:$0x10600] =	vst v63  }
0x44: {  	s23 =	simm.s32 $0xA80;
	s7 =	sand.u32 $0x1FFFFFF0, s31;
	s9 =	spop (v2sf)  }
0x45: {  	(v2sf) =	vpush v2, $0x7;
	s4 =	sadd.s32 s29, s7;
	s7 =	sand.u32 $0x1FFFFFF0, s9;
	s12 =	spop (v2sf)  }
0x46: {  	(v2sf) =	vpush v1, $0x8;
	[tilespmem:s8], [sflag:$0x3] =	stream.linear.gather [hbm4b:s4+s25], $0x80, $0x38;
	[tilespmem:$0x10600] =	vst v63  }
0x47: {  	s7 =	sadd.s32 s26, s7;
	s18 =	sand.u32 $0x1FFFFFF0, s12;
	s20 =	spop (v2sf)  }
0x48: {  	(v2sf) =	vpush v2, $0x8;
	s12 =	simm.s32 $0x780;
	s8 =	sadd.s32 s29, s18;
	s21 =	spop (v2sf)  }
0x49: {  	(v2sf) =	vpush v1, $0x9;
	[tilespmem:s3], [sflag:$0x1] =	stream.linear.gather [hbm4b:s7+s25], $0x80, $0x38;
	[tilespmem:$0x10600] =	vst v63  }
0x4a: {  	s7 =	sand.u32 $0x1FFFFFF0, s20;
	s22 =	spop (v2sf);
	s3 =	simm.s32 $0x8880  }
0x4b: {  	(v2sf) =	vpush v2, $0x9;
	[tilespmem:s30], [sflag:$0x3] =	stream.linear.gather [hbm4b:s8+s25], $0x80, $0x38;
	[tilespmem:$0x10600] =	vst v63  }
0x4c: {  	s7 =	sadd.s32 s26, s7;
	s28 =	sand.u32 $0x1FFFFFF0, s22;
	(v2sf) =	vpush v1, $0xA;
	s8 =	sand.u32 $0x1FFFFFF0, s21  }
0x4d: {  	[tilespmem:s2], [sflag:$0x1] =	stream.linear.gather [hbm4b:s7+s25], $0x80, $0x38;
	[tilespmem:$0x10600] =	vst v63  }
0x4e: {  	s31 =	spop (v2sf);
	s30 =	simm.s32 $0x8700;
	(v2sf) =	vpush v2, $0xA;
	s24 =	sadd.s32 s29, s8  }
0x4f: {  	[tilespmem:s14], [sflag:$0x3] =	stream.linear.gather [hbm4b:s24+s25], $0x80, $0x38;
	[tilespmem:$0x10600] =	vst v63  }
0x50: {  	s21 =	simm.s32 $0x800;
	s8 =	sadd.s32 s26, s28;
	s7 =	sand.u32 $0x1FFFFFF0, s31  }
0x51: {  	[tilespmem:s19], [sflag:$0x1] =	stream.linear.gather [hbm4b:s8+s25], $0x80, $0x38;
	[tilespmem:$0x10600] =	vst v63  }
0x52: {  	s28 =	simm.s32 $0x8800;
	s7 =	sadd.s32 s29, s7;
	s0 =	spop (v2sf)  }
0x53: {  	[tilespmem:s30], [sflag:$0x3] =	stream.linear.gather [hbm4b:s7+s25], $0x80, $0x38;
	[tilespmem:$0x10600] =	vst v63  }
0x54: {  	s19 =	simm.s32 $0x8780;
	(v2sf) =	vpush v1, $0xB;
	s8 =	sand.u32 $0x1FFFFFF0, s0;
	s2 =	spop (v2sf)  }
0x55: {  	s0 =	simm.s32 $0x900;
	s14 =	sadd.s32 s26, s8;
	s20 =	spop (v2sf)  }
0x56: {  	(v2sf) =	vpush v2, $0xB;
	[tilespmem:s12], [sflag:$0x1] =	stream.linear.gather [hbm4b:s14+s25], $0x80, $0x38;
	[tilespmem:$0x10600] =	vst v63  }
0x57: {  	s18 =	sand.u32 $0x1FFFFFF0, s2;
	s7 =	sand.u32 $0x1FFFFFF0, s20;
	s22 =	spop (v2sf)  }
0x58: {  	s8 =	sadd.s32 s29, s18;
	s7 =	sadd.s32 s26, s7;
	s24 =	spop (v2sf)  }
0x59: {  	[tilespmem:s19], [sflag:$0x3] =	stream.linear.gather [hbm4b:s8+s25], $0x80, $0x38;
	[tilespmem:$0x10600] =	vst v63  }
0x5a: {  	(v2sf) =	vpush v1, $0xC;
	s8 =	sand.u32 $0x1FFFFFF0, s22;
	s31 =	sand.u32 $0x1FFFFFF0, s24;
	s2 =	spop (v2sf)  }
0x5b: {  	s24 =	simm.s32 $0x980;
	s30 =	sadd.s32 s29, s8;
	s9 =	spop (v2sf)  }
0x5c: {  	(v2sf) =	vpush v2, $0xC;
	[tilespmem:s21], [sflag:$0x1] =	stream.linear.gather [hbm4b:s7+s25], $0x80, $0x38;
	[tilespmem:$0x10600] =	vst v63  }
0x5d: {  	s8 =	sadd.s32 s26, s31;
	s7 =	sand.u32 $0x1FFFFFF0, s2;
	s12 =	spop (v2sf)  }
0x5e: {  	[tilespmem:s28], [sflag:$0x3] =	stream.linear.gather [hbm4b:s30+s25], $0x80, $0x38;
	[tilespmem:$0x10600] =	vst v63  }
0x5f: {  	s7 =	sadd.s32 s29, s7;
	s18 =	sand.u32 $0x1FFFFFF0, s12;
	s12 =	simm.s32 $0x10  }
0x60: {  	[tilespmem:s6], [sflag:$0x1] =	stream.linear.gather [hbm4b:s8+s25], $0x80, $0x38;
	[tilespmem:$0x10600] =	vst v63  }
0x61: {  	s20 =	sadd.s32 s29, s18;
	s18 =	simm.s32 $0x210;
	s8 =	sand.u32 $0x1FFFFFF0, s9  }
0x62: {  	[tilespmem:s3], [sflag:$0x3] =	stream.linear.gather [hbm4b:s7+s25], $0x80, $0x38;
	[tilespmem:$0x10600] =	vst v63  }
0x63: {  	s6 =	simm.s32 $0xA00;
	s14 =	sadd.s32 s26, s8;
	s19 =	spop (v2sf)  }
0x64: {  	[tilespmem:s0], [sflag:$0x1] =	stream.linear.gather [hbm4b:s14+s25], $0x80, $0x38;
	[tilespmem:$0x10600] =	vst v63  }
0x65: {  	s8 =	simm.s32 $0x0;
	s21 =	sand.u32 $0x1FFFFFF0, s19;
	s22 =	spop (v2sf)  }
0x66: {  	(v2sf) =	vpush v1, $0xD;
	[tilespmem:s5], [sflag:$0x3] =	stream.linear.gather [hbm4b:s20+s25], $0x80, $0x38;
	[tilespmem:$0x10600] =	vst v63  }
.Ltmp0:
0x67: {  	(v2sf) =	vpush v2, $0xD;
	s4 =	sadd.s32 s26, s21;
	s28 =	sand.u32 $0x1FFFFFF0, s22;
	(pc) =	sbr.rel @p0 .LBB2_3-.Ltmp0, $4  }
0x68: {  	(v2sf) =	vpush v1, $0xE;
	[tilespmem:s24], [sflag:$0x1] =	stream.linear.gather [hbm4b:s4+s25], $0x80, $0x38;
	[tilespmem:$0x10600] =	vst v63  }
0x69: {  	s7 =	simm.s32 $0xB00;
	s30 =	sadd.s32 s29, s28;
	(v2sf) =	vpush v2, $0xE;
	s31 =	spop (v2sf)  }
0x6a: {  	(v2sf) =	vpush v1, $0xF;
	[tilespmem:s1], [sflag:$0x3] =	stream.linear.gather [hbm4b:s30+s25], $0x80, $0x38;
	[tilespmem:$0x10600] =	vst v63  }
0x6b: {  	s3 =	spop (v2sf);
	(v2sf) =	vpush v2, $0xF;
	s25 =	simm.s32 $0x8B00;
	s1 =	sand.u32 $0x1FFFFFF0, s31  }
.LBB2_2:
0x6c: {  	_ =	sdelay $0x4  }
0x6d: {  	s1 =	sadd.s32 s26, s1;
	s3 =	sand.u32 $0x1FFFFFF0, s3  }
0x6e: {  	[tilespmem:s6], [sflag:$0x1] =	stream.linear.gather [hbm4b:s1+s8], $0x80, $0x38;
	[tilespmem:$0x10600] =	vst v63  }
0x6f: {  	s5 =	sadd.s32 s29, s3  }
0x70: {  	[tilespmem:s13], [sflag:$0x3] =	stream.linear.gather [hbm4b:s5+s8], $0x80, $0x38;
	[tilespmem:$0x10600] =	vst v63  }
0x71: {  	s4 =	spop (v2sf)  }
0x72: {  	s6 =	sand.u32 $0x1FFFFFF0, s4;
	s9 =	spop (v2sf)  }
0x73: {  	s13 =	sadd.s32 s26, s6;
	s14 =	sand.u32 $0x1FFFFFF0, s9;
	s19 =	spop (v2sf)  }
0x74: {  	[tilespmem:s23], [sflag:$0x1] =	stream.linear.gather [hbm4b:s13+s8], $0x80, $0x38;
	[tilespmem:$0x10600] =	vst v63  }
0x75: {  	s0 =	sadd.s32 s29, s14;
	s20 =	sand.u32 $0x1FFFFFF0, s19;
	s21 =	spop (v2sf)  }
0x76: {  	[tilespmem:s17], [sflag:$0x3] =	stream.linear.gather [hbm4b:s0+s8], $0x80, $0x38;
	[tilespmem:$0x10600] =	vst v63  }
0x77: {  	s22 =	sadd.s32 s26, s20;
	s23 =	sand.u32 $0x1FFFFFF0, s21;
	s2 =	spop (v2sf)  }
0x78: {  	[tilespmem:s7], [sflag:$0x1] =	stream.linear.gather [hbm4b:s22+s8], $0x80, $0x38;
	[tilespmem:$0x10600] =	vst v63  }
0x79: {  	s24 =	sadd.s32 s29, s23;
	s28 =	sand.u32 $0x1FFFFFF0, s2;
	s30 =	spop (v2sf)  }
0x7a: {  	[tilespmem:s25], [sflag:$0x3] =	stream.linear.gather [hbm4b:s24+s8], $0x80, $0x38;
	[tilespmem:$0x10600] =	vst v63  }
0x7b: {  	s31 =	sadd.s32 $0xB80, s15;
	s1 =	sadd.s32 s26, s28;
	s2 =	sand.u32 $0x1FFFFFF0, s30  }
0x7c: {  	[tilespmem:s31], [sflag:$0x1] =	stream.linear.gather [hbm4b:s1+s8], $0x80, $0x38;
	[tilespmem:$0x10600] =	vst v63  }
0x7d: {  	s3 =	sadd.s32 s29, s2;
	s1 =	sadd.s32 $0x8B80, s15  }
0x7e: {  	[tilespmem:s1], [sflag:$0x3] =	stream.linear.gather [hbm4b:s3+s8], $0x80, $0x38;
	[tilespmem:$0x10600] =	vst v63  }
0x7f: {  	v1 =	vld [tilespmem:s12+$0x0]  }
0x80: {  	v3 =	vld [tilespmem:s18+$0x0];
	_ =	sdelay $0x3  }
0x81: {  	v2 =	vshll.u32 v1, $0x4  }
0x82: {  	v1 =	vshll.u32 v3, $0x4;
	(v2sf) =	vpush v2, $0x0  }
0x83: {  	p0 =	seq.s32 s16, $0xE000;
	s4 =	smov.u32 s16;
	(v2sf) =	vpush v1, $0x0  }
0x84: {  	s16 =	sadd.s32 $0x2000, s16;
	s22 =	simm.s32 $0x0;
	s15 =	sshra.s32 s4, $0x2;
	(v2sf) =	vpush v2, $0x1  }
0x85: {  	s2 =	rddreg [dreg:$0x13];
	s0 =	sadd.s32 $0x680, s15;
	s5 =	sadd.s32 $0x880, s15  }
0x86: {  	s13 =	sadd.s32 $0x400, s15;
	s19 =	sadd.s32 $0x600, s15;
	s6 =	sadd.s32 $0x8900, s15  }
0x87: {  	s24 =	sadd.s32 $0x580, s15;
	s4 =	sadd.s32 $0x500, s15;
	s31 =	sadd.s32 $0x8600, s15;
	(v2sf) =	vpush v1, $0x1  }
0x88: {  	s23 =	sadd.s32 $0xA80, s15;
	s9 =	sadd.s32 $0x8480, s15;
	s30 =	sadd.s32 $0x8680, s15  }
0x89: {  	s29 =	sadd.s32 $0x700, s15;
	s7 =	sadd.s32 $0x8980, s15;
	[smem:$0x7F1] =	sst s0  }
0x8a: {  	s17 =	sadd.s32 $0x8A80, s15;
	s28 =	sadd.s32 $0x8700, s15;
	[smem:$0x7F5] =	sst s5  }
0x8b: {  	s14 =	sadd.s32 $0x8880, s15;
	s20 =	sadd.s32 $0x900, s15;
	[dreg:$0x1f] =	wrdreg s6;
	(v2sf) =	vpush v2, $0x2  }
0x8c: {  	s26 =	sadd.s32 $0x780, s15;
	s21 =	sadd.s32 $0x8800, s15;
	[smem:$0x7F8] =	sst s7  }
0x8d: {  	s25 =	sadd.s32 $0x8780, s15;
	s8 =	sadd.s32 $0x8400, s15;
	[smem:$0x7F6] =	sst s14  }
0x8e: {  	s1 =	sadd.s32 $0x8580, s15;
	s5 =	sadd.s32 $0x8A00, s15;
	[smem:$0x7F7] =	sst s20;
	(v2sf) =	vpush v1, $0x2  }
0x8f: {  	s3 =	sadd.s32 $0x8500, s15;
	[smem:$0x7F4] =	sst s21;
	s6 =	sadd.s32 $0xA00, s15  }
0x90: {  	s0 =	sadd.s32 $0x480, s15;
	[smem:$0x7F2] =	sst s25;
	s7 =	sadd.s32 $0x800, s15;
	(v2sf) =	vpush v2, $0x3  }
0x91: {  	s25 =	sadd.s32 $0x8B00, s15;
	[smem:$0x7F3] =	sst s7;
	(v2sf) =	vpush v1, $0x3;
	s21 =	spop (v2sf)  }
0x92: {  	s12 =	sadd.s32 $0x10, s12;
	s14 =	sand.u32 $0x1FFFFFF0, s21;
	s20 =	spop (v2sf)  }
0x93: {  	s18 =	sadd.s32 $0x10, s18;
	s14 =	sadd.s32 s2, s14;
	s2 =	spop (v2sf)  }
0x94: {  	(v2sf) =	vpush v2, $0x4;
	[tilespmem:s13], [sflag:$0x1] =	stream.linear.gather [hbm4b:s14+s22], $0x80, $0x38;
	[tilespmem:$0x10600] =	vst v63  }
0x95: {  	s20 =	sand.u32 $0x1FFFFFF0, s20;
	s14 =	rddreg [dreg:$0x14];
	s2 =	sand.u32 $0x1FFFFFF0, s2  }
0x96: {  	s13 =	sadd.s32 s14, s20;
	s14 =	spop (v2sf);
	s20 =	rddreg [dreg:$0x13]  }
0x97: {  	[tilespmem:s8], [sflag:$0x3] =	stream.linear.gather [hbm4b:s13+s22], $0x80, $0x38;
	[tilespmem:$0x10600] =	vst v63  }
0x98: {  	(v2sf) =	vpush v1, $0x4;
	s2 =	sadd.s32 s20, s2;
	s13 =	sand.u32 $0x1FFFFFF0, s14;
	s14 =	rddreg [dreg:$0x14]  }
0x99: {  	(v2sf) =	vpush v2, $0x5;
	[tilespmem:s0], [sflag:$0x1] =	stream.linear.gather [hbm4b:s2+s22], $0x80, $0x38;
	[tilespmem:$0x10600] =	vst v63  }
0x9a: {  	s7 =	sadd.s32 $0xB00, s15;
	s20 =	spop (v2sf);
	s0 =	sadd.s32 s14, s13  }
0x9b: {  	(v2sf) =	vpush v1, $0x5;
	[tilespmem:s9], [sflag:$0x3] =	stream.linear.gather [hbm4b:s0+s22], $0x80, $0x38;
	[tilespmem:$0x10600] =	vst v63  }
0x9c: {  	(v2sf) =	vpush v2, $0x6;
	s8 =	simm.s32 $0x0;
	s20 =	sand.u32 $0x1FFFFFF0, s20;
	s9 =	rddreg [dreg:$0x13]  }
0x9d: {  	s13 =	smov.u32 s5;
	s5 =	spop (v2sf);
	s0 =	sadd.s32 s9, s20  }
0x9e: {  	[tilespmem:s4], [sflag:$0x1] =	stream.linear.gather [hbm4b:s0+s22], $0x80, $0x38;
	[tilespmem:$0x10600] =	vst v63  }
0x9f: {  	s14 =	sand.u32 $0x1FFFFFF0, s5;
	s20 =	spop (v2sf);
	s4 =	rddreg [dreg:$0x14]  }
0xa0: {  	(v2sf) =	vpush v1, $0x6;
	s9 =	spop (v2sf);
	s0 =	sadd.s32 s4, s14;
	s14 =	rddreg [dreg:$0x13]  }
0xa1: {  	s5 =	sand.u32 $0x1FFFFFF0, s20;
	s20 =	sand.u32 $0x1FFFFFF0, s9;
	s4 =	rddreg [dreg:$0x14]  }
0xa2: {  	(v2sf) =	vpush v2, $0x7;
	[tilespmem:s3], [sflag:$0x3] =	stream.linear.gather [hbm4b:s0+s8], $0x80, $0x38;
	[tilespmem:$0x10600] =	vst v63  }
0xa3: {  	s22 =	spop (v2sf);
	s0 =	sadd.s32 s14, s5;
	s14 =	rddreg [dreg:$0x13]  }
0xa4: {  	[tilespmem:s24], [sflag:$0x1] =	stream.linear.gather [hbm4b:s0+s8], $0x80, $0x38;
	[tilespmem:$0x10600] =	vst v63  }
0xa5: {  	(v2sf) =	vpush v1, $0x7;
	s5 =	sand.u32 $0x1FFFFFF0, s22;
	s0 =	sadd.s32 s4, s20;
	s24 =	rddreg [dreg:$0x14]  }
0xa6: {  	(v2sf) =	vpush v2, $0x8;
	[tilespmem:s1], [sflag:$0x3] =	stream.linear.gather [hbm4b:s0+s8], $0x80, $0x38;
	[tilespmem:$0x10600] =	vst v63  }
0xa7: {  	s4 =	rddreg [dreg:$0x13];
	s9 =	spop (v2sf);
	s0 =	sadd.s32 s14, s5  }
0xa8: {  	s20 =	sand.u32 $0x1FFFFFF0, s9;
	s22 =	spop (v2sf);
	s14 =	sld [smem:$0x7F1]  }
0xa9: {  	[tilespmem:s19], [sflag:$0x1] =	stream.linear.gather [hbm4b:s0+s8], $0x80, $0x38;
	[tilespmem:$0x10600] =	vst v63  }
0xaa: {  	(v2sf) =	vpush v1, $0x8;
	s2 =	sand.u32 $0x1FFFFFF0, s22;
	s3 =	spop (v2sf);
	s19 =	rddreg [dreg:$0x14]  }
0xab: {  	(v2sf) =	vpush v2, $0x9;
	s0 =	sadd.s32 s24, s20;
	s24 =	rddreg [dreg:$0x13];
	s9 =	spop (v2sf)  }
0xac: {  	[tilespmem:s31], [sflag:$0x3] =	stream.linear.gather [hbm4b:s0+s8], $0x80, $0x38;
	[tilespmem:$0x10600] =	vst v63  }
0xad: {  	s5 =	sand.u32 $0x1FFFFFF0, s3;
	s0 =	sadd.s32 s4, s2;
	s20 =	sand.u32 $0x1FFFFFF0, s9  }
0xae: {  	[tilespmem:s14], [sflag:$0x1] =	stream.linear.gather [hbm4b:s0+s8], $0x80, $0x38;
	[tilespmem:$0x10600] =	vst v63  }
0xaf: {  	(v2sf) =	vpush v1, $0x9;
	s4 =	rddreg [dreg:$0x13];
	s22 =	spop (v2sf);
	s0 =	sadd.s32 s19, s5  }
0xb0: {  	[tilespmem:s30], [sflag:$0x3] =	stream.linear.gather [hbm4b:s0+s8], $0x80, $0x38;
	[tilespmem:$0x10600] =	vst v63  }
0xb1: {  	(v2sf) =	vpush v2, $0xA;
	s30 =	sand.u32 $0x1FFFFFF0, s22;
	s31 =	spop (v2sf);
	s22 =	sld [smem:$0x7F2]  }
0xb2: {  	s0 =	sadd.s32 s24, s20;
	s2 =	sand.u32 $0x1FFFFFF0, s31;
	s31 =	sld [smem:$0x7F3]  }
0xb3: {  	(v2sf) =	vpush v1, $0xA;
	[tilespmem:s29], [sflag:$0x1] =	stream.linear.gather [hbm4b:s0+s8], $0x80, $0x38;
	[tilespmem:$0x10600] =	vst v63  }
0xb4: {  	s21 =	sadd.s32 $0x980, s15;
	s3 =	spop (v2sf);
	s29 =	rddreg [dreg:$0x14]  }
0xb5: {  	(v2sf) =	vpush v2, $0xB;
	s0 =	sadd.s32 s4, s2;
	s9 =	spop (v2sf);
	s1 =	sadd.s32 s29, s30  }
0xb6: {  	[tilespmem:s28], [sflag:$0x3] =	stream.linear.gather [hbm4b:s1+s8], $0x80, $0x38;
	[tilespmem:$0x10600] =	vst v63  }
0xb7: {  	(v2sf) =	vpush v1, $0xB;
	s5 =	sand.u32 $0x1FFFFFF0, s3;
	s19 =	sand.u32 $0x1FFFFFF0, s9;
	s9 =	sld [smem:$0x7F4]  }
0xb8: {  	[tilespmem:s26], [sflag:$0x1] =	stream.linear.gather [hbm4b:s0+s8], $0x80, $0x38;
	[tilespmem:$0x10600] =	vst v63  }
0xb9: {  	s14 =	sadd.s32 s29, s5;
	s26 =	rddreg [dreg:$0x13];
	s20 =	spop (v2sf)  }
0xba: {  	(v2sf) =	vpush v2, $0xC;
	s24 =	sadd.s32 s26, s19;
	s28 =	sand.u32 $0x1FFFFFF0, s20;
	s30 =	spop (v2sf)  }
0xbb: {  	[tilespmem:s22], [sflag:$0x3] =	stream.linear.gather [hbm4b:s14+s8], $0x80, $0x38;
	[tilespmem:$0x10600] =	vst v63  }
0xbc: {  	(v2sf) =	vpush v1, $0xC;
	s3 =	sadd.s32 s29, s28;
	s4 =	sand.u32 $0x1FFFFFF0, s30;
	s22 =	sld [smem:$0x7F5]  }
0xbd: {  	[tilespmem:s31], [sflag:$0x1] =	stream.linear.gather [hbm4b:s24+s8], $0x80, $0x38;
	[tilespmem:$0x10600] =	vst v63  }
0xbe: {  	s5 =	spop (v2sf);
	s14 =	sadd.s32 s26, s4;
	s31 =	sld [smem:$0x7F6]  }
0xbf: {  	[tilespmem:s9], [sflag:$0x3] =	stream.linear.gather [hbm4b:s3+s8], $0x80, $0x38;
	[tilespmem:$0x10600] =	vst v63  }
0xc0: {  	s19 =	sand.u32 $0x1FFFFFF0, s5;
	s20 =	spop (v2sf);
	s5 =	sld [smem:$0x7F7]  }
0xc1: {  	[tilespmem:s22], [sflag:$0x1] =	stream.linear.gather [hbm4b:s14+s8], $0x80, $0x38;
	[tilespmem:$0x10600] =	vst v63  }
0xc2: {  	s24 =	sadd.s32 s29, s19;
	s28 =	sand.u32 $0x1FFFFFF0, s20;
	s30 =	spop (v2sf)  }
0xc3: {  	[tilespmem:s31], [sflag:$0x3] =	stream.linear.gather [hbm4b:s24+s8], $0x80, $0x38;
	[tilespmem:$0x10600] =	vst v63  }
0xc4: {  	s1 =	sadd.s32 s26, s28;
	s2 =	sand.u32 $0x1FFFFFF0, s30;
	s4 =	spop (v2sf)  }
0xc5: {  	[tilespmem:s5], [sflag:$0x1] =	stream.linear.gather [hbm4b:s1+s8], $0x80, $0x38;
	[tilespmem:$0x10600] =	vst v63  }
0xc6: {  	s20 =	rddreg [dreg:$0x1f];
	s9 =	sadd.s32 s29, s2;
	s19 =	spop (v2sf)  }
0xc7: {  	(v2sf) =	vpush v2, $0xD;
	[tilespmem:s20], [sflag:$0x3] =	stream.linear.gather [hbm4b:s9+s8], $0x80, $0x38;
	[tilespmem:$0x10600] =	vst v63  }
.Ltmp1:
0xc8: {  	(v2sf) =	vpush v1, $0xD;
	s14 =	sand.u32 $0x1FFFFFF0, s4;
	s31 =	sld [smem:$0x7F8];
	(pc) =	sbr.rel @!p0 .LBB2_2-.Ltmp1, $4  }
0xc9: {  	(v2sf) =	vpush v2, $0xE;
	s22 =	sadd.s32 s26, s14;
	s24 =	sand.u32 $0x1FFFFFF0, s19;
	s28 =	spop (v2sf)  }
0xca: {  	(v2sf) =	vpush v1, $0xE;
	[tilespmem:s21], [sflag:$0x1] =	stream.linear.gather [hbm4b:s22+s8], $0x80, $0x38;
	[tilespmem:$0x10600] =	vst v63  }
0xcb: {  	(v2sf) =	vpush v2, $0xF;
	s30 =	sadd.s32 s29, s24;
	s1 =	sand.u32 $0x1FFFFFF0, s28;
	s3 =	spop (v2sf)  }
0xcc: {  	(v2sf) =	vpush v1, $0xF;
	[tilespmem:s31], [sflag:$0x3] =	stream.linear.gather [hbm4b:s30+s8], $0x80, $0x38;
	[tilespmem:$0x10600] =	vst v63  }
.LBB2_3:
0xcd: {  	_ =	sdelay $0x4  }
0xce: {  	s0 =	sadd.s32 s26, s1;
	s3 =	sand.u32 $0x1FFFFFF0, s3  }
0xcf: {  	[tilespmem:s6], [sflag:$0x1] =	stream.linear.gather [hbm4b:s0+s8], $0x80, $0x38;
	[tilespmem:$0x10600] =	vst v63  }
0xd0: {  	s28 =	sadd.s32 $0x8B80, s15;
	s4 =	sadd.s32 s29, s3  }
0xd1: {  	[tilespmem:s13], [sflag:$0x3] =	stream.linear.gather [hbm4b:s4+s8], $0x80, $0x38;
	[tilespmem:$0x10600] =	vst v63  }
0xd2: {  	s30 =	simm.s32 $0x80;
	p0 =	por $0x0, $0x0;
	s2 =	spop (v2sf)  }
0xd3: {  	s4 =	simm.s32 $0x10400;
	s5 =	sand.u32 $0x1FFFFFF0, s2;
	s6 =	spop (v2sf)  }
0xd4: {  	s9 =	sadd.s32 s26, s5;
	s12 =	sand.u32 $0x1FFFFFF0, s6;
	s13 =	spop (v2sf)  }
0xd5: {  	[tilespmem:s23], [sflag:$0x1] =	stream.linear.gather [hbm4b:s9+s8], $0x80, $0x38;
	[tilespmem:$0x10600] =	vst v63  }
0xd6: {  	s14 =	sadd.s32 s29, s12;
	s16 =	sand.u32 $0x1FFFFFF0, s13;
	s18 =	spop (v2sf)  }
0xd7: {  	[tilespmem:s17], [sflag:$0x3] =	stream.linear.gather [hbm4b:s14+s8], $0x80, $0x38;
	[tilespmem:$0x10600] =	vst v63  }
0xd8: {  	s19 =	sadd.s32 s26, s16;
	s20 =	sand.u32 $0x1FFFFFF0, s18;
	s21 =	spop (v2sf)  }
0xd9: {  	[tilespmem:s7], [sflag:$0x1] =	stream.linear.gather [hbm4b:s19+s8], $0x80, $0x38;
	[tilespmem:$0x10600] =	vst v63  }
0xda: {  	s22 =	sadd.s32 s29, s20;
	s23 =	sand.u32 $0x1FFFFFF0, s21;
	s24 =	spop (v2sf)  }
0xdb: {  	[tilespmem:s25], [sflag:$0x3] =	stream.linear.gather [hbm4b:s22+s8], $0x80, $0x38;
	[tilespmem:$0x10600] =	vst v63  }
0xdc: {  	s1 =	sadd.s32 s26, s23;
	s2 =	sand.u32 $0x1FFFFFF0, s24;
	s25 =	sadd.s32 $0xB80, s15  }
0xdd: {  	[tilespmem:s25], [sflag:$0x1] =	stream.linear.gather [hbm4b:s1+s8], $0x80, $0x38;
	[tilespmem:$0x10600] =	vst v63  }
0xde: {  	s31 =	sadd.s32 s29, s2;
	s7 =	simm.s32 $0x280;
	s25 =	simm.s32 $0x0  }
0xdf: {  	[tilespmem:s28], [sflag:$0x3] =	stream.linear.gather [hbm4b:s31+s8], $0x80, $0x38;
	[tilespmem:$0x10600] =	vst v63  }
.LBB2_5:
0xe0: {  	p1 =	seq.s32 s8, $0x3  }
.Ltmp2:
0xe1: {  	_ = 	snop;
	(pc) =	sbr.rel @p1 .LBB2_9-.Ltmp2, $2  }
0xe2: {  	_ =	sdelay $0x2  }
0xe3: {  	s5 =	sadd.s32 $0x1, s8  }
0xe4: {  	[smem:$0x7EC] =	sst s8;
	v1 =	vld [tilespmem:s30+$0x0]  }
0xe5: {  	[smem:$0x7ED] =	sst s4  }
0xe6: {  	s0 =	rddreg [dreg:$0x12]  }
0xe7: {  	v3 =	vld [tilespmem:s7+$0x0];
	[smem:$0x7EE] =	sst s5  }
0xe8: {  	s2 =	rddreg [dreg:$0x6]  }
0xe9: {  	s6 =	rddreg [dreg:$0x7];
	v2 =	vshll.u32 v1, $0x4;
	(v2sf) =	vpush v1, $0x0  }
0xea: {  	s4 =	rddreg [dreg:$0xc];
	(v2sf) =	vpush v2, $0x5  }
0xeb: {  	s8 =	rddreg [dreg:$0x11];
	(v2sf) =	vpush v2, $0x2  }
0xec: {  	s12 =	rddreg [dreg:$0xe];
	v1 =	vshll.u32 v3, $0x4;
	(v2sf) =	vpush v2, $0x3  }
0xed: {  	s3 =	rddreg [dreg:$0xd];
	(v2sf) =	vpush v1, $0x6  }
0xee: {  	s1 =	sand.u32 $0x1, s5;
	s31 =	simm.s32 $0x800;
	s24 =	rddreg [dreg:$0x5]  }
0xef: {  	s13 =	simm.s32 $0x400;
	[smem:$0x7EF] =	sst s7;
	s19 =	sadd.s32 $0x10, s7;
	(v2sf) =	vpush v1, $0x2  }
0xf0: {  	s21 =	simm.s32 $0x1;
	[smem:$0x7F0] =	sst s30;
	p1 =	seq.s32 s1, $0x1;
	(v2sf) =	vpush v1, $0x0  }
0xf1: {  	s1 =	simm.s32 $0x0;
	[dreg:$0x16] =	wrdreg s19;
	s0 =	simm.s32 @p1 $0x4780;
	(v2sf) =	vpush v2, $0x1  }
0xf2: {  	s2 =	simm.s32 @p1 $0x4080;
	s13 =	simm.s32 @p1 $0x4400;
	s4 =	simm.s32 @p1 $0x4480;
	(v2sf) =	vpush v2, $0x4  }
0xf3: {  	s6 =	simm.s32 @p1 $0x4100;
	s8 =	simm.s32 @p1 $0x4700;
	s24 =	simm.s32 @p1 $0x4;
	(v2sf) =	vpush v1, $0x7  }
0xf4: {  	s21 =	simm.s32 @p1 $0x2;
	s12 =	simm.s32 @p1 $0x4580;
	s3 =	simm.s32 @p1 $0x4500  }
0xf5: {  	s22 =	sadd.s32 $0x0, s0;
	s0 =	simm.s32 $0x0;
	s9 =	sadd.s32 $0x0, s2;
	(v2sf) =	vpush v1, $0x4  }
0xf6: {  	[dreg:$0x15] =	wrdreg s13;
	s23 =	sadd.s32 $0x0, s13;
	s14 =	sadd.s32 $0x0, s4;
	(v2sf) =	vpush v1, $0x1  }
0xf7: {  	s4 =	rddreg [dreg:$0xb];
	s8 =	sadd.s32 $0x0, s8;
	s28 =	sadd.s32 $0x0, s12  }
0xf8: {  	s6 =	sadd.s32 $0x0, s6;
	s2 =	sor.u32 @p1 $0x4000, s0;
	s18 =	spop (v2sf)  }
0xf9: {  	[dreg:$0x17] =	wrdreg s8;
	s12 =	sadd.s32 $0x8400, s6;
	s0 =	spop (v2sf)  }
0xfa: {  	s6 =	sadd.s32 $0x400, s6;
	s5 =	sshll.u32 s18, $0x4;
	s13 =	spop (v2sf)  }
0xfb: {  	s1 =	smov.u32 @p1 s2;
	s19 =	sand.u32 $0x1FFFFFF0, s5;
	s15 =	spop (v2sf)  }
0xfc: {  	s7 =	sadd.s32 $0x400, s1;
	s19 =	sadd.s32 s26, s19;
	s2 =	spop (v2sf)  }
0xfd: {  	[tilespmem:s7], [sflag:s21] =	stream.linear.gather [hbm4b:s19+s25], $0x80, $0x38;
	[tilespmem:$0x10600] =	vst v63  }
0xfe: {  	s4 =	simm.s32 @p1 $0x4380;
	s16 =	sadd.s32 $0x8400, s1;
	s17 =	spop (v2sf)  }
0xff: {  	s0 =	sand.u32 $0x1FFFFFF0, s0;
	s13 =	sand.u32 $0x1FFFFFF0, s13;
	s20 =	spop (v2sf)  }
0x100: {  	s0 =	sadd.s32 s26, s0;
	s19 =	sadd.s32 $0x400, s9;
	s18 =	spop (v2sf)  }
0x101: {  	s9 =	sadd.s32 $0x8400, s9;
	s20 =	sand.u32 $0x1FFFFFF0, s20;
	s5 =	spop (v2sf)  }
0x102: {  	s13 =	sadd.s32 s26, s13;
	s20 =	sadd.s32 s29, s20;
	s1 =	spop (v2sf)  }
0x103: {  	(v2sf) =	vpush v1, $0x5;
	[tilespmem:s16], [sflag:s24] =	stream.linear.gather [hbm4b:s20+s25], $0x80, $0x38;
	[tilespmem:$0x10600] =	vst v63  }
0x104: {  	s18 =	sand.u32 $0x1FFFFFF0, s18;
	s16 =	rddreg [dreg:$0x8];
	s7 =	spop (v2sf)  }
0x105: {  	(v2sf) =	vpush v1, $0x3;
	s18 =	sadd.s32 s26, s18;
	s16 =	simm.s32 @p1 $0x4180;
	s20 =	spop (v2sf)  }
0x106: {  	(v2sf) =	vpush v2, $0x6;
	[tilespmem:s19], [sflag:s21] =	stream.linear.gather [hbm4b:s18+s25], $0x80, $0x38;
	[tilespmem:$0x10600] =	vst v63  }
0x107: {  	(v2sf) =	vpush v2, $0x7;
	s18 =	sadd.s32 $0x8400, s14;
	s14 =	sadd.s32 $0x400, s14;
	s19 =	sand.u32 $0x1FFFFFF0, s17  }
0x108: {  	[dreg:$0x19] =	wrdreg s18;
	s20 =	sand.u32 $0x1FFFFFF0, s20;
	s18 =	simm.s32 $0x200  }
0x109: {  	[dreg:$0x1a] =	wrdreg s14;
	s14 =	sadd.s32 $0x0, s4;
	s4 =	sand.u32 $0x1FFFFFF0, s7  }
0x10a: {  	(v2sf) =	vpush v2, $0x8;
	s8 =	sadd.s32 s29, s20;
	s18 =	simm.s32 @p1 $0x4200;
	s20 =	sand.u32 $0x1FFFFFF0, s15  }
0x10b: {  	[tilespmem:s9], [sflag:s24] =	stream.linear.gather [hbm4b:s8+s25], $0x80, $0x38;
	[tilespmem:$0x10600] =	vst v63  }
0x10c: {  	s8 =	rddreg [dreg:$0x9];
	s9 =	sadd.s32 $0x0, s16;
	s16 =	sadd.s32 s29, s19  }
0x10d: {  	[dreg:$0x18] =	wrdreg s18;
	s17 =	sadd.s32 $0x400, s9;
	s8 =	simm.s32 @p1 $0x4280  }
0x10e: {  	[tilespmem:s6], [sflag:s21] =	stream.linear.gather [hbm4b:s13+s25], $0x80, $0x38;
	[tilespmem:$0x10600] =	vst v63  }
0x10f: {  	(v2sf) =	vpush v1, $0x8;
	s6 =	sadd.s32 s26, s20;
	s20 =	sadd.s32 $0x0, s18;
	s18 =	rddreg [dreg:$0x10]  }
0x110: {  	[tilespmem:s12], [sflag:s24] =	stream.linear.gather [hbm4b:s16+s25], $0x80, $0x38;
	[tilespmem:$0x10600] =	vst v63  }
0x111: {  	s9 =	sadd.s32 $0x8400, s9;
	s8 =	sadd.s32 $0x0, s8;
	s12 =	rddreg [dreg:$0xa]  }
0x112: {  	s18 =	simm.s32 @p1 $0x4680;
	s12 =	simm.s32 @p1 $0x4300;
	s15 =	spop (v2sf)  }
0x113: {  	(v2sf) =	vpush v2, $0x9;
	[tilespmem:s17], [sflag:s21] =	stream.linear.gather [hbm4b:s6+s25], $0x80, $0x38;
	[tilespmem:$0x10600] =	vst v63  }
0x114: {  	s6 =	sadd.s32 $0x400, s20;
	s16 =	sadd.s32 $0x0, s12;
	s19 =	spop (v2sf)  }
0x115: {  	s17 =	sand.u32 $0x1FFFFFF0, s2;
	s13 =	sand.u32 $0x1FFFFFF0, s19;
	s7 =	spop (v2sf)  }
0x116: {  	s19 =	sand.u32 $0x1FFFFFF0, s1;
	s13 =	sadd.s32 s29, s13;
	s12 =	spop (v2sf)  }
0x117: {  	(v2sf) =	vpush v1, $0x9;
	[tilespmem:s9], [sflag:s24] =	stream.linear.gather [hbm4b:s13+s25], $0x80, $0x38;
	[tilespmem:$0x10600] =	vst v63  }
0x118: {  	(v2sf) =	vpush v2, $0xA;
	s13 =	sadd.s32 $0x0, s3;
	s3 =	rddreg [dreg:$0xf];
	s9 =	sadd.s32 $0x8400, s20  }
0x119: {  	s20 =	sand.u32 $0x1FFFFFF0, s5;
	s5 =	smov.u32 s23;
	s23 =	spop (v2sf)  }
0x11a: {  	s3 =	simm.s32 @p1 $0x4600;
	s2 =	sadd.s32 s26, s20;
	s20 =	sand.u32 $0x1FFFFFF0, s12  }
0x11b: {  	[tilespmem:s6], [sflag:s21] =	stream.linear.gather [hbm4b:s2+s25], $0x80, $0x38;
	[tilespmem:$0x10600] =	vst v63  }
0x11c: {  	s1 =	sand.u32 $0x1FFFFFF0, s23;
	s3 =	sadd.s32 $0x0, s3;
	s6 =	sadd.s32 $0x0, s18  }
0x11d: {  	s18 =	sand.u32 $0x1FFFFFF0, s15;
	s2 =	sadd.s32 $0x400, s13;
	[dreg:$0x1c] =	wrdreg s3  }
0x11e: {  	s3 =	sadd.s32 s29, s4;
	s4 =	spop (v2sf);
	[dreg:$0x1e] =	wrdreg s2  }
0x11f: {  	[tilespmem:s9], [sflag:s24] =	stream.linear.gather [hbm4b:s3+s25], $0x80, $0x38;
	[tilespmem:$0x10600] =	vst v63  }
0x120: {  	s12 =	sadd.s32 s29, s18;
	[dreg:$0x1b] =	wrdreg s6;
	s9 =	sadd.s32 $0x400, s8  }
0x121: {  	[tilespmem:s9], [sflag:s21] =	stream.linear.gather [hbm4b:s0+s25], $0x80, $0x38;
	[tilespmem:$0x10600] =	vst v63  }
0x122: {  	s3 =	sadd.s32 $0x8400, s8;
	s0 =	sand.u32 $0x1FFFFFF0, s7;
	s7 =	spop (v2sf)  }
0x123: {  	s8 =	sadd.s32 $0x8400, s5;
	s9 =	smov.u32 s28;
	s23 =	sand.u32 $0x1FFFFFF0, s7  }
0x124: {  	(v2sf) =	vpush v1, $0xA;
	[tilespmem:s3], [sflag:s24] =	stream.linear.gather [hbm4b:s12+s25], $0x80, $0x38;
	[tilespmem:$0x10600] =	vst v63  }
0x125: {  	(v2sf) =	vpush v2, $0xB;
	s7 =	sadd.s32 s26, s0;
	s3 =	sand.u32 $0x1FFFFFF0, s4;
	s12 =	sadd.s32 $0x400, s6  }
0x126: {  	(v2sf) =	vpush v1, $0xB;
	[dreg:$0x1d] =	wrdreg s12;
	s12 =	sadd.s32 $0x400, s16;
	s15 =	spop (v2sf)  }
0x127: {  	(v2sf) =	vpush v2, $0xC;
	s4 =	sand.u32 $0x1FFFFFF0, s15;
	s18 =	spop (v2sf);
	s15 =	sadd.s32 $0x400, s9  }
0x128: {  	(v2sf) =	vpush v1, $0xC;
	s28 =	sand.u32 $0x1FFFFFF0, s18;
	s18 =	sadd.s32 $0x10, s30;
	s30 =	simm.s32 $0x1  }
.LBB2_7:
0x129: {  	_ = 	snop  }
0x12a: {  	[tilespmem:s12], [sflag:s21] =	stream.linear.gather [hbm4b:s7+s25], $0x80, $0x38;
	[tilespmem:$0x10600] =	vst v63  }
0x12b: {  	s2 =	sadd.s32 $0x8400, s16;
	s6 =	sadd.s32 s29, s17  }
0x12c: {  	[tilespmem:s2], [sflag:s24] =	stream.linear.gather [hbm4b:s6+s25], $0x80, $0x38;
	[tilespmem:$0x10600] =	vst v63  }
0x12d: {  	s7 =	smov.u32 s31;
	s17 =	sadd.s32 s26, s20;
	s16 =	sadd.s32 $0x400, s14  }
0x12e: {  	(v2sf) =	vpush v2, $0xD;
	[tilespmem:s16], [sflag:s21] =	stream.linear.gather [hbm4b:s17+s25], $0x80, $0x38;
	[tilespmem:$0x10600] =	vst v63  }
0x12f: {  	s1 =	sadd.s32 s26, s1;
	s0 =	sadd.s32 $0x8400, s14;
	s2 =	sadd.s32 s29, s19  }
0x130: {  	(v2sf) =	vpush v1, $0xD;
	[tilespmem:s0], [sflag:s24] =	stream.linear.gather [hbm4b:s2+s25], $0x80, $0x38;
	[tilespmem:$0x10600] =	vst v63  }
0x131: {  	s12 =	sadd.s32 s29, s3;
	s13 =	sadd.s32 $0x8400, s13;
	s5 =	sadd.s32 $0x400, s5  }
0x132: {  	[tilespmem:s5], [sflag:s21] =	stream.linear.gather [hbm4b:s1+s25], $0x80, $0x38;
	[tilespmem:$0x10600] =	vst v63  }
0x133: {  	s17 =	sadd.s32 s26, s23;
	s23 =	rddreg [dreg:$0x19];
	s20 =	spop (v2sf)  }
0x134: {  	[tilespmem:s8], [sflag:s24] =	stream.linear.gather [hbm4b:s12+s25], $0x80, $0x38;
	[tilespmem:$0x10600] =	vst v63  }
0x135: {  	s0 =	rddreg [dreg:$0x1a];
	s2 =	sadd.s32 s26, s28;
	s6 =	spop (v2sf)  }
0x136: {  	(v2sf) =	vpush v2, $0xE;
	s16 =	sand.u32 $0x1FFFFFF0, s20;
	s20 =	sadd.s32 s29, s4;
	s14 =	spop (v2sf)  }
0x137: {  	(v2sf) =	vpush v1, $0xE;
	[tilespmem:s0], [sflag:s21] =	stream.linear.gather [hbm4b:s17+s25], $0x80, $0x38;
	[tilespmem:$0x10600] =	vst v63  }
0x138: {  	s3 =	sand.u32 $0x1FFFFFF0, s6;
	s6 =	rddreg [dreg:$0x1e];
	s19 =	spop (v2sf)  }
0x139: {  	s16 =	sadd.s32 s29, s16;
	s8 =	sand.u32 $0x1FFFFFF0, s14;
	s4 =	sand.u32 $0x1FFFFFF0, s19  }
0x13a: {  	[tilespmem:s23], [sflag:s24] =	stream.linear.gather [hbm4b:s20+s25], $0x80, $0x38;
	[tilespmem:$0x10600] =	vst v63  }
0x13b: {  	s12 =	spop (v2sf);
	s19 =	sadd.s32 s26, s3;
	s20 =	sadd.s32 $0x8400, s9  }
0x13c: {  	[tilespmem:s6], [sflag:s21] =	stream.linear.gather [hbm4b:s2+s25], $0x80, $0x38;
	[tilespmem:$0x10600] =	vst v63  }
0x13d: {  	(v2sf) =	vpush v2, $0xF;
	s8 =	sadd.s32 s29, s8;
	s5 =	spop (v2sf);
	s4 =	sadd.s32 s26, s4  }
0x13e: {  	[tilespmem:s13], [sflag:s24] =	stream.linear.gather [hbm4b:s16+s25], $0x80, $0x38;
	[tilespmem:$0x10600] =	vst v63  }
0x13f: {  	s14 =	sand.u32 $0x1FFFFFF0, s5;
	s17 =	spop (v2sf);
	s2 =	rddreg [dreg:$0x1c]  }
0x140: {  	[tilespmem:s15], [sflag:s21] =	stream.linear.gather [hbm4b:s19+s25], $0x80, $0x38;
	[tilespmem:$0x10600] =	vst v63  }
0x141: {  	s6 =	sand.u32 $0x1FFFFFF0, s12;
	s3 =	sand.u32 $0x1FFFFFF0, s17;
	s17 =	rddreg [dreg:$0x17]  }
0x142: {  	[tilespmem:s20], [sflag:s24] =	stream.linear.gather [hbm4b:s8+s25], $0x80, $0x38;
	[tilespmem:$0x10600] =	vst v63  }
0x143: {  	(v2sf) =	vpush v1, $0xF;
	s5 =	sadd.s32 $0x400, s2;
	s9 =	sadd.s32 $0x8400, s2;
	s2 =	rddreg [dreg:$0x1d]  }
0x144: {  	[tilespmem:s5], [sflag:s21] =	stream.linear.gather [hbm4b:s4+s25], $0x80, $0x38;
	[tilespmem:$0x10600] =	vst v63  }
0x145: {  	s12 =	sadd.s32 s29, s6;
	s4 =	rddreg [dreg:$0x12];
	s13 =	spop (v2sf)  }
0x146: {  	s19 =	sadd.s32 $0x400, s17;
	s4 =	simm.s32 @p1 $0x4780;
	s23 =	spop (v2sf)  }
0x147: {  	[tilespmem:s9], [sflag:s24] =	stream.linear.gather [hbm4b:s12+s25], $0x80, $0x38;
	[tilespmem:$0x10600] =	vst v63  }
0x148: {  	s12 =	sadd.s32 $0x8400, s17;
	s17 =	sadd.s32 s4, s7;
	s4 =	rddreg [dreg:$0x11]  }
0x149: {  	s16 =	sadd.s32 s26, s14;
	s6 =	sand.u32 $0x1FFFFFF0, s23;
	s23 =	rddreg [dreg:$0x1b]  }
0x14a: {  	s3 =	sadd.s32 s29, s3;
	s14 =	sadd.s32 $0x400, s22;
	[smem:$0x7E5] =	sst s17  }
0x14b: {  	[tilespmem:s2], [sflag:s21] =	stream.linear.gather [hbm4b:s16+s25], $0x80, $0x38;
	[tilespmem:$0x10600] =	vst v63  }
0x14c: {  	s4 =	simm.s32 @p1 $0x4700;
	s20 =	spop (v2sf);
	s1 =	sadd.s32 $0x8400, s23  }
0x14d: {  	s2 =	sand.u32 $0x1FFFFFF0, s13;
	s16 =	rddreg [dreg:$0x16];
	s23 =	sadd.s32 s4, s7  }
0x14e: {  	s13 =	sadd.s32 s29, s6;
	s6 =	sshll.u32 s30, $0xB;
	[dreg:$0x17] =	wrdreg s23  }
0x14f: {  	s4 =	smov.u32 s7;
	s5 =	sadd.s32 s26, s2;
	s23 =	rddreg [dreg:$0x13]  }
0x150: {  	[tilespmem:s1], [sflag:s24] =	stream.linear.gather [hbm4b:s3+s25], $0x80, $0x38;
	[tilespmem:$0x10600] =	vst v63  }
0x151: {  	s8 =	sand.u32 $0x1FFFFFF0, s20;
	s6 =	sor.u32 @p1 $0x4000, s6;
	s1 =	rddreg [dreg:$0x7]  }
0x152: {  	s9 =	spop (v2sf);
	s4 =	smov.u32 @p1 s6;
	s6 =	rddreg [dreg:$0x8]  }
0x153: {  	[tilespmem:s19], [sflag:s21] =	stream.linear.gather [hbm4b:s5+s25], $0x80, $0x38;
	[tilespmem:$0x10600] =	vst v63  }
0x154: {  	s3 =	sadd.s32 s26, s8;
	s8 =	sadd.s32 $0x10, s16;
	s26 =	rddreg [dreg:$0x18]  }
0x155: {  	[tilespmem:s12], [sflag:s24] =	stream.linear.gather [hbm4b:s13+s25], $0x80, $0x38;
	[tilespmem:$0x10600] =	vst v63  }
0x156: {  	s15 =	sadd.s32 $0x8400, s22;
	[dreg:$0x16] =	wrdreg s8;
	s5 =	sand.u32 $0x1FFFFFF0, s9  }
0x157: {  	[tilespmem:s14], [sflag:s21] =	stream.linear.gather [hbm4b:s3+s25], $0x80, $0x38;
	[tilespmem:$0x10600] =	vst v63  }
0x158: {  	s8 =	sadd.s32 s26, s7;
	s19 =	rddreg [dreg:$0x15];
	s5 =	sadd.s32 s29, s5  }
0x159: {  	[tilespmem:s15], [sflag:s24] =	stream.linear.gather [hbm4b:s5+s25], $0x80, $0x38;
	[tilespmem:$0x10600] =	vst v63  }
0x15a: {  	s9 =	rddreg [dreg:$0xe];
	s0 =	sadd.s32 $0x8400, s8;
	v1 =	vld [tilespmem:s18+$0x0]  }
0x15b: {  	s20 =	sadd.s32 s19, s7;
	[smem:$0x7E9] =	sst s0  }
0x15c: {  	s9 =	simm.s32 @p1 $0x4580;
	[smem:$0x7EB] =	sst s20  }
0x15d: {  	s6 =	simm.s32 @p1 $0x4180;
	s12 =	rddreg [dreg:$0xd];
	s2 =	sadd.s32 s9, s7;
	v3 =	vld [tilespmem:s16+$0x0]  }
0x15e: {  	s9 =	sadd.s32 $0x400, s8;
	s13 =	sadd.s32 s6, s7;
	s6 =	rddreg [dreg:$0xf]  }
0x15f: {  	[smem:$0x7E8] =	sst s9;
	v2 =	vshll.u32 v1, $0x4;
	(v2sf) =	vpush v1, $0x0  }
0x160: {  	s6 =	simm.s32 @p1 $0x4600;
	s3 =	rddreg [dreg:$0x6];
	(v2sf) =	vpush v2, $0x5  }
0x161: {  	s31 =	sadd.s32 $0x800, s31;
	s14 =	rddreg [dreg:$0xb];
	s6 =	sadd.s32 s6, s7;
	(v2sf) =	vpush v2, $0x2  }
0x162: {  	s1 =	simm.s32 @p1 $0x4100;
	s19 =	sadd.s32 $0x8400, s4;
	[dreg:$0x1c] =	wrdreg s6;
	v1 =	vshll.u32 v3, $0x4;
	(v2sf) =	vpush v2, $0x3  }
0x163: {  	s0 =	simm.s32 $0x0;
	s12 =	simm.s32 @p1 $0x4500;
	s5 =	rddreg [dreg:$0xc];
	(v2sf) =	vpush v1, $0x6  }
0x164: {  	s28 =	sadd.s32 s12, s7;
	s24 =	sadd.s32 $0x8400, s20;
	s15 =	rddreg [dreg:$0xa]  }
0x165: {  	s3 =	simm.s32 @p1 $0x4080;
	s14 =	simm.s32 @p1 $0x4380;
	[smem:$0x7EA] =	sst s24;
	(v2sf) =	vpush v1, $0x2  }
0x166: {  	s3 =	sadd.s32 s3, s7;
	s12 =	sadd.s32 s14, s7;
	s24 =	rddreg [dreg:$0x5];
	(v2sf) =	vpush v1, $0x0  }
0x167: {  	s14 =	sadd.s32 $0x400, s28;
	s5 =	simm.s32 @p1 $0x4480;
	[smem:$0x7E6] =	sst s12;
	(v2sf) =	vpush v2, $0x1  }
0x168: {  	s26 =	sadd.s32 $0x400, s3;
	[dreg:$0x1e] =	wrdreg s14;
	s12 =	sadd.s32 s1, s7;
	(v2sf) =	vpush v2, $0x4  }
0x169: {  	s16 =	sadd.s32 $0x8400, s13;
	s1 =	sadd.s32 $0x8400, s3;
	s3 =	sadd.s32 $0x400, s13;
	(v2sf) =	vpush v1, $0x7  }
0x16a: {  	s18 =	sadd.s32 $0x10, s18;
	s14 =	sadd.s32 $0x1, s30;
	s15 =	simm.s32 @p1 $0x4300  }
0x16b: {  	s5 =	sadd.s32 s5, s7;
	s24 =	simm.s32 @p1 $0x4;
	[smem:$0x7E7] =	sst s16;
	(v2sf) =	vpush v1, $0x4  }
0x16c: {  	s22 =	sadd.s32 $0x8400, s5;
	s25 =	sadd.s32 $0x400, s5;
	s5 =	rddreg [dreg:$0x9];
	(v2sf) =	vpush v1, $0x1  }
0x16d: {  	s16 =	sadd.s32 s15, s7;
	s6 =	smov.u32 s18;
	[dreg:$0x19] =	wrdreg s22  }
0x16e: {  	[dreg:$0x1a] =	wrdreg s25;
	s5 =	simm.s32 @p1 $0x4280;
	s17 =	spop (v2sf)  }
0x16f: {  	s25 =	sadd.s32 $0x400, s4;
	s20 =	sadd.s32 s5, s7;
	s9 =	spop (v2sf)  }
0x170: {  	s5 =	rddreg [dreg:$0x10];
	s4 =	sshll.u32 s17, $0x4;
	s22 =	spop (v2sf)  }
0x171: {  	s5 =	simm.s32 @p1 $0x4680;
	(v2sf) =	vpush v1, $0x5;
	s4 =	sand.u32 $0x1FFFFFF0, s4;
	s13 =	spop (v2sf)  }
0x172: {  	s5 =	sadd.s32 s5, s7;
	s8 =	sadd.s32 s23, s4;
	s17 =	spop (v2sf)  }
0x173: {  	[tilespmem:s25], [sflag:s21] =	stream.linear.gather [hbm4b:s8+s0], $0x80, $0x38;
	[tilespmem:$0x10600] =	vst v63  }
0x174: {  	[dreg:$0x1b] =	wrdreg s5;
	s4 =	sand.u32 $0x1FFFFFF0, s9;
	s23 =	spop (v2sf)  }
0x175: {  	(v2sf) =	vpush v1, $0x3;
	s30 =	sand.u32 $0x1FFFFFF0, s13;
	s9 =	sand.u32 $0x1FFFFFF0, s23;
	s13 =	spop (v2sf)  }
0x176: {  	s23 =	rddreg [dreg:$0x14];
	s13 =	sand.u32 $0x1FFFFFF0, s13;
	s18 =	spop (v2sf)  }
0x177: {  	s5 =	sadd.s32 $0x400, s5;
	s13 =	sadd.s32 s23, s13;
	s23 =	spop (v2sf)  }
0x178: {  	s7 =	sadd.s32 $0x8400, s20;
	[dreg:$0x1d] =	wrdreg s5;
	(v2sf) =	vpush v2, $0x6;
	s5 =	spop (v2sf)  }
0x179: {  	[tilespmem:s19], [sflag:s24] =	stream.linear.gather [hbm4b:s13+s0], $0x80, $0x38;
	[tilespmem:$0x10600] =	vst v63  }
0x17a: {  	s18 =	sand.u32 $0x1FFFFFF0, s18;
	s19 =	rddreg [dreg:$0x13];
	s25 =	spop (v2sf)  }
0x17b: {  	(v2sf) =	vpush v2, $0x7;
	s8 =	sand.u32 $0x1FFFFFF0, s23;
	s13 =	sadd.s32 s19, s18;
	s23 =	spop (v2sf)  }
0x17c: {  	(v2sf) =	vpush v2, $0x8;
	[tilespmem:s26], [sflag:s21] =	stream.linear.gather [hbm4b:s13+s0], $0x80, $0x38;
	[tilespmem:$0x10600] =	vst v63  }
0x17d: {  	s18 =	sadd.s32 $0x400, s20;
	s26 =	rddreg [dreg:$0x14];
	s20 =	sand.u32 $0x1FFFFFF0, s23  }
0x17e: {  	p2 =	sne.s32 s31, $0x4000;
	s29 =	sadd.s32 $0x8400, s12;
	s13 =	sadd.s32 s26, s20  }
0x17f: {  	(v2sf) =	vpush v1, $0x8;
	[tilespmem:s1], [sflag:s24] =	stream.linear.gather [hbm4b:s13+s0], $0x80, $0x38;
	[tilespmem:$0x10600] =	vst v63  }
0x180: {  	s15 =	sadd.s32 $0x400, s2;
	s12 =	sadd.s32 $0x400, s12;
	s23 =	spop (v2sf)  }
0x181: {  	s22 =	sand.u32 $0x1FFFFFF0, s22;
	s26 =	sand.u32 $0x1FFFFFF0, s23;
	s23 =	rddreg [dreg:$0x13]  }
0x182: {  	s17 =	sand.u32 $0x1FFFFFF0, s17;
	(v2sf) =	vpush v2, $0x9;
	s13 =	sadd.s32 s23, s22;
	s22 =	sld [smem:$0x7E5]  }
0x183: {  	[tilespmem:s12], [sflag:s21] =	stream.linear.gather [hbm4b:s13+s0], $0x80, $0x38;
	[tilespmem:$0x10600] =	vst v63  }
0x184: {  	s19 =	sand.u32 $0x1FFFFFF0, s5;
	s1 =	spop (v2sf);
	s13 =	rddreg [dreg:$0x14]  }
0x185: {  	s23 =	rddreg [dreg:$0x13];
	s9 =	sadd.s32 s13, s9;
	s5 =	sand.u32 $0x1FFFFFF0, s1  }
0x186: {  	(v2sf) =	vpush v1, $0x9;
	[tilespmem:s29], [sflag:s24] =	stream.linear.gather [hbm4b:s9+s0], $0x80, $0x38;
	[tilespmem:$0x10600] =	vst v63  }
0x187: {  	s20 =	spop (v2sf);
	s29 =	rddreg [dreg:$0x14];
	s9 =	sadd.s32 s23, s30  }
0x188: {  	(v2sf) =	vpush v2, $0xA;
	[tilespmem:s3], [sflag:s21] =	stream.linear.gather [hbm4b:s9+s0], $0x80, $0x38;
	[tilespmem:$0x10600] =	vst v63  }
0x189: {  	s30 =	smov.u32 s14;
	s9 =	smov.u32 s2;
	s2 =	sld [smem:$0x7E7]  }
0x18a: {  	s14 =	sld [smem:$0x7E6];
	s13 =	sand.u32 $0x1FFFFFF0, s20;
	s1 =	spop (v2sf)  }
0x18b: {  	s5 =	sadd.s32 s29, s5;
	s3 =	rddreg [dreg:$0x13];
	s23 =	spop (v2sf)  }
0x18c: {  	[tilespmem:s2], [sflag:s24] =	stream.linear.gather [hbm4b:s5+s0], $0x80, $0x38;
	[tilespmem:$0x10600] =	vst v63  }
0x18d: {  	s20 =	sand.u32 $0x1FFFFFF0, s1;
	s1 =	sand.u32 $0x1FFFFFF0, s23;
	s23 =	sld [smem:$0x7E8]  }
0x18e: {  	s25 =	sand.u32 $0x1FFFFFF0, s25;
	s12 =	spop (v2sf);
	s5 =	sld [smem:$0x7EB]  }
0x18f: {  	s8 =	sadd.s32 s3, s8;
	s3 =	sand.u32 $0x1FFFFFF0, s12;
	s12 =	sld [smem:$0x7E9]  }
0x190: {  	[tilespmem:s23], [sflag:s21] =	stream.linear.gather [hbm4b:s8+s0], $0x80, $0x38;
	[tilespmem:$0x10600] =	vst v63  }
0x191: {  	s2 =	spop (v2sf);
	s0 =	sadd.s32 s29, s25;
	s23 =	rddreg [dreg:$0x13]  }
0x192: {  	s25 =	simm.s32 $0x0;
	s8 =	sld [smem:$0x7EA];
	s4 =	sadd.s32 s23, s4  }
0x193: {  	s23 =	sand.u32 $0x1FFFFFF0, s2;
	s2 =	sadd.s32 s29, s26;
	s26 =	rddreg [dreg:$0x13]  }
0x194: {  	[tilespmem:s12], [sflag:s24] =	stream.linear.gather [hbm4b:s0+s25], $0x80, $0x38;
	[tilespmem:$0x10600] =	vst v63  }
.Ltmp3:
0x195: {  	(v2sf) =	vpush v1, $0xA;
	s0 =	spop (v2sf);
	s12 =	sadd.s32 $0x400, s16;
	(pc) =	sbr.rel @p2 .LBB2_7-.Ltmp3, $4  }
0x196: {  	(v2sf) =	vpush v2, $0xB;
	[tilespmem:s18], [sflag:s21] =	stream.linear.gather [hbm4b:s4+s25], $0x80, $0x38;
	[tilespmem:$0x10600] =	vst v63  }
0x197: {  	(v2sf) =	vpush v1, $0xB;
	s18 =	smov.u32 s6;
	s4 =	sand.u32 $0x1FFFFFF0, s0;
	s6 =	spop (v2sf)  }
0x198: {  	(v2sf) =	vpush v2, $0xC;
	[tilespmem:s7], [sflag:s24] =	stream.linear.gather [hbm4b:s2+s25], $0x80, $0x38;
	[tilespmem:$0x10600] =	vst v63  }
0x199: {  	(v2sf) =	vpush v1, $0xC;
	s7 =	sadd.s32 s26, s13;
	s13 =	smov.u32 s28;
	s28 =	sand.u32 $0x1FFFFFF0, s6  }
0x19a: {  	[tilespmem:s12], [sflag:s21] =	stream.linear.gather [hbm4b:s7+s25], $0x80, $0x38;
	[tilespmem:$0x10600] =	vst v63  }
0x19b: {  	s0 =	sadd.s32 $0x8400, s16;
	s2 =	sadd.s32 s29, s17  }
0x19c: {  	[tilespmem:s0], [sflag:s24] =	stream.linear.gather [hbm4b:s2+s25], $0x80, $0x38;
	[tilespmem:$0x10600] =	vst v63  }
0x19d: {  	s18 =	sadd.s32 $0x400, s14;
	s31 =	sadd.s32 s26, s20  }
0x19e: {  	[tilespmem:s18], [sflag:s21] =	stream.linear.gather [hbm4b:s31+s25], $0x80, $0x38;
	[tilespmem:$0x10600] =	vst v63  }
0x19f: {  	s6 =	sadd.s32 $0x8400, s14;
	s7 =	sadd.s32 s29, s19  }
0x1a0: {  	[tilespmem:s6], [sflag:s24] =	stream.linear.gather [hbm4b:s7+s25], $0x80, $0x38;
	[tilespmem:$0x10600] =	vst v63  }
0x1a1: {  	s12 =	sadd.s32 $0x400, s5;
	s1 =	sadd.s32 s26, s1  }
0x1a2: {  	[tilespmem:s12], [sflag:s21] =	stream.linear.gather [hbm4b:s1+s25], $0x80, $0x38;
	[tilespmem:$0x10600] =	vst v63  }
0x1a3: {  	s14 =	sadd.s32 s29, s3;
	s16 =	sadd.s32 s26, s23  }
0x1a4: {  	[tilespmem:s8], [sflag:s24] =	stream.linear.gather [hbm4b:s14+s25], $0x80, $0x38;
	[tilespmem:$0x10600] =	vst v63  }
0x1a5: {  	s17 =	rddreg [dreg:$0x1a];
	s20 =	sadd.s32 s26, s28;
	s28 =	spop (v2sf)  }
0x1a6: {  	[tilespmem:s17], [sflag:s21] =	stream.linear.gather [hbm4b:s16+s25], $0x80, $0x38;
	[tilespmem:$0x10600] =	vst v63  }
0x1a7: {  	s19 =	rddreg [dreg:$0x19];
	s18 =	sadd.s32 s29, s4;
	s1 =	spop (v2sf)  }
0x1a8: {  	(v2sf) =	vpush v2, $0xD;
	[tilespmem:s19], [sflag:s24] =	stream.linear.gather [hbm4b:s18+s25], $0x80, $0x38;
	[tilespmem:$0x10600] =	vst v63  }
0x1a9: {  	s23 =	rddreg [dreg:$0x1e];
	s0 =	sand.u32 $0x1FFFFFF0, s28;
	s2 =	spop (v2sf)  }
0x1aa: {  	(v2sf) =	vpush v1, $0xD;
	[tilespmem:s23], [sflag:s21] =	stream.linear.gather [hbm4b:s20+s25], $0x80, $0x38;
	[tilespmem:$0x10600] =	vst v63  }
0x1ab: {  	s31 =	sadd.s32 $0x8400, s13;
	s0 =	sadd.s32 s29, s0  }
0x1ac: {  	[tilespmem:s31], [sflag:s24] =	stream.linear.gather [hbm4b:s0+s25], $0x80, $0x38;
	[tilespmem:$0x10600] =	vst v63  }
0x1ad: {  	s0 =	sand.u32 $0x1FFFFFF0, s1  }
0x1ae: {  	s4 =	spop (v2sf);
	s0 =	sadd.s32 s26, s0  }
0x1af: {  	(v2sf) =	vpush v2, $0xE;
	[tilespmem:s15], [sflag:s21] =	stream.linear.gather [hbm4b:s0+s25], $0x80, $0x38;
	[tilespmem:$0x10600] =	vst v63  }
0x1b0: {  	s0 =	sand.u32 $0x1FFFFFF0, s2  }
0x1b1: {  	s3 =	sadd.s32 $0x8400, s9;
	s7 =	spop (v2sf);
	s0 =	sadd.s32 s29, s0  }
0x1b2: {  	(v2sf) =	vpush v1, $0xE;
	[tilespmem:s3], [sflag:s24] =	stream.linear.gather [hbm4b:s0+s25], $0x80, $0x38;
	[tilespmem:$0x10600] =	vst v63  }
0x1b3: {  	s5 =	rddreg [dreg:$0x1c];
	s0 =	sand.u32 $0x1FFFFFF0, s4  }
0x1b4: {  	s6 =	sadd.s32 $0x400, s5;
	s0 =	sadd.s32 s26, s0  }
0x1b5: {  	[tilespmem:s6], [sflag:s21] =	stream.linear.gather [hbm4b:s0+s25], $0x80, $0x38;
	[tilespmem:$0x10600] =	vst v63  }
0x1b6: {  	s0 =	sand.u32 $0x1FFFFFF0, s7  }
0x1b7: {  	s8 =	sadd.s32 $0x8400, s5;
	s0 =	sadd.s32 s29, s0;
	s9 =	spop (v2sf);
	(v2sf) =	vpush v2, $0xF  }
0x1b8: {  	[tilespmem:s8], [sflag:s24] =	stream.linear.gather [hbm4b:s0+s25], $0x80, $0x38;
	[tilespmem:$0x10600] =	vst v63  }
0x1b9: {  	s13 =	spop (v2sf);
	(v2sf) =	vpush v1, $0xF  }
0x1ba: {  	s0 =	sand.u32 $0x1FFFFFF0, s9  }
0x1bb: {  	s12 =	rddreg [dreg:$0x1d];
	s0 =	sadd.s32 s26, s0  }
0x1bc: {  	[tilespmem:s12], [sflag:s21] =	stream.linear.gather [hbm4b:s0+s25], $0x80, $0x38;
	[tilespmem:$0x10600] =	vst v63  }
0x1bd: {  	s14 =	rddreg [dreg:$0x1b];
	s0 =	sand.u32 $0x1FFFFFF0, s13  }
0x1be: {  	s1 =	sadd.s32 $0x8400, s14;
	s15 =	spop (v2sf);
	s0 =	sadd.s32 s29, s0  }
0x1bf: {  	[tilespmem:s1], [sflag:s24] =	stream.linear.gather [hbm4b:s0+s25], $0x80, $0x38;
	[tilespmem:$0x10600] =	vst v63  }
0x1c0: {  	s16 =	rddreg [dreg:$0x17];
	s0 =	sand.u32 $0x1FFFFFF0, s15  }
0x1c1: {  	s17 =	sadd.s32 $0x400, s16;
	s18 =	spop (v2sf);
	s0 =	sadd.s32 s26, s0  }
0x1c2: {  	[tilespmem:s17], [sflag:s21] =	stream.linear.gather [hbm4b:s0+s25], $0x80, $0x38;
	[tilespmem:$0x10600] =	vst v63  }
0x1c3: {  	s0 =	sand.u32 $0x1FFFFFF0, s18  }
0x1c4: {  	s19 =	sadd.s32 $0x8400, s16;
	s0 =	sadd.s32 s29, s0  }
0x1c5: {  	[tilespmem:s19], [sflag:s24] =	stream.linear.gather [hbm4b:s0+s25], $0x80, $0x38;
	[tilespmem:$0x10600] =	vst v63  }
0x1c6: {  	s30 =	sld [smem:$0x7F0];
	s20 =	spop (v2sf)  }
0x1c7: {  	s5 =	sld [smem:$0x7EE];
	s23 =	sadd.s32 $0x400, s22;
	s0 =	sand.u32 $0x1FFFFFF0, s20  }
0x1c8: {  	s4 =	sld [smem:$0x7ED];
	s28 =	spop (v2sf);
	s0 =	sadd.s32 s26, s0  }
0x1c9: {  	[tilespmem:s23], [sflag:s21] =	stream.linear.gather [hbm4b:s0+s25], $0x80, $0x38;
	[tilespmem:$0x10600] =	vst v63  }
0x1ca: {  	s7 =	sld [smem:$0x7EF];
	s0 =	sand.u32 $0x1FFFFFF0, s28  }
0x1cb: {  	s31 =	sadd.s32 $0x8400, s22;
	s8 =	sld [smem:$0x7EC];
	s0 =	sadd.s32 s29, s0  }
0x1cc: {  	[tilespmem:s31], [sflag:s24] =	stream.linear.gather [hbm4b:s0+s25], $0x80, $0x38;
	[tilespmem:$0x10600] =	vst v63  }
.LBB2_9:
0x1cd: {  	_ = 	snop  }
0x1ce: {  	s0 =	sand.u32 $0x1, s8  }
0x1cf: {  	s2 =	simm.s32 $0x2;
	p1 =	seq.s32 s0, $0x1  }
0x1d0: {  	s2 =	simm.s32 @!p1 $0x1  }
0x1d1: {  	_ =	swait.ge [sflag:s2], $0x80  }
0x1d2: {  	s1 =	simm.s32 $0x4;
	[sflag:s2] =	ssyncset.done $0x0  }
0x1d3: {  	s0 =	simm.s32 $0x1;
	s1 =	simm.s32 @!p1 $0x3;
	[sflag:s2] =	ssyncadd.s32 $0xFFFFFF80  }
0x1d4: {  	s0 =	simm.s32 @!p0 $0x0;
	_ =	swait.ge [sflag:s1], $0x80  }
0x1d5: {  	s3 =	simm.s32 $0x7F;
	s0 =	sshll.u32 s0, $0x7;
	[sflag:s1] =	ssyncset.done $0x0  }
.LBB2_10:
0x1d6: {  	p1 =	sne.s32 s3, $0x1;
	s3 =	sadd.s32 $0xFFFFFFFF, s3;
	[sflag:s1] =	ssyncadd.s32 $0xFFFFFF80  }
.Ltmp4:
0x1d7: {  	_ =	swait.ge [sflag:s2], $0x80;
	(pc) =	sbr.rel @p1 .LBB2_10-.Ltmp4, $4  }
0x1d8: {  	[sflag:s2] =	ssyncset.done $0x0  }
0x1d9: {  	[sflag:s2] =	ssyncadd.s32 $0xFFFFFF80  }
0x1da: {  	_ =	swait.ge [sflag:s1], $0x80  }
0x1db: {  	[sflag:s1] =	ssyncset.done $0x0  }
0x1dc: {  	v1 =	vmov s0  }
0x1dd: {  	v1 =	vshll.u32 v1, $0x7  }
0x1de: {  	v1 =	vor.u32 v0, v1;
	_ =	sdelay $0x1  }
0x1df: {  	v2 =	vor.u32 $0x1, v1;
	_ =	sdelay $0x1  }
0x1e0: {  	[sflag:s1] =	ssyncadd.s32 $0xFFFFFF80;
	v3 =	vor.u32 $0x2, v1  }
0x1e1: {  	v4 =	vld.idx.msk [tilespmem:v1+s11+$0x0], $0xffff  }
0x1e2: {  	v6 =	vor.u32 $0x3, v1;
	v5 =	vld.idx.msk [tilespmem:v1+s10+$0x0], $0xffff  }
0x1e3: {  	v7 =	vld.idx.msk [tilespmem:v2+s10+$0x0], $0xffff  }
0x1e4: {  	v8 =	vor.u32 $0x4, v1;
	v2 =	vld.idx.msk [tilespmem:v2+s11+$0x0], $0xffff  }
0x1e5: {  	v9 =	vld.idx.msk [tilespmem:v3+s10+$0x0], $0xffff  }
0x1e6: {  	v10 =	vor.u32 $0x5, v1;
	v3 =	vld.idx.msk [tilespmem:v3+s11+$0x0], $0xffff  }
0x1e7: {  	v11 =	vld.idx.msk [tilespmem:v6+s10+$0x0], $0xffff;
	v4 =	vmul.f32 v4, v5  }
0x1e8: {  	v34 =	vor.u32 $0x6, v1;
	v33 =	vld.idx.msk [tilespmem:v6+s11+$0x0], $0xffff  }
0x1e9: {  	v12 =	vld.idx.msk [tilespmem:v8+s10+$0x0], $0xffff;
	v2 =	vmul.f32 v2, v7;
	v4 =	vadd.f32 $0.0e+00, v4  }
0x1ea: {  	v36 =	vor.u32 $0x7, v1;
	v35 =	vld.idx.msk [tilespmem:v8+s11+$0x0], $0xffff  }
0x1eb: {  	v13 =	vld.idx.msk [tilespmem:v10+s10+$0x0], $0xffff;
	v3 =	vmul.f32 v3, v9;
	v2 =	vadd.f32 v2, v4  }
0x1ec: {  	v38 =	vor.u32 $0x8, v1;
	v37 =	vld.idx.msk [tilespmem:v10+s11+$0x0], $0xffff  }
0x1ed: {  	v39 =	vld.idx.msk [tilespmem:v34+s10+$0x0], $0xffff;
	v2 =	vadd.f32 v3, v2;
	v3 =	vmul.f32 v33, v11  }
0x1ee: {  	v41 =	vor.u32 $0x9, v1;
	v40 =	vld.idx.msk [tilespmem:v34+s11+$0x0], $0xffff  }
0x1ef: {  	v42 =	vld.idx.msk [tilespmem:v36+s10+$0x0], $0xffff;
	v2 =	vadd.f32 v3, v2;
	v3 =	vmul.f32 v35, v12  }
0x1f0: {  	v44 =	vor.u32 $0xA, v1;
	v43 =	vld.idx.msk [tilespmem:v36+s11+$0x0], $0xffff  }
0x1f1: {  	v45 =	vld.idx.msk [tilespmem:v38+s10+$0x0], $0xffff;
	v2 =	vadd.f32 v3, v2;
	v3 =	vmul.f32 v37, v13  }
0x1f2: {  	v47 =	vor.u32 $0xB, v1;
	v46 =	vld.idx.msk [tilespmem:v38+s11+$0x0], $0xffff  }
0x1f3: {  	v48 =	vld.idx.msk [tilespmem:v41+s10+$0x0], $0xffff;
	v2 =	vadd.f32 v3, v2;
	v3 =	vmul.f32 v40, v39  }
0x1f4: {  	v50 =	vor.u32 $0xC, v1;
	v49 =	vld.idx.msk [tilespmem:v41+s11+$0x0], $0xffff  }
0x1f5: {  	v51 =	vld.idx.msk [tilespmem:v44+s10+$0x0], $0xffff;
	v2 =	vadd.f32 v3, v2;
	v3 =	vmul.f32 v43, v42  }
0x1f6: {  	v53 =	vor.u32 $0xD, v1;
	v52 =	vld.idx.msk [tilespmem:v44+s11+$0x0], $0xffff  }
0x1f7: {  	v54 =	vld.idx.msk [tilespmem:v47+s10+$0x0], $0xffff;
	v2 =	vadd.f32 v3, v2;
	v3 =	vmul.f32 v46, v45  }
0x1f8: {  	v56 =	vor.u32 $0xE, v1;
	v55 =	vld.idx.msk [tilespmem:v47+s11+$0x0], $0xffff  }
0x1f9: {  	v57 =	vld.idx.msk [tilespmem:v50+s10+$0x0], $0xffff;
	v2 =	vadd.f32 v3, v2;
	v3 =	vmul.f32 v49, v48  }
0x1fa: {  	v59 =	vor.u32 $0xF, v1;
	v58 =	vld.idx.msk [tilespmem:v50+s11+$0x0], $0xffff  }
0x1fb: {  	v60 =	vld.idx.msk [tilespmem:v53+s10+$0x0], $0xffff;
	v2 =	vadd.f32 v3, v2;
	v3 =	vmul.f32 v52, v51  }
0x1fc: {  	v62 =	vor.u32 $0x10, v1;
	v61 =	vld.idx.msk [tilespmem:v53+s11+$0x0], $0xffff  }
0x1fd: {  	v63 =	vld.idx.msk [tilespmem:v56+s10+$0x0], $0xffff;
	v2 =	vadd.f32 v3, v2;
	v3 =	vmul.f32 v55, v54  }
0x1fe: {  	v17 =	vor.u32 $0x11, v1;
	v16 =	vld.idx.msk [tilespmem:v56+s11+$0x0], $0xffff  }
0x1ff: {  	v18 =	vld.idx.msk [tilespmem:v59+s10+$0x0], $0xffff;
	v2 =	vadd.f32 v3, v2;
	v3 =	vmul.f32 v58, v57  }
0x200: {  	v20 =	vor.u32 $0x12, v1;
	v19 =	vld.idx.msk [tilespmem:v59+s11+$0x0], $0xffff  }
0x201: {  	v21 =	vld.idx.msk [tilespmem:v62+s10+$0x0], $0xffff;
	v2 =	vadd.f32 v3, v2;
	v3 =	vmul.f32 v61, v60  }
0x202: {  	v23 =	vor.u32 $0x13, v1;
	v22 =	vld.idx.msk [tilespmem:v62+s11+$0x0], $0xffff  }
0x203: {  	v24 =	vld.idx.msk [tilespmem:v17+s10+$0x0], $0xffff;
	v2 =	vadd.f32 v3, v2;
	v3 =	vmul.f32 v16, v63  }
0x204: {  	v26 =	vor.u32 $0x14, v1;
	v25 =	vld.idx.msk [tilespmem:v17+s11+$0x0], $0xffff  }
0x205: {  	v27 =	vld.idx.msk [tilespmem:v20+s10+$0x0], $0xffff;
	v2 =	vadd.f32 v3, v2;
	v3 =	vmul.f32 v19, v18  }
0x206: {  	v29 =	vor.u32 $0x15, v1;
	v28 =	vld.idx.msk [tilespmem:v20+s11+$0x0], $0xffff  }
0x207: {  	v30 =	vld.idx.msk [tilespmem:v23+s10+$0x0], $0xffff;
	v2 =	vadd.f32 v3, v2;
	v3 =	vmul.f32 v22, v21  }
0x208: {  	v32 =	vor.u32 $0x16, v1;
	v31 =	vld.idx.msk [tilespmem:v23+s11+$0x0], $0xffff  }
0x209: {  	v34 =	vld.idx.msk [tilespmem:v26+s11+$0x0], $0xffff;
	v2 =	vadd.f32 v3, v2;
	v3 =	vmul.f32 v25, v24  }
0x20a: {  	v33 =	vld.idx.msk [tilespmem:v26+s10+$0x0], $0xffff;
	v35 =	vor.u32 $0x17, v1  }
0x20b: {  	v36 =	vld.idx.msk [tilespmem:v29+s10+$0x0], $0xffff;
	v2 =	vadd.f32 v3, v2;
	v3 =	vmul.f32 v28, v27  }
0x20c: {  	v38 =	vor.u32 $0x18, v1;
	v37 =	vld.idx.msk [tilespmem:v29+s11+$0x0], $0xffff  }
0x20d: {  	v39 =	vld.idx.msk [tilespmem:v32+s10+$0x0], $0xffff;
	v2 =	vadd.f32 v3, v2;
	v3 =	vmul.f32 v31, v30  }
0x20e: {  	v41 =	vor.u32 $0x19, v1;
	v40 =	vld.idx.msk [tilespmem:v32+s11+$0x0], $0xffff  }
0x20f: {  	v42 =	vld.idx.msk [tilespmem:v35+s10+$0x0], $0xffff;
	v2 =	vadd.f32 v3, v2;
	v3 =	vmul.f32 v34, v33  }
0x210: {  	v44 =	vor.u32 $0x1A, v1;
	v43 =	vld.idx.msk [tilespmem:v35+s11+$0x0], $0xffff  }
0x211: {  	v45 =	vld.idx.msk [tilespmem:v38+s10+$0x0], $0xffff;
	v2 =	vadd.f32 v3, v2;
	v3 =	vmul.f32 v37, v36  }
0x212: {  	v47 =	vor.u32 $0x1B, v1;
	v46 =	vld.idx.msk [tilespmem:v38+s11+$0x0], $0xffff  }
0x213: {  	v48 =	vld.idx.msk [tilespmem:v41+s10+$0x0], $0xffff;
	v2 =	vadd.f32 v3, v2;
	v3 =	vmul.f32 v40, v39  }
0x214: {  	v50 =	vor.u32 $0x1C, v1;
	v49 =	vld.idx.msk [tilespmem:v41+s11+$0x0], $0xffff  }
0x215: {  	v51 =	vld.idx.msk [tilespmem:v44+s10+$0x0], $0xffff;
	v2 =	vadd.f32 v3, v2;
	v3 =	vmul.f32 v43, v42  }
0x216: {  	v53 =	vor.u32 $0x1D, v1;
	v52 =	vld.idx.msk [tilespmem:v44+s11+$0x0], $0xffff  }
0x217: {  	v54 =	vld.idx.msk [tilespmem:v47+s10+$0x0], $0xffff;
	v2 =	vadd.f32 v3, v2;
	v3 =	vmul.f32 v46, v45  }
0x218: {  	v56 =	vor.u32 $0x1E, v1;
	v55 =	vld.idx.msk [tilespmem:v47+s11+$0x0], $0xffff  }
0x219: {  	v57 =	vld.idx.msk [tilespmem:v50+s10+$0x0], $0xffff;
	v2 =	vadd.f32 v3, v2;
	v3 =	vmul.f32 v49, v48  }
0x21a: {  	v59 =	vor.u32 $0x1F, v1;
	v58 =	vld.idx.msk [tilespmem:v50+s11+$0x0], $0xffff  }
0x21b: {  	v60 =	vld.idx.msk [tilespmem:v53+s10+$0x0], $0xffff;
	v2 =	vadd.f32 v3, v2;
	v3 =	vmul.f32 v52, v51  }
0x21c: {  	v62 =	vor.u32 $0x20, v1;
	v61 =	vld.idx.msk [tilespmem:v53+s11+$0x0], $0xffff  }
0x21d: {  	v63 =	vld.idx.msk [tilespmem:v56+s10+$0x0], $0xffff;
	v2 =	vadd.f32 v3, v2;
	v3 =	vmul.f32 v55, v54  }
0x21e: {  	v17 =	vor.u32 $0x21, v1;
	v16 =	vld.idx.msk [tilespmem:v56+s11+$0x0], $0xffff  }
0x21f: {  	v18 =	vld.idx.msk [tilespmem:v59+s10+$0x0], $0xffff;
	v2 =	vadd.f32 v3, v2;
	v3 =	vmul.f32 v58, v57  }
0x220: {  	v20 =	vor.u32 $0x22, v1;
	v19 =	vld.idx.msk [tilespmem:v59+s11+$0x0], $0xffff  }
0x221: {  	v21 =	vld.idx.msk [tilespmem:v62+s10+$0x0], $0xffff;
	v2 =	vadd.f32 v3, v2;
	v3 =	vmul.f32 v61, v60  }
0x222: {  	v23 =	vor.u32 $0x23, v1;
	v22 =	vld.idx.msk [tilespmem:v62+s11+$0x0], $0xffff  }
0x223: {  	v24 =	vld.idx.msk [tilespmem:v17+s10+$0x0], $0xffff;
	v2 =	vadd.f32 v3, v2;
	v3 =	vmul.f32 v16, v63  }
0x224: {  	v26 =	vor.u32 $0x24, v1;
	v25 =	vld.idx.msk [tilespmem:v17+s11+$0x0], $0xffff  }
0x225: {  	v27 =	vld.idx.msk [tilespmem:v20+s10+$0x0], $0xffff;
	v2 =	vadd.f32 v3, v2;
	v3 =	vmul.f32 v19, v18  }
0x226: {  	v29 =	vor.u32 $0x25, v1;
	v28 =	vld.idx.msk [tilespmem:v20+s11+$0x0], $0xffff  }
0x227: {  	v30 =	vld.idx.msk [tilespmem:v23+s10+$0x0], $0xffff;
	v2 =	vadd.f32 v3, v2;
	v3 =	vmul.f32 v22, v21  }
0x228: {  	v32 =	vor.u32 $0x26, v1;
	v31 =	vld.idx.msk [tilespmem:v23+s11+$0x0], $0xffff  }
0x229: {  	v33 =	vld.idx.msk [tilespmem:v26+s10+$0x0], $0xffff;
	v2 =	vadd.f32 v3, v2;
	v3 =	vmul.f32 v25, v24  }
0x22a: {  	v35 =	vor.u32 $0x27, v1;
	v34 =	vld.idx.msk [tilespmem:v26+s11+$0x0], $0xffff  }
0x22b: {  	v36 =	vld.idx.msk [tilespmem:v29+s10+$0x0], $0xffff;
	v2 =	vadd.f32 v3, v2;
	v3 =	vmul.f32 v28, v27  }
0x22c: {  	v38 =	vor.u32 $0x28, v1;
	v37 =	vld.idx.msk [tilespmem:v29+s11+$0x0], $0xffff  }
0x22d: {  	v39 =	vld.idx.msk [tilespmem:v32+s10+$0x0], $0xffff;
	v2 =	vadd.f32 v3, v2;
	v3 =	vmul.f32 v31, v30  }
0x22e: {  	v41 =	vor.u32 $0x29, v1;
	v40 =	vld.idx.msk [tilespmem:v32+s11+$0x0], $0xffff  }
0x22f: {  	v42 =	vld.idx.msk [tilespmem:v35+s10+$0x0], $0xffff;
	v2 =	vadd.f32 v3, v2;
	v3 =	vmul.f32 v34, v33  }
0x230: {  	v44 =	vor.u32 $0x2A, v1;
	v43 =	vld.idx.msk [tilespmem:v35+s11+$0x0], $0xffff  }
0x231: {  	v45 =	vld.idx.msk [tilespmem:v38+s10+$0x0], $0xffff;
	v2 =	vadd.f32 v3, v2;
	v3 =	vmul.f32 v37, v36  }
0x232: {  	v47 =	vor.u32 $0x2B, v1;
	v46 =	vld.idx.msk [tilespmem:v38+s11+$0x0], $0xffff  }
0x233: {  	v48 =	vld.idx.msk [tilespmem:v41+s10+$0x0], $0xffff;
	v2 =	vadd.f32 v3, v2;
	v3 =	vmul.f32 v40, v39  }
0x234: {  	v50 =	vor.u32 $0x2C, v1;
	v49 =	vld.idx.msk [tilespmem:v41+s11+$0x0], $0xffff  }
0x235: {  	v51 =	vld.idx.msk [tilespmem:v44+s10+$0x0], $0xffff;
	v2 =	vadd.f32 v3, v2;
	v3 =	vmul.f32 v43, v42  }
0x236: {  	v53 =	vor.u32 $0x2D, v1;
	v52 =	vld.idx.msk [tilespmem:v44+s11+$0x0], $0xffff  }
0x237: {  	v54 =	vld.idx.msk [tilespmem:v47+s10+$0x0], $0xffff;
	v2 =	vadd.f32 v3, v2;
	v3 =	vmul.f32 v46, v45  }
0x238: {  	v56 =	vor.u32 $0x2E, v1;
	v55 =	vld.idx.msk [tilespmem:v47+s11+$0x0], $0xffff  }
0x239: {  	v57 =	vld.idx.msk [tilespmem:v50+s10+$0x0], $0xffff;
	v2 =	vadd.f32 v3, v2;
	v3 =	vmul.f32 v49, v48  }
0x23a: {  	v59 =	vor.u32 $0x2F, v1;
	v58 =	vld.idx.msk [tilespmem:v50+s11+$0x0], $0xffff  }
0x23b: {  	v60 =	vld.idx.msk [tilespmem:v53+s10+$0x0], $0xffff;
	v2 =	vadd.f32 v3, v2;
	v3 =	vmul.f32 v52, v51  }
0x23c: {  	v62 =	vor.u32 $0x30, v1;
	v61 =	vld.idx.msk [tilespmem:v53+s11+$0x0], $0xffff  }
0x23d: {  	v63 =	vld.idx.msk [tilespmem:v56+s10+$0x0], $0xffff;
	v2 =	vadd.f32 v3, v2;
	v3 =	vmul.f32 v55, v54  }
0x23e: {  	v17 =	vor.u32 $0x31, v1;
	v16 =	vld.idx.msk [tilespmem:v56+s11+$0x0], $0xffff  }
0x23f: {  	v18 =	vld.idx.msk [tilespmem:v59+s10+$0x0], $0xffff;
	v2 =	vadd.f32 v3, v2;
	v3 =	vmul.f32 v58, v57  }
0x240: {  	v20 =	vor.u32 $0x32, v1;
	v19 =	vld.idx.msk [tilespmem:v59+s11+$0x0], $0xffff  }
0x241: {  	v21 =	vld.idx.msk [tilespmem:v62+s10+$0x0], $0xffff;
	v2 =	vadd.f32 v3, v2;
	v3 =	vmul.f32 v61, v60  }
0x242: {  	v23 =	vor.u32 $0x33, v1;
	v22 =	vld.idx.msk [tilespmem:v62+s11+$0x0], $0xffff  }
0x243: {  	v24 =	vld.idx.msk [tilespmem:v17+s10+$0x0], $0xffff;
	v2 =	vadd.f32 v3, v2;
	v3 =	vmul.f32 v16, v63  }
0x244: {  	v26 =	vor.u32 $0x34, v1;
	v25 =	vld.idx.msk [tilespmem:v17+s11+$0x0], $0xffff  }
0x245: {  	v27 =	vld.idx.msk [tilespmem:v20+s10+$0x0], $0xffff;
	v2 =	vadd.f32 v3, v2;
	v3 =	vmul.f32 v19, v18  }
0x246: {  	v29 =	vor.u32 $0x35, v1;
	v28 =	vld.idx.msk [tilespmem:v20+s11+$0x0], $0xffff  }
0x247: {  	v30 =	vld.idx.msk [tilespmem:v23+s10+$0x0], $0xffff;
	v2 =	vadd.f32 v3, v2;
	v3 =	vmul.f32 v22, v21  }
0x248: {  	v32 =	vor.u32 $0x36, v1;
	v31 =	vld.idx.msk [tilespmem:v23+s11+$0x0], $0xffff  }
0x249: {  	v33 =	vld.idx.msk [tilespmem:v26+s10+$0x0], $0xffff;
	v2 =	vadd.f32 v3, v2;
	v3 =	vmul.f32 v25, v24  }
0x24a: {  	v35 =	vor.u32 $0x37, v1;
	v34 =	vld.idx.msk [tilespmem:v26+s11+$0x0], $0xffff  }
0x24b: {  	v36 =	vld.idx.msk [tilespmem:v29+s10+$0x0], $0xffff;
	v2 =	vadd.f32 v3, v2;
	v3 =	vmul.f32 v28, v27  }
0x24c: {  	v38 =	vor.u32 $0x38, v1;
	v37 =	vld.idx.msk [tilespmem:v29+s11+$0x0], $0xffff  }
0x24d: {  	v39 =	vld.idx.msk [tilespmem:v32+s10+$0x0], $0xffff;
	v2 =	vadd.f32 v3, v2;
	v3 =	vmul.f32 v31, v30  }
0x24e: {  	v41 =	vor.u32 $0x39, v1;
	v40 =	vld.idx.msk [tilespmem:v32+s11+$0x0], $0xffff  }
0x24f: {  	v42 =	vld.idx.msk [tilespmem:v35+s10+$0x0], $0xffff;
	v2 =	vadd.f32 v3, v2;
	v3 =	vmul.f32 v34, v33  }
0x250: {  	v44 =	vor.u32 $0x3A, v1;
	v43 =	vld.idx.msk [tilespmem:v35+s11+$0x0], $0xffff  }
0x251: {  	v45 =	vld.idx.msk [tilespmem:v38+s10+$0x0], $0xffff;
	v2 =	vadd.f32 v3, v2;
	v3 =	vmul.f32 v37, v36  }
0x252: {  	v47 =	vor.u32 $0x3B, v1;
	v46 =	vld.idx.msk [tilespmem:v38+s11+$0x0], $0xffff  }
0x253: {  	v48 =	vld.idx.msk [tilespmem:v41+s10+$0x0], $0xffff;
	v2 =	vadd.f32 v3, v2;
	v3 =	vmul.f32 v40, v39  }
0x254: {  	v50 =	vor.u32 $0x3C, v1;
	v49 =	vld.idx.msk [tilespmem:v41+s11+$0x0], $0xffff  }
0x255: {  	v51 =	vld.idx.msk [tilespmem:v44+s10+$0x0], $0xffff;
	v2 =	vadd.f32 v3, v2;
	v3 =	vmul.f32 v43, v42  }
0x256: {  	v53 =	vor.u32 $0x3D, v1;
	v52 =	vld.idx.msk [tilespmem:v44+s11+$0x0], $0xffff  }
0x257: {  	v54 =	vld.idx.msk [tilespmem:v47+s10+$0x0], $0xffff;
	v2 =	vadd.f32 v3, v2;
	v3 =	vmul.f32 v46, v45  }
0x258: {  	v56 =	vor.u32 $0x3E, v1;
	v55 =	vld.idx.msk [tilespmem:v47+s11+$0x0], $0xffff  }
0x259: {  	v57 =	vld.idx.msk [tilespmem:v50+s10+$0x0], $0xffff;
	v2 =	vadd.f32 v3, v2;
	v3 =	vmul.f32 v49, v48  }
0x25a: {  	v1 =	vor.u32 $0x3F, v1;
	v58 =	vld.idx.msk [tilespmem:v50+s11+$0x0], $0xffff  }
0x25b: {  	v59 =	vld.idx.msk [tilespmem:v53+s10+$0x0], $0xffff;
	v2 =	vadd.f32 v3, v2;
	v3 =	vmul.f32 v52, v51  }
0x25c: {  	v60 =	vld.idx.msk [tilespmem:v53+s11+$0x0], $0xffff  }
0x25d: {  	v62 =	vld.idx.msk [tilespmem:v56+s11+$0x0], $0xffff;
	v2 =	vadd.f32 v3, v2;
	v3 =	vmul.f32 v55, v54  }
0x25e: {  	v61 =	vld.idx.msk [tilespmem:v56+s10+$0x0], $0xffff  }
0x25f: {  	v63 =	vld.idx.msk [tilespmem:v1+s10+$0x0], $0xffff;
	v2 =	vadd.f32 v3, v2;
	v3 =	vmul.f32 v58, v57  }
0x260: {  	v1 =	vld.idx.msk [tilespmem:v1+s11+$0x0], $0xffff  }
0x261: {  	v2 =	vadd.f32 v3, v2;
	v3 =	vmul.f32 v60, v59;
	_ =	sdelay $0x1  }
0x262: {  	v2 =	vadd.f32 v3, v2;
	v3 =	vmul.f32 v62, v61;
	_ =	sdelay $0x1  }
0x263: {  	v1 =	vmul.f32 v1, v63;
	v2 =	vadd.f32 v3, v2;
	_ =	sdelay $0x1  }
0x264: {  	v1 =	vadd.f32 v1, v2;
	_ =	sdelay $0x1  }
0x265: {  	v1 =	vsub.f32 $0.0e+00, v1;
	_ =	sdelay $0x1  }
0x266: {  	v1 =	vmul.f32 $1.442695020e+00, v1;
	_ =	sdelay $0x1  }
0x267: {  	(erf) = vpow2.f32 v1;
	_ =	sdelay $0x8  }
0x268: {  	v1 =	vpop (erf)  }
0x269: {  	v2 =	vadd.f32 $1.000000000e+00, v1;
	_ =	sdelay $0x1  }
0x26a: {  	(erf) = vrcp.f32 v2;
	_ =	sdelay $0x2  }
0x26b: {  	s20 =	sadd.s32 $0x10, s0  }
0x26c: {  	v3 =	vmov s20  }
0x26d: {  	s21 =	simm.s32 $0x0;
	s19 =	simm.s32 $0x40;
	s22 =	simm.s32 $0x80;
	v1 =	vmov s4;
	v2 =	vshll.u32 v3, $0x7  }
.LBB2_12:
0x26e: {  	p1 =	seq.s32 s22, $0x1C0;
	v2 =	vor.u32 v0, v2;
	_ =	sdelay $0x1  }
0x26f: {  	v3 =	vor.u32 $0x1, v2  }
0x270: {  	s0 =	sshra.s32 s21, $0x2;
	s21 =	smov.u32 s19;
	s19 =	smov.u32 s22;
	v4 =	vpop (erf)  }
0x271: {  	v5 =	vor.u32 $0x2, v2;
	[tilespmem:v1+s0+$0x0 ss:$0x1] =	vst.idx.msk $0xffff, v4  }
0x272: {  	v4 =	vld.idx.msk [tilespmem:v2+s11+$0x0], $0xffff  }
0x273: {  	v7 =	vor.u32 $0x3, v2;
	v6 =	vld.idx.msk [tilespmem:v2+s10+$0x0], $0xffff  }
0x274: {  	v8 =	vld.idx.msk [tilespmem:v3+s10+$0x0], $0xffff  }
0x275: {  	v9 =	vor.u32 $0x4, v2;
	v3 =	vld.idx.msk [tilespmem:v3+s11+$0x0], $0xffff  }
0x276: {  	v10 =	vld.idx.msk [tilespmem:v5+s10+$0x0], $0xffff  }
0x277: {  	v11 =	vor.u32 $0x5, v2;
	v5 =	vld.idx.msk [tilespmem:v5+s11+$0x0], $0xffff  }
0x278: {  	v12 =	vld.idx.msk [tilespmem:v7+s10+$0x0], $0xffff  }
0x279: {  	v4 =	vmul.f32 v4, v6;
	v6 =	vld.idx.msk [tilespmem:v7+s11+$0x0], $0xffff;
	v7 =	vor.u32 $0x6, v2  }
0x27a: {  	v13 =	vld.idx.msk [tilespmem:v9+s10+$0x0], $0xffff  }
0x27b: {  	v4 =	vadd.f32 $0.0e+00, v4;
	v3 =	vmul.f32 v3, v8;
	v8 =	vld.idx.msk [tilespmem:v9+s11+$0x0], $0xffff;
	v9 =	vor.u32 $0x7, v2  }
0x27c: {  	v14 =	vld.idx.msk [tilespmem:v11+s10+$0x0], $0xffff  }
0x27d: {  	v3 =	vadd.f32 v3, v4;
	v4 =	vmul.f32 v5, v10;
	v10 =	vor.u32 $0x8, v2;
	v5 =	vld.idx.msk [tilespmem:v11+s11+$0x0], $0xffff  }
0x27e: {  	v11 =	vld.idx.msk [tilespmem:v7+s10+$0x0], $0xffff  }
0x27f: {  	v3 =	vadd.f32 v4, v3;
	v4 =	vmul.f32 v6, v12;
	v6 =	vld.idx.msk [tilespmem:v7+s11+$0x0], $0xffff;
	v7 =	vor.u32 $0x9, v2  }
0x280: {  	v12 =	vld.idx.msk [tilespmem:v9+s10+$0x0], $0xffff  }
0x281: {  	v3 =	vadd.f32 v4, v3;
	v4 =	vmul.f32 v8, v13;
	v8 =	vld.idx.msk [tilespmem:v9+s11+$0x0], $0xffff;
	v9 =	vor.u32 $0xA, v2  }
0x282: {  	v13 =	vld.idx.msk [tilespmem:v10+s10+$0x0], $0xffff  }
0x283: {  	v3 =	vadd.f32 v4, v3;
	v4 =	vmul.f32 v5, v14;
	v5 =	vld.idx.msk [tilespmem:v10+s11+$0x0], $0xffff;
	v10 =	vor.u32 $0xB, v2  }
0x284: {  	v14 =	vld.idx.msk [tilespmem:v7+s10+$0x0], $0xffff  }
0x285: {  	v3 =	vadd.f32 v4, v3;
	v4 =	vmul.f32 v6, v11;
	v6 =	vld.idx.msk [tilespmem:v7+s11+$0x0], $0xffff;
	v7 =	vor.u32 $0xC, v2  }
0x286: {  	v11 =	vld.idx.msk [tilespmem:v9+s10+$0x0], $0xffff  }
0x287: {  	v3 =	vadd.f32 v4, v3;
	v4 =	vmul.f32 v8, v12;
	v8 =	vld.idx.msk [tilespmem:v9+s11+$0x0], $0xffff;
	v9 =	vor.u32 $0xD, v2  }
0x288: {  	v12 =	vld.idx.msk [tilespmem:v10+s10+$0x0], $0xffff  }
0x289: {  	v3 =	vadd.f32 v4, v3;
	v4 =	vmul.f32 v5, v13;
	v5 =	vld.idx.msk [tilespmem:v10+s11+$0x0], $0xffff;
	v10 =	vor.u32 $0xE, v2  }
0x28a: {  	v13 =	vld.idx.msk [tilespmem:v7+s10+$0x0], $0xffff  }
0x28b: {  	v3 =	vadd.f32 v4, v3;
	v4 =	vmul.f32 v6, v14;
	v6 =	vld.idx.msk [tilespmem:v7+s11+$0x0], $0xffff;
	v7 =	vor.u32 $0xF, v2  }
0x28c: {  	v14 =	vld.idx.msk [tilespmem:v9+s10+$0x0], $0xffff  }
0x28d: {  	v3 =	vadd.f32 v4, v3;
	v4 =	vmul.f32 v8, v11;
	v8 =	vld.idx.msk [tilespmem:v9+s11+$0x0], $0xffff;
	v9 =	vor.u32 $0x10, v2  }
0x28e: {  	v11 =	vld.idx.msk [tilespmem:v10+s10+$0x0], $0xffff  }
0x28f: {  	v3 =	vadd.f32 v4, v3;
	v4 =	vmul.f32 v5, v12;
	v5 =	vld.idx.msk [tilespmem:v10+s11+$0x0], $0xffff;
	v10 =	vor.u32 $0x11, v2  }
0x290: {  	v12 =	vld.idx.msk [tilespmem:v7+s10+$0x0], $0xffff  }
0x291: {  	v3 =	vadd.f32 v4, v3;
	v4 =	vmul.f32 v6, v13;
	v6 =	vld.idx.msk [tilespmem:v7+s11+$0x0], $0xffff;
	v7 =	vor.u32 $0x12, v2  }
0x292: {  	v13 =	vld.idx.msk [tilespmem:v9+s10+$0x0], $0xffff  }
0x293: {  	v3 =	vadd.f32 v4, v3;
	v4 =	vmul.f32 v8, v14;
	v8 =	vld.idx.msk [tilespmem:v9+s11+$0x0], $0xffff;
	v9 =	vor.u32 $0x13, v2  }
0x294: {  	v14 =	vld.idx.msk [tilespmem:v10+s10+$0x0], $0xffff  }
0x295: {  	v3 =	vadd.f32 v4, v3;
	v4 =	vmul.f32 v5, v11;
	v5 =	vld.idx.msk [tilespmem:v10+s11+$0x0], $0xffff;
	v10 =	vor.u32 $0x14, v2  }
0x296: {  	v11 =	vld.idx.msk [tilespmem:v7+s10+$0x0], $0xffff  }
0x297: {  	v3 =	vadd.f32 v4, v3;
	v4 =	vmul.f32 v6, v12;
	v6 =	vld.idx.msk [tilespmem:v7+s11+$0x0], $0xffff;
	v7 =	vor.u32 $0x15, v2  }
0x298: {  	v12 =	vld.idx.msk [tilespmem:v9+s10+$0x0], $0xffff  }
0x299: {  	v3 =	vadd.f32 v4, v3;
	v4 =	vmul.f32 v8, v13;
	v8 =	vld.idx.msk [tilespmem:v9+s11+$0x0], $0xffff;
	v9 =	vor.u32 $0x16, v2  }
0x29a: {  	v13 =	vld.idx.msk [tilespmem:v10+s10+$0x0], $0xffff  }
0x29b: {  	v3 =	vadd.f32 v4, v3;
	v4 =	vmul.f32 v5, v14;
	v5 =	vld.idx.msk [tilespmem:v10+s11+$0x0], $0xffff;
	v10 =	vor.u32 $0x17, v2  }
0x29c: {  	v14 =	vld.idx.msk [tilespmem:v7+s10+$0x0], $0xffff  }
0x29d: {  	v3 =	vadd.f32 v4, v3;
	v4 =	vmul.f32 v6, v11;
	v6 =	vld.idx.msk [tilespmem:v7+s11+$0x0], $0xffff;
	v7 =	vor.u32 $0x18, v2  }
0x29e: {  	v11 =	vld.idx.msk [tilespmem:v9+s10+$0x0], $0xffff  }
0x29f: {  	v3 =	vadd.f32 v4, v3;
	v4 =	vmul.f32 v8, v12;
	v8 =	vld.idx.msk [tilespmem:v9+s11+$0x0], $0xffff;
	v9 =	vor.u32 $0x19, v2  }
0x2a0: {  	v12 =	vld.idx.msk [tilespmem:v10+s10+$0x0], $0xffff  }
0x2a1: {  	v3 =	vadd.f32 v4, v3;
	v4 =	vmul.f32 v5, v13;
	v5 =	vld.idx.msk [tilespmem:v10+s11+$0x0], $0xffff;
	v10 =	vor.u32 $0x1A, v2  }
0x2a2: {  	v13 =	vld.idx.msk [tilespmem:v7+s10+$0x0], $0xffff  }
0x2a3: {  	v3 =	vadd.f32 v4, v3;
	v4 =	vmul.f32 v6, v14;
	v6 =	vld.idx.msk [tilespmem:v7+s11+$0x0], $0xffff;
	v7 =	vor.u32 $0x1B, v2  }
0x2a4: {  	v14 =	vld.idx.msk [tilespmem:v9+s10+$0x0], $0xffff  }
0x2a5: {  	v3 =	vadd.f32 v4, v3;
	v4 =	vmul.f32 v8, v11;
	v8 =	vld.idx.msk [tilespmem:v9+s11+$0x0], $0xffff;
	v9 =	vor.u32 $0x1C, v2  }
0x2a6: {  	v11 =	vld.idx.msk [tilespmem:v10+s10+$0x0], $0xffff  }
0x2a7: {  	v3 =	vadd.f32 v4, v3;
	v4 =	vmul.f32 v5, v12;
	v5 =	vld.idx.msk [tilespmem:v10+s11+$0x0], $0xffff;
	v10 =	vor.u32 $0x1D, v2  }
0x2a8: {  	v12 =	vld.idx.msk [tilespmem:v7+s10+$0x0], $0xffff  }
0x2a9: {  	v3 =	vadd.f32 v4, v3;
	v4 =	vmul.f32 v6, v13;
	v6 =	vld.idx.msk [tilespmem:v7+s11+$0x0], $0xffff;
	v7 =	vor.u32 $0x1E, v2  }
0x2aa: {  	v13 =	vld.idx.msk [tilespmem:v9+s10+$0x0], $0xffff  }
0x2ab: {  	v3 =	vadd.f32 v4, v3;
	v4 =	vmul.f32 v8, v14;
	v8 =	vld.idx.msk [tilespmem:v9+s11+$0x0], $0xffff;
	v9 =	vor.u32 $0x1F, v2  }
0x2ac: {  	v14 =	vld.idx.msk [tilespmem:v10+s10+$0x0], $0xffff  }
0x2ad: {  	v3 =	vadd.f32 v4, v3;
	v4 =	vmul.f32 v5, v11;
	v5 =	vld.idx.msk [tilespmem:v10+s11+$0x0], $0xffff;
	v10 =	vor.u32 $0x20, v2  }
0x2ae: {  	v11 =	vld.idx.msk [tilespmem:v7+s10+$0x0], $0xffff  }
0x2af: {  	v3 =	vadd.f32 v4, v3;
	v4 =	vmul.f32 v6, v12;
	v6 =	vld.idx.msk [tilespmem:v7+s11+$0x0], $0xffff;
	v7 =	vor.u32 $0x21, v2  }
0x2b0: {  	v12 =	vld.idx.msk [tilespmem:v9+s10+$0x0], $0xffff  }
0x2b1: {  	v3 =	vadd.f32 v4, v3;
	v4 =	vmul.f32 v8, v13;
	v8 =	vld.idx.msk [tilespmem:v9+s11+$0x0], $0xffff;
	v9 =	vor.u32 $0x22, v2  }
0x2b2: {  	v13 =	vld.idx.msk [tilespmem:v10+s10+$0x0], $0xffff  }
0x2b3: {  	v3 =	vadd.f32 v4, v3;
	v4 =	vmul.f32 v5, v14;
	v5 =	vld.idx.msk [tilespmem:v10+s11+$0x0], $0xffff;
	v10 =	vor.u32 $0x23, v2  }
0x2b4: {  	v14 =	vld.idx.msk [tilespmem:v7+s10+$0x0], $0xffff  }
0x2b5: {  	v3 =	vadd.f32 v4, v3;
	v4 =	vmul.f32 v6, v11;
	v6 =	vld.idx.msk [tilespmem:v7+s11+$0x0], $0xffff;
	v7 =	vor.u32 $0x24, v2  }
0x2b6: {  	v11 =	vld.idx.msk [tilespmem:v9+s10+$0x0], $0xffff  }
0x2b7: {  	v3 =	vadd.f32 v4, v3;
	v4 =	vmul.f32 v8, v12;
	v8 =	vld.idx.msk [tilespmem:v9+s11+$0x0], $0xffff;
	v9 =	vor.u32 $0x25, v2  }
0x2b8: {  	v12 =	vld.idx.msk [tilespmem:v10+s10+$0x0], $0xffff  }
0x2b9: {  	v3 =	vadd.f32 v4, v3;
	v4 =	vmul.f32 v5, v13;
	v5 =	vld.idx.msk [tilespmem:v10+s11+$0x0], $0xffff;
	v10 =	vor.u32 $0x26, v2  }
0x2ba: {  	v13 =	vld.idx.msk [tilespmem:v7+s10+$0x0], $0xffff  }
0x2bb: {  	v3 =	vadd.f32 v4, v3;
	v4 =	vmul.f32 v6, v14;
	v6 =	vld.idx.msk [tilespmem:v7+s11+$0x0], $0xffff;
	v7 =	vor.u32 $0x27, v2  }
0x2bc: {  	v14 =	vld.idx.msk [tilespmem:v9+s10+$0x0], $0xffff  }
0x2bd: {  	v3 =	vadd.f32 v4, v3;
	v4 =	vmul.f32 v8, v11;
	v8 =	vld.idx.msk [tilespmem:v9+s11+$0x0], $0xffff;
	v9 =	vor.u32 $0x28, v2  }
0x2be: {  	v11 =	vld.idx.msk [tilespmem:v10+s10+$0x0], $0xffff  }
0x2bf: {  	v3 =	vadd.f32 v4, v3;
	v4 =	vmul.f32 v5, v12;
	v5 =	vld.idx.msk [tilespmem:v10+s11+$0x0], $0xffff;
	v10 =	vor.u32 $0x29, v2  }
0x2c0: {  	v12 =	vld.idx.msk [tilespmem:v7+s10+$0x0], $0xffff  }
0x2c1: {  	v3 =	vadd.f32 v4, v3;
	v4 =	vmul.f32 v6, v13;
	v6 =	vld.idx.msk [tilespmem:v7+s11+$0x0], $0xffff;
	v7 =	vor.u32 $0x2A, v2  }
0x2c2: {  	v13 =	vld.idx.msk [tilespmem:v9+s10+$0x0], $0xffff  }
0x2c3: {  	v3 =	vadd.f32 v4, v3;
	v4 =	vmul.f32 v8, v14;
	v8 =	vld.idx.msk [tilespmem:v9+s11+$0x0], $0xffff;
	v9 =	vor.u32 $0x2B, v2  }
0x2c4: {  	v14 =	vld.idx.msk [tilespmem:v10+s10+$0x0], $0xffff  }
0x2c5: {  	v3 =	vadd.f32 v4, v3;
	v4 =	vmul.f32 v5, v11;
	v5 =	vld.idx.msk [tilespmem:v10+s11+$0x0], $0xffff;
	v10 =	vor.u32 $0x2C, v2  }
0x2c6: {  	v11 =	vld.idx.msk [tilespmem:v7+s10+$0x0], $0xffff  }
0x2c7: {  	v3 =	vadd.f32 v4, v3;
	v4 =	vmul.f32 v6, v12;
	v6 =	vld.idx.msk [tilespmem:v7+s11+$0x0], $0xffff;
	v7 =	vor.u32 $0x2D, v2  }
0x2c8: {  	v12 =	vld.idx.msk [tilespmem:v9+s10+$0x0], $0xffff  }
0x2c9: {  	v3 =	vadd.f32 v4, v3;
	v4 =	vmul.f32 v8, v13;
	v8 =	vld.idx.msk [tilespmem:v9+s11+$0x0], $0xffff;
	v9 =	vor.u32 $0x2E, v2  }
0x2ca: {  	v13 =	vld.idx.msk [tilespmem:v10+s10+$0x0], $0xffff  }
0x2cb: {  	v3 =	vadd.f32 v4, v3;
	v4 =	vmul.f32 v5, v14;
	v5 =	vld.idx.msk [tilespmem:v10+s11+$0x0], $0xffff;
	v10 =	vor.u32 $0x2F, v2  }
0x2cc: {  	v14 =	vld.idx.msk [tilespmem:v7+s10+$0x0], $0xffff  }
0x2cd: {  	v3 =	vadd.f32 v4, v3;
	v4 =	vmul.f32 v6, v11;
	v6 =	vld.idx.msk [tilespmem:v7+s11+$0x0], $0xffff;
	v7 =	vor.u32 $0x30, v2  }
0x2ce: {  	v11 =	vld.idx.msk [tilespmem:v9+s10+$0x0], $0xffff  }
0x2cf: {  	v3 =	vadd.f32 v4, v3;
	v4 =	vmul.f32 v8, v12;
	v8 =	vld.idx.msk [tilespmem:v9+s11+$0x0], $0xffff;
	v9 =	vor.u32 $0x31, v2  }
0x2d0: {  	v12 =	vld.idx.msk [tilespmem:v10+s10+$0x0], $0xffff  }
0x2d1: {  	v3 =	vadd.f32 v4, v3;
	v4 =	vmul.f32 v5, v13;
	v5 =	vld.idx.msk [tilespmem:v10+s11+$0x0], $0xffff;
	v10 =	vor.u32 $0x32, v2  }
0x2d2: {  	v13 =	vld.idx.msk [tilespmem:v7+s10+$0x0], $0xffff  }
0x2d3: {  	v3 =	vadd.f32 v4, v3;
	v4 =	vmul.f32 v6, v14;
	v6 =	vld.idx.msk [tilespmem:v7+s11+$0x0], $0xffff;
	v7 =	vor.u32 $0x33, v2  }
0x2d4: {  	v14 =	vld.idx.msk [tilespmem:v9+s10+$0x0], $0xffff  }
0x2d5: {  	v3 =	vadd.f32 v4, v3;
	v4 =	vmul.f32 v8, v11;
	v8 =	vld.idx.msk [tilespmem:v9+s11+$0x0], $0xffff;
	v9 =	vor.u32 $0x34, v2  }
0x2d6: {  	v11 =	vld.idx.msk [tilespmem:v10+s10+$0x0], $0xffff  }
0x2d7: {  	v3 =	vadd.f32 v4, v3;
	v4 =	vmul.f32 v5, v12;
	v5 =	vld.idx.msk [tilespmem:v10+s11+$0x0], $0xffff;
	v10 =	vor.u32 $0x35, v2  }
0x2d8: {  	v12 =	vld.idx.msk [tilespmem:v7+s10+$0x0], $0xffff  }
0x2d9: {  	v3 =	vadd.f32 v4, v3;
	v4 =	vmul.f32 v6, v13;
	v6 =	vld.idx.msk [tilespmem:v7+s11+$0x0], $0xffff;
	v7 =	vor.u32 $0x36, v2  }
0x2da: {  	v13 =	vld.idx.msk [tilespmem:v9+s10+$0x0], $0xffff  }
0x2db: {  	v3 =	vadd.f32 v4, v3;
	v4 =	vmul.f32 v8, v14;
	v8 =	vld.idx.msk [tilespmem:v9+s11+$0x0], $0xffff;
	v9 =	vor.u32 $0x37, v2  }
0x2dc: {  	v14 =	vld.idx.msk [tilespmem:v10+s10+$0x0], $0xffff  }
0x2dd: {  	v3 =	vadd.f32 v4, v3;
	v4 =	vmul.f32 v5, v11;
	v5 =	vld.idx.msk [tilespmem:v10+s11+$0x0], $0xffff;
	v10 =	vor.u32 $0x38, v2  }
0x2de: {  	v11 =	vld.idx.msk [tilespmem:v7+s10+$0x0], $0xffff  }
0x2df: {  	v3 =	vadd.f32 v4, v3;
	v4 =	vmul.f32 v6, v12;
	v6 =	vld.idx.msk [tilespmem:v7+s11+$0x0], $0xffff;
	v7 =	vor.u32 $0x39, v2  }
0x2e0: {  	v12 =	vld.idx.msk [tilespmem:v9+s10+$0x0], $0xffff  }
0x2e1: {  	v3 =	vadd.f32 v4, v3;
	v4 =	vmul.f32 v8, v13;
	v8 =	vld.idx.msk [tilespmem:v9+s11+$0x0], $0xffff;
	v9 =	vor.u32 $0x3A, v2  }
0x2e2: {  	v13 =	vld.idx.msk [tilespmem:v10+s10+$0x0], $0xffff  }
0x2e3: {  	v3 =	vadd.f32 v4, v3;
	v4 =	vmul.f32 v5, v14;
	v5 =	vld.idx.msk [tilespmem:v10+s11+$0x0], $0xffff;
	v10 =	vor.u32 $0x3B, v2  }
0x2e4: {  	v14 =	vld.idx.msk [tilespmem:v7+s10+$0x0], $0xffff  }
0x2e5: {  	v3 =	vadd.f32 v4, v3;
	v4 =	vmul.f32 v6, v11;
	v6 =	vld.idx.msk [tilespmem:v7+s11+$0x0], $0xffff;
	v7 =	vor.u32 $0x3C, v2  }
0x2e6: {  	v11 =	vld.idx.msk [tilespmem:v9+s10+$0x0], $0xffff  }
0x2e7: {  	v3 =	vadd.f32 v4, v3;
	v4 =	vmul.f32 v8, v12;
	v8 =	vld.idx.msk [tilespmem:v9+s11+$0x0], $0xffff;
	v9 =	vor.u32 $0x3D, v2  }
0x2e8: {  	v12 =	vld.idx.msk [tilespmem:v10+s10+$0x0], $0xffff  }
0x2e9: {  	v3 =	vadd.f32 v4, v3;
	v4 =	vmul.f32 v5, v13;
	v5 =	vld.idx.msk [tilespmem:v10+s11+$0x0], $0xffff;
	v10 =	vor.u32 $0x3E, v2  }
0x2ea: {  	v13 =	vld.idx.msk [tilespmem:v7+s10+$0x0], $0xffff  }
0x2eb: {  	v2 =	vor.u32 $0x3F, v2;
	v3 =	vadd.f32 v4, v3;
	v4 =	vmul.f32 v6, v14;
	v6 =	vld.idx.msk [tilespmem:v7+s11+$0x0], $0xffff  }
0x2ec: {  	v7 =	vld.idx.msk [tilespmem:v9+s10+$0x0], $0xffff  }
0x2ed: {  	v3 =	vadd.f32 v4, v3;
	v4 =	vmul.f32 v8, v11;
	v8 =	vld.idx.msk [tilespmem:v9+s11+$0x0], $0xffff  }
0x2ee: {  	v9 =	vld.idx.msk [tilespmem:v10+s10+$0x0], $0xffff  }
0x2ef: {  	v3 =	vadd.f32 v4, v3;
	v4 =	vmul.f32 v5, v12;
	v5 =	vld.idx.msk [tilespmem:v10+s11+$0x0], $0xffff  }
0x2f0: {  	v10 =	vld.idx.msk [tilespmem:v2+s10+$0x0], $0xffff  }
0x2f1: {  	v3 =	vadd.f32 v4, v3;
	v4 =	vmul.f32 v6, v13;
	v2 =	vld.idx.msk [tilespmem:v2+s11+$0x0], $0xffff;
	_ =	sdelay $0x1  }
0x2f2: {  	v3 =	vadd.f32 v4, v3;
	v4 =	vmul.f32 v8, v7;
	_ =	sdelay $0x1  }
0x2f3: {  	v3 =	vadd.f32 v4, v3;
	v4 =	vmul.f32 v5, v9;
	_ =	sdelay $0x1  }
0x2f4: {  	v3 =	vadd.f32 v4, v3;
	v2 =	vmul.f32 v2, v10;
	_ =	sdelay $0x1  }
0x2f5: {  	v2 =	vadd.f32 v2, v3;
	_ =	sdelay $0x1  }
0x2f6: {  	v2 =	vsub.f32 $0.0e+00, v2;
	_ =	sdelay $0x1  }
0x2f7: {  	v2 =	vmul.f32 $1.442695020e+00, v2;
	_ =	sdelay $0x1  }
0x2f8: {  	(erf) = vpow2.f32 v2;
	_ =	sdelay $0x8  }
0x2f9: {  	v2 =	vpop (erf)  }
0x2fa: {  	v2 =	vadd.f32 $1.000000000e+00, v2;
	_ =	sdelay $0x1  }
0x2fb: {  	(erf) = vrcp.f32 v2  }
.Ltmp5:
0x2fc: {  	(pc) =	sbr.rel @!p1 .LBB2_12-.Ltmp5, $4  }
0x2fd: {  	_ = 	snop  }
0x2fe: {  	s20 =	sadd.s32 $0x10, s20  }
0x2ff: {  	v2 =	vmov s20  }
0x300: {  	s22 =	sadd.s32 $0x40, s22;
	v2 =	vshll.u32 v2, $0x7  }
0x301: {  	v2 =	vor.u32 v0, v2;
	_ =	sdelay $0x1  }
0x302: {  	v3 =	vor.u32 $0x1, v2  }
0x303: {  	s0 =	sshra.s32 s21, $0x2;
	v4 =	vpop (erf)  }
0x304: {  	v5 =	vor.u32 $0x2, v2;
	[tilespmem:v1+s0+$0x0 ss:$0x1] =	vst.idx.msk $0xffff, v4  }
0x305: {  	v4 =	vld.idx.msk [tilespmem:v2+s11+$0x0], $0xffff  }
0x306: {  	v7 =	vor.u32 $0x3, v2;
	v6 =	vld.idx.msk [tilespmem:v2+s10+$0x0], $0xffff  }
0x307: {  	v8 =	vld.idx.msk [tilespmem:v3+s10+$0x0], $0xffff  }
0x308: {  	v9 =	vor.u32 $0x4, v2;
	v3 =	vld.idx.msk [tilespmem:v3+s11+$0x0], $0xffff  }
0x309: {  	v10 =	vld.idx.msk [tilespmem:v5+s10+$0x0], $0xffff  }
0x30a: {  	v11 =	vor.u32 $0x5, v2;
	v5 =	vld.idx.msk [tilespmem:v5+s11+$0x0], $0xffff  }
0x30b: {  	v12 =	vld.idx.msk [tilespmem:v7+s10+$0x0], $0xffff;
	v4 =	vmul.f32 v4, v6  }
0x30c: {  	v21 =	vor.u32 $0x6, v2;
	v20 =	vld.idx.msk [tilespmem:v7+s11+$0x0], $0xffff  }
0x30d: {  	v13 =	vld.idx.msk [tilespmem:v9+s10+$0x0], $0xffff;
	v3 =	vmul.f32 v3, v8;
	v4 =	vadd.f32 $0.0e+00, v4  }
0x30e: {  	v23 =	vor.u32 $0x7, v2;
	v22 =	vld.idx.msk [tilespmem:v9+s11+$0x0], $0xffff  }
0x30f: {  	v14 =	vld.idx.msk [tilespmem:v11+s10+$0x0], $0xffff;
	v24 =	vmul.f32 v5, v10;
	v3 =	vadd.f32 v3, v4  }
0x310: {  	v26 =	vor.u32 $0x8, v2;
	v25 =	vld.idx.msk [tilespmem:v11+s11+$0x0], $0xffff  }
0x311: {  	v27 =	vld.idx.msk [tilespmem:v21+s10+$0x0], $0xffff;
	v28 =	vmul.f32 v20, v12;
	v3 =	vadd.f32 v24, v3  }
0x312: {  	v30 =	vor.u32 $0x9, v2;
	v29 =	vld.idx.msk [tilespmem:v21+s11+$0x0], $0xffff  }
0x313: {  	v31 =	vld.idx.msk [tilespmem:v23+s10+$0x0], $0xffff;
	v32 =	vmul.f32 v22, v13;
	v3 =	vadd.f32 v28, v3  }
0x314: {  	v34 =	vor.u32 $0xA, v2;
	v33 =	vld.idx.msk [tilespmem:v23+s11+$0x0], $0xffff  }
0x315: {  	v35 =	vld.idx.msk [tilespmem:v26+s10+$0x0], $0xffff;
	v36 =	vmul.f32 v25, v14;
	v3 =	vadd.f32 v32, v3  }
0x316: {  	v38 =	vor.u32 $0xB, v2;
	v37 =	vld.idx.msk [tilespmem:v26+s11+$0x0], $0xffff  }
0x317: {  	v39 =	vld.idx.msk [tilespmem:v30+s10+$0x0], $0xffff;
	v40 =	vmul.f32 v29, v27;
	v3 =	vadd.f32 v36, v3  }
0x318: {  	v42 =	vor.u32 $0xC, v2;
	v41 =	vld.idx.msk [tilespmem:v30+s11+$0x0], $0xffff  }
0x319: {  	v43 =	vld.idx.msk [tilespmem:v34+s10+$0x0], $0xffff;
	v44 =	vmul.f32 v33, v31;
	v3 =	vadd.f32 v40, v3  }
0x31a: {  	v46 =	vor.u32 $0xD, v2;
	v45 =	vld.idx.msk [tilespmem:v34+s11+$0x0], $0xffff  }
0x31b: {  	v47 =	vld.idx.msk [tilespmem:v38+s10+$0x0], $0xffff;
	v48 =	vmul.f32 v37, v35;
	v3 =	vadd.f32 v44, v3  }
0x31c: {  	v50 =	vor.u32 $0xE, v2;
	v49 =	vld.idx.msk [tilespmem:v38+s11+$0x0], $0xffff  }
0x31d: {  	v51 =	vld.idx.msk [tilespmem:v42+s10+$0x0], $0xffff;
	v52 =	vmul.f32 v41, v39;
	v3 =	vadd.f32 v48, v3  }
0x31e: {  	v54 =	vor.u32 $0xF, v2;
	v53 =	vld.idx.msk [tilespmem:v42+s11+$0x0], $0xffff  }
0x31f: {  	v55 =	vld.idx.msk [tilespmem:v46+s10+$0x0], $0xffff;
	v56 =	vmul.f32 v45, v43;
	v3 =	vadd.f32 v52, v3  }
0x320: {  	v58 =	vor.u32 $0x10, v2;
	v57 =	vld.idx.msk [tilespmem:v46+s11+$0x0], $0xffff  }
0x321: {  	v59 =	vld.idx.msk [tilespmem:v50+s10+$0x0], $0xffff;
	v60 =	vmul.f32 v49, v47;
	v3 =	vadd.f32 v56, v3  }
0x322: {  	v62 =	vor.u32 $0x11, v2;
	v61 =	vld.idx.msk [tilespmem:v50+s11+$0x0], $0xffff  }
0x323: {  	v63 =	vld.idx.msk [tilespmem:v54+s10+$0x0], $0xffff;
	v16 =	vmul.f32 v53, v51;
	v3 =	vadd.f32 v60, v3  }
0x324: {  	v18 =	vor.u32 $0x12, v2;
	v17 =	vld.idx.msk [tilespmem:v54+s11+$0x0], $0xffff  }
0x325: {  	v19 =	vld.idx.msk [tilespmem:v58+s10+$0x0], $0xffff;
	v20 =	vmul.f32 v57, v55;
	v3 =	vadd.f32 v16, v3  }
0x326: {  	v21 =	vld.idx.msk [tilespmem:v58+s11+$0x0], $0xffff;
	v22 =	vor.u32 $0x13, v2  }
0x327: {  	v23 =	vld.idx.msk [tilespmem:v62+s10+$0x0], $0xffff;
	v24 =	vmul.f32 v61, v59;
	v3 =	vadd.f32 v20, v3  }
0x328: {  	v26 =	vor.u32 $0x14, v2;
	v25 =	vld.idx.msk [tilespmem:v62+s11+$0x0], $0xffff  }
0x329: {  	v27 =	vld.idx.msk [tilespmem:v18+s10+$0x0], $0xffff;
	v28 =	vmul.f32 v17, v63;
	v3 =	vadd.f32 v24, v3  }
0x32a: {  	v30 =	vor.u32 $0x15, v2;
	v29 =	vld.idx.msk [tilespmem:v18+s11+$0x0], $0xffff  }
0x32b: {  	v31 =	vld.idx.msk [tilespmem:v22+s10+$0x0], $0xffff;
	v32 =	vmul.f32 v21, v19;
	v3 =	vadd.f32 v28, v3  }
0x32c: {  	v34 =	vor.u32 $0x16, v2;
	v33 =	vld.idx.msk [tilespmem:v22+s11+$0x0], $0xffff  }
0x32d: {  	v35 =	vld.idx.msk [tilespmem:v26+s10+$0x0], $0xffff;
	v36 =	vmul.f32 v25, v23;
	v3 =	vadd.f32 v32, v3  }
0x32e: {  	v38 =	vor.u32 $0x17, v2;
	v37 =	vld.idx.msk [tilespmem:v26+s11+$0x0], $0xffff  }
0x32f: {  	v39 =	vld.idx.msk [tilespmem:v30+s10+$0x0], $0xffff;
	v40 =	vmul.f32 v29, v27;
	v3 =	vadd.f32 v36, v3  }
0x330: {  	v42 =	vor.u32 $0x18, v2;
	v41 =	vld.idx.msk [tilespmem:v30+s11+$0x0], $0xffff  }
0x331: {  	v43 =	vld.idx.msk [tilespmem:v34+s10+$0x0], $0xffff;
	v44 =	vmul.f32 v33, v31;
	v3 =	vadd.f32 v40, v3  }
0x332: {  	v46 =	vor.u32 $0x19, v2;
	v45 =	vld.idx.msk [tilespmem:v34+s11+$0x0], $0xffff  }
0x333: {  	v47 =	vld.idx.msk [tilespmem:v38+s10+$0x0], $0xffff;
	v48 =	vmul.f32 v37, v35;
	v3 =	vadd.f32 v44, v3  }
0x334: {  	v50 =	vor.u32 $0x1A, v2;
	v49 =	vld.idx.msk [tilespmem:v38+s11+$0x0], $0xffff  }
0x335: {  	v51 =	vld.idx.msk [tilespmem:v42+s10+$0x0], $0xffff;
	v52 =	vmul.f32 v41, v39;
	v3 =	vadd.f32 v48, v3  }
0x336: {  	v54 =	vor.u32 $0x1B, v2;
	v53 =	vld.idx.msk [tilespmem:v42+s11+$0x0], $0xffff  }
0x337: {  	v55 =	vld.idx.msk [tilespmem:v46+s10+$0x0], $0xffff;
	v56 =	vmul.f32 v45, v43;
	v3 =	vadd.f32 v52, v3  }
0x338: {  	v58 =	vor.u32 $0x1C, v2;
	v57 =	vld.idx.msk [tilespmem:v46+s11+$0x0], $0xffff  }
0x339: {  	v59 =	vld.idx.msk [tilespmem:v50+s10+$0x0], $0xffff;
	v60 =	vmul.f32 v49, v47;
	v3 =	vadd.f32 v56, v3  }
0x33a: {  	v62 =	vor.u32 $0x1D, v2;
	v61 =	vld.idx.msk [tilespmem:v50+s11+$0x0], $0xffff  }
0x33b: {  	v63 =	vld.idx.msk [tilespmem:v54+s10+$0x0], $0xffff;
	v16 =	vmul.f32 v53, v51;
	v3 =	vadd.f32 v60, v3  }
0x33c: {  	v18 =	vor.u32 $0x1E, v2;
	v17 =	vld.idx.msk [tilespmem:v54+s11+$0x0], $0xffff  }
0x33d: {  	v19 =	vld.idx.msk [tilespmem:v58+s10+$0x0], $0xffff;
	v20 =	vmul.f32 v57, v55;
	v3 =	vadd.f32 v16, v3  }
0x33e: {  	v22 =	vor.u32 $0x1F, v2;
	v21 =	vld.idx.msk [tilespmem:v58+s11+$0x0], $0xffff  }
0x33f: {  	v23 =	vld.idx.msk [tilespmem:v62+s10+$0x0], $0xffff;
	v24 =	vmul.f32 v61, v59;
	v3 =	vadd.f32 v20, v3  }
0x340: {  	v26 =	vor.u32 $0x20, v2;
	v25 =	vld.idx.msk [tilespmem:v62+s11+$0x0], $0xffff  }
0x341: {  	v27 =	vld.idx.msk [tilespmem:v18+s10+$0x0], $0xffff;
	v28 =	vmul.f32 v17, v63;
	v3 =	vadd.f32 v24, v3  }
0x342: {  	v30 =	vor.u32 $0x21, v2;
	v29 =	vld.idx.msk [tilespmem:v18+s11+$0x0], $0xffff  }
0x343: {  	v31 =	vld.idx.msk [tilespmem:v22+s10+$0x0], $0xffff;
	v32 =	vmul.f32 v21, v19;
	v3 =	vadd.f32 v28, v3  }
0x344: {  	v34 =	vor.u32 $0x22, v2;
	v33 =	vld.idx.msk [tilespmem:v22+s11+$0x0], $0xffff  }
0x345: {  	v35 =	vld.idx.msk [tilespmem:v26+s10+$0x0], $0xffff;
	v36 =	vmul.f32 v25, v23;
	v3 =	vadd.f32 v32, v3  }
0x346: {  	v38 =	vor.u32 $0x23, v2;
	v37 =	vld.idx.msk [tilespmem:v26+s11+$0x0], $0xffff  }
0x347: {  	v39 =	vld.idx.msk [tilespmem:v30+s10+$0x0], $0xffff;
	v40 =	vmul.f32 v29, v27;
	v3 =	vadd.f32 v36, v3  }
0x348: {  	v42 =	vor.u32 $0x24, v2;
	v41 =	vld.idx.msk [tilespmem:v30+s11+$0x0], $0xffff  }
0x349: {  	v43 =	vld.idx.msk [tilespmem:v34+s10+$0x0], $0xffff;
	v44 =	vmul.f32 v33, v31;
	v3 =	vadd.f32 v40, v3  }
0x34a: {  	v46 =	vor.u32 $0x25, v2;
	v45 =	vld.idx.msk [tilespmem:v34+s11+$0x0], $0xffff  }
0x34b: {  	v47 =	vld.idx.msk [tilespmem:v38+s10+$0x0], $0xffff;
	v48 =	vmul.f32 v37, v35;
	v3 =	vadd.f32 v44, v3  }
0x34c: {  	v50 =	vor.u32 $0x26, v2;
	v49 =	vld.idx.msk [tilespmem:v38+s11+$0x0], $0xffff  }
0x34d: {  	v51 =	vld.idx.msk [tilespmem:v42+s10+$0x0], $0xffff;
	v52 =	vmul.f32 v41, v39;
	v3 =	vadd.f32 v48, v3  }
0x34e: {  	v54 =	vor.u32 $0x27, v2;
	v53 =	vld.idx.msk [tilespmem:v42+s11+$0x0], $0xffff  }
0x34f: {  	v55 =	vld.idx.msk [tilespmem:v46+s10+$0x0], $0xffff;
	v56 =	vmul.f32 v45, v43;
	v3 =	vadd.f32 v52, v3  }
0x350: {  	v58 =	vor.u32 $0x28, v2;
	v57 =	vld.idx.msk [tilespmem:v46+s11+$0x0], $0xffff  }
0x351: {  	v59 =	vld.idx.msk [tilespmem:v50+s10+$0x0], $0xffff;
	v60 =	vmul.f32 v49, v47;
	v3 =	vadd.f32 v56, v3  }
0x352: {  	v62 =	vor.u32 $0x29, v2;
	v61 =	vld.idx.msk [tilespmem:v50+s11+$0x0], $0xffff  }
0x353: {  	v63 =	vld.idx.msk [tilespmem:v54+s10+$0x0], $0xffff;
	v16 =	vmul.f32 v53, v51;
	v3 =	vadd.f32 v60, v3  }
0x354: {  	v18 =	vor.u32 $0x2A, v2;
	v17 =	vld.idx.msk [tilespmem:v54+s11+$0x0], $0xffff  }
0x355: {  	v19 =	vld.idx.msk [tilespmem:v58+s10+$0x0], $0xffff;
	v20 =	vmul.f32 v57, v55;
	v3 =	vadd.f32 v16, v3  }
0x356: {  	v22 =	vor.u32 $0x2B, v2;
	v21 =	vld.idx.msk [tilespmem:v58+s11+$0x0], $0xffff  }
0x357: {  	v23 =	vld.idx.msk [tilespmem:v62+s10+$0x0], $0xffff;
	v24 =	vmul.f32 v61, v59;
	v3 =	vadd.f32 v20, v3  }
0x358: {  	v26 =	vor.u32 $0x2C, v2;
	v25 =	vld.idx.msk [tilespmem:v62+s11+$0x0], $0xffff  }
0x359: {  	v27 =	vld.idx.msk [tilespmem:v18+s10+$0x0], $0xffff;
	v28 =	vmul.f32 v17, v63;
	v3 =	vadd.f32 v24, v3  }
0x35a: {  	v30 =	vor.u32 $0x2D, v2;
	v29 =	vld.idx.msk [tilespmem:v18+s11+$0x0], $0xffff  }
0x35b: {  	v31 =	vld.idx.msk [tilespmem:v22+s10+$0x0], $0xffff;
	v32 =	vmul.f32 v21, v19;
	v3 =	vadd.f32 v28, v3  }
0x35c: {  	v34 =	vor.u32 $0x2E, v2;
	v33 =	vld.idx.msk [tilespmem:v22+s11+$0x0], $0xffff  }
0x35d: {  	v35 =	vld.idx.msk [tilespmem:v26+s10+$0x0], $0xffff;
	v36 =	vmul.f32 v25, v23;
	v3 =	vadd.f32 v32, v3  }
0x35e: {  	v38 =	vor.u32 $0x2F, v2;
	v37 =	vld.idx.msk [tilespmem:v26+s11+$0x0], $0xffff  }
0x35f: {  	v39 =	vld.idx.msk [tilespmem:v30+s10+$0x0], $0xffff;
	v40 =	vmul.f32 v29, v27;
	v3 =	vadd.f32 v36, v3  }
0x360: {  	v42 =	vor.u32 $0x30, v2;
	v41 =	vld.idx.msk [tilespmem:v30+s11+$0x0], $0xffff  }
0x361: {  	v43 =	vld.idx.msk [tilespmem:v34+s10+$0x0], $0xffff;
	v44 =	vmul.f32 v33, v31;
	v3 =	vadd.f32 v40, v3  }
0x362: {  	v46 =	vor.u32 $0x31, v2;
	v45 =	vld.idx.msk [tilespmem:v34+s11+$0x0], $0xffff  }
0x363: {  	v47 =	vld.idx.msk [tilespmem:v38+s10+$0x0], $0xffff;
	v48 =	vmul.f32 v37, v35;
	v3 =	vadd.f32 v44, v3  }
0x364: {  	v50 =	vor.u32 $0x32, v2;
	v49 =	vld.idx.msk [tilespmem:v38+s11+$0x0], $0xffff  }
0x365: {  	v51 =	vld.idx.msk [tilespmem:v42+s10+$0x0], $0xffff;
	v52 =	vmul.f32 v41, v39;
	v3 =	vadd.f32 v48, v3  }
0x366: {  	v54 =	vor.u32 $0x33, v2;
	v53 =	vld.idx.msk [tilespmem:v42+s11+$0x0], $0xffff  }
0x367: {  	v55 =	vld.idx.msk [tilespmem:v46+s10+$0x0], $0xffff;
	v56 =	vmul.f32 v45, v43;
	v3 =	vadd.f32 v52, v3  }
0x368: {  	v58 =	vor.u32 $0x34, v2;
	v57 =	vld.idx.msk [tilespmem:v46+s11+$0x0], $0xffff  }
0x369: {  	v59 =	vld.idx.msk [tilespmem:v50+s10+$0x0], $0xffff;
	v60 =	vmul.f32 v49, v47;
	v3 =	vadd.f32 v56, v3  }
0x36a: {  	v62 =	vor.u32 $0x35, v2;
	v61 =	vld.idx.msk [tilespmem:v50+s11+$0x0], $0xffff  }
0x36b: {  	v63 =	vld.idx.msk [tilespmem:v54+s10+$0x0], $0xffff;
	v16 =	vmul.f32 v53, v51;
	v3 =	vadd.f32 v60, v3  }
0x36c: {  	v18 =	vor.u32 $0x36, v2;
	v17 =	vld.idx.msk [tilespmem:v54+s11+$0x0], $0xffff  }
0x36d: {  	v19 =	vld.idx.msk [tilespmem:v58+s10+$0x0], $0xffff;
	v20 =	vmul.f32 v57, v55;
	v3 =	vadd.f32 v16, v3  }
0x36e: {  	v22 =	vor.u32 $0x37, v2;
	v21 =	vld.idx.msk [tilespmem:v58+s11+$0x0], $0xffff  }
0x36f: {  	v23 =	vld.idx.msk [tilespmem:v62+s10+$0x0], $0xffff;
	v24 =	vmul.f32 v61, v59;
	v3 =	vadd.f32 v20, v3  }
0x370: {  	v26 =	vor.u32 $0x38, v2;
	v25 =	vld.idx.msk [tilespmem:v62+s11+$0x0], $0xffff  }
0x371: {  	v27 =	vld.idx.msk [tilespmem:v18+s10+$0x0], $0xffff;
	v28 =	vmul.f32 v17, v63;
	v3 =	vadd.f32 v24, v3  }
0x372: {  	v30 =	vor.u32 $0x39, v2;
	v29 =	vld.idx.msk [tilespmem:v18+s11+$0x0], $0xffff  }
0x373: {  	v31 =	vld.idx.msk [tilespmem:v22+s10+$0x0], $0xffff;
	v32 =	vmul.f32 v21, v19;
	v3 =	vadd.f32 v28, v3  }
0x374: {  	v34 =	vor.u32 $0x3A, v2;
	v33 =	vld.idx.msk [tilespmem:v22+s11+$0x0], $0xffff  }
0x375: {  	v35 =	vld.idx.msk [tilespmem:v26+s10+$0x0], $0xffff;
	v36 =	vmul.f32 v25, v23;
	v3 =	vadd.f32 v32, v3  }
0x376: {  	v38 =	vor.u32 $0x3B, v2;
	v37 =	vld.idx.msk [tilespmem:v26+s11+$0x0], $0xffff  }
0x377: {  	v39 =	vld.idx.msk [tilespmem:v30+s10+$0x0], $0xffff;
	v40 =	vmul.f32 v29, v27;
	v3 =	vadd.f32 v36, v3  }
0x378: {  	v42 =	vor.u32 $0x3C, v2;
	v41 =	vld.idx.msk [tilespmem:v30+s11+$0x0], $0xffff  }
0x379: {  	v43 =	vld.idx.msk [tilespmem:v34+s10+$0x0], $0xffff;
	v44 =	vmul.f32 v33, v31;
	v3 =	vadd.f32 v40, v3  }
0x37a: {  	v46 =	vor.u32 $0x3D, v2;
	v45 =	vld.idx.msk [tilespmem:v34+s11+$0x0], $0xffff  }
0x37b: {  	v47 =	vld.idx.msk [tilespmem:v38+s10+$0x0], $0xffff;
	v48 =	vmul.f32 v37, v35;
	v3 =	vadd.f32 v44, v3  }
0x37c: {  	v50 =	vor.u32 $0x3E, v2;
	v49 =	vld.idx.msk [tilespmem:v38+s11+$0x0], $0xffff  }
0x37d: {  	v51 =	vld.idx.msk [tilespmem:v42+s10+$0x0], $0xffff;
	v52 =	vmul.f32 v41, v39;
	v3 =	vadd.f32 v48, v3  }
0x37e: {  	v2 =	vor.u32 $0x3F, v2;
	v53 =	vld.idx.msk [tilespmem:v42+s11+$0x0], $0xffff  }
0x37f: {  	v54 =	vld.idx.msk [tilespmem:v46+s10+$0x0], $0xffff;
	v55 =	vmul.f32 v45, v43;
	v3 =	vadd.f32 v52, v3  }
0x380: {  	v56 =	vld.idx.msk [tilespmem:v46+s11+$0x0], $0xffff  }
0x381: {  	v57 =	vld.idx.msk [tilespmem:v50+s10+$0x0], $0xffff;
	v58 =	vmul.f32 v49, v47;
	v3 =	vadd.f32 v55, v3  }
0x382: {  	v59 =	vld.idx.msk [tilespmem:v50+s11+$0x0], $0xffff  }
0x383: {  	v61 =	vmul.f32 v53, v51;
	v60 =	vld.idx.msk [tilespmem:v2+s10+$0x0], $0xffff;
	v3 =	vadd.f32 v58, v3  }
0x384: {  	v2 =	vld.idx.msk [tilespmem:v2+s11+$0x0], $0xffff  }
0x385: {  	v62 =	vmul.f32 v56, v54;
	v3 =	vadd.f32 v61, v3;
	_ =	sdelay $0x1  }
0x386: {  	v63 =	vmul.f32 v59, v57;
	v3 =	vadd.f32 v62, v3;
	_ =	sdelay $0x1  }
0x387: {  	v2 =	vmul.f32 v2, v60;
	v3 =	vadd.f32 v63, v3;
	_ =	sdelay $0x1  }
0x388: {  	v2 =	vadd.f32 v2, v3;
	_ =	sdelay $0x1  }
0x389: {  	v2 =	vsub.f32 $0.0e+00, v2;
	_ =	sdelay $0x1  }
0x38a: {  	v2 =	vmul.f32 $1.442695020e+00, v2;
	_ =	sdelay $0x1  }
0x38b: {  	(erf) = vpow2.f32 v2;
	_ =	sdelay $0x8  }
0x38c: {  	v2 =	vpop (erf)  }
0x38d: {  	v2 =	vadd.f32 $1.000000000e+00, v2;
	_ =	sdelay $0x1  }
0x38e: {  	(erf) = vrcp.f32 v2;
	_ =	sdelay $0x8  }
0x38f: {  	s31 =	sshra.s32 s19, $0x2;
	v2 =	vpop (erf)  }
0x390: {  	[tilespmem:v1+s31+$0x0 ss:$0x1] =	vst.idx.msk $0xffff, v2  }
0x391: {  	p1 =	seq.s32 s5, $0x4  }
.Ltmp6:
0x392: {  	_ = 	snop;
	(pc) =	sbr.rel @!p1 .LBB2_5-.Ltmp6, $3  }
0x393: {  	_ =	sdelay $0x1  }
0x394: {  	s7 =	sadd.s32 $0x80, s7;
	s30 =	sadd.s32 $0x80, s30  }
0x395: {  	s4 =	sadd.s32 $0x80, s4;
	p0 =	por !p0, !p0;
	s8 =	smov.u32 s5  }
0x396: {  	s0 =	sld [smem:$0x7FC];
	_ =	sdelay $0x1  }
0x397: {  	s1 =	simm.s32 $0x10400  }
0x398: {  	[hbm4b:s0+s25] =	stream.linear.scatter [tilespmem:s1], [sflag:$0x5], $0x200, $0x38;
	[tilespmem:$0x10600] =	vst v63  }
0x399: {  	s1 =	simm.s32 $0x5  }
0x39a: {  	_ =	swait.ge [sflag:s1], $0x200  }
0x39b: {  	s2 =	sld [smem:$0x7F9]  }
0x39c: {  	s31 =	sld [smem:$0x7FD];
	_ =	sdelay $0x1  }
0x39d: {  	s2 =	sadd.s32 $0x1, s2  }
0x39e: {  	p0 =	sne.s32 s2, s31  }
.Ltmp7:
0x39f: {  	_ = 	snop;
	(pc) =	sbr.rel @p0 .LBB2_1-.Ltmp7, $3  }
0x3a0: {  	_ =	sdelay $0x1  }
0x3a1: {  	[sflag:s1] =	ssyncset.done $0x0  }
0x3a2: {  	[sflag:s1] =	ssyncadd.s32 $0xFFFFFE00  }
0x3a3: {  	_ =	sfence.sel $0x180000  }
0x3a4: {  	[bflag:$0x0] =	sbarrier.arrive $0xFFFF  }
0x3a5: {  	_ =	strace $0x90000047  }
0x3a6: {  	s0 =	stileid.u32;
	[bflag:$0x2] =	sbarrier.arrive $0xFFFF  }
0x3a7: {  	p0 =	sne.s32 s0, $0x0;
	s0 =	rddreg [dreg:$0x4]  }
0x3a8: {  	s0 =	sadd.s32 @!p0 $0x100000, s0  }
0x3a9: {  	[sflag:s0] =	ssyncadd.tile.s32 @!p0 $0x1;
	_ =	shalt  }
.Lfunc_end2:
_tile_overlayer_lowered:
.L_overlay_start_2:
0x3aa: {  	(tag) =	ssettag $0x2  }
0x3ab: {  	s0 =	rddreg [dreg:$0x0];
	s2 =	stileid.u32  }
0x3ac: {  	s1 =	rddreg [dreg:$0x1];
	p0 =	sne.s32 s2, $0x0  }
0x3ad: {  	s3 =	rddreg [dreg:$0x2];
	[bflag:$0x3] =	sbarrier.arrive $0xFFFF;
	s2 =	simm.s32 @!p0 $0x1C05  }
0x3ae: {  	[timem:s3], [sflag:s2] =	dma.local @!p0 [hbm:s0], s1  }
0x3af: {  	s0 =	simm.s32 @!p0 $0x5  }
0x3b0: {  	_ =	swait.ge @!p0 [sflag:s0], s1  }
0x3b1: {  	s1 =	ssub.s32 @!p0 $0x0, s1;
	[sflag:s0] =	ssyncset.done @!p0 $0x0  }
0x3b2: {  	[sflag:s0] =	ssyncadd.s32 @!p0 s1  }
0x3b3: {  	[bflag:$0x3] =	sbarrier.arrive $0xFFFF  }
0x3b4: {  	_ =	shalt  }

</sc_bundles>
